<compile_context>
chip_gen: v7x
topology: tpu7x:2x2x1
jax: 0.10.2.dev20260603
libtpu: 0.0.44.dev20260713+nightly
codegen_flags: <defaults>
</compile_context>

<pallas_src>
import functools

import jax
import jax.numpy as jnp
from jax import lax
from jax.experimental import pallas as pl
from jax.experimental.pallas import tpu as pltpu
from jax.experimental.pallas import tpu_sc as plsc

_NC, _NS, _L = 2, 16, 16
_NW = _NC * _NS
_C = 32
_D = 512
_NSLOT = 3


@functools.partial(jax.jit, static_argnums=(4, 5))
def _run(x_pheno, x_gene, src, dst, e_pad, b_per_w):
    n_chunks = b_per_w // _C
    n_rounds = n_chunks // _NSLOT
    mesh = plsc.VectorSubcoreMesh(core_axis_name="c", subcore_axis_name="s")

    @functools.partial(
        pl.kernel,
        mesh=mesh,
        compiler_params=pltpu.CompilerParams(needs_layout_passes=False),
        out_type=jax.ShapeDtypeStruct((e_pad,), jnp.float32),
        scratch_types=[
            pltpu.VMEM((b_per_w,), jnp.int32),
            pltpu.VMEM((b_per_w,), jnp.int32),
            pltpu.VMEM((_NSLOT, _C, _D), jnp.float32),
            pltpu.VMEM((_NSLOT, _C, _D), jnp.float32),
            pltpu.VMEM((_L * _L,), jnp.float32),
            pltpu.VMEM((_NSLOT, _C), jnp.float32),
            pltpu.SemaphoreType.DMA,
            pltpu.SemaphoreType.DMA,
            pltpu.SemaphoreType.DMA,
            pltpu.SemaphoreType.DMA,
            pltpu.SemaphoreType.DMA,
            pltpu.SemaphoreType.DMA,
        ],
    )
    def k(xp_hbm, xg_hbm, src_hbm, dst_hbm, out_hbm,
          src_v, dst_v, bufa, bufb, accs, out_v,
          gsem0, gsem1, gsem2, osem0, osem1, osem2):
        wid = lax.axis_index("s") * _NC + lax.axis_index("c")
        base = wid * b_per_w
        pltpu.sync_copy(src_hbm.at[pl.ds(base, b_per_w)], src_v)
        pltpu.sync_copy(dst_hbm.at[pl.ds(base, b_per_w)], dst_v)
        gsems = (gsem0, gsem1, gsem2)
        osems = (osem0, osem1, osem2)

        def issue(c, slot):
            off = c * _C
            pltpu.async_copy(
                xp_hbm.at[src_v.at[pl.ds(off, _C)]], bufa.at[slot],
                gsems[slot])
            pltpu.async_copy(
                xg_hbm.at[dst_v.at[pl.ds(off, _C)]], bufb.at[slot],
                gsems[slot])

        def wait_gathers(slot):
            pltpu.make_async_copy(
                xp_hbm.at[src_v.at[pl.ds(0, _C)]], bufa.at[slot],
                gsems[slot]).wait()
            pltpu.make_async_copy(
                xg_hbm.at[dst_v.at[pl.ds(0, _C)]], bufb.at[slot],
                gsems[slot]).wait()

        def wait_writeback(slot):
            pltpu.make_async_copy(
                out_v.at[slot], out_hbm.at[pl.ds(base, _C)],
                osems[slot]).wait()

        def compute(slot, c, i):
            ra = bufa.at[slot]
            rb = bufb.at[slot]
            ov = out_v.at[slot]

            @pl.when(i > 0)
            def _():
                wait_writeback(slot)

            def group_body(g, carry2):
                def edge_body(t, carry3):
                    e = g * _L + t
                    acc = ra[e, pl.ds(0, _L)] * rb[e, pl.ds(0, _L)]
                    for j in range(1, _D // _L):
                        acc = acc + (ra[e, pl.ds(j * _L, _L)]
                                     * rb[e, pl.ds(j * _L, _L)])
                    accs[pl.ds(t * _L, _L)] = acc
                    return carry3

                lax.fori_loop(0, _L, edge_body, 0, unroll=False)
                row_base = lax.iota(jnp.int32, _L) * _L
                r = plsc.load_gather(accs, [row_base])
                for dcol in range(1, _L):
                    r = r + plsc.load_gather(accs, [row_base + dcol])
                ov[pl.ds(g * _L, _L)] = 1.0 / (1.0 + jnp.exp(-r))
                return carry2

            lax.fori_loop(0, _C // _L, group_body, 0, unroll=False)
            pltpu.async_copy(ov, out_hbm.at[pl.ds(base + c * _C, _C)],
                             osems[slot])

        for b in range(_NSLOT):
            issue(b, b)

        def round_body(i, carry):
            c0 = _NSLOT * i
            for b in range(_NSLOT):
                wait_gathers(b)
                compute(b, c0 + b, i)
                issue(jnp.minimum(c0 + b + _NSLOT, n_chunks - 1), b)
            return carry

        lax.fori_loop(0, n_rounds, round_body, 0, unroll=False)
        for b in range(_NSLOT):
            wait_gathers(b)
            wait_writeback(b)

    return k(x_pheno, x_gene, src, dst)


def kernel(x_pheno, x_gene, edge_label_index):
    n_edges = edge_label_index.shape[1]
    chunk_round = _NSLOT * _C
    b_per_w = -(-n_edges // (_NW * chunk_round)) * chunk_round
    e_pad = b_per_w * _NW
    eli = edge_label_index.astype(jnp.int32)
    src = jnp.pad(eli[0], (0, e_pad - n_edges))
    dst = jnp.pad(eli[1], (0, e_pad - n_edges))
    out = _run(x_pheno, x_gene, src, dst, e_pad, b_per_w)
    return out[:n_edges]

# --- scband reference (transcript-rebuilt; emitter-appended) ---
"""Pipeline reference for scband-classifier-35390530519882 (READ-ONLY COPY).

The authoritative reference and input builder live on the scoring server;
editing this copy changes nothing except your own understanding.
"""

import jax, jax.numpy as jnp
import numpy as np


def setup_inputs(seed: int = 0) -> dict:
    key = jax.random.key(seed)
    k1, k2, k3, k4 = jax.random.split(key, 4)
    x_pheno = jax.random.normal(k1, (10000, 512), dtype=jnp.float32)
    x_gene = jax.random.normal(k2, (50000, 512), dtype=jnp.float32)
    # row 0 indexes x_pheno (< 10000), row 1 indexes x_gene (< 50000).
    # Single fill_max=10000 keeps both in range; faithful to spec.
    src = jax.random.randint(k3, (1, 150000), 0, 10000, dtype=jnp.int64)
    dst = jax.random.randint(k4, (1, 150000), 0, 10000, dtype=jnp.int64)
    edge_label_index = jnp.concatenate([src, dst], axis=0)
    return {"x_pheno": x_pheno, "x_gene": x_gene, "edge_label_index": edge_label_index}


def reference(x_pheno, x_gene, edge_label_index):
    # gather node features for each endpoint of each label edge
    edge_feat_user = jnp.take(x_pheno, edge_label_index[0], axis=0)
    edge_feat_movie = jnp.take(x_gene, edge_label_index[1], axis=0)
    # per-edge dot product followed by sigmoid
    return jax.nn.sigmoid(jnp.sum(edge_feat_user * edge_feat_movie, axis=-1))

if __name__ == "__main__":
    import jax
    _d = setup_inputs()
    print(jax.jit(kernel)(*tuple(_d.values())))

</pallas_src>

<mosaic_0001>
#map = affine_map<(d0, d1) -> (0, 0)>
#map1 = affine_map<(d0, d1) -> (0)>
module attributes {stable_mosaic.version = 14 : i64} {
  func.func @k(%arg0: i32, %arg1: i32, %arg2: memref<10000x512xf32, #tpu.memory_space<hbm>>, %arg3: memref<50000x512xf32, #tpu.memory_space<hbm>>, %arg4: memref<150528xi32, #tpu.memory_space<hbm>>, %arg5: memref<150528xi32, #tpu.memory_space<hbm>>, %arg6: memref<150528xf32, #tpu.memory_space<hbm>>, %arg7: memref<4704xi32, #tpu.memory_space<vmem>>, %arg8: memref<4704xi32, #tpu.memory_space<vmem>>, %arg9: memref<3x32x512xf32, #tpu.memory_space<vmem>>, %arg10: memref<3x32x512xf32, #tpu.memory_space<vmem>>, %arg11: memref<256xf32, #tpu.memory_space<vmem>>, %arg12: memref<3x32xf32, #tpu.memory_space<vmem>>, %arg13: memref<!tpu.dma_semaphore, #tpu.memory_space<semaphore_mem>>, %arg14: memref<!tpu.dma_semaphore, #tpu.memory_space<semaphore_mem>>, %arg15: memref<!tpu.dma_semaphore, #tpu.memory_space<semaphore_mem>>, %arg16: memref<!tpu.dma_semaphore, #tpu.memory_space<semaphore_mem>>, %arg17: memref<!tpu.dma_semaphore, #tpu.memory_space<semaphore_mem>>, %arg18: memref<!tpu.dma_semaphore, #tpu.memory_space<semaphore_mem>>) attributes {dimension_semantics = [#tpu.dimension_semantics<core_parallel>, #tpu.dimension_semantics<subcore_parallel>], iteration_bounds = array<i64: 2, 16>, scalar_prefetch = 0 : i64, scratch_operands = 12 : i64, tpu.core_type = #tpu.core_type<sc_vector_subcore>, window_params = [{transform_indices = #map}, {transform_indices = #map}, {transform_indices = #map1}, {transform_indices = #map1}, {transform_indices = #map1}]} {
    %mul3A = arith.constant 2 : i32
    %mul3A_0 = arith.muli %arg1, %mul3A : i32
    %add3A = arith.addi %mul3A_0, %arg0 : i32
    %mul3A_1 = arith.constant 4704 : i32
    %mul3A_2 = arith.muli %add3A, %mul3A_1 : i32
    "tpu.region"() ({
      %run_scoped3A = tpu.sem_alloc : memref<!tpu.dma_semaphore, #tpu.memory_space<semaphore_mem>>
      %dma_start3A_153 = tpu.memref_slice %arg4[%mul3A_2] : memref<150528xi32, #tpu.memory_space<hbm>> -> memref<4704xi32, #tpu.memory_space<hbm>>
      %dma_start3A_154 = tpu.memref_slice %arg4[%mul3A_2] : memref<150528xi32, #tpu.memory_space<hbm>> -> memref<4704xi32, #tpu.memory_space<hbm>>
      tpu.enqueue_dma source(%dma_start3A_154 : memref<4704xi32, #tpu.memory_space<hbm>>) target(%arg7 : memref<4704xi32, #tpu.memory_space<vmem>>) target_semaphore(%run_scoped3A : memref<!tpu.dma_semaphore, #tpu.memory_space<semaphore_mem>>)
      %dma_wait3A_155 = tpu.memref_slice %arg4[%mul3A_2] : memref<150528xi32, #tpu.memory_space<hbm>> -> memref<4704xi32, #tpu.memory_space<hbm>>
      %dma_wait3A_156 = tpu.memref_slice %arg4[%mul3A_2] : memref<150528xi32, #tpu.memory_space<hbm>> -> memref<4704xi32, #tpu.memory_space<hbm>>
      tpu.wait_dma2 semaphore(%run_scoped3A : memref<!tpu.dma_semaphore, #tpu.memory_space<semaphore_mem>>) src(%dma_wait3A_156 : memref<4704xi32, #tpu.memory_space<hbm>>) dst(%arg7 : memref<4704xi32, #tpu.memory_space<vmem>>)
      tpu.yield
    }) : () -> ()
    "tpu.region"() ({
      %run_scoped3A = tpu.sem_alloc : memref<!tpu.dma_semaphore, #tpu.memory_space<semaphore_mem>>
      %dma_start3A_153 = tpu.memref_slice %arg5[%mul3A_2] : memref<150528xi32, #tpu.memory_space<hbm>> -> memref<4704xi32, #tpu.memory_space<hbm>>
      %dma_start3A_154 = tpu.memref_slice %arg5[%mul3A_2] : memref<150528xi32, #tpu.memory_space<hbm>> -> memref<4704xi32, #tpu.memory_space<hbm>>
      tpu.enqueue_dma source(%dma_start3A_154 : memref<4704xi32, #tpu.memory_space<hbm>>) target(%arg8 : memref<4704xi32, #tpu.memory_space<vmem>>) target_semaphore(%run_scoped3A : memref<!tpu.dma_semaphore, #tpu.memory_space<semaphore_mem>>)
      %dma_wait3A_155 = tpu.memref_slice %arg5[%mul3A_2] : memref<150528xi32, #tpu.memory_space<hbm>> -> memref<4704xi32, #tpu.memory_space<hbm>>
      %dma_wait3A_156 = tpu.memref_slice %arg5[%mul3A_2] : memref<150528xi32, #tpu.memory_space<hbm>> -> memref<4704xi32, #tpu.memory_space<hbm>>
      tpu.wait_dma2 semaphore(%run_scoped3A : memref<!tpu.dma_semaphore, #tpu.memory_space<semaphore_mem>>) src(%dma_wait3A_156 : memref<4704xi32, #tpu.memory_space<hbm>>) dst(%arg8 : memref<4704xi32, #tpu.memory_space<vmem>>)
      tpu.yield
    }) : () -> ()
    %dma_start3A = arith.constant 0 : i32
    %dma_start3A_3 = arith.constant 0 : i32
    %dma_start3A_4 = arith.constant 0 : i32
    %dma_start3A_5 = tpu.memref_slice %arg9[%dma_start3A, %dma_start3A_3, %dma_start3A_4] : memref<3x32x512xf32, #tpu.memory_space<vmem>> -> memref<1x32x512xf32, #tpu.memory_space<vmem>>
    %dma_start3A_6 = tpu.memref_squeeze %dma_start3A_5 : memref<1x32x512xf32, #tpu.memory_space<vmem>> -> memref<32x512xf32, #tpu.memory_space<vmem>>
    %dma_start3A_7 = arith.constant 0 : i32
    %dma_start3A_8 = tpu.memref_slice %arg7[%dma_start3A_7] : memref<4704xi32, #tpu.memory_space<vmem>> -> memref<32xi32, #tpu.memory_space<vmem>>
    %dma_start3A_9 = arith.constant 0 : i32
    %dma_start3A_10 = arith.constant 0 : i32
    %dma_start3A_11 = tpu.memref_slice %arg2[%dma_start3A_9, %dma_start3A_10] : memref<10000x512xf32, #tpu.memory_space<hbm>> -> memref<10000x512xf32, #tpu.memory_space<hbm>>
    tpu.enqueue_indirect_dma source(%dma_start3A_11 : memref<10000x512xf32, #tpu.memory_space<hbm>>) target(%dma_start3A_6 : memref<32x512xf32, #tpu.memory_space<vmem>>) offsets(%dma_start3A_8 : memref<32xi32, #tpu.memory_space<vmem>>) semaphore(%arg13 : memref<!tpu.dma_semaphore, #tpu.memory_space<semaphore_mem>>)
    %dma_start3A_12 = arith.constant 0 : i32
    %dma_start3A_13 = arith.constant 0 : i32
    %dma_start3A_14 = arith.constant 0 : i32
    %dma_start3A_15 = tpu.memref_slice %arg10[%dma_start3A_12, %dma_start3A_13, %dma_start3A_14] : memref<3x32x512xf32, #tpu.memory_space<vmem>> -> memref<1x32x512xf32, #tpu.memory_space<vmem>>
    %dma_start3A_16 = tpu.memref_squeeze %dma_start3A_15 : memref<1x32x512xf32, #tpu.memory_space<vmem>> -> memref<32x512xf32, #tpu.memory_space<vmem>>
    %dma_start3A_17 = arith.constant 0 : i32
    %dma_start3A_18 = tpu.memref_slice %arg8[%dma_start3A_17] : memref<4704xi32, #tpu.memory_space<vmem>> -> memref<32xi32, #tpu.memory_space<vmem>>
    %dma_start3A_19 = arith.constant 0 : i32
    %dma_start3A_20 = arith.constant 0 : i32
    %dma_start3A_21 = tpu.memref_slice %arg3[%dma_start3A_19, %dma_start3A_20] : memref<50000x512xf32, #tpu.memory_space<hbm>> -> memref<50000x512xf32, #tpu.memory_space<hbm>>
    tpu.enqueue_indirect_dma source(%dma_start3A_21 : memref<50000x512xf32, #tpu.memory_space<hbm>>) target(%dma_start3A_16 : memref<32x512xf32, #tpu.memory_space<vmem>>) offsets(%dma_start3A_18 : memref<32xi32, #tpu.memory_space<vmem>>) semaphore(%arg13 : memref<!tpu.dma_semaphore, #tpu.memory_space<semaphore_mem>>)
    %dma_start3A_22 = arith.constant 1 : i32
    %dma_start3A_23 = arith.constant 0 : i32
    %dma_start3A_24 = arith.constant 0 : i32
    %dma_start3A_25 = tpu.memref_slice %arg9[%dma_start3A_22, %dma_start3A_23, %dma_start3A_24] : memref<3x32x512xf32, #tpu.memory_space<vmem>> -> memref<1x32x512xf32, #tpu.memory_space<vmem>>
    %dma_start3A_26 = tpu.memref_squeeze %dma_start3A_25 : memref<1x32x512xf32, #tpu.memory_space<vmem>> -> memref<32x512xf32, #tpu.memory_space<vmem>>
    %dma_start3A_27 = arith.constant 32 : i32
    %dma_start3A_28 = tpu.memref_slice %arg7[%dma_start3A_27] : memref<4704xi32, #tpu.memory_space<vmem>> -> memref<32xi32, #tpu.memory_space<vmem>>
    %dma_start3A_29 = arith.constant 0 : i32
    %dma_start3A_30 = arith.constant 0 : i32
    %dma_start3A_31 = tpu.memref_slice %arg2[%dma_start3A_29, %dma_start3A_30] : memref<10000x512xf32, #tpu.memory_space<hbm>> -> memref<10000x512xf32, #tpu.memory_space<hbm>>
    tpu.enqueue_indirect_dma source(%dma_start3A_31 : memref<10000x512xf32, #tpu.memory_space<hbm>>) target(%dma_start3A_26 : memref<32x512xf32, #tpu.memory_space<vmem>>) offsets(%dma_start3A_28 : memref<32xi32, #tpu.memory_space<vmem>>) semaphore(%arg14 : memref<!tpu.dma_semaphore, #tpu.memory_space<semaphore_mem>>)
    %dma_start3A_32 = arith.constant 1 : i32
    %dma_start3A_33 = arith.constant 0 : i32
    %dma_start3A_34 = arith.constant 0 : i32
    %dma_start3A_35 = tpu.memref_slice %arg10[%dma_start3A_32, %dma_start3A_33, %dma_start3A_34] : memref<3x32x512xf32, #tpu.memory_space<vmem>> -> memref<1x32x512xf32, #tpu.memory_space<vmem>>
    %dma_start3A_36 = tpu.memref_squeeze %dma_start3A_35 : memref<1x32x512xf32, #tpu.memory_space<vmem>> -> memref<32x512xf32, #tpu.memory_space<vmem>>
    %dma_start3A_37 = arith.constant 32 : i32
    %dma_start3A_38 = tpu.memref_slice %arg8[%dma_start3A_37] : memref<4704xi32, #tpu.memory_space<vmem>> -> memref<32xi32, #tpu.memory_space<vmem>>
    %dma_start3A_39 = arith.constant 0 : i32
    %dma_start3A_40 = arith.constant 0 : i32
    %dma_start3A_41 = tpu.memref_slice %arg3[%dma_start3A_39, %dma_start3A_40] : memref<50000x512xf32, #tpu.memory_space<hbm>> -> memref<50000x512xf32, #tpu.memory_space<hbm>>
    tpu.enqueue_indirect_dma source(%dma_start3A_41 : memref<50000x512xf32, #tpu.memory_space<hbm>>) target(%dma_start3A_36 : memref<32x512xf32, #tpu.memory_space<vmem>>) offsets(%dma_start3A_38 : memref<32xi32, #tpu.memory_space<vmem>>) semaphore(%arg14 : memref<!tpu.dma_semaphore, #tpu.memory_space<semaphore_mem>>)
    %dma_start3A_42 = arith.constant 2 : i32
    %dma_start3A_43 = arith.constant 0 : i32
    %dma_start3A_44 = arith.constant 0 : i32
    %dma_start3A_45 = tpu.memref_slice %arg9[%dma_start3A_42, %dma_start3A_43, %dma_start3A_44] : memref<3x32x512xf32, #tpu.memory_space<vmem>> -> memref<1x32x512xf32, #tpu.memory_space<vmem>>
    %dma_start3A_46 = tpu.memref_squeeze %dma_start3A_45 : memref<1x32x512xf32, #tpu.memory_space<vmem>> -> memref<32x512xf32, #tpu.memory_space<vmem>>
    %dma_start3A_47 = arith.constant 64 : i32
    %dma_start3A_48 = tpu.memref_slice %arg7[%dma_start3A_47] : memref<4704xi32, #tpu.memory_space<vmem>> -> memref<32xi32, #tpu.memory_space<vmem>>
    %dma_start3A_49 = arith.constant 0 : i32
    %dma_start3A_50 = arith.constant 0 : i32
    %dma_start3A_51 = tpu.memref_slice %arg2[%dma_start3A_49, %dma_start3A_50] : memref<10000x512xf32, #tpu.memory_space<hbm>> -> memref<10000x512xf32, #tpu.memory_space<hbm>>
    tpu.enqueue_indirect_dma source(%dma_start3A_51 : memref<10000x512xf32, #tpu.memory_space<hbm>>) target(%dma_start3A_46 : memref<32x512xf32, #tpu.memory_space<vmem>>) offsets(%dma_start3A_48 : memref<32xi32, #tpu.memory_space<vmem>>) semaphore(%arg15 : memref<!tpu.dma_semaphore, #tpu.memory_space<semaphore_mem>>)
    %dma_start3A_52 = arith.constant 2 : i32
    %dma_start3A_53 = arith.constant 0 : i32
    %dma_start3A_54 = arith.constant 0 : i32
    %dma_start3A_55 = tpu.memref_slice %arg10[%dma_start3A_52, %dma_start3A_53, %dma_start3A_54] : memref<3x32x512xf32, #tpu.memory_space<vmem>> -> memref<1x32x512xf32, #tpu.memory_space<vmem>>
    %dma_start3A_56 = tpu.memref_squeeze %dma_start3A_55 : memref<1x32x512xf32, #tpu.memory_space<vmem>> -> memref<32x512xf32, #tpu.memory_space<vmem>>
    %dma_start3A_57 = arith.constant 64 : i32
    %dma_start3A_58 = tpu.memref_slice %arg8[%dma_start3A_57] : memref<4704xi32, #tpu.memory_space<vmem>> -> memref<32xi32, #tpu.memory_space<vmem>>
    %dma_start3A_59 = arith.constant 0 : i32
    %dma_start3A_60 = arith.constant 0 : i32
    %dma_start3A_61 = tpu.memref_slice %arg3[%dma_start3A_59, %dma_start3A_60] : memref<50000x512xf32, #tpu.memory_space<hbm>> -> memref<50000x512xf32, #tpu.memory_space<hbm>>
    tpu.enqueue_indirect_dma source(%dma_start3A_61 : memref<50000x512xf32, #tpu.memory_space<hbm>>) target(%dma_start3A_56 : memref<32x512xf32, #tpu.memory_space<vmem>>) offsets(%dma_start3A_58 : memref<32xi32, #tpu.memory_space<vmem>>) semaphore(%arg15 : memref<!tpu.dma_semaphore, #tpu.memory_space<semaphore_mem>>)
    %scan3A = arith.constant 0 : i32
    %scan3A_62 = arith.constant 0 : i32
    %scan3A_63 = arith.constant 49 : i32
    %scan3A_64 = arith.addi %scan3A_62, %scan3A_63 : i32
    %scan3A_65 = arith.constant 1 : i32
    scf.for %scan3A_153 = %scan3A_62 to %scan3A_64 step %scan3A_65  : i32 {
      %mul3A_154 = arith.constant 3 : i32
      %mul3A_155 = arith.muli %mul3A_154, %scan3A_153 : i32
      %dma_wait3A_156 = arith.constant 0 : i32
      %dma_wait3A_157 = arith.constant 0 : i32
      %dma_wait3A_158 = arith.constant 0 : i32
      %dma_wait3A_159 = tpu.memref_slice %arg9[%dma_wait3A_156, %dma_wait3A_157, %dma_wait3A_158] : memref<3x32x512xf32, #tpu.memory_space<vmem>> -> memref<1x32x512xf32, #tpu.memory_space<vmem>>
      %dma_wait3A_160 = tpu.memref_squeeze %dma_wait3A_159 : memref<1x32x512xf32, #tpu.memory_space<vmem>> -> memref<32x512xf32, #tpu.memory_space<vmem>>
      %dma_wait3A_161 = arith.constant 0 : i32
      %dma_wait3A_162 = tpu.memref_slice %arg7[%dma_wait3A_161] : memref<4704xi32, #tpu.memory_space<vmem>> -> memref<32xi32, #tpu.memory_space<vmem>>
      %dma_wait3A_163 = arith.constant 0 : i32
      %dma_wait3A_164 = arith.constant 0 : i32
      %dma_wait3A_165 = tpu.memref_slice %arg2[%dma_wait3A_163, %dma_wait3A_164] : memref<10000x512xf32, #tpu.memory_space<hbm>> -> memref<10000x512xf32, #tpu.memory_space<hbm>>
      tpu.wait_indirect_dma semaphore(%arg13 : memref<!tpu.dma_semaphore, #tpu.memory_space<semaphore_mem>>) src(%dma_wait3A_165 : memref<10000x512xf32, #tpu.memory_space<hbm>>) dst(%dma_wait3A_160 : memref<32x512xf32, #tpu.memory_space<vmem>>)
      %dma_wait3A_166 = arith.constant 0 : i32
      %dma_wait3A_167 = arith.constant 0 : i32
      %dma_wait3A_168 = arith.constant 0 : i32
      %dma_wait3A_169 = tpu.memref_slice %arg10[%dma_wait3A_166, %dma_wait3A_167, %dma_wait3A_168] : memref<3x32x512xf32, #tpu.memory_space<vmem>> -> memref<1x32x512xf32, #tpu.memory_space<vmem>>
      %dma_wait3A_170 = tpu.memref_squeeze %dma_wait3A_169 : memref<1x32x512xf32, #tpu.memory_space<vmem>> -> memref<32x512xf32, #tpu.memory_space<vmem>>
      %dma_wait3A_171 = arith.constant 0 : i32
      %dma_wait3A_172 = tpu.memref_slice %arg8[%dma_wait3A_171] : memref<4704xi32, #tpu.memory_space<vmem>> -> memref<32xi32, #tpu.memory_space<vmem>>
      %dma_wait3A_173 = arith.constant 0 : i32
      %dma_wait3A_174 = arith.constant 0 : i32
      %dma_wait3A_175 = tpu.memref_slice %arg3[%dma_wait3A_173, %dma_wait3A_174] : memref<50000x512xf32, #tpu.memory_space<hbm>> -> memref<50000x512xf32, #tpu.memory_space<hbm>>
      tpu.wait_indirect_dma semaphore(%arg13 : memref<!tpu.dma_semaphore, #tpu.memory_space<semaphore_mem>>) src(%dma_wait3A_175 : memref<50000x512xf32, #tpu.memory_space<hbm>>) dst(%dma_wait3A_170 : memref<32x512xf32, #tpu.memory_space<vmem>>)
      %add3A_176 = arith.constant 0 : i32
      %add3A_177 = arith.addi %mul3A_155, %add3A_176 : i32
      %gt3A = arith.constant 0 : i32
      %gt3A_178 = arith.cmpi sgt, %scan3A_153, %gt3A : i32
      %convert_element_type3A = arith.extui %gt3A_178 : i1 to i32
      %cond3A = arith.constant 0 : i32
      %cond3A_179 = arith.cmpi ne, %convert_element_type3A, %cond3A : i32
      scf.if %cond3A_179 {
        %dma_wait3A_374 = arith.constant 0 : i32
        %dma_wait3A_375 = arith.constant 0 : i32
        %dma_wait3A_376 = tpu.memref_slice %arg12[%dma_wait3A_374, %dma_wait3A_375] : memref<3x32xf32, #tpu.memory_space<vmem>> -> memref<1x32xf32, #tpu.memory_space<vmem>>
        %dma_wait3A_377 = tpu.memref_squeeze %dma_wait3A_376 : memref<1x32xf32, #tpu.memory_space<vmem>> -> memref<32xf32, #tpu.memory_space<vmem>>
        %dma_wait3A_378 = tpu.memref_slice %arg6[%mul3A_2] : memref<150528xf32, #tpu.memory_space<hbm>> -> memref<32xf32, #tpu.memory_space<hbm>>
        %dma_wait3A_379 = tpu.memref_slice %arg6[%mul3A_2] : memref<150528xf32, #tpu.memory_space<hbm>> -> memref<32xf32, #tpu.memory_space<hbm>>
        %dma_wait3A_380 = arith.constant 0 : i32
        %dma_wait3A_381 = tpu.memref_slice %arg12[%dma_wait3A_374, %dma_wait3A_380] : memref<3x32xf32, #tpu.memory_space<vmem>> -> memref<1x32xf32, #tpu.memory_space<vmem>>
        %dma_wait3A_382 = tpu.memref_squeeze %dma_wait3A_381 : memref<1x32xf32, #tpu.memory_space<vmem>> -> memref<32xf32, #tpu.memory_space<vmem>>
        tpu.wait_dma2 semaphore(%arg16 : memref<!tpu.dma_semaphore, #tpu.memory_space<semaphore_mem>>) src(%dma_wait3A_382 : memref<32xf32, #tpu.memory_space<vmem>>) dst(%dma_wait3A_379 : memref<32xf32, #tpu.memory_space<hbm>>)
      } else {
      }
      %scan3A_180 = arith.constant 0 : i32
      %scan3A_181 = arith.constant 0 : i32
      %scan3A_182 = arith.constant 0 : i32
      %scan3A_183 = arith.constant 0 : i32
      %scan3A_184 = arith.constant 0 : i32
      %scan3A_185 = arith.constant 2 : i32
      %scan3A_186 = arith.addi %scan3A_184, %scan3A_185 : i32
      %scan3A_187 = arith.constant 1 : i32
      scf.for %scan3A_374 = %scan3A_184 to %scan3A_186 step %scan3A_187  : i32 {
        %scan3A_375 = arith.constant 0 : i32
        %scan3A_376 = arith.constant 0 : i32
        %scan3A_377 = arith.constant 16 : i32
        %scan3A_378 = arith.addi %scan3A_376, %scan3A_377 : i32
        %scan3A_379 = arith.constant 1 : i32
        scf.for %scan3A_472 = %scan3A_376 to %scan3A_378 step %scan3A_379  : i32 {
          %mul3A_473 = arith.constant 16 : i32
          %mul3A_474 = arith.muli %scan3A_374, %mul3A_473 : i32
          %add3A_475 = arith.addi %mul3A_474, %scan3A_472 : i32
          %get3A = arith.constant 0 : i32
          %get3A_476 = arith.constant 0 : i32
          %get3A_477 = tpu.memref_slice %arg9[%scan3A_181, %get3A, %get3A_476] : memref<3x32x512xf32, #tpu.memory_space<vmem>> -> memref<1x32x512xf32, #tpu.memory_space<vmem>>
          %get3A_478 = tpu.memref_squeeze %get3A_477 : memref<1x32x512xf32, #tpu.memory_space<vmem>> -> memref<32x512xf32, #tpu.memory_space<vmem>>
          %get3A_479 = arith.index_cast %add3A_475 : i32 to index
          %get3A_480 = arith.constant 0 : index
          %get3A_481 = tpu.vector_load %get3A_478[%get3A_479, %get3A_480] {strides = array<i32>} : memref<32x512xf32, #tpu.memory_space<vmem>>, vector<16xf32>,
          %get3A_482 = arith.constant 0 : i32
          %get3A_483 = arith.constant 0 : i32
          %get3A_484 = tpu.memref_slice %arg10[%scan3A_182, %get3A_482, %get3A_483] : memref<3x32x512xf32, #tpu.memory_space<vmem>> -> memref<1x32x512xf32, #tpu.memory_space<vmem>>
          %get3A_485 = tpu.memref_squeeze %get3A_484 : memref<1x32x512xf32, #tpu.memory_space<vmem>> -> memref<32x512xf32, #tpu.memory_space<vmem>>
          %get3A_486 = arith.index_cast %add3A_475 : i32 to index
          %get3A_487 = arith.constant 0 : index
          %get3A_488 = tpu.vector_load %get3A_485[%get3A_486, %get3A_487] {strides = array<i32>} : memref<32x512xf32, #tpu.memory_space<vmem>>, vector<16xf32>,
          %mul3A_489 = arith.mulf %get3A_481, %get3A_488 : vector<16xf32>
          %get3A_490 = arith.constant 0 : i32
          %get3A_491 = arith.constant 0 : i32
          %get3A_492 = tpu.memref_slice %arg9[%scan3A_181, %get3A_490, %get3A_491] : memref<3x32x512xf32, #tpu.memory_space<vmem>> -> memref<1x32x512xf32, #tpu.memory_space<vmem>>
          %get3A_493 = tpu.memref_squeeze %get3A_492 : memref<1x32x512xf32, #tpu.memory_space<vmem>> -> memref<32x512xf32, #tpu.memory_space<vmem>>
          %get3A_494 = arith.index_cast %add3A_475 : i32 to index
          %get3A_495 = arith.constant 16 : index
          %get3A_496 = tpu.vector_load %get3A_493[%get3A_494, %get3A_495] {strides = array<i32>} : memref<32x512xf32, #tpu.memory_space<vmem>>, vector<16xf32>,
          %get3A_497 = arith.constant 0 : i32
          %get3A_498 = arith.constant 0 : i32
          %get3A_499 = tpu.memref_slice %arg10[%scan3A_182, %get3A_497, %get3A_498] : memref<3x32x512xf32, #tpu.memory_space<vmem>> -> memref<1x32x512xf32, #tpu.memory_space<vmem>>
          %get3A_500 = tpu.memref_squeeze %get3A_499 : memref<1x32x512xf32, #tpu.memory_space<vmem>> -> memref<32x512xf32, #tpu.memory_space<vmem>>
          %get3A_501 = arith.index_cast %add3A_475 : i32 to index
          %get3A_502 = arith.constant 16 : index
          %get3A_503 = tpu.vector_load %get3A_500[%get3A_501, %get3A_502] {strides = array<i32>} : memref<32x512xf32, #tpu.memory_space<vmem>>, vector<16xf32>,
          %mul3A_504 = arith.mulf %get3A_496, %get3A_503 : vector<16xf32>
          %add3A_505 = arith.addf %mul3A_489, %mul3A_504 : vector<16xf32>
          %get3A_506 = arith.constant 0 : i32
          %get3A_507 = arith.constant 0 : i32
          %get3A_508 = tpu.memref_slice %arg9[%scan3A_181, %get3A_506, %get3A_507] : memref<3x32x512xf32, #tpu.memory_space<vmem>> -> memref<1x32x512xf32, #tpu.memory_space<vmem>>
          %get3A_509 = tpu.memref_squeeze %get3A_508 : memref<1x32x512xf32, #tpu.memory_space<vmem>> -> memref<32x512xf32, #tpu.memory_space<vmem>>
          %get3A_510 = arith.index_cast %add3A_475 : i32 to index
          %get3A_511 = arith.constant 32 : index
          %get3A_512 = tpu.vector_load %get3A_509[%get3A_510, %get3A_511] {strides = array<i32>} : memref<32x512xf32, #tpu.memory_space<vmem>>, vector<16xf32>,
          %get3A_513 = arith.constant 0 : i32
          %get3A_514 = arith.constant 0 : i32
          %get3A_515 = tpu.memref_slice %arg10[%scan3A_182, %get3A_513, %get3A_514] : memref<3x32x512xf32, #tpu.memory_space<vmem>> -> memref<1x32x512xf32, #tpu.memory_space<vmem>>
          %get3A_516 = tpu.memref_squeeze %get3A_515 : memref<1x32x512xf32, #tpu.memory_space<vmem>> -> memref<32x512xf32, #tpu.memory_space<vmem>>
          %get3A_517 = arith.index_cast %add3A_475 : i32 to index
          %get3A_518 = arith.constant 32 : index
          %get3A_519 = tpu.vector_load %get3A_516[%get3A_517, %get3A_518] {strides = array<i32>} : memref<32x512xf32, #tpu.memory_space<vmem>>, vector<16xf32>,
          %mul3A_520 = arith.mulf %get3A_512, %get3A_519 : vector<16xf32>
          %add3A_521 = arith.addf %add3A_505, %mul3A_520 : vector<16xf32>
          %get3A_522 = arith.constant 0 : i32
          %get3A_523 = arith.constant 0 : i32
          %get3A_524 = tpu.memref_slice %arg9[%scan3A_181, %get3A_522, %get3A_523] : memref<3x32x512xf32, #tpu.memory_space<vmem>> -> memref<1x32x512xf32, #tpu.memory_space<vmem>>
          %get3A_525 = tpu.memref_squeeze %get3A_524 : memref<1x32x512xf32, #tpu.memory_space<vmem>> -> memref<32x512xf32, #tpu.memory_space<vmem>>
          %get3A_526 = arith.index_cast %add3A_475 : i32 to index
          %get3A_527 = arith.constant 48 : index
          %get3A_528 = tpu.vector_load %get3A_525[%get3A_526, %get3A_527] {strides = array<i32>} : memref<32x512xf32, #tpu.memory_space<vmem>>, vector<16xf32>,
          %get3A_529 = arith.constant 0 : i32
          %get3A_530 = arith.constant 0 : i32
          %get3A_531 = tpu.memref_slice %arg10[%scan3A_182, %get3A_529, %get3A_530] : memref<3x32x512xf32, #tpu.memory_space<vmem>> -> memref<1x32x512xf32, #tpu.memory_space<vmem>>
          %get3A_532 = tpu.memref_squeeze %get3A_531 : memref<1x32x512xf32, #tpu.memory_space<vmem>> -> memref<32x512xf32, #tpu.memory_space<vmem>>
          %get3A_533 = arith.index_cast %add3A_475 : i32 to index
          %get3A_534 = arith.constant 48 : index
          %get3A_535 = tpu.vector_load %get3A_532[%get3A_533, %get3A_534] {strides = array<i32>} : memref<32x512xf32, #tpu.memory_space<vmem>>, vector<16xf32>,
          %mul3A_536 = arith.mulf %get3A_528, %get3A_535 : vector<16xf32>
          %add3A_537 = arith.addf %add3A_521, %mul3A_536 : vector<16xf32>
          %get3A_538 = arith.constant 0 : i32
          %get3A_539 = arith.constant 0 : i32
          %get3A_540 = tpu.memref_slice %arg9[%scan3A_181, %get3A_538, %get3A_539] : memref<3x32x512xf32, #tpu.memory_space<vmem>> -> memref<1x32x512xf32, #tpu.memory_space<vmem>>
          %get3A_541 = tpu.memref_squeeze %get3A_540 : memref<1x32x512xf32, #tpu.memory_space<vmem>> -> memref<32x512xf32, #tpu.memory_space<vmem>>
          %get3A_542 = arith.index_cast %add3A_475 : i32 to index
          %get3A_543 = arith.constant 64 : index
          %get3A_544 = tpu.vector_load %get3A_541[%get3A_542, %get3A_543] {strides = array<i32>} : memref<32x512xf32, #tpu.memory_space<vmem>>, vector<16xf32>,
          %get3A_545 = arith.constant 0 : i32
          %get3A_546 = arith.constant 0 : i32
          %get3A_547 = tpu.memref_slice %arg10[%scan3A_182, %get3A_545, %get3A_546] : memref<3x32x512xf32, #tpu.memory_space<vmem>> -> memref<1x32x512xf32, #tpu.memory_space<vmem>>
          %get3A_548 = tpu.memref_squeeze %get3A_547 : memref<1x32x512xf32, #tpu.memory_space<vmem>> -> memref<32x512xf32, #tpu.memory_space<vmem>>
          %get3A_549 = arith.index_cast %add3A_475 : i32 to index
          %get3A_550 = arith.constant 64 : index
          %get3A_551 = tpu.vector_load %get3A_548[%get3A_549, %get3A_550] {strides = array<i32>} : memref<32x512xf32, #tpu.memory_space<vmem>>, vector<16xf32>,
          %mul3A_552 = arith.mulf %get3A_544, %get3A_551 : vector<16xf32>
          %add3A_553 = arith.addf %add3A_537, %mul3A_552 : vector<16xf32>
          %get3A_554 = arith.constant 0 : i32
          %get3A_555 = arith.constant 0 : i32
          %get3A_556 = tpu.memref_slice %arg9[%scan3A_181, %get3A_554, %get3A_555] : memref<3x32x512xf32, #tpu.memory_space<vmem>> -> memref<1x32x512xf32, #tpu.memory_space<vmem>>
          %get3A_557 = tpu.memref_squeeze %get3A_556 : memref<1x32x512xf32, #tpu.memory_space<vmem>> -> memref<32x512xf32, #tpu.memory_space<vmem>>
          %get3A_558 = arith.index_cast %add3A_475 : i32 to index
          %get3A_559 = arith.constant 80 : index
          %get3A_560 = tpu.vector_load %get3A_557[%get3A_558, %get3A_559] {strides = array<i32>} : memref<32x512xf32, #tpu.memory_space<vmem>>, vector<16xf32>,
          %get3A_561 = arith.constant 0 : i32
          %get3A_562 = arith.constant 0 : i32
          %get3A_563 = tpu.memref_slice %arg10[%scan3A_182, %get3A_561, %get3A_562] : memref<3x32x512xf32, #tpu.memory_space<vmem>> -> memref<1x32x512xf32, #tpu.memory_space<vmem>>
          %get3A_564 = tpu.memref_squeeze %get3A_563 : memref<1x32x512xf32, #tpu.memory_space<vmem>> -> memref<32x512xf32, #tpu.memory_space<vmem>>
          %get3A_565 = arith.index_cast %add3A_475 : i32 to index
          %get3A_566 = arith.constant 80 : index
          %get3A_567 = tpu.vector_load %get3A_564[%get3A_565, %get3A_566] {strides = array<i32>} : memref<32x512xf32, #tpu.memory_space<vmem>>, vector<16xf32>,
          %mul3A_568 = arith.mulf %get3A_560, %get3A_567 : vector<16xf32>
          %add3A_569 = arith.addf %add3A_553, %mul3A_568 : vector<16xf32>
          %get3A_570 = arith.constant 0 : i32
          %get3A_571 = arith.constant 0 : i32
          %get3A_572 = tpu.memref_slice %arg9[%scan3A_181, %get3A_570, %get3A_571] : memref<3x32x512xf32, #tpu.memory_space<vmem>> -> memref<1x32x512xf32, #tpu.memory_space<vmem>>
          %get3A_573 = tpu.memref_squeeze %get3A_572 : memref<1x32x512xf32, #tpu.memory_space<vmem>> -> memref<32x512xf32, #tpu.memory_space<vmem>>
          %get3A_574 = arith.index_cast %add3A_475 : i32 to index
          %get3A_575 = arith.constant 96 : index
          %get3A_576 = tpu.vector_load %get3A_573[%get3A_574, %get3A_575] {strides = array<i32>} : memref<32x512xf32, #tpu.memory_space<vmem>>, vector<16xf32>,
          %get3A_577 = arith.constant 0 : i32
          %get3A_578 = arith.constant 0 : i32
          %get3A_579 = tpu.memref_slice %arg10[%scan3A_182, %get3A_577, %get3A_578] : memref<3x32x512xf32, #tpu.memory_space<vmem>> -> memref<1x32x512xf32, #tpu.memory_space<vmem>>
          %get3A_580 = tpu.memref_squeeze %get3A_579 : memref<1x32x512xf32, #tpu.memory_space<vmem>> -> memref<32x512xf32, #tpu.memory_space<vmem>>
          %get3A_581 = arith.index_cast %add3A_475 : i32 to index
          %get3A_582 = arith.constant 96 : index
          %get3A_583 = tpu.vector_load %get3A_580[%get3A_581, %get3A_582] {strides = array<i32>} : memref<32x512xf32, #tpu.memory_space<vmem>>, vector<16xf32>,
          %mul3A_584 = arith.mulf %get3A_576, %get3A_583 : vector<16xf32>
          %add3A_585 = arith.addf %add3A_569, %mul3A_584 : vector<16xf32>
          %get3A_586 = arith.constant 0 : i32
          %get3A_587 = arith.constant 0 : i32
          %get3A_588 = tpu.memref_slice %arg9[%scan3A_181, %get3A_586, %get3A_587] : memref<3x32x512xf32, #tpu.memory_space<vmem>> -> memref<1x32x512xf32, #tpu.memory_space<vmem>>
          %get3A_589 = tpu.memref_squeeze %get3A_588 : memref<1x32x512xf32, #tpu.memory_space<vmem>> -> memref<32x512xf32, #tpu.memory_space<vmem>>
          %get3A_590 = arith.index_cast %add3A_475 : i32 to index
          %get3A_591 = arith.constant 112 : index
          %get3A_592 = tpu.vector_load %get3A_589[%get3A_590, %get3A_591] {strides = array<i32>} : memref<32x512xf32, #tpu.memory_space<vmem>>, vector<16xf32>,
          %get3A_593 = arith.constant 0 : i32
          %get3A_594 = arith.constant 0 : i32
          %get3A_595 = tpu.memref_slice %arg10[%scan3A_182, %get3A_593, %get3A_594] : memref<3x32x512xf32, #tpu.memory_space<vmem>> -> memref<1x32x512xf32, #tpu.memory_space<vmem>>
          %get3A_596 = tpu.memref_squeeze %get3A_595 : memref<1x32x512xf32, #tpu.memory_space<vmem>> -> memref<32x512xf32, #tpu.memory_space<vmem>>
          %get3A_597 = arith.index_cast %add3A_475 : i32 to index
          %get3A_598 = arith.constant 112 : index
          %get3A_599 = tpu.vector_load %get3A_596[%get3A_597, %get3A_598] {strides = array<i32>} : memref<32x512xf32, #tpu.memory_space<vmem>>, vector<16xf32>,
          %mul3A_600 = arith.mulf %get3A_592, %get3A_599 : vector<16xf32>
          %add3A_601 = arith.addf %add3A_585, %mul3A_600 : vector<16xf32>
          %get3A_602 = arith.constant 0 : i32
          %get3A_603 = arith.constant 0 : i32
          %get3A_604 = tpu.memref_slice %arg9[%scan3A_181, %get3A_602, %get3A_603] : memref<3x32x512xf32, #tpu.memory_space<vmem>> -> memref<1x32x512xf32, #tpu.memory_space<vmem>>
          %get3A_605 = tpu.memref_squeeze %get3A_604 : memref<1x32x512xf32, #tpu.memory_space<vmem>> -> memref<32x512xf32, #tpu.memory_space<vmem>>
          %get3A_606 = arith.index_cast %add3A_475 : i32 to index
          %get3A_607 = arith.constant 128 : index
          %get3A_608 = tpu.vector_load %get3A_605[%get3A_606, %get3A_607] {strides = array<i32>} : memref<32x512xf32, #tpu.memory_space<vmem>>, vector<16xf32>,
          %get3A_609 = arith.constant 0 : i32
          %get3A_610 = arith.constant 0 : i32
          %get3A_611 = tpu.memref_slice %arg10[%scan3A_182, %get3A_609, %get3A_610] : memref<3x32x512xf32, #tpu.memory_space<vmem>> -> memref<1x32x512xf32, #tpu.memory_space<vmem>>
          %get3A_612 = tpu.memref_squeeze %get3A_611 : memref<1x32x512xf32, #tpu.memory_space<vmem>> -> memref<32x512xf32, #tpu.memory_space<vmem>>
          %get3A_613 = arith.index_cast %add3A_475 : i32 to index
          %get3A_614 = arith.constant 128 : index
          %get3A_615 = tpu.vector_load %get3A_612[%get3A_613, %get3A_614] {strides = array<i32>} : memref<32x512xf32, #tpu.memory_space<vmem>>, vector<16xf32>,
          %mul3A_616 = arith.mulf %get3A_608, %get3A_615 : vector<16xf32>
          %add3A_617 = arith.addf %add3A_601, %mul3A_616 : vector<16xf32>
          %get3A_618 = arith.constant 0 : i32
          %get3A_619 = arith.constant 0 : i32
          %get3A_620 = tpu.memref_slice %arg9[%scan3A_181, %get3A_618, %get3A_619] : memref<3x32x512xf32, #tpu.memory_space<vmem>> -> memref<1x32x512xf32, #tpu.memory_space<vmem>>
          %get3A_621 = tpu.memref_squeeze %get3A_620 : memref<1x32x512xf32, #tpu.memory_space<vmem>> -> memref<32x512xf32, #tpu.memory_space<vmem>>
          %get3A_622 = arith.index_cast %add3A_475 : i32 to index
          %get3A_623 = arith.constant 144 : index
          %get3A_624 = tpu.vector_load %get3A_621[%get3A_622, %get3A_623] {strides = array<i32>} : memref<32x512xf32, #tpu.memory_space<vmem>>, vector<16xf32>,
          %get3A_625 = arith.constant 0 : i32
          %get3A_626 = arith.constant 0 : i32
          %get3A_627 = tpu.memref_slice %arg10[%scan3A_182, %get3A_625, %get3A_626] : memref<3x32x512xf32, #tpu.memory_space<vmem>> -> memref<1x32x512xf32, #tpu.memory_space<vmem>>
          %get3A_628 = tpu.memref_squeeze %get3A_627 : memref<1x32x512xf32, #tpu.memory_space<vmem>> -> memref<32x512xf32, #tpu.memory_space<vmem>>
          %get3A_629 = arith.index_cast %add3A_475 : i32 to index
          %get3A_630 = arith.constant 144 : index
          %get3A_631 = tpu.vector_load %get3A_628[%get3A_629, %get3A_630] {strides = array<i32>} : memref<32x512xf32, #tpu.memory_space<vmem>>, vector<16xf32>,
          %mul3A_632 = arith.mulf %get3A_624, %get3A_631 : vector<16xf32>
          %add3A_633 = arith.addf %add3A_617, %mul3A_632 : vector<16xf32>
          %get3A_634 = arith.constant 0 : i32
          %get3A_635 = arith.constant 0 : i32
          %get3A_636 = tpu.memref_slice %arg9[%scan3A_181, %get3A_634, %get3A_635] : memref<3x32x512xf32, #tpu.memory_space<vmem>> -> memref<1x32x512xf32, #tpu.memory_space<vmem>>
          %get3A_637 = tpu.memref_squeeze %get3A_636 : memref<1x32x512xf32, #tpu.memory_space<vmem>> -> memref<32x512xf32, #tpu.memory_space<vmem>>
          %get3A_638 = arith.index_cast %add3A_475 : i32 to index
          %get3A_639 = arith.constant 160 : index
          %get3A_640 = tpu.vector_load %get3A_637[%get3A_638, %get3A_639] {strides = array<i32>} : memref<32x512xf32, #tpu.memory_space<vmem>>, vector<16xf32>,
          %get3A_641 = arith.constant 0 : i32
          %get3A_642 = arith.constant 0 : i32
          %get3A_643 = tpu.memref_slice %arg10[%scan3A_182, %get3A_641, %get3A_642] : memref<3x32x512xf32, #tpu.memory_space<vmem>> -> memref<1x32x512xf32, #tpu.memory_space<vmem>>
          %get3A_644 = tpu.memref_squeeze %get3A_643 : memref<1x32x512xf32, #tpu.memory_space<vmem>> -> memref<32x512xf32, #tpu.memory_space<vmem>>
          %get3A_645 = arith.index_cast %add3A_475 : i32 to index
          %get3A_646 = arith.constant 160 : index
          %get3A_647 = tpu.vector_load %get3A_644[%get3A_645, %get3A_646] {strides = array<i32>} : memref<32x512xf32, #tpu.memory_space<vmem>>, vector<16xf32>,
          %mul3A_648 = arith.mulf %get3A_640, %get3A_647 : vector<16xf32>
          %add3A_649 = arith.addf %add3A_633, %mul3A_648 : vector<16xf32>
          %get3A_650 = arith.constant 0 : i32
          %get3A_651 = arith.constant 0 : i32
          %get3A_652 = tpu.memref_slice %arg9[%scan3A_181, %get3A_650, %get3A_651] : memref<3x32x512xf32, #tpu.memory_space<vmem>> -> memref<1x32x512xf32, #tpu.memory_space<vmem>>
          %get3A_653 = tpu.memref_squeeze %get3A_652 : memref<1x32x512xf32, #tpu.memory_space<vmem>> -> memref<32x512xf32, #tpu.memory_space<vmem>>
          %get3A_654 = arith.index_cast %add3A_475 : i32 to index
          %get3A_655 = arith.constant 176 : index
          %get3A_656 = tpu.vector_load %get3A_653[%get3A_654, %get3A_655] {strides = array<i32>} : memref<32x512xf32, #tpu.memory_space<vmem>>, vector<16xf32>,
          %get3A_657 = arith.constant 0 : i32
          %get3A_658 = arith.constant 0 : i32
          %get3A_659 = tpu.memref_slice %arg10[%scan3A_182, %get3A_657, %get3A_658] : memref<3x32x512xf32, #tpu.memory_space<vmem>> -> memref<1x32x512xf32, #tpu.memory_space<vmem>>
          %get3A_660 = tpu.memref_squeeze %get3A_659 : memref<1x32x512xf32, #tpu.memory_space<vmem>> -> memref<32x512xf32, #tpu.memory_space<vmem>>
          %get3A_661 = arith.index_cast %add3A_475 : i32 to index
          %get3A_662 = arith.constant 176 : index
          %get3A_663 = tpu.vector_load %get3A_660[%get3A_661, %get3A_662] {strides = array<i32>} : memref<32x512xf32, #tpu.memory_space<vmem>>, vector<16xf32>,
          %mul3A_664 = arith.mulf %get3A_656, %get3A_663 : vector<16xf32>
          %add3A_665 = arith.addf %add3A_649, %mul3A_664 : vector<16xf32>
          %get3A_666 = arith.constant 0 : i32
          %get3A_667 = arith.constant 0 : i32
          %get3A_668 = tpu.memref_slice %arg9[%scan3A_181, %get3A_666, %get3A_667] : memref<3x32x512xf32, #tpu.memory_space<vmem>> -> memref<1x32x512xf32, #tpu.memory_space<vmem>>
          %get3A_669 = tpu.memref_squeeze %get3A_668 : memref<1x32x512xf32, #tpu.memory_space<vmem>> -> memref<32x512xf32, #tpu.memory_space<vmem>>
          %get3A_670 = arith.index_cast %add3A_475 : i32 to index
          %get3A_671 = arith.constant 192 : index
          %get3A_672 = tpu.vector_load %get3A_669[%get3A_670, %get3A_671] {strides = array<i32>} : memref<32x512xf32, #tpu.memory_space<vmem>>, vector<16xf32>,
          %get3A_673 = arith.constant 0 : i32
          %get3A_674 = arith.constant 0 : i32
          %get3A_675 = tpu.memref_slice %arg10[%scan3A_182, %get3A_673, %get3A_674] : memref<3x32x512xf32, #tpu.memory_space<vmem>> -> memref<1x32x512xf32, #tpu.memory_space<vmem>>
          %get3A_676 = tpu.memref_squeeze %get3A_675 : memref<1x32x512xf32, #tpu.memory_space<vmem>> -> memref<32x512xf32, #tpu.memory_space<vmem>>
          %get3A_677 = arith.index_cast %add3A_475 : i32 to index
          %get3A_678 = arith.constant 192 : index
          %get3A_679 = tpu.vector_load %get3A_676[%get3A_677, %get3A_678] {strides = array<i32>} : memref<32x512xf32, #tpu.memory_space<vmem>>, vector<16xf32>,
          %mul3A_680 = arith.mulf %get3A_672, %get3A_679 : vector<16xf32>
          %add3A_681 = arith.addf %add3A_665, %mul3A_680 : vector<16xf32>
          %get3A_682 = arith.constant 0 : i32
          %get3A_683 = arith.constant 0 : i32
          %get3A_684 = tpu.memref_slice %arg9[%scan3A_181, %get3A_682, %get3A_683] : memref<3x32x512xf32, #tpu.memory_space<vmem>> -> memref<1x32x512xf32, #tpu.memory_space<vmem>>
          %get3A_685 = tpu.memref_squeeze %get3A_684 : memref<1x32x512xf32, #tpu.memory_space<vmem>> -> memref<32x512xf32, #tpu.memory_space<vmem>>
          %get3A_686 = arith.index_cast %add3A_475 : i32 to index
          %get3A_687 = arith.constant 208 : index
          %get3A_688 = tpu.vector_load %get3A_685[%get3A_686, %get3A_687] {strides = array<i32>} : memref<32x512xf32, #tpu.memory_space<vmem>>, vector<16xf32>,
          %get3A_689 = arith.constant 0 : i32
          %get3A_690 = arith.constant 0 : i32
          %get3A_691 = tpu.memref_slice %arg10[%scan3A_182, %get3A_689, %get3A_690] : memref<3x32x512xf32, #tpu.memory_space<vmem>> -> memref<1x32x512xf32, #tpu.memory_space<vmem>>
          %get3A_692 = tpu.memref_squeeze %get3A_691 : memref<1x32x512xf32, #tpu.memory_space<vmem>> -> memref<32x512xf32, #tpu.memory_space<vmem>>
          %get3A_693 = arith.index_cast %add3A_475 : i32 to index
          %get3A_694 = arith.constant 208 : index
          %get3A_695 = tpu.vector_load %get3A_692[%get3A_693, %get3A_694] {strides = array<i32>} : memref<32x512xf32, #tpu.memory_space<vmem>>, vector<16xf32>,
          %mul3A_696 = arith.mulf %get3A_688, %get3A_695 : vector<16xf32>
          %add3A_697 = arith.addf %add3A_681, %mul3A_696 : vector<16xf32>
          %get3A_698 = arith.constant 0 : i32
          %get3A_699 = arith.constant 0 : i32
          %get3A_700 = tpu.memref_slice %arg9[%scan3A_181, %get3A_698, %get3A_699] : memref<3x32x512xf32, #tpu.memory_space<vmem>> -> memref<1x32x512xf32, #tpu.memory_space<vmem>>
          %get3A_701 = tpu.memref_squeeze %get3A_700 : memref<1x32x512xf32, #tpu.memory_space<vmem>> -> memref<32x512xf32, #tpu.memory_space<vmem>>
          %get3A_702 = arith.index_cast %add3A_475 : i32 to index
          %get3A_703 = arith.constant 224 : index
          %get3A_704 = tpu.vector_load %get3A_701[%get3A_702, %get3A_703] {strides = array<i32>} : memref<32x512xf32, #tpu.memory_space<vmem>>, vector<16xf32>,
          %get3A_705 = arith.constant 0 : i32
          %get3A_706 = arith.constant 0 : i32
          %get3A_707 = tpu.memref_slice %arg10[%scan3A_182, %get3A_705, %get3A_706] : memref<3x32x512xf32, #tpu.memory_space<vmem>> -> memref<1x32x512xf32, #tpu.memory_space<vmem>>
          %get3A_708 = tpu.memref_squeeze %get3A_707 : memref<1x32x512xf32, #tpu.memory_space<vmem>> -> memref<32x512xf32, #tpu.memory_space<vmem>>
          %get3A_709 = arith.index_cast %add3A_475 : i32 to index
          %get3A_710 = arith.constant 224 : index
          %get3A_711 = tpu.vector_load %get3A_708[%get3A_709, %get3A_710] {strides = array<i32>} : memref<32x512xf32, #tpu.memory_space<vmem>>, vector<16xf32>,
          %mul3A_712 = arith.mulf %get3A_704, %get3A_711 : vector<16xf32>
          %add3A_713 = arith.addf %add3A_697, %mul3A_712 : vector<16xf32>
          %get3A_714 = arith.constant 0 : i32
          %get3A_715 = arith.constant 0 : i32
          %get3A_716 = tpu.memref_slice %arg9[%scan3A_181, %get3A_714, %get3A_715] : memref<3x32x512xf32, #tpu.memory_space<vmem>> -> memref<1x32x512xf32, #tpu.memory_space<vmem>>
          %get3A_717 = tpu.memref_squeeze %get3A_716 : memref<1x32x512xf32, #tpu.memory_space<vmem>> -> memref<32x512xf32, #tpu.memory_space<vmem>>
          %get3A_718 = arith.index_cast %add3A_475 : i32 to index
          %get3A_719 = arith.constant 240 : index
          %get3A_720 = tpu.vector_load %get3A_717[%get3A_718, %get3A_719] {strides = array<i32>} : memref<32x512xf32, #tpu.memory_space<vmem>>, vector<16xf32>,
          %get3A_721 = arith.constant 0 : i32
          %get3A_722 = arith.constant 0 : i32
          %get3A_723 = tpu.memref_slice %arg10[%scan3A_182, %get3A_721, %get3A_722] : memref<3x32x512xf32, #tpu.memory_space<vmem>> -> memref<1x32x512xf32, #tpu.memory_space<vmem>>
          %get3A_724 = tpu.memref_squeeze %get3A_723 : memref<1x32x512xf32, #tpu.memory_space<vmem>> -> memref<32x512xf32, #tpu.memory_space<vmem>>
          %get3A_725 = arith.index_cast %add3A_475 : i32 to index
          %get3A_726 = arith.constant 240 : index
          %get3A_727 = tpu.vector_load %get3A_724[%get3A_725, %get3A_726] {strides = array<i32>} : memref<32x512xf32, #tpu.memory_space<vmem>>, vector<16xf32>,
          %mul3A_728 = arith.mulf %get3A_720, %get3A_727 : vector<16xf32>
          %add3A_729 = arith.addf %add3A_713, %mul3A_728 : vector<16xf32>
          %get3A_730 = arith.constant 0 : i32
          %get3A_731 = arith.constant 0 : i32
          %get3A_732 = tpu.memref_slice %arg9[%scan3A_181, %get3A_730, %get3A_731] : memref<3x32x512xf32, #tpu.memory_space<vmem>> -> memref<1x32x512xf32, #tpu.memory_space<vmem>>
          %get3A_733 = tpu.memref_squeeze %get3A_732 : memref<1x32x512xf32, #tpu.memory_space<vmem>> -> memref<32x512xf32, #tpu.memory_space<vmem>>
          %get3A_734 = arith.index_cast %add3A_475 : i32 to index
          %get3A_735 = arith.constant 256 : index
          %get3A_736 = tpu.vector_load %get3A_733[%get3A_734, %get3A_735] {strides = array<i32>} : memref<32x512xf32, #tpu.memory_space<vmem>>, vector<16xf32>,
          %get3A_737 = arith.constant 0 : i32
          %get3A_738 = arith.constant 0 : i32
          %get3A_739 = tpu.memref_slice %arg10[%scan3A_182, %get3A_737, %get3A_738] : memref<3x32x512xf32, #tpu.memory_space<vmem>> -> memref<1x32x512xf32, #tpu.memory_space<vmem>>
          %get3A_740 = tpu.memref_squeeze %get3A_739 : memref<1x32x512xf32, #tpu.memory_space<vmem>> -> memref<32x512xf32, #tpu.memory_space<vmem>>
          %get3A_741 = arith.index_cast %add3A_475 : i32 to index
          %get3A_742 = arith.constant 256 : index
          %get3A_743 = tpu.vector_load %get3A_740[%get3A_741, %get3A_742] {strides = array<i32>} : memref<32x512xf32, #tpu.memory_space<vmem>>, vector<16xf32>,
          %mul3A_744 = arith.mulf %get3A_736, %get3A_743 : vector<16xf32>
          %add3A_745 = arith.addf %add3A_729, %mul3A_744 : vector<16xf32>
          %get3A_746 = arith.constant 0 : i32
          %get3A_747 = arith.constant 0 : i32
          %get3A_748 = tpu.memref_slice %arg9[%scan3A_181, %get3A_746, %get3A_747] : memref<3x32x512xf32, #tpu.memory_space<vmem>> -> memref<1x32x512xf32, #tpu.memory_space<vmem>>
          %get3A_749 = tpu.memref_squeeze %get3A_748 : memref<1x32x512xf32, #tpu.memory_space<vmem>> -> memref<32x512xf32, #tpu.memory_space<vmem>>
          %get3A_750 = arith.index_cast %add3A_475 : i32 to index
          %get3A_751 = arith.constant 272 : index
          %get3A_752 = tpu.vector_load %get3A_749[%get3A_750, %get3A_751] {strides = array<i32>} : memref<32x512xf32, #tpu.memory_space<vmem>>, vector<16xf32>,
          %get3A_753 = arith.constant 0 : i32
          %get3A_754 = arith.constant 0 : i32
          %get3A_755 = tpu.memref_slice %arg10[%scan3A_182, %get3A_753, %get3A_754] : memref<3x32x512xf32, #tpu.memory_space<vmem>> -> memref<1x32x512xf32, #tpu.memory_space<vmem>>
          %get3A_756 = tpu.memref_squeeze %get3A_755 : memref<1x32x512xf32, #tpu.memory_space<vmem>> -> memref<32x512xf32, #tpu.memory_space<vmem>>
          %get3A_757 = arith.index_cast %add3A_475 : i32 to index
          %get3A_758 = arith.constant 272 : index
          %get3A_759 = tpu.vector_load %get3A_756[%get3A_757, %get3A_758] {strides = array<i32>} : memref<32x512xf32, #tpu.memory_space<vmem>>, vector<16xf32>,
          %mul3A_760 = arith.mulf %get3A_752, %get3A_759 : vector<16xf32>
          %add3A_761 = arith.addf %add3A_745, %mul3A_760 : vector<16xf32>
          %get3A_762 = arith.constant 0 : i32
          %get3A_763 = arith.constant 0 : i32
          %get3A_764 = tpu.memref_slice %arg9[%scan3A_181, %get3A_762, %get3A_763] : memref<3x32x512xf32, #tpu.memory_space<vmem>> -> memref<1x32x512xf32, #tpu.memory_space<vmem>>
          %get3A_765 = tpu.memref_squeeze %get3A_764 : memref<1x32x512xf32, #tpu.memory_space<vmem>> -> memref<32x512xf32, #tpu.memory_space<vmem>>
          %get3A_766 = arith.index_cast %add3A_475 : i32 to index
          %get3A_767 = arith.constant 288 : index
          %get3A_768 = tpu.vector_load %get3A_765[%get3A_766, %get3A_767] {strides = array<i32>} : memref<32x512xf32, #tpu.memory_space<vmem>>, vector<16xf32>,
          %get3A_769 = arith.constant 0 : i32
          %get3A_770 = arith.constant 0 : i32
          %get3A_771 = tpu.memref_slice %arg10[%scan3A_182, %get3A_769, %get3A_770] : memref<3x32x512xf32, #tpu.memory_space<vmem>> -> memref<1x32x512xf32, #tpu.memory_space<vmem>>
          %get3A_772 = tpu.memref_squeeze %get3A_771 : memref<1x32x512xf32, #tpu.memory_space<vmem>> -> memref<32x512xf32, #tpu.memory_space<vmem>>
          %get3A_773 = arith.index_cast %add3A_475 : i32 to index
          %get3A_774 = arith.constant 288 : index
          %get3A_775 = tpu.vector_load %get3A_772[%get3A_773, %get3A_774] {strides = array<i32>} : memref<32x512xf32, #tpu.memory_space<vmem>>, vector<16xf32>,
          %mul3A_776 = arith.mulf %get3A_768, %get3A_775 : vector<16xf32>
          %add3A_777 = arith.addf %add3A_761, %mul3A_776 : vector<16xf32>
          %get3A_778 = arith.constant 0 : i32
          %get3A_779 = arith.constant 0 : i32
          %get3A_780 = tpu.memref_slice %arg9[%scan3A_181, %get3A_778, %get3A_779] : memref<3x32x512xf32, #tpu.memory_space<vmem>> -> memref<1x32x512xf32, #tpu.memory_space<vmem>>
          %get3A_781 = tpu.memref_squeeze %get3A_780 : memref<1x32x512xf32, #tpu.memory_space<vmem>> -> memref<32x512xf32, #tpu.memory_space<vmem>>
          %get3A_782 = arith.index_cast %add3A_475 : i32 to index
          %get3A_783 = arith.constant 304 : index
          %get3A_784 = tpu.vector_load %get3A_781[%get3A_782, %get3A_783] {strides = array<i32>} : memref<32x512xf32, #tpu.memory_space<vmem>>, vector<16xf32>,
          %get3A_785 = arith.constant 0 : i32
          %get3A_786 = arith.constant 0 : i32
          %get3A_787 = tpu.memref_slice %arg10[%scan3A_182, %get3A_785, %get3A_786] : memref<3x32x512xf32, #tpu.memory_space<vmem>> -> memref<1x32x512xf32, #tpu.memory_space<vmem>>
          %get3A_788 = tpu.memref_squeeze %get3A_787 : memref<1x32x512xf32, #tpu.memory_space<vmem>> -> memref<32x512xf32, #tpu.memory_space<vmem>>
          %get3A_789 = arith.index_cast %add3A_475 : i32 to index
          %get3A_790 = arith.constant 304 : index
          %get3A_791 = tpu.vector_load %get3A_788[%get3A_789, %get3A_790] {strides = array<i32>} : memref<32x512xf32, #tpu.memory_space<vmem>>, vector<16xf32>,
          %mul3A_792 = arith.mulf %get3A_784, %get3A_791 : vector<16xf32>
          %add3A_793 = arith.addf %add3A_777, %mul3A_792 : vector<16xf32>
          %get3A_794 = arith.constant 0 : i32
          %get3A_795 = arith.constant 0 : i32
          %get3A_796 = tpu.memref_slice %arg9[%scan3A_181, %get3A_794, %get3A_795] : memref<3x32x512xf32, #tpu.memory_space<vmem>> -> memref<1x32x512xf32, #tpu.memory_space<vmem>>
          %get3A_797 = tpu.memref_squeeze %get3A_796 : memref<1x32x512xf32, #tpu.memory_space<vmem>> -> memref<32x512xf32, #tpu.memory_space<vmem>>
          %get3A_798 = arith.index_cast %add3A_475 : i32 to index
          %get3A_799 = arith.constant 320 : index
          %get3A_800 = tpu.vector_load %get3A_797[%get3A_798, %get3A_799] {strides = array<i32>} : memref<32x512xf32, #tpu.memory_space<vmem>>, vector<16xf32>,
          %get3A_801 = arith.constant 0 : i32
          %get3A_802 = arith.constant 0 : i32
          %get3A_803 = tpu.memref_slice %arg10[%scan3A_182, %get3A_801, %get3A_802] : memref<3x32x512xf32, #tpu.memory_space<vmem>> -> memref<1x32x512xf32, #tpu.memory_space<vmem>>
          %get3A_804 = tpu.memref_squeeze %get3A_803 : memref<1x32x512xf32, #tpu.memory_space<vmem>> -> memref<32x512xf32, #tpu.memory_space<vmem>>
          %get3A_805 = arith.index_cast %add3A_475 : i32 to index
          %get3A_806 = arith.constant 320 : index
          %get3A_807 = tpu.vector_load %get3A_804[%get3A_805, %get3A_806] {strides = array<i32>} : memref<32x512xf32, #tpu.memory_space<vmem>>, vector<16xf32>,
          %mul3A_808 = arith.mulf %get3A_800, %get3A_807 : vector<16xf32>
          %add3A_809 = arith.addf %add3A_793, %mul3A_808 : vector<16xf32>
          %get3A_810 = arith.constant 0 : i32
          %get3A_811 = arith.constant 0 : i32
          %get3A_812 = tpu.memref_slice %arg9[%scan3A_181, %get3A_810, %get3A_811] : memref<3x32x512xf32, #tpu.memory_space<vmem>> -> memref<1x32x512xf32, #tpu.memory_space<vmem>>
          %get3A_813 = tpu.memref_squeeze %get3A_812 : memref<1x32x512xf32, #tpu.memory_space<vmem>> -> memref<32x512xf32, #tpu.memory_space<vmem>>
          %get3A_814 = arith.index_cast %add3A_475 : i32 to index
          %get3A_815 = arith.constant 336 : index
          %get3A_816 = tpu.vector_load %get3A_813[%get3A_814, %get3A_815] {strides = array<i32>} : memref<32x512xf32, #tpu.memory_space<vmem>>, vector<16xf32>,
          %get3A_817 = arith.constant 0 : i32
          %get3A_818 = arith.constant 0 : i32
          %get3A_819 = tpu.memref_slice %arg10[%scan3A_182, %get3A_817, %get3A_818] : memref<3x32x512xf32, #tpu.memory_space<vmem>> -> memref<1x32x512xf32, #tpu.memory_space<vmem>>
          %get3A_820 = tpu.memref_squeeze %get3A_819 : memref<1x32x512xf32, #tpu.memory_space<vmem>> -> memref<32x512xf32, #tpu.memory_space<vmem>>
          %get3A_821 = arith.index_cast %add3A_475 : i32 to index
          %get3A_822 = arith.constant 336 : index
          %get3A_823 = tpu.vector_load %get3A_820[%get3A_821, %get3A_822] {strides = array<i32>} : memref<32x512xf32, #tpu.memory_space<vmem>>, vector<16xf32>,
          %mul3A_824 = arith.mulf %get3A_816, %get3A_823 : vector<16xf32>
          %add3A_825 = arith.addf %add3A_809, %mul3A_824 : vector<16xf32>
          %get3A_826 = arith.constant 0 : i32
          %get3A_827 = arith.constant 0 : i32
          %get3A_828 = tpu.memref_slice %arg9[%scan3A_181, %get3A_826, %get3A_827] : memref<3x32x512xf32, #tpu.memory_space<vmem>> -> memref<1x32x512xf32, #tpu.memory_space<vmem>>
          %get3A_829 = tpu.memref_squeeze %get3A_828 : memref<1x32x512xf32, #tpu.memory_space<vmem>> -> memref<32x512xf32, #tpu.memory_space<vmem>>
          %get3A_830 = arith.index_cast %add3A_475 : i32 to index
          %get3A_831 = arith.constant 352 : index
          %get3A_832 = tpu.vector_load %get3A_829[%get3A_830, %get3A_831] {strides = array<i32>} : memref<32x512xf32, #tpu.memory_space<vmem>>, vector<16xf32>,
          %get3A_833 = arith.constant 0 : i32
          %get3A_834 = arith.constant 0 : i32
          %get3A_835 = tpu.memref_slice %arg10[%scan3A_182, %get3A_833, %get3A_834] : memref<3x32x512xf32, #tpu.memory_space<vmem>> -> memref<1x32x512xf32, #tpu.memory_space<vmem>>
          %get3A_836 = tpu.memref_squeeze %get3A_835 : memref<1x32x512xf32, #tpu.memory_space<vmem>> -> memref<32x512xf32, #tpu.memory_space<vmem>>
          %get3A_837 = arith.index_cast %add3A_475 : i32 to index
          %get3A_838 = arith.constant 352 : index
          %get3A_839 = tpu.vector_load %get3A_836[%get3A_837, %get3A_838] {strides = array<i32>} : memref<32x512xf32, #tpu.memory_space<vmem>>, vector<16xf32>,
          %mul3A_840 = arith.mulf %get3A_832, %get3A_839 : vector<16xf32>
          %add3A_841 = arith.addf %add3A_825, %mul3A_840 : vector<16xf32>
          %get3A_842 = arith.constant 0 : i32
          %get3A_843 = arith.constant 0 : i32
          %get3A_844 = tpu.memref_slice %arg9[%scan3A_181, %get3A_842, %get3A_843] : memref<3x32x512xf32, #tpu.memory_space<vmem>> -> memref<1x32x512xf32, #tpu.memory_space<vmem>>
          %get3A_845 = tpu.memref_squeeze %get3A_844 : memref<1x32x512xf32, #tpu.memory_space<vmem>> -> memref<32x512xf32, #tpu.memory_space<vmem>>
          %get3A_846 = arith.index_cast %add3A_475 : i32 to index
          %get3A_847 = arith.constant 368 : index
          %get3A_848 = tpu.vector_load %get3A_845[%get3A_846, %get3A_847] {strides = array<i32>} : memref<32x512xf32, #tpu.memory_space<vmem>>, vector<16xf32>,
          %get3A_849 = arith.constant 0 : i32
          %get3A_850 = arith.constant 0 : i32
          %get3A_851 = tpu.memref_slice %arg10[%scan3A_182, %get3A_849, %get3A_850] : memref<3x32x512xf32, #tpu.memory_space<vmem>> -> memref<1x32x512xf32, #tpu.memory_space<vmem>>
          %get3A_852 = tpu.memref_squeeze %get3A_851 : memref<1x32x512xf32, #tpu.memory_space<vmem>> -> memref<32x512xf32, #tpu.memory_space<vmem>>
          %get3A_853 = arith.index_cast %add3A_475 : i32 to index
          %get3A_854 = arith.constant 368 : index
          %get3A_855 = tpu.vector_load %get3A_852[%get3A_853, %get3A_854] {strides = array<i32>} : memref<32x512xf32, #tpu.memory_space<vmem>>, vector<16xf32>,
          %mul3A_856 = arith.mulf %get3A_848, %get3A_855 : vector<16xf32>
          %add3A_857 = arith.addf %add3A_841, %mul3A_856 : vector<16xf32>
          %get3A_858 = arith.constant 0 : i32
          %get3A_859 = arith.constant 0 : i32
          %get3A_860 = tpu.memref_slice %arg9[%scan3A_181, %get3A_858, %get3A_859] : memref<3x32x512xf32, #tpu.memory_space<vmem>> -> memref<1x32x512xf32, #tpu.memory_space<vmem>>
          %get3A_861 = tpu.memref_squeeze %get3A_860 : memref<1x32x512xf32, #tpu.memory_space<vmem>> -> memref<32x512xf32, #tpu.memory_space<vmem>>
          %get3A_862 = arith.index_cast %add3A_475 : i32 to index
          %get3A_863 = arith.constant 384 : index
          %get3A_864 = tpu.vector_load %get3A_861[%get3A_862, %get3A_863] {strides = array<i32>} : memref<32x512xf32, #tpu.memory_space<vmem>>, vector<16xf32>,
          %get3A_865 = arith.constant 0 : i32
          %get3A_866 = arith.constant 0 : i32
          %get3A_867 = tpu.memref_slice %arg10[%scan3A_182, %get3A_865, %get3A_866] : memref<3x32x512xf32, #tpu.memory_space<vmem>> -> memref<1x32x512xf32, #tpu.memory_space<vmem>>
          %get3A_868 = tpu.memref_squeeze %get3A_867 : memref<1x32x512xf32, #tpu.memory_space<vmem>> -> memref<32x512xf32, #tpu.memory_space<vmem>>
          %get3A_869 = arith.index_cast %add3A_475 : i32 to index
          %get3A_870 = arith.constant 384 : index
          %get3A_871 = tpu.vector_load %get3A_868[%get3A_869, %get3A_870] {strides = array<i32>} : memref<32x512xf32, #tpu.memory_space<vmem>>, vector<16xf32>,
          %mul3A_872 = arith.mulf %get3A_864, %get3A_871 : vector<16xf32>
          %add3A_873 = arith.addf %add3A_857, %mul3A_872 : vector<16xf32>
          %get3A_874 = arith.constant 0 : i32
          %get3A_875 = arith.constant 0 : i32
          %get3A_876 = tpu.memref_slice %arg9[%scan3A_181, %get3A_874, %get3A_875] : memref<3x32x512xf32, #tpu.memory_space<vmem>> -> memref<1x32x512xf32, #tpu.memory_space<vmem>>
          %get3A_877 = tpu.memref_squeeze %get3A_876 : memref<1x32x512xf32, #tpu.memory_space<vmem>> -> memref<32x512xf32, #tpu.memory_space<vmem>>
          %get3A_878 = arith.index_cast %add3A_475 : i32 to index
          %get3A_879 = arith.constant 400 : index
          %get3A_880 = tpu.vector_load %get3A_877[%get3A_878, %get3A_879] {strides = array<i32>} : memref<32x512xf32, #tpu.memory_space<vmem>>, vector<16xf32>,
          %get3A_881 = arith.constant 0 : i32
          %get3A_882 = arith.constant 0 : i32
          %get3A_883 = tpu.memref_slice %arg10[%scan3A_182, %get3A_881, %get3A_882] : memref<3x32x512xf32, #tpu.memory_space<vmem>> -> memref<1x32x512xf32, #tpu.memory_space<vmem>>
          %get3A_884 = tpu.memref_squeeze %get3A_883 : memref<1x32x512xf32, #tpu.memory_space<vmem>> -> memref<32x512xf32, #tpu.memory_space<vmem>>
          %get3A_885 = arith.index_cast %add3A_475 : i32 to index
          %get3A_886 = arith.constant 400 : index
          %get3A_887 = tpu.vector_load %get3A_884[%get3A_885, %get3A_886] {strides = array<i32>} : memref<32x512xf32, #tpu.memory_space<vmem>>, vector<16xf32>,
          %mul3A_888 = arith.mulf %get3A_880, %get3A_887 : vector<16xf32>
          %add3A_889 = arith.addf %add3A_873, %mul3A_888 : vector<16xf32>
          %get3A_890 = arith.constant 0 : i32
          %get3A_891 = arith.constant 0 : i32
          %get3A_892 = tpu.memref_slice %arg9[%scan3A_181, %get3A_890, %get3A_891] : memref<3x32x512xf32, #tpu.memory_space<vmem>> -> memref<1x32x512xf32, #tpu.memory_space<vmem>>
          %get3A_893 = tpu.memref_squeeze %get3A_892 : memref<1x32x512xf32, #tpu.memory_space<vmem>> -> memref<32x512xf32, #tpu.memory_space<vmem>>
          %get3A_894 = arith.index_cast %add3A_475 : i32 to index
          %get3A_895 = arith.constant 416 : index
          %get3A_896 = tpu.vector_load %get3A_893[%get3A_894, %get3A_895] {strides = array<i32>} : memref<32x512xf32, #tpu.memory_space<vmem>>, vector<16xf32>,
          %get3A_897 = arith.constant 0 : i32
          %get3A_898 = arith.constant 0 : i32
          %get3A_899 = tpu.memref_slice %arg10[%scan3A_182, %get3A_897, %get3A_898] : memref<3x32x512xf32, #tpu.memory_space<vmem>> -> memref<1x32x512xf32, #tpu.memory_space<vmem>>
          %get3A_900 = tpu.memref_squeeze %get3A_899 : memref<1x32x512xf32, #tpu.memory_space<vmem>> -> memref<32x512xf32, #tpu.memory_space<vmem>>
          %get3A_901 = arith.index_cast %add3A_475 : i32 to index
          %get3A_902 = arith.constant 416 : index
          %get3A_903 = tpu.vector_load %get3A_900[%get3A_901, %get3A_902] {strides = array<i32>} : memref<32x512xf32, #tpu.memory_space<vmem>>, vector<16xf32>,
          %mul3A_904 = arith.mulf %get3A_896, %get3A_903 : vector<16xf32>
          %add3A_905 = arith.addf %add3A_889, %mul3A_904 : vector<16xf32>
          %get3A_906 = arith.constant 0 : i32
          %get3A_907 = arith.constant 0 : i32
          %get3A_908 = tpu.memref_slice %arg9[%scan3A_181, %get3A_906, %get3A_907] : memref<3x32x512xf32, #tpu.memory_space<vmem>> -> memref<1x32x512xf32, #tpu.memory_space<vmem>>
          %get3A_909 = tpu.memref_squeeze %get3A_908 : memref<1x32x512xf32, #tpu.memory_space<vmem>> -> memref<32x512xf32, #tpu.memory_space<vmem>>
          %get3A_910 = arith.index_cast %add3A_475 : i32 to index
          %get3A_911 = arith.constant 432 : index
          %get3A_912 = tpu.vector_load %get3A_909[%get3A_910, %get3A_911] {strides = array<i32>} : memref<32x512xf32, #tpu.memory_space<vmem>>, vector<16xf32>,
          %get3A_913 = arith.constant 0 : i32
          %get3A_914 = arith.constant 0 : i32
          %get3A_915 = tpu.memref_slice %arg10[%scan3A_182, %get3A_913, %get3A_914] : memref<3x32x512xf32, #tpu.memory_space<vmem>> -> memref<1x32x512xf32, #tpu.memory_space<vmem>>
          %get3A_916 = tpu.memref_squeeze %get3A_915 : memref<1x32x512xf32, #tpu.memory_space<vmem>> -> memref<32x512xf32, #tpu.memory_space<vmem>>
          %get3A_917 = arith.index_cast %add3A_475 : i32 to index
          %get3A_918 = arith.constant 432 : index
          %get3A_919 = tpu.vector_load %get3A_916[%get3A_917, %get3A_918] {strides = array<i32>} : memref<32x512xf32, #tpu.memory_space<vmem>>, vector<16xf32>,
          %mul3A_920 = arith.mulf %get3A_912, %get3A_919 : vector<16xf32>
          %add3A_921 = arith.addf %add3A_905, %mul3A_920 : vector<16xf32>
          %get3A_922 = arith.constant 0 : i32
          %get3A_923 = arith.constant 0 : i32
          %get3A_924 = tpu.memref_slice %arg9[%scan3A_181, %get3A_922, %get3A_923] : memref<3x32x512xf32, #tpu.memory_space<vmem>> -> memref<1x32x512xf32, #tpu.memory_space<vmem>>
          %get3A_925 = tpu.memref_squeeze %get3A_924 : memref<1x32x512xf32, #tpu.memory_space<vmem>> -> memref<32x512xf32, #tpu.memory_space<vmem>>
          %get3A_926 = arith.index_cast %add3A_475 : i32 to index
          %get3A_927 = arith.constant 448 : index
          %get3A_928 = tpu.vector_load %get3A_925[%get3A_926, %get3A_927] {strides = array<i32>} : memref<32x512xf32, #tpu.memory_space<vmem>>, vector<16xf32>,
          %get3A_929 = arith.constant 0 : i32
          %get3A_930 = arith.constant 0 : i32
          %get3A_931 = tpu.memref_slice %arg10[%scan3A_182, %get3A_929, %get3A_930] : memref<3x32x512xf32, #tpu.memory_space<vmem>> -> memref<1x32x512xf32, #tpu.memory_space<vmem>>
          %get3A_932 = tpu.memref_squeeze %get3A_931 : memref<1x32x512xf32, #tpu.memory_space<vmem>> -> memref<32x512xf32, #tpu.memory_space<vmem>>
          %get3A_933 = arith.index_cast %add3A_475 : i32 to index
          %get3A_934 = arith.constant 448 : index
          %get3A_935 = tpu.vector_load %get3A_932[%get3A_933, %get3A_934] {strides = array<i32>} : memref<32x512xf32, #tpu.memory_space<vmem>>, vector<16xf32>,
          %mul3A_936 = arith.mulf %get3A_928, %get3A_935 : vector<16xf32>
          %add3A_937 = arith.addf %add3A_921, %mul3A_936 : vector<16xf32>
          %get3A_938 = arith.constant 0 : i32
          %get3A_939 = arith.constant 0 : i32
          %get3A_940 = tpu.memref_slice %arg9[%scan3A_181, %get3A_938, %get3A_939] : memref<3x32x512xf32, #tpu.memory_space<vmem>> -> memref<1x32x512xf32, #tpu.memory_space<vmem>>
          %get3A_941 = tpu.memref_squeeze %get3A_940 : memref<1x32x512xf32, #tpu.memory_space<vmem>> -> memref<32x512xf32, #tpu.memory_space<vmem>>
          %get3A_942 = arith.index_cast %add3A_475 : i32 to index
          %get3A_943 = arith.constant 464 : index
          %get3A_944 = tpu.vector_load %get3A_941[%get3A_942, %get3A_943] {strides = array<i32>} : memref<32x512xf32, #tpu.memory_space<vmem>>, vector<16xf32>,
          %get3A_945 = arith.constant 0 : i32
          %get3A_946 = arith.constant 0 : i32
          %get3A_947 = tpu.memref_slice %arg10[%scan3A_182, %get3A_945, %get3A_946] : memref<3x32x512xf32, #tpu.memory_space<vmem>> -> memref<1x32x512xf32, #tpu.memory_space<vmem>>
          %get3A_948 = tpu.memref_squeeze %get3A_947 : memref<1x32x512xf32, #tpu.memory_space<vmem>> -> memref<32x512xf32, #tpu.memory_space<vmem>>
          %get3A_949 = arith.index_cast %add3A_475 : i32 to index
          %get3A_950 = arith.constant 464 : index
          %get3A_951 = tpu.vector_load %get3A_948[%get3A_949, %get3A_950] {strides = array<i32>} : memref<32x512xf32, #tpu.memory_space<vmem>>, vector<16xf32>,
          %mul3A_952 = arith.mulf %get3A_944, %get3A_951 : vector<16xf32>
          %add3A_953 = arith.addf %add3A_937, %mul3A_952 : vector<16xf32>
          %get3A_954 = arith.constant 0 : i32
          %get3A_955 = arith.constant 0 : i32
          %get3A_956 = tpu.memref_slice %arg9[%scan3A_181, %get3A_954, %get3A_955] : memref<3x32x512xf32, #tpu.memory_space<vmem>> -> memref<1x32x512xf32, #tpu.memory_space<vmem>>
          %get3A_957 = tpu.memref_squeeze %get3A_956 : memref<1x32x512xf32, #tpu.memory_space<vmem>> -> memref<32x512xf32, #tpu.memory_space<vmem>>
          %get3A_958 = arith.index_cast %add3A_475 : i32 to index
          %get3A_959 = arith.constant 480 : index
          %get3A_960 = tpu.vector_load %get3A_957[%get3A_958, %get3A_959] {strides = array<i32>} : memref<32x512xf32, #tpu.memory_space<vmem>>, vector<16xf32>,
          %get3A_961 = arith.constant 0 : i32
          %get3A_962 = arith.constant 0 : i32
          %get3A_963 = tpu.memref_slice %arg10[%scan3A_182, %get3A_961, %get3A_962] : memref<3x32x512xf32, #tpu.memory_space<vmem>> -> memref<1x32x512xf32, #tpu.memory_space<vmem>>
          %get3A_964 = tpu.memref_squeeze %get3A_963 : memref<1x32x512xf32, #tpu.memory_space<vmem>> -> memref<32x512xf32, #tpu.memory_space<vmem>>
          %get3A_965 = arith.index_cast %add3A_475 : i32 to index
          %get3A_966 = arith.constant 480 : index
          %get3A_967 = tpu.vector_load %get3A_964[%get3A_965, %get3A_966] {strides = array<i32>} : memref<32x512xf32, #tpu.memory_space<vmem>>, vector<16xf32>,
          %mul3A_968 = arith.mulf %get3A_960, %get3A_967 : vector<16xf32>
          %add3A_969 = arith.addf %add3A_953, %mul3A_968 : vector<16xf32>
          %get3A_970 = arith.constant 0 : i32
          %get3A_971 = arith.constant 0 : i32
          %get3A_972 = tpu.memref_slice %arg9[%scan3A_181, %get3A_970, %get3A_971] : memref<3x32x512xf32, #tpu.memory_space<vmem>> -> memref<1x32x512xf32, #tpu.memory_space<vmem>>
          %get3A_973 = tpu.memref_squeeze %get3A_972 : memref<1x32x512xf32, #tpu.memory_space<vmem>> -> memref<32x512xf32, #tpu.memory_space<vmem>>
          %get3A_974 = arith.index_cast %add3A_475 : i32 to index
          %get3A_975 = arith.constant 496 : index
          %get3A_976 = tpu.vector_load %get3A_973[%get3A_974, %get3A_975] {strides = array<i32>} : memref<32x512xf32, #tpu.memory_space<vmem>>, vector<16xf32>,
          %get3A_977 = arith.constant 0 : i32
          %get3A_978 = arith.constant 0 : i32
          %get3A_979 = tpu.memref_slice %arg10[%scan3A_182, %get3A_977, %get3A_978] : memref<3x32x512xf32, #tpu.memory_space<vmem>> -> memref<1x32x512xf32, #tpu.memory_space<vmem>>
          %get3A_980 = tpu.memref_squeeze %get3A_979 : memref<1x32x512xf32, #tpu.memory_space<vmem>> -> memref<32x512xf32, #tpu.memory_space<vmem>>
          %get3A_981 = arith.index_cast %add3A_475 : i32 to index
          %get3A_982 = arith.constant 496 : index
          %get3A_983 = tpu.vector_load %get3A_980[%get3A_981, %get3A_982] {strides = array<i32>} : memref<32x512xf32, #tpu.memory_space<vmem>>, vector<16xf32>,
          %mul3A_984 = arith.mulf %get3A_976, %get3A_983 : vector<16xf32>
          %add3A_985 = arith.addf %add3A_969, %mul3A_984 : vector<16xf32>
          %mul3A_986 = arith.constant 16 : i32
          %mul3A_987 = arith.muli %scan3A_472, %mul3A_986 : i32
          %swap3A_988 = arith.index_cast %mul3A_987 : i32 to index
          %swap3A_989 = tpu.vector_load %arg11[%swap3A_988] {strides = array<i32>} : memref<256xf32, #tpu.memory_space<vmem>>, vector<16xf32>,
          tpu.vector_store %arg11[%swap3A_988], %add3A_985 {strides = array<i32>} : memref<256xf32, #tpu.memory_space<vmem>>, vector<16xf32>,
        }
        %scan3A_380 = arith.constant 16 : i32
        %iota3A = tpu.iota {dimensions = array<i32: 0>} : vector<16xi32>
        %mul3A_381 = arith.constant 16 : i32
        %mul3A_382 = vector.broadcast %mul3A_381 : i32 to vector<16xi32>
        %mul3A_383 = arith.muli %iota3A, %mul3A_382 : vector<16xi32>
        %gather3A = tpu.vector_load_idx %arg11[%mul3A_383] : memref<256xf32, #tpu.memory_space<vmem>>[vector<16xi32>], vector<16xf32>,
        %add3A_384 = arith.constant 1 : i32
        %add3A_385 = vector.broadcast %add3A_384 : i32 to vector<16xi32>
        %add3A_386 = arith.addi %mul3A_383, %add3A_385 : vector<16xi32>
        %gather3A_387 = tpu.vector_load_idx %arg11[%add3A_386] : memref<256xf32, #tpu.memory_space<vmem>>[vector<16xi32>], vector<16xf32>,
        %add3A_388 = arith.addf %gather3A, %gather3A_387 : vector<16xf32>
        %add3A_389 = arith.constant 2 : i32
        %add3A_390 = vector.broadcast %add3A_389 : i32 to vector<16xi32>
        %add3A_391 = arith.addi %mul3A_383, %add3A_390 : vector<16xi32>
        %gather3A_392 = tpu.vector_load_idx %arg11[%add3A_391] : memref<256xf32, #tpu.memory_space<vmem>>[vector<16xi32>], vector<16xf32>,
        %add3A_393 = arith.addf %add3A_388, %gather3A_392 : vector<16xf32>
        %add3A_394 = arith.constant 3 : i32
        %add3A_395 = vector.broadcast %add3A_394 : i32 to vector<16xi32>
        %add3A_396 = arith.addi %mul3A_383, %add3A_395 : vector<16xi32>
        %gather3A_397 = tpu.vector_load_idx %arg11[%add3A_396] : memref<256xf32, #tpu.memory_space<vmem>>[vector<16xi32>], vector<16xf32>,
        %add3A_398 = arith.addf %add3A_393, %gather3A_397 : vector<16xf32>
        %add3A_399 = arith.constant 4 : i32
        %add3A_400 = vector.broadcast %add3A_399 : i32 to vector<16xi32>
        %add3A_401 = arith.addi %mul3A_383, %add3A_400 : vector<16xi32>
        %gather3A_402 = tpu.vector_load_idx %arg11[%add3A_401] : memref<256xf32, #tpu.memory_space<vmem>>[vector<16xi32>], vector<16xf32>,
        %add3A_403 = arith.addf %add3A_398, %gather3A_402 : vector<16xf32>
        %add3A_404 = arith.constant 5 : i32
        %add3A_405 = vector.broadcast %add3A_404 : i32 to vector<16xi32>
        %add3A_406 = arith.addi %mul3A_383, %add3A_405 : vector<16xi32>
        %gather3A_407 = tpu.vector_load_idx %arg11[%add3A_406] : memref<256xf32, #tpu.memory_space<vmem>>[vector<16xi32>], vector<16xf32>,
        %add3A_408 = arith.addf %add3A_403, %gather3A_407 : vector<16xf32>
        %add3A_409 = arith.constant 6 : i32
        %add3A_410 = vector.broadcast %add3A_409 : i32 to vector<16xi32>
        %add3A_411 = arith.addi %mul3A_383, %add3A_410 : vector<16xi32>
        %gather3A_412 = tpu.vector_load_idx %arg11[%add3A_411] : memref<256xf32, #tpu.memory_space<vmem>>[vector<16xi32>], vector<16xf32>,
        %add3A_413 = arith.addf %add3A_408, %gather3A_412 : vector<16xf32>
        %add3A_414 = arith.constant 7 : i32
        %add3A_415 = vector.broadcast %add3A_414 : i32 to vector<16xi32>
        %add3A_416 = arith.addi %mul3A_383, %add3A_415 : vector<16xi32>
        %gather3A_417 = tpu.vector_load_idx %arg11[%add3A_416] : memref<256xf32, #tpu.memory_space<vmem>>[vector<16xi32>], vector<16xf32>,
        %add3A_418 = arith.addf %add3A_413, %gather3A_417 : vector<16xf32>
        %add3A_419 = arith.constant 8 : i32
        %add3A_420 = vector.broadcast %add3A_419 : i32 to vector<16xi32>
        %add3A_421 = arith.addi %mul3A_383, %add3A_420 : vector<16xi32>
        %gather3A_422 = tpu.vector_load_idx %arg11[%add3A_421] : memref<256xf32, #tpu.memory_space<vmem>>[vector<16xi32>], vector<16xf32>,
        %add3A_423 = arith.addf %add3A_418, %gather3A_422 : vector<16xf32>
        %add3A_424 = arith.constant 9 : i32
        %add3A_425 = vector.broadcast %add3A_424 : i32 to vector<16xi32>
        %add3A_426 = arith.addi %mul3A_383, %add3A_425 : vector<16xi32>
        %gather3A_427 = tpu.vector_load_idx %arg11[%add3A_426] : memref<256xf32, #tpu.memory_space<vmem>>[vector<16xi32>], vector<16xf32>,
        %add3A_428 = arith.addf %add3A_423, %gather3A_427 : vector<16xf32>
        %add3A_429 = arith.constant 10 : i32
        %add3A_430 = vector.broadcast %add3A_429 : i32 to vector<16xi32>
        %add3A_431 = arith.addi %mul3A_383, %add3A_430 : vector<16xi32>
        %gather3A_432 = tpu.vector_load_idx %arg11[%add3A_431] : memref<256xf32, #tpu.memory_space<vmem>>[vector<16xi32>], vector<16xf32>,
        %add3A_433 = arith.addf %add3A_428, %gather3A_432 : vector<16xf32>
        %add3A_434 = arith.constant 11 : i32
        %add3A_435 = vector.broadcast %add3A_434 : i32 to vector<16xi32>
        %add3A_436 = arith.addi %mul3A_383, %add3A_435 : vector<16xi32>
        %gather3A_437 = tpu.vector_load_idx %arg11[%add3A_436] : memref<256xf32, #tpu.memory_space<vmem>>[vector<16xi32>], vector<16xf32>,
        %add3A_438 = arith.addf %add3A_433, %gather3A_437 : vector<16xf32>
        %add3A_439 = arith.constant 12 : i32
        %add3A_440 = vector.broadcast %add3A_439 : i32 to vector<16xi32>
        %add3A_441 = arith.addi %mul3A_383, %add3A_440 : vector<16xi32>
        %gather3A_442 = tpu.vector_load_idx %arg11[%add3A_441] : memref<256xf32, #tpu.memory_space<vmem>>[vector<16xi32>], vector<16xf32>,
        %add3A_443 = arith.addf %add3A_438, %gather3A_442 : vector<16xf32>
        %add3A_444 = arith.constant 13 : i32
        %add3A_445 = vector.broadcast %add3A_444 : i32 to vector<16xi32>
        %add3A_446 = arith.addi %mul3A_383, %add3A_445 : vector<16xi32>
        %gather3A_447 = tpu.vector_load_idx %arg11[%add3A_446] : memref<256xf32, #tpu.memory_space<vmem>>[vector<16xi32>], vector<16xf32>,
        %add3A_448 = arith.addf %add3A_443, %gather3A_447 : vector<16xf32>
        %add3A_449 = arith.constant 14 : i32
        %add3A_450 = vector.broadcast %add3A_449 : i32 to vector<16xi32>
        %add3A_451 = arith.addi %mul3A_383, %add3A_450 : vector<16xi32>
        %gather3A_452 = tpu.vector_load_idx %arg11[%add3A_451] : memref<256xf32, #tpu.memory_space<vmem>>[vector<16xi32>], vector<16xf32>,
        %add3A_453 = arith.addf %add3A_448, %gather3A_452 : vector<16xf32>
        %add3A_454 = arith.constant 15 : i32
        %add3A_455 = vector.broadcast %add3A_454 : i32 to vector<16xi32>
        %add3A_456 = arith.addi %mul3A_383, %add3A_455 : vector<16xi32>
        %gather3A_457 = tpu.vector_load_idx %arg11[%add3A_456] : memref<256xf32, #tpu.memory_space<vmem>>[vector<16xi32>], vector<16xf32>,
        %add3A_458 = arith.addf %add3A_453, %gather3A_457 : vector<16xf32>
        %neg3A = arith.constant 0.000000e+00 : f32
        %neg3A_459 = vector.broadcast %neg3A : f32 to vector<16xf32>
        %neg3A_460 = arith.subf %neg3A_459, %add3A_458 : vector<16xf32>
        %exp3A = math.exp %neg3A_460 : vector<16xf32>
        %add3A_461 = arith.constant 1.000000e+00 : f32
        %add3A_462 = vector.broadcast %add3A_461 : f32 to vector<16xf32>
        %add3A_463 = arith.addf %add3A_462, %exp3A : vector<16xf32>
        %div3A = arith.constant 1.000000e+00 : f32
        %div3A_464 = vector.broadcast %div3A : f32 to vector<16xf32>
        %div3A_465 = arith.divf %div3A_464, %add3A_463 : vector<16xf32>
        %mul3A_466 = arith.constant 16 : i32
        %mul3A_467 = arith.muli %scan3A_374, %mul3A_466 : i32
        %swap3A = arith.constant 0 : i32
        %swap3A_468 = tpu.memref_slice %arg12[%scan3A_183, %swap3A] : memref<3x32xf32, #tpu.memory_space<vmem>> -> memref<1x32xf32, #tpu.memory_space<vmem>>
        %swap3A_469 = tpu.memref_squeeze %swap3A_468 : memref<1x32xf32, #tpu.memory_space<vmem>> -> memref<32xf32, #tpu.memory_space<vmem>>
        %swap3A_470 = arith.index_cast %mul3A_467 : i32 to index
        %swap3A_471 = tpu.vector_load %swap3A_469[%swap3A_470] {strides = array<i32>} : memref<32xf32, #tpu.memory_space<vmem>>, vector<16xf32>,
        tpu.vector_store %swap3A_469[%swap3A_470], %div3A_465 {strides = array<i32>} : memref<32xf32, #tpu.memory_space<vmem>>, vector<16xf32>,
      }
      %scan3A_188 = arith.constant 2 : i32
      %mul3A_189 = arith.constant 32 : i32
      %mul3A_190 = arith.muli %add3A_177, %mul3A_189 : i32
      %add3A_191 = arith.addi %mul3A_2, %mul3A_190 : i32
      %dma_start3A_192 = arith.constant 0 : i32
      %dma_start3A_193 = arith.constant 0 : i32
      %dma_start3A_194 = tpu.memref_slice %arg12[%dma_start3A_192, %dma_start3A_193] : memref<3x32xf32, #tpu.memory_space<vmem>> -> memref<1x32xf32, #tpu.memory_space<vmem>>
      %dma_start3A_195 = tpu.memref_squeeze %dma_start3A_194 : memref<1x32xf32, #tpu.memory_space<vmem>> -> memref<32xf32, #tpu.memory_space<vmem>>
      %dma_start3A_196 = tpu.memref_slice %arg6[%add3A_191] : memref<150528xf32, #tpu.memory_space<hbm>> -> memref<32xf32, #tpu.memory_space<hbm>>
      %dma_start3A_197 = tpu.memref_slice %arg6[%add3A_191] : memref<150528xf32, #tpu.memory_space<hbm>> -> memref<32xf32, #tpu.memory_space<hbm>>
      %dma_start3A_198 = arith.constant 0 : i32
      %dma_start3A_199 = tpu.memref_slice %arg12[%dma_start3A_192, %dma_start3A_198] : memref<3x32xf32, #tpu.memory_space<vmem>> -> memref<1x32xf32, #tpu.memory_space<vmem>>
      %dma_start3A_200 = tpu.memref_squeeze %dma_start3A_199 : memref<1x32xf32, #tpu.memory_space<vmem>> -> memref<32xf32, #tpu.memory_space<vmem>>
      tpu.enqueue_dma source(%dma_start3A_200 : memref<32xf32, #tpu.memory_space<vmem>>) target(%dma_start3A_197 : memref<32xf32, #tpu.memory_space<hbm>>) target_semaphore(%arg16 : memref<!tpu.dma_semaphore, #tpu.memory_space<semaphore_mem>>)
      %add3A_201 = arith.constant 0 : i32
      %add3A_202 = arith.addi %mul3A_155, %add3A_201 : i32
      %add3A_203 = arith.constant 3 : i32
      %add3A_204 = arith.addi %add3A_202, %add3A_203 : i32
      %min3A = arith.constant 146 : i32
      %min3A_205 = arith.minsi %add3A_204, %min3A : i32
      %mul3A_206 = arith.constant 32 : i32
      %mul3A_207 = arith.muli %min3A_205, %mul3A_206 : i32
      %dma_start3A_208 = arith.constant 0 : i32
      %dma_start3A_209 = arith.constant 0 : i32
      %dma_start3A_210 = arith.constant 0 : i32
      %dma_start3A_211 = tpu.memref_slice %arg9[%dma_start3A_208, %dma_start3A_209, %dma_start3A_210] : memref<3x32x512xf32, #tpu.memory_space<vmem>> -> memref<1x32x512xf32, #tpu.memory_space<vmem>>
      %dma_start3A_212 = tpu.memref_squeeze %dma_start3A_211 : memref<1x32x512xf32, #tpu.memory_space<vmem>> -> memref<32x512xf32, #tpu.memory_space<vmem>>
      %dma_start3A_213 = tpu.memref_slice %arg7[%mul3A_207] : memref<4704xi32, #tpu.memory_space<vmem>> -> memref<32xi32, #tpu.memory_space<vmem>>
      %dma_start3A_214 = arith.constant 0 : i32
      %dma_start3A_215 = arith.constant 0 : i32
      %dma_start3A_216 = tpu.memref_slice %arg2[%dma_start3A_214, %dma_start3A_215] : memref<10000x512xf32, #tpu.memory_space<hbm>> -> memref<10000x512xf32, #tpu.memory_space<hbm>>
      tpu.enqueue_indirect_dma source(%dma_start3A_216 : memref<10000x512xf32, #tpu.memory_space<hbm>>) target(%dma_start3A_212 : memref<32x512xf32, #tpu.memory_space<vmem>>) offsets(%dma_start3A_213 : memref<32xi32, #tpu.memory_space<vmem>>) semaphore(%arg13 : memref<!tpu.dma_semaphore, #tpu.memory_space<semaphore_mem>>)
      %dma_start3A_217 = arith.constant 0 : i32
      %dma_start3A_218 = arith.constant 0 : i32
      %dma_start3A_219 = arith.constant 0 : i32
      %dma_start3A_220 = tpu.memref_slice %arg10[%dma_start3A_217, %dma_start3A_218, %dma_start3A_219] : memref<3x32x512xf32, #tpu.memory_space<vmem>> -> memref<1x32x512xf32, #tpu.memory_space<vmem>>
      %dma_start3A_221 = tpu.memref_squeeze %dma_start3A_220 : memref<1x32x512xf32, #tpu.memory_space<vmem>> -> memref<32x512xf32, #tpu.memory_space<vmem>>
      %dma_start3A_222 = tpu.memref_slice %arg8[%mul3A_207] : memref<4704xi32, #tpu.memory_space<vmem>> -> memref<32xi32, #tpu.memory_space<vmem>>
      %dma_start3A_223 = arith.constant 0 : i32
      %dma_start3A_224 = arith.constant 0 : i32
      %dma_start3A_225 = tpu.memref_slice %arg3[%dma_start3A_223, %dma_start3A_224] : memref<50000x512xf32, #tpu.memory_space<hbm>> -> memref<50000x512xf32, #tpu.memory_space<hbm>>
      tpu.enqueue_indirect_dma source(%dma_start3A_225 : memref<50000x512xf32, #tpu.memory_space<hbm>>) target(%dma_start3A_221 : memref<32x512xf32, #tpu.memory_space<vmem>>) offsets(%dma_start3A_222 : memref<32xi32, #tpu.memory_space<vmem>>) semaphore(%arg13 : memref<!tpu.dma_semaphore, #tpu.memory_space<semaphore_mem>>)
      %dma_wait3A_226 = arith.constant 1 : i32
      %dma_wait3A_227 = arith.constant 0 : i32
      %dma_wait3A_228 = arith.constant 0 : i32
      %dma_wait3A_229 = tpu.memref_slice %arg9[%dma_wait3A_226, %dma_wait3A_227, %dma_wait3A_228] : memref<3x32x512xf32, #tpu.memory_space<vmem>> -> memref<1x32x512xf32, #tpu.memory_space<vmem>>
      %dma_wait3A_230 = tpu.memref_squeeze %dma_wait3A_229 : memref<1x32x512xf32, #tpu.memory_space<vmem>> -> memref<32x512xf32, #tpu.memory_space<vmem>>
      %dma_wait3A_231 = arith.constant 0 : i32
      %dma_wait3A_232 = tpu.memref_slice %arg7[%dma_wait3A_231] : memref<4704xi32, #tpu.memory_space<vmem>> -> memref<32xi32, #tpu.memory_space<vmem>>
      %dma_wait3A_233 = arith.constant 0 : i32
      %dma_wait3A_234 = arith.constant 0 : i32
      %dma_wait3A_235 = tpu.memref_slice %arg2[%dma_wait3A_233, %dma_wait3A_234] : memref<10000x512xf32, #tpu.memory_space<hbm>> -> memref<10000x512xf32, #tpu.memory_space<hbm>>
      tpu.wait_indirect_dma semaphore(%arg14 : memref<!tpu.dma_semaphore, #tpu.memory_space<semaphore_mem>>) src(%dma_wait3A_235 : memref<10000x512xf32, #tpu.memory_space<hbm>>) dst(%dma_wait3A_230 : memref<32x512xf32, #tpu.memory_space<vmem>>)
      %dma_wait3A_236 = arith.constant 1 : i32
      %dma_wait3A_237 = arith.constant 0 : i32
      %dma_wait3A_238 = arith.constant 0 : i32
      %dma_wait3A_239 = tpu.memref_slice %arg10[%dma_wait3A_236, %dma_wait3A_237, %dma_wait3A_238] : memref<3x32x512xf32, #tpu.memory_space<vmem>> -> memref<1x32x512xf32, #tpu.memory_space<vmem>>
      %dma_wait3A_240 = tpu.memref_squeeze %dma_wait3A_239 : memref<1x32x512xf32, #tpu.memory_space<vmem>> -> memref<32x512xf32, #tpu.memory_space<vmem>>
      %dma_wait3A_241 = arith.constant 0 : i32
      %dma_wait3A_242 = tpu.memref_slice %arg8[%dma_wait3A_241] : memref<4704xi32, #tpu.memory_space<vmem>> -> memref<32xi32, #tpu.memory_space<vmem>>
      %dma_wait3A_243 = arith.constant 0 : i32
      %dma_wait3A_244 = arith.constant 0 : i32
      %dma_wait3A_245 = tpu.memref_slice %arg3[%dma_wait3A_243, %dma_wait3A_244] : memref<50000x512xf32, #tpu.memory_space<hbm>> -> memref<50000x512xf32, #tpu.memory_space<hbm>>
      tpu.wait_indirect_dma semaphore(%arg14 : memref<!tpu.dma_semaphore, #tpu.memory_space<semaphore_mem>>) src(%dma_wait3A_245 : memref<50000x512xf32, #tpu.memory_space<hbm>>) dst(%dma_wait3A_240 : memref<32x512xf32, #tpu.memory_space<vmem>>)
      %add3A_246 = arith.constant 1 : i32
      %add3A_247 = arith.addi %mul3A_155, %add3A_246 : i32
      %gt3A_248 = arith.constant 0 : i32
      %gt3A_249 = arith.cmpi sgt, %scan3A_153, %gt3A_248 : i32
      %convert_element_type3A_250 = arith.extui %gt3A_249 : i1 to i32
      %cond3A_251 = arith.constant 0 : i32
      %cond3A_252 = arith.cmpi ne, %convert_element_type3A_250, %cond3A_251 : i32
      scf.if %cond3A_252 {
        %dma_wait3A_374 = arith.constant 1 : i32
        %dma_wait3A_375 = arith.constant 0 : i32
        %dma_wait3A_376 = tpu.memref_slice %arg12[%dma_wait3A_374, %dma_wait3A_375] : memref<3x32xf32, #tpu.memory_space<vmem>> -> memref<1x32xf32, #tpu.memory_space<vmem>>
        %dma_wait3A_377 = tpu.memref_squeeze %dma_wait3A_376 : memref<1x32xf32, #tpu.memory_space<vmem>> -> memref<32xf32, #tpu.memory_space<vmem>>
        %dma_wait3A_378 = tpu.memref_slice %arg6[%mul3A_2] : memref<150528xf32, #tpu.memory_space<hbm>> -> memref<32xf32, #tpu.memory_space<hbm>>
        %dma_wait3A_379 = tpu.memref_slice %arg6[%mul3A_2] : memref<150528xf32, #tpu.memory_space<hbm>> -> memref<32xf32, #tpu.memory_space<hbm>>
        %dma_wait3A_380 = arith.constant 0 : i32
        %dma_wait3A_381 = tpu.memref_slice %arg12[%dma_wait3A_374, %dma_wait3A_380] : memref<3x32xf32, #tpu.memory_space<vmem>> -> memref<1x32xf32, #tpu.memory_space<vmem>>
        %dma_wait3A_382 = tpu.memref_squeeze %dma_wait3A_381 : memref<1x32xf32, #tpu.memory_space<vmem>> -> memref<32xf32, #tpu.memory_space<vmem>>
        tpu.wait_dma2 semaphore(%arg17 : memref<!tpu.dma_semaphore, #tpu.memory_space<semaphore_mem>>) src(%dma_wait3A_382 : memref<32xf32, #tpu.memory_space<vmem>>) dst(%dma_wait3A_379 : memref<32xf32, #tpu.memory_space<hbm>>)
      } else {
      }
      %scan3A_253 = arith.constant 0 : i32
      %scan3A_254 = arith.constant 1 : i32
      %scan3A_255 = arith.constant 1 : i32
      %scan3A_256 = arith.constant 1 : i32
      %scan3A_257 = arith.constant 0 : i32
      %scan3A_258 = arith.constant 2 : i32
      %scan3A_259 = arith.addi %scan3A_257, %scan3A_258 : i32
      %scan3A_260 = arith.constant 1 : i32
      scf.for %scan3A_374 = %scan3A_257 to %scan3A_259 step %scan3A_260  : i32 {
        %scan3A_375 = arith.constant 0 : i32
        %scan3A_376 = arith.constant 0 : i32
        %scan3A_377 = arith.constant 16 : i32
        %scan3A_378 = arith.addi %scan3A_376, %scan3A_377 : i32
        %scan3A_379 = arith.constant 1 : i32
        scf.for %scan3A_472 = %scan3A_376 to %scan3A_378 step %scan3A_379  : i32 {
          %mul3A_473 = arith.constant 16 : i32
          %mul3A_474 = arith.muli %scan3A_374, %mul3A_473 : i32
          %add3A_475 = arith.addi %mul3A_474, %scan3A_472 : i32
          %get3A = arith.constant 0 : i32
          %get3A_476 = arith.constant 0 : i32
          %get3A_477 = tpu.memref_slice %arg9[%scan3A_254, %get3A, %get3A_476] : memref<3x32x512xf32, #tpu.memory_space<vmem>> -> memref<1x32x512xf32, #tpu.memory_space<vmem>>
          %get3A_478 = tpu.memref_squeeze %get3A_477 : memref<1x32x512xf32, #tpu.memory_space<vmem>> -> memref<32x512xf32, #tpu.memory_space<vmem>>
          %get3A_479 = arith.index_cast %add3A_475 : i32 to index
          %get3A_480 = arith.constant 0 : index
          %get3A_481 = tpu.vector_load %get3A_478[%get3A_479, %get3A_480] {strides = array<i32>} : memref<32x512xf32, #tpu.memory_space<vmem>>, vector<16xf32>,
          %get3A_482 = arith.constant 0 : i32
          %get3A_483 = arith.constant 0 : i32
          %get3A_484 = tpu.memref_slice %arg10[%scan3A_255, %get3A_482, %get3A_483] : memref<3x32x512xf32, #tpu.memory_space<vmem>> -> memref<1x32x512xf32, #tpu.memory_space<vmem>>
          %get3A_485 = tpu.memref_squeeze %get3A_484 : memref<1x32x512xf32, #tpu.memory_space<vmem>> -> memref<32x512xf32, #tpu.memory_space<vmem>>
          %get3A_486 = arith.index_cast %add3A_475 : i32 to index
          %get3A_487 = arith.constant 0 : index
          %get3A_488 = tpu.vector_load %get3A_485[%get3A_486, %get3A_487] {strides = array<i32>} : memref<32x512xf32, #tpu.memory_space<vmem>>, vector<16xf32>,
          %mul3A_489 = arith.mulf %get3A_481, %get3A_488 : vector<16xf32>
          %get3A_490 = arith.constant 0 : i32
          %get3A_491 = arith.constant 0 : i32
          %get3A_492 = tpu.memref_slice %arg9[%scan3A_254, %get3A_490, %get3A_491] : memref<3x32x512xf32, #tpu.memory_space<vmem>> -> memref<1x32x512xf32, #tpu.memory_space<vmem>>
          %get3A_493 = tpu.memref_squeeze %get3A_492 : memref<1x32x512xf32, #tpu.memory_space<vmem>> -> memref<32x512xf32, #tpu.memory_space<vmem>>
          %get3A_494 = arith.index_cast %add3A_475 : i32 to index
          %get3A_495 = arith.constant 16 : index
          %get3A_496 = tpu.vector_load %get3A_493[%get3A_494, %get3A_495] {strides = array<i32>} : memref<32x512xf32, #tpu.memory_space<vmem>>, vector<16xf32>,
          %get3A_497 = arith.constant 0 : i32
          %get3A_498 = arith.constant 0 : i32
          %get3A_499 = tpu.memref_slice %arg10[%scan3A_255, %get3A_497, %get3A_498] : memref<3x32x512xf32, #tpu.memory_space<vmem>> -> memref<1x32x512xf32, #tpu.memory_space<vmem>>
          %get3A_500 = tpu.memref_squeeze %get3A_499 : memref<1x32x512xf32, #tpu.memory_space<vmem>> -> memref<32x512xf32, #tpu.memory_space<vmem>>
          %get3A_501 = arith.index_cast %add3A_475 : i32 to index
          %get3A_502 = arith.constant 16 : index
          %get3A_503 = tpu.vector_load %get3A_500[%get3A_501, %get3A_502] {strides = array<i32>} : memref<32x512xf32, #tpu.memory_space<vmem>>, vector<16xf32>,
          %mul3A_504 = arith.mulf %get3A_496, %get3A_503 : vector<16xf32>
          %add3A_505 = arith.addf %mul3A_489, %mul3A_504 : vector<16xf32>
          %get3A_506 = arith.constant 0 : i32
          %get3A_507 = arith.constant 0 : i32
          %get3A_508 = tpu.memref_slice %arg9[%scan3A_254, %get3A_506, %get3A_507] : memref<3x32x512xf32, #tpu.memory_space<vmem>> -> memref<1x32x512xf32, #tpu.memory_space<vmem>>
          %get3A_509 = tpu.memref_squeeze %get3A_508 : memref<1x32x512xf32, #tpu.memory_space<vmem>> -> memref<32x512xf32, #tpu.memory_space<vmem>>
          %get3A_510 = arith.index_cast %add3A_475 : i32 to index
          %get3A_511 = arith.constant 32 : index
          %get3A_512 = tpu.vector_load %get3A_509[%get3A_510, %get3A_511] {strides = array<i32>} : memref<32x512xf32, #tpu.memory_space<vmem>>, vector<16xf32>,
          %get3A_513 = arith.constant 0 : i32
          %get3A_514 = arith.constant 0 : i32
          %get3A_515 = tpu.memref_slice %arg10[%scan3A_255, %get3A_513, %get3A_514] : memref<3x32x512xf32, #tpu.memory_space<vmem>> -> memref<1x32x512xf32, #tpu.memory_space<vmem>>
          %get3A_516 = tpu.memref_squeeze %get3A_515 : memref<1x32x512xf32, #tpu.memory_space<vmem>> -> memref<32x512xf32, #tpu.memory_space<vmem>>
          %get3A_517 = arith.index_cast %add3A_475 : i32 to index
          %get3A_518 = arith.constant 32 : index
          %get3A_519 = tpu.vector_load %get3A_516[%get3A_517, %get3A_518] {strides = array<i32>} : memref<32x512xf32, #tpu.memory_space<vmem>>, vector<16xf32>,
          %mul3A_520 = arith.mulf %get3A_512, %get3A_519 : vector<16xf32>
          %add3A_521 = arith.addf %add3A_505, %mul3A_520 : vector<16xf32>
          %get3A_522 = arith.constant 0 : i32
          %get3A_523 = arith.constant 0 : i32
          %get3A_524 = tpu.memref_slice %arg9[%scan3A_254, %get3A_522, %get3A_523] : memref<3x32x512xf32, #tpu.memory_space<vmem>> -> memref<1x32x512xf32, #tpu.memory_space<vmem>>
          %get3A_525 = tpu.memref_squeeze %get3A_524 : memref<1x32x512xf32, #tpu.memory_space<vmem>> -> memref<32x512xf32, #tpu.memory_space<vmem>>
          %get3A_526 = arith.index_cast %add3A_475 : i32 to index
          %get3A_527 = arith.constant 48 : index
          %get3A_528 = tpu.vector_load %get3A_525[%get3A_526, %get3A_527] {strides = array<i32>} : memref<32x512xf32, #tpu.memory_space<vmem>>, vector<16xf32>,
          %get3A_529 = arith.constant 0 : i32
          %get3A_530 = arith.constant 0 : i32
          %get3A_531 = tpu.memref_slice %arg10[%scan3A_255, %get3A_529, %get3A_530] : memref<3x32x512xf32, #tpu.memory_space<vmem>> -> memref<1x32x512xf32, #tpu.memory_space<vmem>>
          %get3A_532 = tpu.memref_squeeze %get3A_531 : memref<1x32x512xf32, #tpu.memory_space<vmem>> -> memref<32x512xf32, #tpu.memory_space<vmem>>
          %get3A_533 = arith.index_cast %add3A_475 : i32 to index
          %get3A_534 = arith.constant 48 : index
          %get3A_535 = tpu.vector_load %get3A_532[%get3A_533, %get3A_534] {strides = array<i32>} : memref<32x512xf32, #tpu.memory_space<vmem>>, vector<16xf32>,
          %mul3A_536 = arith.mulf %get3A_528, %get3A_535 : vector<16xf32>
          %add3A_537 = arith.addf %add3A_521, %mul3A_536 : vector<16xf32>
          %get3A_538 = arith.constant 0 : i32
          %get3A_539 = arith.constant 0 : i32
          %get3A_540 = tpu.memref_slice %arg9[%scan3A_254, %get3A_538, %get3A_539] : memref<3x32x512xf32, #tpu.memory_space<vmem>> -> memref<1x32x512xf32, #tpu.memory_space<vmem>>
          %get3A_541 = tpu.memref_squeeze %get3A_540 : memref<1x32x512xf32, #tpu.memory_space<vmem>> -> memref<32x512xf32, #tpu.memory_space<vmem>>
          %get3A_542 = arith.index_cast %add3A_475 : i32 to index
          %get3A_543 = arith.constant 64 : index
          %get3A_544 = tpu.vector_load %get3A_541[%get3A_542, %get3A_543] {strides = array<i32>} : memref<32x512xf32, #tpu.memory_space<vmem>>, vector<16xf32>,
          %get3A_545 = arith.constant 0 : i32
          %get3A_546 = arith.constant 0 : i32
          %get3A_547 = tpu.memref_slice %arg10[%scan3A_255, %get3A_545, %get3A_546] : memref<3x32x512xf32, #tpu.memory_space<vmem>> -> memref<1x32x512xf32, #tpu.memory_space<vmem>>
          %get3A_548 = tpu.memref_squeeze %get3A_547 : memref<1x32x512xf32, #tpu.memory_space<vmem>> -> memref<32x512xf32, #tpu.memory_space<vmem>>
          %get3A_549 = arith.index_cast %add3A_475 : i32 to index
          %get3A_550 = arith.constant 64 : index
          %get3A_551 = tpu.vector_load %get3A_548[%get3A_549, %get3A_550] {strides = array<i32>} : memref<32x512xf32, #tpu.memory_space<vmem>>, vector<16xf32>,
          %mul3A_552 = arith.mulf %get3A_544, %get3A_551 : vector<16xf32>
          %add3A_553 = arith.addf %add3A_537, %mul3A_552 : vector<16xf32>
          %get3A_554 = arith.constant 0 : i32
          %get3A_555 = arith.constant 0 : i32
          %get3A_556 = tpu.memref_slice %arg9[%scan3A_254, %get3A_554, %get3A_555] : memref<3x32x512xf32, #tpu.memory_space<vmem>> -> memref<1x32x512xf32, #tpu.memory_space<vmem>>
          %get3A_557 = tpu.memref_squeeze %get3A_556 : memref<1x32x512xf32, #tpu.memory_space<vmem>> -> memref<32x512xf32, #tpu.memory_space<vmem>>
          %get3A_558 = arith.index_cast %add3A_475 : i32 to index
          %get3A_559 = arith.constant 80 : index
          %get3A_560 = tpu.vector_load %get3A_557[%get3A_558, %get3A_559] {strides = array<i32>} : memref<32x512xf32, #tpu.memory_space<vmem>>, vector<16xf32>,
          %get3A_561 = arith.constant 0 : i32
          %get3A_562 = arith.constant 0 : i32
          %get3A_563 = tpu.memref_slice %arg10[%scan3A_255, %get3A_561, %get3A_562] : memref<3x32x512xf32, #tpu.memory_space<vmem>> -> memref<1x32x512xf32, #tpu.memory_space<vmem>>
          %get3A_564 = tpu.memref_squeeze %get3A_563 : memref<1x32x512xf32, #tpu.memory_space<vmem>> -> memref<32x512xf32, #tpu.memory_space<vmem>>
          %get3A_565 = arith.index_cast %add3A_475 : i32 to index
          %get3A_566 = arith.constant 80 : index
          %get3A_567 = tpu.vector_load %get3A_564[%get3A_565, %get3A_566] {strides = array<i32>} : memref<32x512xf32, #tpu.memory_space<vmem>>, vector<16xf32>,
          %mul3A_568 = arith.mulf %get3A_560, %get3A_567 : vector<16xf32>
          %add3A_569 = arith.addf %add3A_553, %mul3A_568 : vector<16xf32>
          %get3A_570 = arith.constant 0 : i32
          %get3A_571 = arith.constant 0 : i32
          %get3A_572 = tpu.memref_slice %arg9[%scan3A_254, %get3A_570, %get3A_571] : memref<3x32x512xf32, #tpu.memory_space<vmem>> -> memref<1x32x512xf32, #tpu.memory_space<vmem>>
          %get3A_573 = tpu.memref_squeeze %get3A_572 : memref<1x32x512xf32, #tpu.memory_space<vmem>> -> memref<32x512xf32, #tpu.memory_space<vmem>>
          %get3A_574 = arith.index_cast %add3A_475 : i32 to index
          %get3A_575 = arith.constant 96 : index
          %get3A_576 = tpu.vector_load %get3A_573[%get3A_574, %get3A_575] {strides = array<i32>} : memref<32x512xf32, #tpu.memory_space<vmem>>, vector<16xf32>,
          %get3A_577 = arith.constant 0 : i32
          %get3A_578 = arith.constant 0 : i32
          %get3A_579 = tpu.memref_slice %arg10[%scan3A_255, %get3A_577, %get3A_578] : memref<3x32x512xf32, #tpu.memory_space<vmem>> -> memref<1x32x512xf32, #tpu.memory_space<vmem>>
          %get3A_580 = tpu.memref_squeeze %get3A_579 : memref<1x32x512xf32, #tpu.memory_space<vmem>> -> memref<32x512xf32, #tpu.memory_space<vmem>>
          %get3A_581 = arith.index_cast %add3A_475 : i32 to index
          %get3A_582 = arith.constant 96 : index
          %get3A_583 = tpu.vector_load %get3A_580[%get3A_581, %get3A_582] {strides = array<i32>} : memref<32x512xf32, #tpu.memory_space<vmem>>, vector<16xf32>,
          %mul3A_584 = arith.mulf %get3A_576, %get3A_583 : vector<16xf32>
          %add3A_585 = arith.addf %add3A_569, %mul3A_584 : vector<16xf32>
          %get3A_586 = arith.constant 0 : i32
          %get3A_587 = arith.constant 0 : i32
          %get3A_588 = tpu.memref_slice %arg9[%scan3A_254, %get3A_586, %get3A_587] : memref<3x32x512xf32, #tpu.memory_space<vmem>> -> memref<1x32x512xf32, #tpu.memory_space<vmem>>
          %get3A_589 = tpu.memref_squeeze %get3A_588 : memref<1x32x512xf32, #tpu.memory_space<vmem>> -> memref<32x512xf32, #tpu.memory_space<vmem>>
          %get3A_590 = arith.index_cast %add3A_475 : i32 to index
          %get3A_591 = arith.constant 112 : index
          %get3A_592 = tpu.vector_load %get3A_589[%get3A_590, %get3A_591] {strides = array<i32>} : memref<32x512xf32, #tpu.memory_space<vmem>>, vector<16xf32>,
          %get3A_593 = arith.constant 0 : i32
          %get3A_594 = arith.constant 0 : i32
          %get3A_595 = tpu.memref_slice %arg10[%scan3A_255, %get3A_593, %get3A_594] : memref<3x32x512xf32, #tpu.memory_space<vmem>> -> memref<1x32x512xf32, #tpu.memory_space<vmem>>
          %get3A_596 = tpu.memref_squeeze %get3A_595 : memref<1x32x512xf32, #tpu.memory_space<vmem>> -> memref<32x512xf32, #tpu.memory_space<vmem>>
          %get3A_597 = arith.index_cast %add3A_475 : i32 to index
          %get3A_598 = arith.constant 112 : index
          %get3A_599 = tpu.vector_load %get3A_596[%get3A_597, %get3A_598] {strides = array<i32>} : memref<32x512xf32, #tpu.memory_space<vmem>>, vector<16xf32>,
          %mul3A_600 = arith.mulf %get3A_592, %get3A_599 : vector<16xf32>
          %add3A_601 = arith.addf %add3A_585, %mul3A_600 : vector<16xf32>
          %get3A_602 = arith.constant 0 : i32
          %get3A_603 = arith.constant 0 : i32
          %get3A_604 = tpu.memref_slice %arg9[%scan3A_254, %get3A_602, %get3A_603] : memref<3x32x512xf32, #tpu.memory_space<vmem>> -> memref<1x32x512xf32, #tpu.memory_space<vmem>>
          %get3A_605 = tpu.memref_squeeze %get3A_604 : memref<1x32x512xf32, #tpu.memory_space<vmem>> -> memref<32x512xf32, #tpu.memory_space<vmem>>
          %get3A_606 = arith.index_cast %add3A_475 : i32 to index
          %get3A_607 = arith.constant 128 : index
          %get3A_608 = tpu.vector_load %get3A_605[%get3A_606, %get3A_607] {strides = array<i32>} : memref<32x512xf32, #tpu.memory_space<vmem>>, vector<16xf32>,
          %get3A_609 = arith.constant 0 : i32
          %get3A_610 = arith.constant 0 : i32
          %get3A_611 = tpu.memref_slice %arg10[%scan3A_255, %get3A_609, %get3A_610] : memref<3x32x512xf32, #tpu.memory_space<vmem>> -> memref<1x32x512xf32, #tpu.memory_space<vmem>>
          %get3A_612 = tpu.memref_squeeze %get3A_611 : memref<1x32x512xf32, #tpu.memory_space<vmem>> -> memref<32x512xf32, #tpu.memory_space<vmem>>
          %get3A_613 = arith.index_cast %add3A_475 : i32 to index
          %get3A_614 = arith.constant 128 : index
          %get3A_615 = tpu.vector_load %get3A_612[%get3A_613, %get3A_614] {strides = array<i32>} : memref<32x512xf32, #tpu.memory_space<vmem>>, vector<16xf32>,
          %mul3A_616 = arith.mulf %get3A_608, %get3A_615 : vector<16xf32>
          %add3A_617 = arith.addf %add3A_601, %mul3A_616 : vector<16xf32>
          %get3A_618 = arith.constant 0 : i32
          %get3A_619 = arith.constant 0 : i32
          %get3A_620 = tpu.memref_slice %arg9[%scan3A_254, %get3A_618, %get3A_619] : memref<3x32x512xf32, #tpu.memory_space<vmem>> -> memref<1x32x512xf32, #tpu.memory_space<vmem>>
          %get3A_621 = tpu.memref_squeeze %get3A_620 : memref<1x32x512xf32, #tpu.memory_space<vmem>> -> memref<32x512xf32, #tpu.memory_space<vmem>>
          %get3A_622 = arith.index_cast %add3A_475 : i32 to index
          %get3A_623 = arith.constant 144 : index
          %get3A_624 = tpu.vector_load %get3A_621[%get3A_622, %get3A_623] {strides = array<i32>} : memref<32x512xf32, #tpu.memory_space<vmem>>, vector<16xf32>,
          %get3A_625 = arith.constant 0 : i32
          %get3A_626 = arith.constant 0 : i32
          %get3A_627 = tpu.memref_slice %arg10[%scan3A_255, %get3A_625, %get3A_626] : memref<3x32x512xf32, #tpu.memory_space<vmem>> -> memref<1x32x512xf32, #tpu.memory_space<vmem>>
          %get3A_628 = tpu.memref_squeeze %get3A_627 : memref<1x32x512xf32, #tpu.memory_space<vmem>> -> memref<32x512xf32, #tpu.memory_space<vmem>>
          %get3A_629 = arith.index_cast %add3A_475 : i32 to index
          %get3A_630 = arith.constant 144 : index
          %get3A_631 = tpu.vector_load %get3A_628[%get3A_629, %get3A_630] {strides = array<i32>} : memref<32x512xf32, #tpu.memory_space<vmem>>, vector<16xf32>,
          %mul3A_632 = arith.mulf %get3A_624, %get3A_631 : vector<16xf32>
          %add3A_633 = arith.addf %add3A_617, %mul3A_632 : vector<16xf32>
          %get3A_634 = arith.constant 0 : i32
          %get3A_635 = arith.constant 0 : i32
          %get3A_636 = tpu.memref_slice %arg9[%scan3A_254, %get3A_634, %get3A_635] : memref<3x32x512xf32, #tpu.memory_space<vmem>> -> memref<1x32x512xf32, #tpu.memory_space<vmem>>
          %get3A_637 = tpu.memref_squeeze %get3A_636 : memref<1x32x512xf32, #tpu.memory_space<vmem>> -> memref<32x512xf32, #tpu.memory_space<vmem>>
          %get3A_638 = arith.index_cast %add3A_475 : i32 to index
          %get3A_639 = arith.constant 160 : index
          %get3A_640 = tpu.vector_load %get3A_637[%get3A_638, %get3A_639] {strides = array<i32>} : memref<32x512xf32, #tpu.memory_space<vmem>>, vector<16xf32>,
          %get3A_641 = arith.constant 0 : i32
          %get3A_642 = arith.constant 0 : i32
          %get3A_643 = tpu.memref_slice %arg10[%scan3A_255, %get3A_641, %get3A_642] : memref<3x32x512xf32, #tpu.memory_space<vmem>> -> memref<1x32x512xf32, #tpu.memory_space<vmem>>
          %get3A_644 = tpu.memref_squeeze %get3A_643 : memref<1x32x512xf32, #tpu.memory_space<vmem>> -> memref<32x512xf32, #tpu.memory_space<vmem>>
          %get3A_645 = arith.index_cast %add3A_475 : i32 to index
          %get3A_646 = arith.constant 160 : index
          %get3A_647 = tpu.vector_load %get3A_644[%get3A_645, %get3A_646] {strides = array<i32>} : memref<32x512xf32, #tpu.memory_space<vmem>>, vector<16xf32>,
          %mul3A_648 = arith.mulf %get3A_640, %get3A_647 : vector<16xf32>
          %add3A_649 = arith.addf %add3A_633, %mul3A_648 : vector<16xf32>
          %get3A_650 = arith.constant 0 : i32
          %get3A_651 = arith.constant 0 : i32
          %get3A_652 = tpu.memref_slice %arg9[%scan3A_254, %get3A_650, %get3A_651] : memref<3x32x512xf32, #tpu.memory_space<vmem>> -> memref<1x32x512xf32, #tpu.memory_space<vmem>>
          %get3A_653 = tpu.memref_squeeze %get3A_652 : memref<1x32x512xf32, #tpu.memory_space<vmem>> -> memref<32x512xf32, #tpu.memory_space<vmem>>
          %get3A_654 = arith.index_cast %add3A_475 : i32 to index
          %get3A_655 = arith.constant 176 : index
          %get3A_656 = tpu.vector_load %get3A_653[%get3A_654, %get3A_655] {strides = array<i32>} : memref<32x512xf32, #tpu.memory_space<vmem>>, vector<16xf32>,
          %get3A_657 = arith.constant 0 : i32
          %get3A_658 = arith.constant 0 : i32
          %get3A_659 = tpu.memref_slice %arg10[%scan3A_255, %get3A_657, %get3A_658] : memref<3x32x512xf32, #tpu.memory_space<vmem>> -> memref<1x32x512xf32, #tpu.memory_space<vmem>>
          %get3A_660 = tpu.memref_squeeze %get3A_659 : memref<1x32x512xf32, #tpu.memory_space<vmem>> -> memref<32x512xf32, #tpu.memory_space<vmem>>
          %get3A_661 = arith.index_cast %add3A_475 : i32 to index
          %get3A_662 = arith.constant 176 : index
          %get3A_663 = tpu.vector_load %get3A_660[%get3A_661, %get3A_662] {strides = array<i32>} : memref<32x512xf32, #tpu.memory_space<vmem>>, vector<16xf32>,
          %mul3A_664 = arith.mulf %get3A_656, %get3A_663 : vector<16xf32>
          %add3A_665 = arith.addf %add3A_649, %mul3A_664 : vector<16xf32>
          %get3A_666 = arith.constant 0 : i32
          %get3A_667 = arith.constant 0 : i32
          %get3A_668 = tpu.memref_slice %arg9[%scan3A_254, %get3A_666, %get3A_667] : memref<3x32x512xf32, #tpu.memory_space<vmem>> -> memref<1x32x512xf32, #tpu.memory_space<vmem>>
          %get3A_669 = tpu.memref_squeeze %get3A_668 : memref<1x32x512xf32, #tpu.memory_space<vmem>> -> memref<32x512xf32, #tpu.memory_space<vmem>>
          %get3A_670 = arith.index_cast %add3A_475 : i32 to index
          %get3A_671 = arith.constant 192 : index
          %get3A_672 = tpu.vector_load %get3A_669[%get3A_670, %get3A_671] {strides = array<i32>} : memref<32x512xf32, #tpu.memory_space<vmem>>, vector<16xf32>,
          %get3A_673 = arith.constant 0 : i32
          %get3A_674 = arith.constant 0 : i32
          %get3A_675 = tpu.memref_slice %arg10[%scan3A_255, %get3A_673, %get3A_674] : memref<3x32x512xf32, #tpu.memory_space<vmem>> -> memref<1x32x512xf32, #tpu.memory_space<vmem>>
          %get3A_676 = tpu.memref_squeeze %get3A_675 : memref<1x32x512xf32, #tpu.memory_space<vmem>> -> memref<32x512xf32, #tpu.memory_space<vmem>>
          %get3A_677 = arith.index_cast %add3A_475 : i32 to index
          %get3A_678 = arith.constant 192 : index
          %get3A_679 = tpu.vector_load %get3A_676[%get3A_677, %get3A_678] {strides = array<i32>} : memref<32x512xf32, #tpu.memory_space<vmem>>, vector<16xf32>,
          %mul3A_680 = arith.mulf %get3A_672, %get3A_679 : vector<16xf32>
          %add3A_681 = arith.addf %add3A_665, %mul3A_680 : vector<16xf32>
          %get3A_682 = arith.constant 0 : i32
          %get3A_683 = arith.constant 0 : i32
          %get3A_684 = tpu.memref_slice %arg9[%scan3A_254, %get3A_682, %get3A_683] : memref<3x32x512xf32, #tpu.memory_space<vmem>> -> memref<1x32x512xf32, #tpu.memory_space<vmem>>
          %get3A_685 = tpu.memref_squeeze %get3A_684 : memref<1x32x512xf32, #tpu.memory_space<vmem>> -> memref<32x512xf32, #tpu.memory_space<vmem>>
          %get3A_686 = arith.index_cast %add3A_475 : i32 to index
          %get3A_687 = arith.constant 208 : index
          %get3A_688 = tpu.vector_load %get3A_685[%get3A_686, %get3A_687] {strides = array<i32>} : memref<32x512xf32, #tpu.memory_space<vmem>>, vector<16xf32>,
          %get3A_689 = arith.constant 0 : i32
          %get3A_690 = arith.constant 0 : i32
          %get3A_691 = tpu.memref_slice %arg10[%scan3A_255, %get3A_689, %get3A_690] : memref<3x32x512xf32, #tpu.memory_space<vmem>> -> memref<1x32x512xf32, #tpu.memory_space<vmem>>
          %get3A_692 = tpu.memref_squeeze %get3A_691 : memref<1x32x512xf32, #tpu.memory_space<vmem>> -> memref<32x512xf32, #tpu.memory_space<vmem>>
          %get3A_693 = arith.index_cast %add3A_475 : i32 to index
          %get3A_694 = arith.constant 208 : index
          %get3A_695 = tpu.vector_load %get3A_692[%get3A_693, %get3A_694] {strides = array<i32>} : memref<32x512xf32, #tpu.memory_space<vmem>>, vector<16xf32>,
          %mul3A_696 = arith.mulf %get3A_688, %get3A_695 : vector<16xf32>
          %add3A_697 = arith.addf %add3A_681, %mul3A_696 : vector<16xf32>
          %get3A_698 = arith.constant 0 : i32
          %get3A_699 = arith.constant 0 : i32
          %get3A_700 = tpu.memref_slice %arg9[%scan3A_254, %get3A_698, %get3A_699] : memref<3x32x512xf32, #tpu.memory_space<vmem>> -> memref<1x32x512xf32, #tpu.memory_space<vmem>>
          %get3A_701 = tpu.memref_squeeze %get3A_700 : memref<1x32x512xf32, #tpu.memory_space<vmem>> -> memref<32x512xf32, #tpu.memory_space<vmem>>
          %get3A_702 = arith.index_cast %add3A_475 : i32 to index
          %get3A_703 = arith.constant 224 : index
          %get3A_704 = tpu.vector_load %get3A_701[%get3A_702, %get3A_703] {strides = array<i32>} : memref<32x512xf32, #tpu.memory_space<vmem>>, vector<16xf32>,
          %get3A_705 = arith.constant 0 : i32
          %get3A_706 = arith.constant 0 : i32
          %get3A_707 = tpu.memref_slice %arg10[%scan3A_255, %get3A_705, %get3A_706] : memref<3x32x512xf32, #tpu.memory_space<vmem>> -> memref<1x32x512xf32, #tpu.memory_space<vmem>>
          %get3A_708 = tpu.memref_squeeze %get3A_707 : memref<1x32x512xf32, #tpu.memory_space<vmem>> -> memref<32x512xf32, #tpu.memory_space<vmem>>
          %get3A_709 = arith.index_cast %add3A_475 : i32 to index
          %get3A_710 = arith.constant 224 : index
          %get3A_711 = tpu.vector_load %get3A_708[%get3A_709, %get3A_710] {strides = array<i32>} : memref<32x512xf32, #tpu.memory_space<vmem>>, vector<16xf32>,
          %mul3A_712 = arith.mulf %get3A_704, %get3A_711 : vector<16xf32>
          %add3A_713 = arith.addf %add3A_697, %mul3A_712 : vector<16xf32>
          %get3A_714 = arith.constant 0 : i32
          %get3A_715 = arith.constant 0 : i32
          %get3A_716 = tpu.memref_slice %arg9[%scan3A_254, %get3A_714, %get3A_715] : memref<3x32x512xf32, #tpu.memory_space<vmem>> -> memref<1x32x512xf32, #tpu.memory_space<vmem>>
          %get3A_717 = tpu.memref_squeeze %get3A_716 : memref<1x32x512xf32, #tpu.memory_space<vmem>> -> memref<32x512xf32, #tpu.memory_space<vmem>>
          %get3A_718 = arith.index_cast %add3A_475 : i32 to index
          %get3A_719 = arith.constant 240 : index
          %get3A_720 = tpu.vector_load %get3A_717[%get3A_718, %get3A_719] {strides = array<i32>} : memref<32x512xf32, #tpu.memory_space<vmem>>, vector<16xf32>,
          %get3A_721 = arith.constant 0 : i32
          %get3A_722 = arith.constant 0 : i32
          %get3A_723 = tpu.memref_slice %arg10[%scan3A_255, %get3A_721, %get3A_722] : memref<3x32x512xf32, #tpu.memory_space<vmem>> -> memref<1x32x512xf32, #tpu.memory_space<vmem>>
          %get3A_724 = tpu.memref_squeeze %get3A_723 : memref<1x32x512xf32, #tpu.memory_space<vmem>> -> memref<32x512xf32, #tpu.memory_space<vmem>>
          %get3A_725 = arith.index_cast %add3A_475 : i32 to index
          %get3A_726 = arith.constant 240 : index
          %get3A_727 = tpu.vector_load %get3A_724[%get3A_725, %get3A_726] {strides = array<i32>} : memref<32x512xf32, #tpu.memory_space<vmem>>, vector<16xf32>,
          %mul3A_728 = arith.mulf %get3A_720, %get3A_727 : vector<16xf32>
          %add3A_729 = arith.addf %add3A_713, %mul3A_728 : vector<16xf32>
          %get3A_730 = arith.constant 0 : i32
          %get3A_731 = arith.constant 0 : i32
          %get3A_732 = tpu.memref_slice %arg9[%scan3A_254, %get3A_730, %get3A_731] : memref<3x32x512xf32, #tpu.memory_space<vmem>> -> memref<1x32x512xf32, #tpu.memory_space<vmem>>
          %get3A_733 = tpu.memref_squeeze %get3A_732 : memref<1x32x512xf32, #tpu.memory_space<vmem>> -> memref<32x512xf32, #tpu.memory_space<vmem>>
          %get3A_734 = arith.index_cast %add3A_475 : i32 to index
          %get3A_735 = arith.constant 256 : index
          %get3A_736 = tpu.vector_load %get3A_733[%get3A_734, %get3A_735] {strides = array<i32>} : memref<32x512xf32, #tpu.memory_space<vmem>>, vector<16xf32>,
          %get3A_737 = arith.constant 0 : i32
          %get3A_738 = arith.constant 0 : i32
          %get3A_739 = tpu.memref_slice %arg10[%scan3A_255, %get3A_737, %get3A_738] : memref<3x32x512xf32, #tpu.memory_space<vmem>> -> memref<1x32x512xf32, #tpu.memory_space<vmem>>
          %get3A_740 = tpu.memref_squeeze %get3A_739 : memref<1x32x512xf32, #tpu.memory_space<vmem>> -> memref<32x512xf32, #tpu.memory_space<vmem>>
          %get3A_741 = arith.index_cast %add3A_475 : i32 to index
          %get3A_742 = arith.constant 256 : index
          %get3A_743 = tpu.vector_load %get3A_740[%get3A_741, %get3A_742] {strides = array<i32>} : memref<32x512xf32, #tpu.memory_space<vmem>>, vector<16xf32>,
          %mul3A_744 = arith.mulf %get3A_736, %get3A_743 : vector<16xf32>
          %add3A_745 = arith.addf %add3A_729, %mul3A_744 : vector<16xf32>
          %get3A_746 = arith.constant 0 : i32
          %get3A_747 = arith.constant 0 : i32
          %get3A_748 = tpu.memref_slice %arg9[%scan3A_254, %get3A_746, %get3A_747] : memref<3x32x512xf32, #tpu.memory_space<vmem>> -> memref<1x32x512xf32, #tpu.memory_space<vmem>>
          %get3A_749 = tpu.memref_squeeze %get3A_748 : memref<1x32x512xf32, #tpu.memory_space<vmem>> -> memref<32x512xf32, #tpu.memory_space<vmem>>
          %get3A_750 = arith.index_cast %add3A_475 : i32 to index
          %get3A_751 = arith.constant 272 : index
          %get3A_752 = tpu.vector_load %get3A_749[%get3A_750, %get3A_751] {strides = array<i32>} : memref<32x512xf32, #tpu.memory_space<vmem>>, vector<16xf32>,
          %get3A_753 = arith.constant 0 : i32
          %get3A_754 = arith.constant 0 : i32
          %get3A_755 = tpu.memref_slice %arg10[%scan3A_255, %get3A_753, %get3A_754] : memref<3x32x512xf32, #tpu.memory_space<vmem>> -> memref<1x32x512xf32, #tpu.memory_space<vmem>>
          %get3A_756 = tpu.memref_squeeze %get3A_755 : memref<1x32x512xf32, #tpu.memory_space<vmem>> -> memref<32x512xf32, #tpu.memory_space<vmem>>
          %get3A_757 = arith.index_cast %add3A_475 : i32 to index
          %get3A_758 = arith.constant 272 : index
          %get3A_759 = tpu.vector_load %get3A_756[%get3A_757, %get3A_758] {strides = array<i32>} : memref<32x512xf32, #tpu.memory_space<vmem>>, vector<16xf32>,
          %mul3A_760 = arith.mulf %get3A_752, %get3A_759 : vector<16xf32>
          %add3A_761 = arith.addf %add3A_745, %mul3A_760 : vector<16xf32>
          %get3A_762 = arith.constant 0 : i32
          %get3A_763 = arith.constant 0 : i32
          %get3A_764 = tpu.memref_slice %arg9[%scan3A_254, %get3A_762, %get3A_763] : memref<3x32x512xf32, #tpu.memory_space<vmem>> -> memref<1x32x512xf32, #tpu.memory_space<vmem>>
          %get3A_765 = tpu.memref_squeeze %get3A_764 : memref<1x32x512xf32, #tpu.memory_space<vmem>> -> memref<32x512xf32, #tpu.memory_space<vmem>>
          %get3A_766 = arith.index_cast %add3A_475 : i32 to index
          %get3A_767 = arith.constant 288 : index
          %get3A_768 = tpu.vector_load %get3A_765[%get3A_766, %get3A_767] {strides = array<i32>} : memref<32x512xf32, #tpu.memory_space<vmem>>, vector<16xf32>,
          %get3A_769 = arith.constant 0 : i32
          %get3A_770 = arith.constant 0 : i32
          %get3A_771 = tpu.memref_slice %arg10[%scan3A_255, %get3A_769, %get3A_770] : memref<3x32x512xf32, #tpu.memory_space<vmem>> -> memref<1x32x512xf32, #tpu.memory_space<vmem>>
          %get3A_772 = tpu.memref_squeeze %get3A_771 : memref<1x32x512xf32, #tpu.memory_space<vmem>> -> memref<32x512xf32, #tpu.memory_space<vmem>>
          %get3A_773 = arith.index_cast %add3A_475 : i32 to index
          %get3A_774 = arith.constant 288 : index
          %get3A_775 = tpu.vector_load %get3A_772[%get3A_773, %get3A_774] {strides = array<i32>} : memref<32x512xf32, #tpu.memory_space<vmem>>, vector<16xf32>,
          %mul3A_776 = arith.mulf %get3A_768, %get3A_775 : vector<16xf32>
          %add3A_777 = arith.addf %add3A_761, %mul3A_776 : vector<16xf32>
          %get3A_778 = arith.constant 0 : i32
          %get3A_779 = arith.constant 0 : i32
          %get3A_780 = tpu.memref_slice %arg9[%scan3A_254, %get3A_778, %get3A_779] : memref<3x32x512xf32, #tpu.memory_space<vmem>> -> memref<1x32x512xf32, #tpu.memory_space<vmem>>
          %get3A_781 = tpu.memref_squeeze %get3A_780 : memref<1x32x512xf32, #tpu.memory_space<vmem>> -> memref<32x512xf32, #tpu.memory_space<vmem>>
          %get3A_782 = arith.index_cast %add3A_475 : i32 to index
          %get3A_783 = arith.constant 304 : index
          %get3A_784 = tpu.vector_load %get3A_781[%get3A_782, %get3A_783] {strides = array<i32>} : memref<32x512xf32, #tpu.memory_space<vmem>>, vector<16xf32>,
          %get3A_785 = arith.constant 0 : i32
          %get3A_786 = arith.constant 0 : i32
          %get3A_787 = tpu.memref_slice %arg10[%scan3A_255, %get3A_785, %get3A_786] : memref<3x32x512xf32, #tpu.memory_space<vmem>> -> memref<1x32x512xf32, #tpu.memory_space<vmem>>
          %get3A_788 = tpu.memref_squeeze %get3A_787 : memref<1x32x512xf32, #tpu.memory_space<vmem>> -> memref<32x512xf32, #tpu.memory_space<vmem>>
          %get3A_789 = arith.index_cast %add3A_475 : i32 to index
          %get3A_790 = arith.constant 304 : index
          %get3A_791 = tpu.vector_load %get3A_788[%get3A_789, %get3A_790] {strides = array<i32>} : memref<32x512xf32, #tpu.memory_space<vmem>>, vector<16xf32>,
          %mul3A_792 = arith.mulf %get3A_784, %get3A_791 : vector<16xf32>
          %add3A_793 = arith.addf %add3A_777, %mul3A_792 : vector<16xf32>
          %get3A_794 = arith.constant 0 : i32
          %get3A_795 = arith.constant 0 : i32
          %get3A_796 = tpu.memref_slice %arg9[%scan3A_254, %get3A_794, %get3A_795] : memref<3x32x512xf32, #tpu.memory_space<vmem>> -> memref<1x32x512xf32, #tpu.memory_space<vmem>>
          %get3A_797 = tpu.memref_squeeze %get3A_796 : memref<1x32x512xf32, #tpu.memory_space<vmem>> -> memref<32x512xf32, #tpu.memory_space<vmem>>
          %get3A_798 = arith.index_cast %add3A_475 : i32 to index
          %get3A_799 = arith.constant 320 : index
          %get3A_800 = tpu.vector_load %get3A_797[%get3A_798, %get3A_799] {strides = array<i32>} : memref<32x512xf32, #tpu.memory_space<vmem>>, vector<16xf32>,
          %get3A_801 = arith.constant 0 : i32
          %get3A_802 = arith.constant 0 : i32
          %get3A_803 = tpu.memref_slice %arg10[%scan3A_255, %get3A_801, %get3A_802] : memref<3x32x512xf32, #tpu.memory_space<vmem>> -> memref<1x32x512xf32, #tpu.memory_space<vmem>>
          %get3A_804 = tpu.memref_squeeze %get3A_803 : memref<1x32x512xf32, #tpu.memory_space<vmem>> -> memref<32x512xf32, #tpu.memory_space<vmem>>
          %get3A_805 = arith.index_cast %add3A_475 : i32 to index
          %get3A_806 = arith.constant 320 : index
          %get3A_807 = tpu.vector_load %get3A_804[%get3A_805, %get3A_806] {strides = array<i32>} : memref<32x512xf32, #tpu.memory_space<vmem>>, vector<16xf32>,
          %mul3A_808 = arith.mulf %get3A_800, %get3A_807 : vector<16xf32>
          %add3A_809 = arith.addf %add3A_793, %mul3A_808 : vector<16xf32>
          %get3A_810 = arith.constant 0 : i32
          %get3A_811 = arith.constant 0 : i32
          %get3A_812 = tpu.memref_slice %arg9[%scan3A_254, %get3A_810, %get3A_811] : memref<3x32x512xf32, #tpu.memory_space<vmem>> -> memref<1x32x512xf32, #tpu.memory_space<vmem>>
          %get3A_813 = tpu.memref_squeeze %get3A_812 : memref<1x32x512xf32, #tpu.memory_space<vmem>> -> memref<32x512xf32, #tpu.memory_space<vmem>>
          %get3A_814 = arith.index_cast %add3A_475 : i32 to index
          %get3A_815 = arith.constant 336 : index
          %get3A_816 = tpu.vector_load %get3A_813[%get3A_814, %get3A_815] {strides = array<i32>} : memref<32x512xf32, #tpu.memory_space<vmem>>, vector<16xf32>,
          %get3A_817 = arith.constant 0 : i32
          %get3A_818 = arith.constant 0 : i32
          %get3A_819 = tpu.memref_slice %arg10[%scan3A_255, %get3A_817, %get3A_818] : memref<3x32x512xf32, #tpu.memory_space<vmem>> -> memref<1x32x512xf32, #tpu.memory_space<vmem>>
          %get3A_820 = tpu.memref_squeeze %get3A_819 : memref<1x32x512xf32, #tpu.memory_space<vmem>> -> memref<32x512xf32, #tpu.memory_space<vmem>>
          %get3A_821 = arith.index_cast %add3A_475 : i32 to index
          %get3A_822 = arith.constant 336 : index
          %get3A_823 = tpu.vector_load %get3A_820[%get3A_821, %get3A_822] {strides = array<i32>} : memref<32x512xf32, #tpu.memory_space<vmem>>, vector<16xf32>,
          %mul3A_824 = arith.mulf %get3A_816, %get3A_823 : vector<16xf32>
          %add3A_825 = arith.addf %add3A_809, %mul3A_824 : vector<16xf32>
          %get3A_826 = arith.constant 0 : i32
          %get3A_827 = arith.constant 0 : i32
          %get3A_828 = tpu.memref_slice %arg9[%scan3A_254, %get3A_826, %get3A_827] : memref<3x32x512xf32, #tpu.memory_space<vmem>> -> memref<1x32x512xf32, #tpu.memory_space<vmem>>
          %get3A_829 = tpu.memref_squeeze %get3A_828 : memref<1x32x512xf32, #tpu.memory_space<vmem>> -> memref<32x512xf32, #tpu.memory_space<vmem>>
          %get3A_830 = arith.index_cast %add3A_475 : i32 to index
          %get3A_831 = arith.constant 352 : index
          %get3A_832 = tpu.vector_load %get3A_829[%get3A_830, %get3A_831] {strides = array<i32>} : memref<32x512xf32, #tpu.memory_space<vmem>>, vector<16xf32>,
          %get3A_833 = arith.constant 0 : i32
          %get3A_834 = arith.constant 0 : i32
          %get3A_835 = tpu.memref_slice %arg10[%scan3A_255, %get3A_833, %get3A_834] : memref<3x32x512xf32, #tpu.memory_space<vmem>> -> memref<1x32x512xf32, #tpu.memory_space<vmem>>
          %get3A_836 = tpu.memref_squeeze %get3A_835 : memref<1x32x512xf32, #tpu.memory_space<vmem>> -> memref<32x512xf32, #tpu.memory_space<vmem>>
          %get3A_837 = arith.index_cast %add3A_475 : i32 to index
          %get3A_838 = arith.constant 352 : index
          %get3A_839 = tpu.vector_load %get3A_836[%get3A_837, %get3A_838] {strides = array<i32>} : memref<32x512xf32, #tpu.memory_space<vmem>>, vector<16xf32>,
          %mul3A_840 = arith.mulf %get3A_832, %get3A_839 : vector<16xf32>
          %add3A_841 = arith.addf %add3A_825, %mul3A_840 : vector<16xf32>
          %get3A_842 = arith.constant 0 : i32
          %get3A_843 = arith.constant 0 : i32
          %get3A_844 = tpu.memref_slice %arg9[%scan3A_254, %get3A_842, %get3A_843] : memref<3x32x512xf32, #tpu.memory_space<vmem>> -> memref<1x32x512xf32, #tpu.memory_space<vmem>>
          %get3A_845 = tpu.memref_squeeze %get3A_844 : memref<1x32x512xf32, #tpu.memory_space<vmem>> -> memref<32x512xf32, #tpu.memory_space<vmem>>
          %get3A_846 = arith.index_cast %add3A_475 : i32 to index
          %get3A_847 = arith.constant 368 : index
          %get3A_848 = tpu.vector_load %get3A_845[%get3A_846, %get3A_847] {strides = array<i32>} : memref<32x512xf32, #tpu.memory_space<vmem>>, vector<16xf32>,
          %get3A_849 = arith.constant 0 : i32
          %get3A_850 = arith.constant 0 : i32
          %get3A_851 = tpu.memref_slice %arg10[%scan3A_255, %get3A_849, %get3A_850] : memref<3x32x512xf32, #tpu.memory_space<vmem>> -> memref<1x32x512xf32, #tpu.memory_space<vmem>>
          %get3A_852 = tpu.memref_squeeze %get3A_851 : memref<1x32x512xf32, #tpu.memory_space<vmem>> -> memref<32x512xf32, #tpu.memory_space<vmem>>
          %get3A_853 = arith.index_cast %add3A_475 : i32 to index
          %get3A_854 = arith.constant 368 : index
          %get3A_855 = tpu.vector_load %get3A_852[%get3A_853, %get3A_854] {strides = array<i32>} : memref<32x512xf32, #tpu.memory_space<vmem>>, vector<16xf32>,
          %mul3A_856 = arith.mulf %get3A_848, %get3A_855 : vector<16xf32>
          %add3A_857 = arith.addf %add3A_841, %mul3A_856 : vector<16xf32>
          %get3A_858 = arith.constant 0 : i32
          %get3A_859 = arith.constant 0 : i32
          %get3A_860 = tpu.memref_slice %arg9[%scan3A_254, %get3A_858, %get3A_859] : memref<3x32x512xf32, #tpu.memory_space<vmem>> -> memref<1x32x512xf32, #tpu.memory_space<vmem>>
          %get3A_861 = tpu.memref_squeeze %get3A_860 : memref<1x32x512xf32, #tpu.memory_space<vmem>> -> memref<32x512xf32, #tpu.memory_space<vmem>>
          %get3A_862 = arith.index_cast %add3A_475 : i32 to index
          %get3A_863 = arith.constant 384 : index
          %get3A_864 = tpu.vector_load %get3A_861[%get3A_862, %get3A_863] {strides = array<i32>} : memref<32x512xf32, #tpu.memory_space<vmem>>, vector<16xf32>,
          %get3A_865 = arith.constant 0 : i32
          %get3A_866 = arith.constant 0 : i32
          %get3A_867 = tpu.memref_slice %arg10[%scan3A_255, %get3A_865, %get3A_866] : memref<3x32x512xf32, #tpu.memory_space<vmem>> -> memref<1x32x512xf32, #tpu.memory_space<vmem>>
          %get3A_868 = tpu.memref_squeeze %get3A_867 : memref<1x32x512xf32, #tpu.memory_space<vmem>> -> memref<32x512xf32, #tpu.memory_space<vmem>>
          %get3A_869 = arith.index_cast %add3A_475 : i32 to index
          %get3A_870 = arith.constant 384 : index
          %get3A_871 = tpu.vector_load %get3A_868[%get3A_869, %get3A_870] {strides = array<i32>} : memref<32x512xf32, #tpu.memory_space<vmem>>, vector<16xf32>,
          %mul3A_872 = arith.mulf %get3A_864, %get3A_871 : vector<16xf32>
          %add3A_873 = arith.addf %add3A_857, %mul3A_872 : vector<16xf32>
          %get3A_874 = arith.constant 0 : i32
          %get3A_875 = arith.constant 0 : i32
          %get3A_876 = tpu.memref_slice %arg9[%scan3A_254, %get3A_874, %get3A_875] : memref<3x32x512xf32, #tpu.memory_space<vmem>> -> memref<1x32x512xf32, #tpu.memory_space<vmem>>
          %get3A_877 = tpu.memref_squeeze %get3A_876 : memref<1x32x512xf32, #tpu.memory_space<vmem>> -> memref<32x512xf32, #tpu.memory_space<vmem>>
          %get3A_878 = arith.index_cast %add3A_475 : i32 to index
          %get3A_879 = arith.constant 400 : index
          %get3A_880 = tpu.vector_load %get3A_877[%get3A_878, %get3A_879] {strides = array<i32>} : memref<32x512xf32, #tpu.memory_space<vmem>>, vector<16xf32>,
          %get3A_881 = arith.constant 0 : i32
          %get3A_882 = arith.constant 0 : i32
          %get3A_883 = tpu.memref_slice %arg10[%scan3A_255, %get3A_881, %get3A_882] : memref<3x32x512xf32, #tpu.memory_space<vmem>> -> memref<1x32x512xf32, #tpu.memory_space<vmem>>
          %get3A_884 = tpu.memref_squeeze %get3A_883 : memref<1x32x512xf32, #tpu.memory_space<vmem>> -> memref<32x512xf32, #tpu.memory_space<vmem>>
          %get3A_885 = arith.index_cast %add3A_475 : i32 to index
          %get3A_886 = arith.constant 400 : index
          %get3A_887 = tpu.vector_load %get3A_884[%get3A_885, %get3A_886] {strides = array<i32>} : memref<32x512xf32, #tpu.memory_space<vmem>>, vector<16xf32>,
          %mul3A_888 = arith.mulf %get3A_880, %get3A_887 : vector<16xf32>
          %add3A_889 = arith.addf %add3A_873, %mul3A_888 : vector<16xf32>
          %get3A_890 = arith.constant 0 : i32
          %get3A_891 = arith.constant 0 : i32
          %get3A_892 = tpu.memref_slice %arg9[%scan3A_254, %get3A_890, %get3A_891] : memref<3x32x512xf32, #tpu.memory_space<vmem>> -> memref<1x32x512xf32, #tpu.memory_space<vmem>>
          %get3A_893 = tpu.memref_squeeze %get3A_892 : memref<1x32x512xf32, #tpu.memory_space<vmem>> -> memref<32x512xf32, #tpu.memory_space<vmem>>
          %get3A_894 = arith.index_cast %add3A_475 : i32 to index
          %get3A_895 = arith.constant 416 : index
          %get3A_896 = tpu.vector_load %get3A_893[%get3A_894, %get3A_895] {strides = array<i32>} : memref<32x512xf32, #tpu.memory_space<vmem>>, vector<16xf32>,
          %get3A_897 = arith.constant 0 : i32
          %get3A_898 = arith.constant 0 : i32
          %get3A_899 = tpu.memref_slice %arg10[%scan3A_255, %get3A_897, %get3A_898] : memref<3x32x512xf32, #tpu.memory_space<vmem>> -> memref<1x32x512xf32, #tpu.memory_space<vmem>>
          %get3A_900 = tpu.memref_squeeze %get3A_899 : memref<1x32x512xf32, #tpu.memory_space<vmem>> -> memref<32x512xf32, #tpu.memory_space<vmem>>
          %get3A_901 = arith.index_cast %add3A_475 : i32 to index
          %get3A_902 = arith.constant 416 : index
          %get3A_903 = tpu.vector_load %get3A_900[%get3A_901, %get3A_902] {strides = array<i32>} : memref<32x512xf32, #tpu.memory_space<vmem>>, vector<16xf32>,
          %mul3A_904 = arith.mulf %get3A_896, %get3A_903 : vector<16xf32>
          %add3A_905 = arith.addf %add3A_889, %mul3A_904 : vector<16xf32>
          %get3A_906 = arith.constant 0 : i32
          %get3A_907 = arith.constant 0 : i32
          %get3A_908 = tpu.memref_slice %arg9[%scan3A_254, %get3A_906, %get3A_907] : memref<3x32x512xf32, #tpu.memory_space<vmem>> -> memref<1x32x512xf32, #tpu.memory_space<vmem>>
          %get3A_909 = tpu.memref_squeeze %get3A_908 : memref<1x32x512xf32, #tpu.memory_space<vmem>> -> memref<32x512xf32, #tpu.memory_space<vmem>>
          %get3A_910 = arith.index_cast %add3A_475 : i32 to index
          %get3A_911 = arith.constant 432 : index
          %get3A_912 = tpu.vector_load %get3A_909[%get3A_910, %get3A_911] {strides = array<i32>} : memref<32x512xf32, #tpu.memory_space<vmem>>, vector<16xf32>,
          %get3A_913 = arith.constant 0 : i32
          %get3A_914 = arith.constant 0 : i32
          %get3A_915 = tpu.memref_slice %arg10[%scan3A_255, %get3A_913, %get3A_914] : memref<3x32x512xf32, #tpu.memory_space<vmem>> -> memref<1x32x512xf32, #tpu.memory_space<vmem>>
          %get3A_916 = tpu.memref_squeeze %get3A_915 : memref<1x32x512xf32, #tpu.memory_space<vmem>> -> memref<32x512xf32, #tpu.memory_space<vmem>>
          %get3A_917 = arith.index_cast %add3A_475 : i32 to index
          %get3A_918 = arith.constant 432 : index
          %get3A_919 = tpu.vector_load %get3A_916[%get3A_917, %get3A_918] {strides = array<i32>} : memref<32x512xf32, #tpu.memory_space<vmem>>, vector<16xf32>,
          %mul3A_920 = arith.mulf %get3A_912, %get3A_919 : vector<16xf32>
          %add3A_921 = arith.addf %add3A_905, %mul3A_920 : vector<16xf32>
          %get3A_922 = arith.constant 0 : i32
          %get3A_923 = arith.constant 0 : i32
          %get3A_924 = tpu.memref_slice %arg9[%scan3A_254, %get3A_922, %get3A_923] : memref<3x32x512xf32, #tpu.memory_space<vmem>> -> memref<1x32x512xf32, #tpu.memory_space<vmem>>
          %get3A_925 = tpu.memref_squeeze %get3A_924 : memref<1x32x512xf32, #tpu.memory_space<vmem>> -> memref<32x512xf32, #tpu.memory_space<vmem>>
          %get3A_926 = arith.index_cast %add3A_475 : i32 to index
          %get3A_927 = arith.constant 448 : index
          %get3A_928 = tpu.vector_load %get3A_925[%get3A_926, %get3A_927] {strides = array<i32>} : memref<32x512xf32, #tpu.memory_space<vmem>>, vector<16xf32>,
          %get3A_929 = arith.constant 0 : i32
          %get3A_930 = arith.constant 0 : i32
          %get3A_931 = tpu.memref_slice %arg10[%scan3A_255, %get3A_929, %get3A_930] : memref<3x32x512xf32, #tpu.memory_space<vmem>> -> memref<1x32x512xf32, #tpu.memory_space<vmem>>
          %get3A_932 = tpu.memref_squeeze %get3A_931 : memref<1x32x512xf32, #tpu.memory_space<vmem>> -> memref<32x512xf32, #tpu.memory_space<vmem>>
          %get3A_933 = arith.index_cast %add3A_475 : i32 to index
          %get3A_934 = arith.constant 448 : index
          %get3A_935 = tpu.vector_load %get3A_932[%get3A_933, %get3A_934] {strides = array<i32>} : memref<32x512xf32, #tpu.memory_space<vmem>>, vector<16xf32>,
          %mul3A_936 = arith.mulf %get3A_928, %get3A_935 : vector<16xf32>
          %add3A_937 = arith.addf %add3A_921, %mul3A_936 : vector<16xf32>
          %get3A_938 = arith.constant 0 : i32
          %get3A_939 = arith.constant 0 : i32
          %get3A_940 = tpu.memref_slice %arg9[%scan3A_254, %get3A_938, %get3A_939] : memref<3x32x512xf32, #tpu.memory_space<vmem>> -> memref<1x32x512xf32, #tpu.memory_space<vmem>>
          %get3A_941 = tpu.memref_squeeze %get3A_940 : memref<1x32x512xf32, #tpu.memory_space<vmem>> -> memref<32x512xf32, #tpu.memory_space<vmem>>
          %get3A_942 = arith.index_cast %add3A_475 : i32 to index
          %get3A_943 = arith.constant 464 : index
          %get3A_944 = tpu.vector_load %get3A_941[%get3A_942, %get3A_943] {strides = array<i32>} : memref<32x512xf32, #tpu.memory_space<vmem>>, vector<16xf32>,
          %get3A_945 = arith.constant 0 : i32
          %get3A_946 = arith.constant 0 : i32
          %get3A_947 = tpu.memref_slice %arg10[%scan3A_255, %get3A_945, %get3A_946] : memref<3x32x512xf32, #tpu.memory_space<vmem>> -> memref<1x32x512xf32, #tpu.memory_space<vmem>>
          %get3A_948 = tpu.memref_squeeze %get3A_947 : memref<1x32x512xf32, #tpu.memory_space<vmem>> -> memref<32x512xf32, #tpu.memory_space<vmem>>
          %get3A_949 = arith.index_cast %add3A_475 : i32 to index
          %get3A_950 = arith.constant 464 : index
          %get3A_951 = tpu.vector_load %get3A_948[%get3A_949, %get3A_950] {strides = array<i32>} : memref<32x512xf32, #tpu.memory_space<vmem>>, vector<16xf32>,
          %mul3A_952 = arith.mulf %get3A_944, %get3A_951 : vector<16xf32>
          %add3A_953 = arith.addf %add3A_937, %mul3A_952 : vector<16xf32>
          %get3A_954 = arith.constant 0 : i32
          %get3A_955 = arith.constant 0 : i32
          %get3A_956 = tpu.memref_slice %arg9[%scan3A_254, %get3A_954, %get3A_955] : memref<3x32x512xf32, #tpu.memory_space<vmem>> -> memref<1x32x512xf32, #tpu.memory_space<vmem>>
          %get3A_957 = tpu.memref_squeeze %get3A_956 : memref<1x32x512xf32, #tpu.memory_space<vmem>> -> memref<32x512xf32, #tpu.memory_space<vmem>>
          %get3A_958 = arith.index_cast %add3A_475 : i32 to index
          %get3A_959 = arith.constant 480 : index
          %get3A_960 = tpu.vector_load %get3A_957[%get3A_958, %get3A_959] {strides = array<i32>} : memref<32x512xf32, #tpu.memory_space<vmem>>, vector<16xf32>,
          %get3A_961 = arith.constant 0 : i32
          %get3A_962 = arith.constant 0 : i32
          %get3A_963 = tpu.memref_slice %arg10[%scan3A_255, %get3A_961, %get3A_962] : memref<3x32x512xf32, #tpu.memory_space<vmem>> -> memref<1x32x512xf32, #tpu.memory_space<vmem>>
          %get3A_964 = tpu.memref_squeeze %get3A_963 : memref<1x32x512xf32, #tpu.memory_space<vmem>> -> memref<32x512xf32, #tpu.memory_space<vmem>>
          %get3A_965 = arith.index_cast %add3A_475 : i32 to index
          %get3A_966 = arith.constant 480 : index
          %get3A_967 = tpu.vector_load %get3A_964[%get3A_965, %get3A_966] {strides = array<i32>} : memref<32x512xf32, #tpu.memory_space<vmem>>, vector<16xf32>,
          %mul3A_968 = arith.mulf %get3A_960, %get3A_967 : vector<16xf32>
          %add3A_969 = arith.addf %add3A_953, %mul3A_968 : vector<16xf32>
          %get3A_970 = arith.constant 0 : i32
          %get3A_971 = arith.constant 0 : i32
          %get3A_972 = tpu.memref_slice %arg9[%scan3A_254, %get3A_970, %get3A_971] : memref<3x32x512xf32, #tpu.memory_space<vmem>> -> memref<1x32x512xf32, #tpu.memory_space<vmem>>
          %get3A_973 = tpu.memref_squeeze %get3A_972 : memref<1x32x512xf32, #tpu.memory_space<vmem>> -> memref<32x512xf32, #tpu.memory_space<vmem>>
          %get3A_974 = arith.index_cast %add3A_475 : i32 to index
          %get3A_975 = arith.constant 496 : index
          %get3A_976 = tpu.vector_load %get3A_973[%get3A_974, %get3A_975] {strides = array<i32>} : memref<32x512xf32, #tpu.memory_space<vmem>>, vector<16xf32>,
          %get3A_977 = arith.constant 0 : i32
          %get3A_978 = arith.constant 0 : i32
          %get3A_979 = tpu.memref_slice %arg10[%scan3A_255, %get3A_977, %get3A_978] : memref<3x32x512xf32, #tpu.memory_space<vmem>> -> memref<1x32x512xf32, #tpu.memory_space<vmem>>
          %get3A_980 = tpu.memref_squeeze %get3A_979 : memref<1x32x512xf32, #tpu.memory_space<vmem>> -> memref<32x512xf32, #tpu.memory_space<vmem>>
          %get3A_981 = arith.index_cast %add3A_475 : i32 to index
          %get3A_982 = arith.constant 496 : index
          %get3A_983 = tpu.vector_load %get3A_980[%get3A_981, %get3A_982] {strides = array<i32>} : memref<32x512xf32, #tpu.memory_space<vmem>>, vector<16xf32>,
          %mul3A_984 = arith.mulf %get3A_976, %get3A_983 : vector<16xf32>
          %add3A_985 = arith.addf %add3A_969, %mul3A_984 : vector<16xf32>
          %mul3A_986 = arith.constant 16 : i32
          %mul3A_987 = arith.muli %scan3A_472, %mul3A_986 : i32
          %swap3A_988 = arith.index_cast %mul3A_987 : i32 to index
          %swap3A_989 = tpu.vector_load %arg11[%swap3A_988] {strides = array<i32>} : memref<256xf32, #tpu.memory_space<vmem>>, vector<16xf32>,
          tpu.vector_store %arg11[%swap3A_988], %add3A_985 {strides = array<i32>} : memref<256xf32, #tpu.memory_space<vmem>>, vector<16xf32>,
        }
        %scan3A_380 = arith.constant 16 : i32
        %iota3A = tpu.iota {dimensions = array<i32: 0>} : vector<16xi32>
        %mul3A_381 = arith.constant 16 : i32
        %mul3A_382 = vector.broadcast %mul3A_381 : i32 to vector<16xi32>
        %mul3A_383 = arith.muli %iota3A, %mul3A_382 : vector<16xi32>
        %gather3A = tpu.vector_load_idx %arg11[%mul3A_383] : memref<256xf32, #tpu.memory_space<vmem>>[vector<16xi32>], vector<16xf32>,
        %add3A_384 = arith.constant 1 : i32
        %add3A_385 = vector.broadcast %add3A_384 : i32 to vector<16xi32>
        %add3A_386 = arith.addi %mul3A_383, %add3A_385 : vector<16xi32>
        %gather3A_387 = tpu.vector_load_idx %arg11[%add3A_386] : memref<256xf32, #tpu.memory_space<vmem>>[vector<16xi32>], vector<16xf32>,
        %add3A_388 = arith.addf %gather3A, %gather3A_387 : vector<16xf32>
        %add3A_389 = arith.constant 2 : i32
        %add3A_390 = vector.broadcast %add3A_389 : i32 to vector<16xi32>
        %add3A_391 = arith.addi %mul3A_383, %add3A_390 : vector<16xi32>
        %gather3A_392 = tpu.vector_load_idx %arg11[%add3A_391] : memref<256xf32, #tpu.memory_space<vmem>>[vector<16xi32>], vector<16xf32>,
        %add3A_393 = arith.addf %add3A_388, %gather3A_392 : vector<16xf32>
        %add3A_394 = arith.constant 3 : i32
        %add3A_395 = vector.broadcast %add3A_394 : i32 to vector<16xi32>
        %add3A_396 = arith.addi %mul3A_383, %add3A_395 : vector<16xi32>
        %gather3A_397 = tpu.vector_load_idx %arg11[%add3A_396] : memref<256xf32, #tpu.memory_space<vmem>>[vector<16xi32>], vector<16xf32>,
        %add3A_398 = arith.addf %add3A_393, %gather3A_397 : vector<16xf32>
        %add3A_399 = arith.constant 4 : i32
        %add3A_400 = vector.broadcast %add3A_399 : i32 to vector<16xi32>
        %add3A_401 = arith.addi %mul3A_383, %add3A_400 : vector<16xi32>
        %gather3A_402 = tpu.vector_load_idx %arg11[%add3A_401] : memref<256xf32, #tpu.memory_space<vmem>>[vector<16xi32>], vector<16xf32>,
        %add3A_403 = arith.addf %add3A_398, %gather3A_402 : vector<16xf32>
        %add3A_404 = arith.constant 5 : i32
        %add3A_405 = vector.broadcast %add3A_404 : i32 to vector<16xi32>
        %add3A_406 = arith.addi %mul3A_383, %add3A_405 : vector<16xi32>
        %gather3A_407 = tpu.vector_load_idx %arg11[%add3A_406] : memref<256xf32, #tpu.memory_space<vmem>>[vector<16xi32>], vector<16xf32>,
        %add3A_408 = arith.addf %add3A_403, %gather3A_407 : vector<16xf32>
        %add3A_409 = arith.constant 6 : i32
        %add3A_410 = vector.broadcast %add3A_409 : i32 to vector<16xi32>
        %add3A_411 = arith.addi %mul3A_383, %add3A_410 : vector<16xi32>
        %gather3A_412 = tpu.vector_load_idx %arg11[%add3A_411] : memref<256xf32, #tpu.memory_space<vmem>>[vector<16xi32>], vector<16xf32>,
        %add3A_413 = arith.addf %add3A_408, %gather3A_412 : vector<16xf32>
        %add3A_414 = arith.constant 7 : i32
        %add3A_415 = vector.broadcast %add3A_414 : i32 to vector<16xi32>
        %add3A_416 = arith.addi %mul3A_383, %add3A_415 : vector<16xi32>
        %gather3A_417 = tpu.vector_load_idx %arg11[%add3A_416] : memref<256xf32, #tpu.memory_space<vmem>>[vector<16xi32>], vector<16xf32>,
        %add3A_418 = arith.addf %add3A_413, %gather3A_417 : vector<16xf32>
        %add3A_419 = arith.constant 8 : i32
        %add3A_420 = vector.broadcast %add3A_419 : i32 to vector<16xi32>
        %add3A_421 = arith.addi %mul3A_383, %add3A_420 : vector<16xi32>
        %gather3A_422 = tpu.vector_load_idx %arg11[%add3A_421] : memref<256xf32, #tpu.memory_space<vmem>>[vector<16xi32>], vector<16xf32>,
        %add3A_423 = arith.addf %add3A_418, %gather3A_422 : vector<16xf32>
        %add3A_424 = arith.constant 9 : i32
        %add3A_425 = vector.broadcast %add3A_424 : i32 to vector<16xi32>
        %add3A_426 = arith.addi %mul3A_383, %add3A_425 : vector<16xi32>
        %gather3A_427 = tpu.vector_load_idx %arg11[%add3A_426] : memref<256xf32, #tpu.memory_space<vmem>>[vector<16xi32>], vector<16xf32>,
        %add3A_428 = arith.addf %add3A_423, %gather3A_427 : vector<16xf32>
        %add3A_429 = arith.constant 10 : i32
        %add3A_430 = vector.broadcast %add3A_429 : i32 to vector<16xi32>
        %add3A_431 = arith.addi %mul3A_383, %add3A_430 : vector<16xi32>
        %gather3A_432 = tpu.vector_load_idx %arg11[%add3A_431] : memref<256xf32, #tpu.memory_space<vmem>>[vector<16xi32>], vector<16xf32>,
        %add3A_433 = arith.addf %add3A_428, %gather3A_432 : vector<16xf32>
        %add3A_434 = arith.constant 11 : i32
        %add3A_435 = vector.broadcast %add3A_434 : i32 to vector<16xi32>
        %add3A_436 = arith.addi %mul3A_383, %add3A_435 : vector<16xi32>
        %gather3A_437 = tpu.vector_load_idx %arg11[%add3A_436] : memref<256xf32, #tpu.memory_space<vmem>>[vector<16xi32>], vector<16xf32>,
        %add3A_438 = arith.addf %add3A_433, %gather3A_437 : vector<16xf32>
        %add3A_439 = arith.constant 12 : i32
        %add3A_440 = vector.broadcast %add3A_439 : i32 to vector<16xi32>
        %add3A_441 = arith.addi %mul3A_383, %add3A_440 : vector<16xi32>
        %gather3A_442 = tpu.vector_load_idx %arg11[%add3A_441] : memref<256xf32, #tpu.memory_space<vmem>>[vector<16xi32>], vector<16xf32>,
        %add3A_443 = arith.addf %add3A_438, %gather3A_442 : vector<16xf32>
        %add3A_444 = arith.constant 13 : i32
        %add3A_445 = vector.broadcast %add3A_444 : i32 to vector<16xi32>
        %add3A_446 = arith.addi %mul3A_383, %add3A_445 : vector<16xi32>
        %gather3A_447 = tpu.vector_load_idx %arg11[%add3A_446] : memref<256xf32, #tpu.memory_space<vmem>>[vector<16xi32>], vector<16xf32>,
        %add3A_448 = arith.addf %add3A_443, %gather3A_447 : vector<16xf32>
        %add3A_449 = arith.constant 14 : i32
        %add3A_450 = vector.broadcast %add3A_449 : i32 to vector<16xi32>
        %add3A_451 = arith.addi %mul3A_383, %add3A_450 : vector<16xi32>
        %gather3A_452 = tpu.vector_load_idx %arg11[%add3A_451] : memref<256xf32, #tpu.memory_space<vmem>>[vector<16xi32>], vector<16xf32>,
        %add3A_453 = arith.addf %add3A_448, %gather3A_452 : vector<16xf32>
        %add3A_454 = arith.constant 15 : i32
        %add3A_455 = vector.broadcast %add3A_454 : i32 to vector<16xi32>
        %add3A_456 = arith.addi %mul3A_383, %add3A_455 : vector<16xi32>
        %gather3A_457 = tpu.vector_load_idx %arg11[%add3A_456] : memref<256xf32, #tpu.memory_space<vmem>>[vector<16xi32>], vector<16xf32>,
        %add3A_458 = arith.addf %add3A_453, %gather3A_457 : vector<16xf32>
        %neg3A = arith.constant 0.000000e+00 : f32
        %neg3A_459 = vector.broadcast %neg3A : f32 to vector<16xf32>
        %neg3A_460 = arith.subf %neg3A_459, %add3A_458 : vector<16xf32>
        %exp3A = math.exp %neg3A_460 : vector<16xf32>
        %add3A_461 = arith.constant 1.000000e+00 : f32
        %add3A_462 = vector.broadcast %add3A_461 : f32 to vector<16xf32>
        %add3A_463 = arith.addf %add3A_462, %exp3A : vector<16xf32>
        %div3A = arith.constant 1.000000e+00 : f32
        %div3A_464 = vector.broadcast %div3A : f32 to vector<16xf32>
        %div3A_465 = arith.divf %div3A_464, %add3A_463 : vector<16xf32>
        %mul3A_466 = arith.constant 16 : i32
        %mul3A_467 = arith.muli %scan3A_374, %mul3A_466 : i32
        %swap3A = arith.constant 0 : i32
        %swap3A_468 = tpu.memref_slice %arg12[%scan3A_256, %swap3A] : memref<3x32xf32, #tpu.memory_space<vmem>> -> memref<1x32xf32, #tpu.memory_space<vmem>>
        %swap3A_469 = tpu.memref_squeeze %swap3A_468 : memref<1x32xf32, #tpu.memory_space<vmem>> -> memref<32xf32, #tpu.memory_space<vmem>>
        %swap3A_470 = arith.index_cast %mul3A_467 : i32 to index
        %swap3A_471 = tpu.vector_load %swap3A_469[%swap3A_470] {strides = array<i32>} : memref<32xf32, #tpu.memory_space<vmem>>, vector<16xf32>,
        tpu.vector_store %swap3A_469[%swap3A_470], %div3A_465 {strides = array<i32>} : memref<32xf32, #tpu.memory_space<vmem>>, vector<16xf32>,
      }
      %scan3A_261 = arith.constant 2 : i32
      %mul3A_262 = arith.constant 32 : i32
      %mul3A_263 = arith.muli %add3A_247, %mul3A_262 : i32
      %add3A_264 = arith.addi %mul3A_2, %mul3A_263 : i32
      %dma_start3A_265 = arith.constant 1 : i32
      %dma_start3A_266 = arith.constant 0 : i32
      %dma_start3A_267 = tpu.memref_slice %arg12[%dma_start3A_265, %dma_start3A_266] : memref<3x32xf32, #tpu.memory_space<vmem>> -> memref<1x32xf32, #tpu.memory_space<vmem>>
      %dma_start3A_268 = tpu.memref_squeeze %dma_start3A_267 : memref<1x32xf32, #tpu.memory_space<vmem>> -> memref<32xf32, #tpu.memory_space<vmem>>
      %dma_start3A_269 = tpu.memref_slice %arg6[%add3A_264] : memref<150528xf32, #tpu.memory_space<hbm>> -> memref<32xf32, #tpu.memory_space<hbm>>
      %dma_start3A_270 = tpu.memref_slice %arg6[%add3A_264] : memref<150528xf32, #tpu.memory_space<hbm>> -> memref<32xf32, #tpu.memory_space<hbm>>
      %dma_start3A_271 = arith.constant 0 : i32
      %dma_start3A_272 = tpu.memref_slice %arg12[%dma_start3A_265, %dma_start3A_271] : memref<3x32xf32, #tpu.memory_space<vmem>> -> memref<1x32xf32, #tpu.memory_space<vmem>>
      %dma_start3A_273 = tpu.memref_squeeze %dma_start3A_272 : memref<1x32xf32, #tpu.memory_space<vmem>> -> memref<32xf32, #tpu.memory_space<vmem>>
      tpu.enqueue_dma source(%dma_start3A_273 : memref<32xf32, #tpu.memory_space<vmem>>) target(%dma_start3A_270 : memref<32xf32, #tpu.memory_space<hbm>>) target_semaphore(%arg17 : memref<!tpu.dma_semaphore, #tpu.memory_space<semaphore_mem>>)
      %add3A_274 = arith.constant 1 : i32
      %add3A_275 = arith.addi %mul3A_155, %add3A_274 : i32
      %add3A_276 = arith.constant 3 : i32
      %add3A_277 = arith.addi %add3A_275, %add3A_276 : i32
      %min3A_278 = arith.constant 146 : i32
      %min3A_279 = arith.minsi %add3A_277, %min3A_278 : i32
      %mul3A_280 = arith.constant 32 : i32
      %mul3A_281 = arith.muli %min3A_279, %mul3A_280 : i32
      %dma_start3A_282 = arith.constant 1 : i32
      %dma_start3A_283 = arith.constant 0 : i32
      %dma_start3A_284 = arith.constant 0 : i32
      %dma_start3A_285 = tpu.memref_slice %arg9[%dma_start3A_282, %dma_start3A_283, %dma_start3A_284] : memref<3x32x512xf32, #tpu.memory_space<vmem>> -> memref<1x32x512xf32, #tpu.memory_space<vmem>>
      %dma_start3A_286 = tpu.memref_squeeze %dma_start3A_285 : memref<1x32x512xf32, #tpu.memory_space<vmem>> -> memref<32x512xf32, #tpu.memory_space<vmem>>
      %dma_start3A_287 = tpu.memref_slice %arg7[%mul3A_281] : memref<4704xi32, #tpu.memory_space<vmem>> -> memref<32xi32, #tpu.memory_space<vmem>>
      %dma_start3A_288 = arith.constant 0 : i32
      %dma_start3A_289 = arith.constant 0 : i32
      %dma_start3A_290 = tpu.memref_slice %arg2[%dma_start3A_288, %dma_start3A_289] : memref<10000x512xf32, #tpu.memory_space<hbm>> -> memref<10000x512xf32, #tpu.memory_space<hbm>>
      tpu.enqueue_indirect_dma source(%dma_start3A_290 : memref<10000x512xf32, #tpu.memory_space<hbm>>) target(%dma_start3A_286 : memref<32x512xf32, #tpu.memory_space<vmem>>) offsets(%dma_start3A_287 : memref<32xi32, #tpu.memory_space<vmem>>) semaphore(%arg14 : memref<!tpu.dma_semaphore, #tpu.memory_space<semaphore_mem>>)
      %dma_start3A_291 = arith.constant 1 : i32
      %dma_start3A_292 = arith.constant 0 : i32
      %dma_start3A_293 = arith.constant 0 : i32
      %dma_start3A_294 = tpu.memref_slice %arg10[%dma_start3A_291, %dma_start3A_292, %dma_start3A_293] : memref<3x32x512xf32, #tpu.memory_space<vmem>> -> memref<1x32x512xf32, #tpu.memory_space<vmem>>
      %dma_start3A_295 = tpu.memref_squeeze %dma_start3A_294 : memref<1x32x512xf32, #tpu.memory_space<vmem>> -> memref<32x512xf32, #tpu.memory_space<vmem>>
      %dma_start3A_296 = tpu.memref_slice %arg8[%mul3A_281] : memref<4704xi32, #tpu.memory_space<vmem>> -> memref<32xi32, #tpu.memory_space<vmem>>
      %dma_start3A_297 = arith.constant 0 : i32
      %dma_start3A_298 = arith.constant 0 : i32
      %dma_start3A_299 = tpu.memref_slice %arg3[%dma_start3A_297, %dma_start3A_298] : memref<50000x512xf32, #tpu.memory_space<hbm>> -> memref<50000x512xf32, #tpu.memory_space<hbm>>
      tpu.enqueue_indirect_dma source(%dma_start3A_299 : memref<50000x512xf32, #tpu.memory_space<hbm>>) target(%dma_start3A_295 : memref<32x512xf32, #tpu.memory_space<vmem>>) offsets(%dma_start3A_296 : memref<32xi32, #tpu.memory_space<vmem>>) semaphore(%arg14 : memref<!tpu.dma_semaphore, #tpu.memory_space<semaphore_mem>>)
      %dma_wait3A_300 = arith.constant 2 : i32
      %dma_wait3A_301 = arith.constant 0 : i32
      %dma_wait3A_302 = arith.constant 0 : i32
      %dma_wait3A_303 = tpu.memref_slice %arg9[%dma_wait3A_300, %dma_wait3A_301, %dma_wait3A_302] : memref<3x32x512xf32, #tpu.memory_space<vmem>> -> memref<1x32x512xf32, #tpu.memory_space<vmem>>
      %dma_wait3A_304 = tpu.memref_squeeze %dma_wait3A_303 : memref<1x32x512xf32, #tpu.memory_space<vmem>> -> memref<32x512xf32, #tpu.memory_space<vmem>>
      %dma_wait3A_305 = arith.constant 0 : i32
      %dma_wait3A_306 = tpu.memref_slice %arg7[%dma_wait3A_305] : memref<4704xi32, #tpu.memory_space<vmem>> -> memref<32xi32, #tpu.memory_space<vmem>>
      %dma_wait3A_307 = arith.constant 0 : i32
      %dma_wait3A_308 = arith.constant 0 : i32
      %dma_wait3A_309 = tpu.memref_slice %arg2[%dma_wait3A_307, %dma_wait3A_308] : memref<10000x512xf32, #tpu.memory_space<hbm>> -> memref<10000x512xf32, #tpu.memory_space<hbm>>
      tpu.wait_indirect_dma semaphore(%arg15 : memref<!tpu.dma_semaphore, #tpu.memory_space<semaphore_mem>>) src(%dma_wait3A_309 : memref<10000x512xf32, #tpu.memory_space<hbm>>) dst(%dma_wait3A_304 : memref<32x512xf32, #tpu.memory_space<vmem>>)
      %dma_wait3A_310 = arith.constant 2 : i32
      %dma_wait3A_311 = arith.constant 0 : i32
      %dma_wait3A_312 = arith.constant 0 : i32
      %dma_wait3A_313 = tpu.memref_slice %arg10[%dma_wait3A_310, %dma_wait3A_311, %dma_wait3A_312] : memref<3x32x512xf32, #tpu.memory_space<vmem>> -> memref<1x32x512xf32, #tpu.memory_space<vmem>>
      %dma_wait3A_314 = tpu.memref_squeeze %dma_wait3A_313 : memref<1x32x512xf32, #tpu.memory_space<vmem>> -> memref<32x512xf32, #tpu.memory_space<vmem>>
      %dma_wait3A_315 = arith.constant 0 : i32
      %dma_wait3A_316 = tpu.memref_slice %arg8[%dma_wait3A_315] : memref<4704xi32, #tpu.memory_space<vmem>> -> memref<32xi32, #tpu.memory_space<vmem>>
      %dma_wait3A_317 = arith.constant 0 : i32
      %dma_wait3A_318 = arith.constant 0 : i32
      %dma_wait3A_319 = tpu.memref_slice %arg3[%dma_wait3A_317, %dma_wait3A_318] : memref<50000x512xf32, #tpu.memory_space<hbm>> -> memref<50000x512xf32, #tpu.memory_space<hbm>>
      tpu.wait_indirect_dma semaphore(%arg15 : memref<!tpu.dma_semaphore, #tpu.memory_space<semaphore_mem>>) src(%dma_wait3A_319 : memref<50000x512xf32, #tpu.memory_space<hbm>>) dst(%dma_wait3A_314 : memref<32x512xf32, #tpu.memory_space<vmem>>)
      %add3A_320 = arith.constant 2 : i32
      %add3A_321 = arith.addi %mul3A_155, %add3A_320 : i32
      %gt3A_322 = arith.constant 0 : i32
      %gt3A_323 = arith.cmpi sgt, %scan3A_153, %gt3A_322 : i32
      %convert_element_type3A_324 = arith.extui %gt3A_323 : i1 to i32
      %cond3A_325 = arith.constant 0 : i32
      %cond3A_326 = arith.cmpi ne, %convert_element_type3A_324, %cond3A_325 : i32
      scf.if %cond3A_326 {
        %dma_wait3A_374 = arith.constant 2 : i32
        %dma_wait3A_375 = arith.constant 0 : i32
        %dma_wait3A_376 = tpu.memref_slice %arg12[%dma_wait3A_374, %dma_wait3A_375] : memref<3x32xf32, #tpu.memory_space<vmem>> -> memref<1x32xf32, #tpu.memory_space<vmem>>
        %dma_wait3A_377 = tpu.memref_squeeze %dma_wait3A_376 : memref<1x32xf32, #tpu.memory_space<vmem>> -> memref<32xf32, #tpu.memory_space<vmem>>
        %dma_wait3A_378 = tpu.memref_slice %arg6[%mul3A_2] : memref<150528xf32, #tpu.memory_space<hbm>> -> memref<32xf32, #tpu.memory_space<hbm>>
        %dma_wait3A_379 = tpu.memref_slice %arg6[%mul3A_2] : memref<150528xf32, #tpu.memory_space<hbm>> -> memref<32xf32, #tpu.memory_space<hbm>>
        %dma_wait3A_380 = arith.constant 0 : i32
        %dma_wait3A_381 = tpu.memref_slice %arg12[%dma_wait3A_374, %dma_wait3A_380] : memref<3x32xf32, #tpu.memory_space<vmem>> -> memref<1x32xf32, #tpu.memory_space<vmem>>
        %dma_wait3A_382 = tpu.memref_squeeze %dma_wait3A_381 : memref<1x32xf32, #tpu.memory_space<vmem>> -> memref<32xf32, #tpu.memory_space<vmem>>
        tpu.wait_dma2 semaphore(%arg18 : memref<!tpu.dma_semaphore, #tpu.memory_space<semaphore_mem>>) src(%dma_wait3A_382 : memref<32xf32, #tpu.memory_space<vmem>>) dst(%dma_wait3A_379 : memref<32xf32, #tpu.memory_space<hbm>>)
      } else {
      }
      %scan3A_327 = arith.constant 0 : i32
      %scan3A_328 = arith.constant 2 : i32
      %scan3A_329 = arith.constant 2 : i32
      %scan3A_330 = arith.constant 2 : i32
      %scan3A_331 = arith.constant 0 : i32
      %scan3A_332 = arith.constant 2 : i32
      %scan3A_333 = arith.addi %scan3A_331, %scan3A_332 : i32
      %scan3A_334 = arith.constant 1 : i32
      scf.for %scan3A_374 = %scan3A_331 to %scan3A_333 step %scan3A_334  : i32 {
        %scan3A_375 = arith.constant 0 : i32
        %scan3A_376 = arith.constant 0 : i32
        %scan3A_377 = arith.constant 16 : i32
        %scan3A_378 = arith.addi %scan3A_376, %scan3A_377 : i32
        %scan3A_379 = arith.constant 1 : i32
        scf.for %scan3A_472 = %scan3A_376 to %scan3A_378 step %scan3A_379  : i32 {
          %mul3A_473 = arith.constant 16 : i32
          %mul3A_474 = arith.muli %scan3A_374, %mul3A_473 : i32
          %add3A_475 = arith.addi %mul3A_474, %scan3A_472 : i32
          %get3A = arith.constant 0 : i32
          %get3A_476 = arith.constant 0 : i32
          %get3A_477 = tpu.memref_slice %arg9[%scan3A_328, %get3A, %get3A_476] : memref<3x32x512xf32, #tpu.memory_space<vmem>> -> memref<1x32x512xf32, #tpu.memory_space<vmem>>
          %get3A_478 = tpu.memref_squeeze %get3A_477 : memref<1x32x512xf32, #tpu.memory_space<vmem>> -> memref<32x512xf32, #tpu.memory_space<vmem>>
          %get3A_479 = arith.index_cast %add3A_475 : i32 to index
          %get3A_480 = arith.constant 0 : index
          %get3A_481 = tpu.vector_load %get3A_478[%get3A_479, %get3A_480] {strides = array<i32>} : memref<32x512xf32, #tpu.memory_space<vmem>>, vector<16xf32>,
          %get3A_482 = arith.constant 0 : i32
          %get3A_483 = arith.constant 0 : i32
          %get3A_484 = tpu.memref_slice %arg10[%scan3A_329, %get3A_482, %get3A_483] : memref<3x32x512xf32, #tpu.memory_space<vmem>> -> memref<1x32x512xf32, #tpu.memory_space<vmem>>
          %get3A_485 = tpu.memref_squeeze %get3A_484 : memref<1x32x512xf32, #tpu.memory_space<vmem>> -> memref<32x512xf32, #tpu.memory_space<vmem>>
          %get3A_486 = arith.index_cast %add3A_475 : i32 to index
          %get3A_487 = arith.constant 0 : index
          %get3A_488 = tpu.vector_load %get3A_485[%get3A_486, %get3A_487] {strides = array<i32>} : memref<32x512xf32, #tpu.memory_space<vmem>>, vector<16xf32>,
          %mul3A_489 = arith.mulf %get3A_481, %get3A_488 : vector<16xf32>
          %get3A_490 = arith.constant 0 : i32
          %get3A_491 = arith.constant 0 : i32
          %get3A_492 = tpu.memref_slice %arg9[%scan3A_328, %get3A_490, %get3A_491] : memref<3x32x512xf32, #tpu.memory_space<vmem>> -> memref<1x32x512xf32, #tpu.memory_space<vmem>>
          %get3A_493 = tpu.memref_squeeze %get3A_492 : memref<1x32x512xf32, #tpu.memory_space<vmem>> -> memref<32x512xf32, #tpu.memory_space<vmem>>
          %get3A_494 = arith.index_cast %add3A_475 : i32 to index
          %get3A_495 = arith.constant 16 : index
          %get3A_496 = tpu.vector_load %get3A_493[%get3A_494, %get3A_495] {strides = array<i32>} : memref<32x512xf32, #tpu.memory_space<vmem>>, vector<16xf32>,
          %get3A_497 = arith.constant 0 : i32
          %get3A_498 = arith.constant 0 : i32
          %get3A_499 = tpu.memref_slice %arg10[%scan3A_329, %get3A_497, %get3A_498] : memref<3x32x512xf32, #tpu.memory_space<vmem>> -> memref<1x32x512xf32, #tpu.memory_space<vmem>>
          %get3A_500 = tpu.memref_squeeze %get3A_499 : memref<1x32x512xf32, #tpu.memory_space<vmem>> -> memref<32x512xf32, #tpu.memory_space<vmem>>
          %get3A_501 = arith.index_cast %add3A_475 : i32 to index
          %get3A_502 = arith.constant 16 : index
          %get3A_503 = tpu.vector_load %get3A_500[%get3A_501, %get3A_502] {strides = array<i32>} : memref<32x512xf32, #tpu.memory_space<vmem>>, vector<16xf32>,
          %mul3A_504 = arith.mulf %get3A_496, %get3A_503 : vector<16xf32>
          %add3A_505 = arith.addf %mul3A_489, %mul3A_504 : vector<16xf32>
          %get3A_506 = arith.constant 0 : i32
          %get3A_507 = arith.constant 0 : i32
          %get3A_508 = tpu.memref_slice %arg9[%scan3A_328, %get3A_506, %get3A_507] : memref<3x32x512xf32, #tpu.memory_space<vmem>> -> memref<1x32x512xf32, #tpu.memory_space<vmem>>
          %get3A_509 = tpu.memref_squeeze %get3A_508 : memref<1x32x512xf32, #tpu.memory_space<vmem>> -> memref<32x512xf32, #tpu.memory_space<vmem>>
          %get3A_510 = arith.index_cast %add3A_475 : i32 to index
          %get3A_511 = arith.constant 32 : index
          %get3A_512 = tpu.vector_load %get3A_509[%get3A_510, %get3A_511] {strides = array<i32>} : memref<32x512xf32, #tpu.memory_space<vmem>>, vector<16xf32>,
          %get3A_513 = arith.constant 0 : i32
          %get3A_514 = arith.constant 0 : i32
          %get3A_515 = tpu.memref_slice %arg10[%scan3A_329, %get3A_513, %get3A_514] : memref<3x32x512xf32, #tpu.memory_space<vmem>> -> memref<1x32x512xf32, #tpu.memory_space<vmem>>
          %get3A_516 = tpu.memref_squeeze %get3A_515 : memref<1x32x512xf32, #tpu.memory_space<vmem>> -> memref<32x512xf32, #tpu.memory_space<vmem>>
          %get3A_517 = arith.index_cast %add3A_475 : i32 to index
          %get3A_518 = arith.constant 32 : index
          %get3A_519 = tpu.vector_load %get3A_516[%get3A_517, %get3A_518] {strides = array<i32>} : memref<32x512xf32, #tpu.memory_space<vmem>>, vector<16xf32>,
          %mul3A_520 = arith.mulf %get3A_512, %get3A_519 : vector<16xf32>
          %add3A_521 = arith.addf %add3A_505, %mul3A_520 : vector<16xf32>
          %get3A_522 = arith.constant 0 : i32
          %get3A_523 = arith.constant 0 : i32
          %get3A_524 = tpu.memref_slice %arg9[%scan3A_328, %get3A_522, %get3A_523] : memref<3x32x512xf32, #tpu.memory_space<vmem>> -> memref<1x32x512xf32, #tpu.memory_space<vmem>>
          %get3A_525 = tpu.memref_squeeze %get3A_524 : memref<1x32x512xf32, #tpu.memory_space<vmem>> -> memref<32x512xf32, #tpu.memory_space<vmem>>
          %get3A_526 = arith.index_cast %add3A_475 : i32 to index
          %get3A_527 = arith.constant 48 : index
          %get3A_528 = tpu.vector_load %get3A_525[%get3A_526, %get3A_527] {strides = array<i32>} : memref<32x512xf32, #tpu.memory_space<vmem>>, vector<16xf32>,
          %get3A_529 = arith.constant 0 : i32
          %get3A_530 = arith.constant 0 : i32
          %get3A_531 = tpu.memref_slice %arg10[%scan3A_329, %get3A_529, %get3A_530] : memref<3x32x512xf32, #tpu.memory_space<vmem>> -> memref<1x32x512xf32, #tpu.memory_space<vmem>>
          %get3A_532 = tpu.memref_squeeze %get3A_531 : memref<1x32x512xf32, #tpu.memory_space<vmem>> -> memref<32x512xf32, #tpu.memory_space<vmem>>
          %get3A_533 = arith.index_cast %add3A_475 : i32 to index
          %get3A_534 = arith.constant 48 : index
          %get3A_535 = tpu.vector_load %get3A_532[%get3A_533, %get3A_534] {strides = array<i32>} : memref<32x512xf32, #tpu.memory_space<vmem>>, vector<16xf32>,
          %mul3A_536 = arith.mulf %get3A_528, %get3A_535 : vector<16xf32>
          %add3A_537 = arith.addf %add3A_521, %mul3A_536 : vector<16xf32>
          %get3A_538 = arith.constant 0 : i32
          %get3A_539 = arith.constant 0 : i32
          %get3A_540 = tpu.memref_slice %arg9[%scan3A_328, %get3A_538, %get3A_539] : memref<3x32x512xf32, #tpu.memory_space<vmem>> -> memref<1x32x512xf32, #tpu.memory_space<vmem>>
          %get3A_541 = tpu.memref_squeeze %get3A_540 : memref<1x32x512xf32, #tpu.memory_space<vmem>> -> memref<32x512xf32, #tpu.memory_space<vmem>>
          %get3A_542 = arith.index_cast %add3A_475 : i32 to index
          %get3A_543 = arith.constant 64 : index
          %get3A_544 = tpu.vector_load %get3A_541[%get3A_542, %get3A_543] {strides = array<i32>} : memref<32x512xf32, #tpu.memory_space<vmem>>, vector<16xf32>,
          %get3A_545 = arith.constant 0 : i32
          %get3A_546 = arith.constant 0 : i32
          %get3A_547 = tpu.memref_slice %arg10[%scan3A_329, %get3A_545, %get3A_546] : memref<3x32x512xf32, #tpu.memory_space<vmem>> -> memref<1x32x512xf32, #tpu.memory_space<vmem>>
          %get3A_548 = tpu.memref_squeeze %get3A_547 : memref<1x32x512xf32, #tpu.memory_space<vmem>> -> memref<32x512xf32, #tpu.memory_space<vmem>>
          %get3A_549 = arith.index_cast %add3A_475 : i32 to index
          %get3A_550 = arith.constant 64 : index
          %get3A_551 = tpu.vector_load %get3A_548[%get3A_549, %get3A_550] {strides = array<i32>} : memref<32x512xf32, #tpu.memory_space<vmem>>, vector<16xf32>,
          %mul3A_552 = arith.mulf %get3A_544, %get3A_551 : vector<16xf32>
          %add3A_553 = arith.addf %add3A_537, %mul3A_552 : vector<16xf32>
          %get3A_554 = arith.constant 0 : i32
          %get3A_555 = arith.constant 0 : i32
          %get3A_556 = tpu.memref_slice %arg9[%scan3A_328, %get3A_554, %get3A_555] : memref<3x32x512xf32, #tpu.memory_space<vmem>> -> memref<1x32x512xf32, #tpu.memory_space<vmem>>
          %get3A_557 = tpu.memref_squeeze %get3A_556 : memref<1x32x512xf32, #tpu.memory_space<vmem>> -> memref<32x512xf32, #tpu.memory_space<vmem>>
          %get3A_558 = arith.index_cast %add3A_475 : i32 to index
          %get3A_559 = arith.constant 80 : index
          %get3A_560 = tpu.vector_load %get3A_557[%get3A_558, %get3A_559] {strides = array<i32>} : memref<32x512xf32, #tpu.memory_space<vmem>>, vector<16xf32>,
          %get3A_561 = arith.constant 0 : i32
          %get3A_562 = arith.constant 0 : i32
          %get3A_563 = tpu.memref_slice %arg10[%scan3A_329, %get3A_561, %get3A_562] : memref<3x32x512xf32, #tpu.memory_space<vmem>> -> memref<1x32x512xf32, #tpu.memory_space<vmem>>
          %get3A_564 = tpu.memref_squeeze %get3A_563 : memref<1x32x512xf32, #tpu.memory_space<vmem>> -> memref<32x512xf32, #tpu.memory_space<vmem>>
          %get3A_565 = arith.index_cast %add3A_475 : i32 to index
          %get3A_566 = arith.constant 80 : index
          %get3A_567 = tpu.vector_load %get3A_564[%get3A_565, %get3A_566] {strides = array<i32>} : memref<32x512xf32, #tpu.memory_space<vmem>>, vector<16xf32>,
          %mul3A_568 = arith.mulf %get3A_560, %get3A_567 : vector<16xf32>
          %add3A_569 = arith.addf %add3A_553, %mul3A_568 : vector<16xf32>
          %get3A_570 = arith.constant 0 : i32
          %get3A_571 = arith.constant 0 : i32
          %get3A_572 = tpu.memref_slice %arg9[%scan3A_328, %get3A_570, %get3A_571] : memref<3x32x512xf32, #tpu.memory_space<vmem>> -> memref<1x32x512xf32, #tpu.memory_space<vmem>>
          %get3A_573 = tpu.memref_squeeze %get3A_572 : memref<1x32x512xf32, #tpu.memory_space<vmem>> -> memref<32x512xf32, #tpu.memory_space<vmem>>
          %get3A_574 = arith.index_cast %add3A_475 : i32 to index
          %get3A_575 = arith.constant 96 : index
          %get3A_576 = tpu.vector_load %get3A_573[%get3A_574, %get3A_575] {strides = array<i32>} : memref<32x512xf32, #tpu.memory_space<vmem>>, vector<16xf32>,
          %get3A_577 = arith.constant 0 : i32
          %get3A_578 = arith.constant 0 : i32
          %get3A_579 = tpu.memref_slice %arg10[%scan3A_329, %get3A_577, %get3A_578] : memref<3x32x512xf32, #tpu.memory_space<vmem>> -> memref<1x32x512xf32, #tpu.memory_space<vmem>>
          %get3A_580 = tpu.memref_squeeze %get3A_579 : memref<1x32x512xf32, #tpu.memory_space<vmem>> -> memref<32x512xf32, #tpu.memory_space<vmem>>
          %get3A_581 = arith.index_cast %add3A_475 : i32 to index
          %get3A_582 = arith.constant 96 : index
          %get3A_583 = tpu.vector_load %get3A_580[%get3A_581, %get3A_582] {strides = array<i32>} : memref<32x512xf32, #tpu.memory_space<vmem>>, vector<16xf32>,
          %mul3A_584 = arith.mulf %get3A_576, %get3A_583 : vector<16xf32>
          %add3A_585 = arith.addf %add3A_569, %mul3A_584 : vector<16xf32>
          %get3A_586 = arith.constant 0 : i32
          %get3A_587 = arith.constant 0 : i32
          %get3A_588 = tpu.memref_slice %arg9[%scan3A_328, %get3A_586, %get3A_587] : memref<3x32x512xf32, #tpu.memory_space<vmem>> -> memref<1x32x512xf32, #tpu.memory_space<vmem>>
          %get3A_589 = tpu.memref_squeeze %get3A_588 : memref<1x32x512xf32, #tpu.memory_space<vmem>> -> memref<32x512xf32, #tpu.memory_space<vmem>>
          %get3A_590 = arith.index_cast %add3A_475 : i32 to index
          %get3A_591 = arith.constant 112 : index
          %get3A_592 = tpu.vector_load %get3A_589[%get3A_590, %get3A_591] {strides = array<i32>} : memref<32x512xf32, #tpu.memory_space<vmem>>, vector<16xf32>,
          %get3A_593 = arith.constant 0 : i32
          %get3A_594 = arith.constant 0 : i32
          %get3A_595 = tpu.memref_slice %arg10[%scan3A_329, %get3A_593, %get3A_594] : memref<3x32x512xf32, #tpu.memory_space<vmem>> -> memref<1x32x512xf32, #tpu.memory_space<vmem>>
          %get3A_596 = tpu.memref_squeeze %get3A_595 : memref<1x32x512xf32, #tpu.memory_space<vmem>> -> memref<32x512xf32, #tpu.memory_space<vmem>>
          %get3A_597 = arith.index_cast %add3A_475 : i32 to index
          %get3A_598 = arith.constant 112 : index
          %get3A_599 = tpu.vector_load %get3A_596[%get3A_597, %get3A_598] {strides = array<i32>} : memref<32x512xf32, #tpu.memory_space<vmem>>, vector<16xf32>,
          %mul3A_600 = arith.mulf %get3A_592, %get3A_599 : vector<16xf32>
          %add3A_601 = arith.addf %add3A_585, %mul3A_600 : vector<16xf32>
          %get3A_602 = arith.constant 0 : i32
          %get3A_603 = arith.constant 0 : i32
          %get3A_604 = tpu.memref_slice %arg9[%scan3A_328, %get3A_602, %get3A_603] : memref<3x32x512xf32, #tpu.memory_space<vmem>> -> memref<1x32x512xf32, #tpu.memory_space<vmem>>
          %get3A_605 = tpu.memref_squeeze %get3A_604 : memref<1x32x512xf32, #tpu.memory_space<vmem>> -> memref<32x512xf32, #tpu.memory_space<vmem>>
          %get3A_606 = arith.index_cast %add3A_475 : i32 to index
          %get3A_607 = arith.constant 128 : index
          %get3A_608 = tpu.vector_load %get3A_605[%get3A_606, %get3A_607] {strides = array<i32>} : memref<32x512xf32, #tpu.memory_space<vmem>>, vector<16xf32>,
          %get3A_609 = arith.constant 0 : i32
          %get3A_610 = arith.constant 0 : i32
          %get3A_611 = tpu.memref_slice %arg10[%scan3A_329, %get3A_609, %get3A_610] : memref<3x32x512xf32, #tpu.memory_space<vmem>> -> memref<1x32x512xf32, #tpu.memory_space<vmem>>
          %get3A_612 = tpu.memref_squeeze %get3A_611 : memref<1x32x512xf32, #tpu.memory_space<vmem>> -> memref<32x512xf32, #tpu.memory_space<vmem>>
          %get3A_613 = arith.index_cast %add3A_475 : i32 to index
          %get3A_614 = arith.constant 128 : index
          %get3A_615 = tpu.vector_load %get3A_612[%get3A_613, %get3A_614] {strides = array<i32>} : memref<32x512xf32, #tpu.memory_space<vmem>>, vector<16xf32>,
          %mul3A_616 = arith.mulf %get3A_608, %get3A_615 : vector<16xf32>
          %add3A_617 = arith.addf %add3A_601, %mul3A_616 : vector<16xf32>
          %get3A_618 = arith.constant 0 : i32
          %get3A_619 = arith.constant 0 : i32
          %get3A_620 = tpu.memref_slice %arg9[%scan3A_328, %get3A_618, %get3A_619] : memref<3x32x512xf32, #tpu.memory_space<vmem>> -> memref<1x32x512xf32, #tpu.memory_space<vmem>>
          %get3A_621 = tpu.memref_squeeze %get3A_620 : memref<1x32x512xf32, #tpu.memory_space<vmem>> -> memref<32x512xf32, #tpu.memory_space<vmem>>
          %get3A_622 = arith.index_cast %add3A_475 : i32 to index
          %get3A_623 = arith.constant 144 : index
          %get3A_624 = tpu.vector_load %get3A_621[%get3A_622, %get3A_623] {strides = array<i32>} : memref<32x512xf32, #tpu.memory_space<vmem>>, vector<16xf32>,
          %get3A_625 = arith.constant 0 : i32
          %get3A_626 = arith.constant 0 : i32
          %get3A_627 = tpu.memref_slice %arg10[%scan3A_329, %get3A_625, %get3A_626] : memref<3x32x512xf32, #tpu.memory_space<vmem>> -> memref<1x32x512xf32, #tpu.memory_space<vmem>>
          %get3A_628 = tpu.memref_squeeze %get3A_627 : memref<1x32x512xf32, #tpu.memory_space<vmem>> -> memref<32x512xf32, #tpu.memory_space<vmem>>
          %get3A_629 = arith.index_cast %add3A_475 : i32 to index
          %get3A_630 = arith.constant 144 : index
          %get3A_631 = tpu.vector_load %get3A_628[%get3A_629, %get3A_630] {strides = array<i32>} : memref<32x512xf32, #tpu.memory_space<vmem>>, vector<16xf32>,
          %mul3A_632 = arith.mulf %get3A_624, %get3A_631 : vector<16xf32>
          %add3A_633 = arith.addf %add3A_617, %mul3A_632 : vector<16xf32>
          %get3A_634 = arith.constant 0 : i32
          %get3A_635 = arith.constant 0 : i32
          %get3A_636 = tpu.memref_slice %arg9[%scan3A_328, %get3A_634, %get3A_635] : memref<3x32x512xf32, #tpu.memory_space<vmem>> -> memref<1x32x512xf32, #tpu.memory_space<vmem>>
          %get3A_637 = tpu.memref_squeeze %get3A_636 : memref<1x32x512xf32, #tpu.memory_space<vmem>> -> memref<32x512xf32, #tpu.memory_space<vmem>>
          %get3A_638 = arith.index_cast %add3A_475 : i32 to index
          %get3A_639 = arith.constant 160 : index
          %get3A_640 = tpu.vector_load %get3A_637[%get3A_638, %get3A_639] {strides = array<i32>} : memref<32x512xf32, #tpu.memory_space<vmem>>, vector<16xf32>,
          %get3A_641 = arith.constant 0 : i32
          %get3A_642 = arith.constant 0 : i32
          %get3A_643 = tpu.memref_slice %arg10[%scan3A_329, %get3A_641, %get3A_642] : memref<3x32x512xf32, #tpu.memory_space<vmem>> -> memref<1x32x512xf32, #tpu.memory_space<vmem>>
          %get3A_644 = tpu.memref_squeeze %get3A_643 : memref<1x32x512xf32, #tpu.memory_space<vmem>> -> memref<32x512xf32, #tpu.memory_space<vmem>>
          %get3A_645 = arith.index_cast %add3A_475 : i32 to index
          %get3A_646 = arith.constant 160 : index
          %get3A_647 = tpu.vector_load %get3A_644[%get3A_645, %get3A_646] {strides = array<i32>} : memref<32x512xf32, #tpu.memory_space<vmem>>, vector<16xf32>,
          %mul3A_648 = arith.mulf %get3A_640, %get3A_647 : vector<16xf32>
          %add3A_649 = arith.addf %add3A_633, %mul3A_648 : vector<16xf32>
          %get3A_650 = arith.constant 0 : i32
          %get3A_651 = arith.constant 0 : i32
          %get3A_652 = tpu.memref_slice %arg9[%scan3A_328, %get3A_650, %get3A_651] : memref<3x32x512xf32, #tpu.memory_space<vmem>> -> memref<1x32x512xf32, #tpu.memory_space<vmem>>
          %get3A_653 = tpu.memref_squeeze %get3A_652 : memref<1x32x512xf32, #tpu.memory_space<vmem>> -> memref<32x512xf32, #tpu.memory_space<vmem>>
          %get3A_654 = arith.index_cast %add3A_475 : i32 to index
          %get3A_655 = arith.constant 176 : index
          %get3A_656 = tpu.vector_load %get3A_653[%get3A_654, %get3A_655] {strides = array<i32>} : memref<32x512xf32, #tpu.memory_space<vmem>>, vector<16xf32>,
          %get3A_657 = arith.constant 0 : i32
          %get3A_658 = arith.constant 0 : i32
          %get3A_659 = tpu.memref_slice %arg10[%scan3A_329, %get3A_657, %get3A_658] : memref<3x32x512xf32, #tpu.memory_space<vmem>> -> memref<1x32x512xf32, #tpu.memory_space<vmem>>
          %get3A_660 = tpu.memref_squeeze %get3A_659 : memref<1x32x512xf32, #tpu.memory_space<vmem>> -> memref<32x512xf32, #tpu.memory_space<vmem>>
          %get3A_661 = arith.index_cast %add3A_475 : i32 to index
          %get3A_662 = arith.constant 176 : index
          %get3A_663 = tpu.vector_load %get3A_660[%get3A_661, %get3A_662] {strides = array<i32>} : memref<32x512xf32, #tpu.memory_space<vmem>>, vector<16xf32>,
          %mul3A_664 = arith.mulf %get3A_656, %get3A_663 : vector<16xf32>
          %add3A_665 = arith.addf %add3A_649, %mul3A_664 : vector<16xf32>
          %get3A_666 = arith.constant 0 : i32
          %get3A_667 = arith.constant 0 : i32
          %get3A_668 = tpu.memref_slice %arg9[%scan3A_328, %get3A_666, %get3A_667] : memref<3x32x512xf32, #tpu.memory_space<vmem>> -> memref<1x32x512xf32, #tpu.memory_space<vmem>>
          %get3A_669 = tpu.memref_squeeze %get3A_668 : memref<1x32x512xf32, #tpu.memory_space<vmem>> -> memref<32x512xf32, #tpu.memory_space<vmem>>
          %get3A_670 = arith.index_cast %add3A_475 : i32 to index
          %get3A_671 = arith.constant 192 : index
          %get3A_672 = tpu.vector_load %get3A_669[%get3A_670, %get3A_671] {strides = array<i32>} : memref<32x512xf32, #tpu.memory_space<vmem>>, vector<16xf32>,
          %get3A_673 = arith.constant 0 : i32
          %get3A_674 = arith.constant 0 : i32
          %get3A_675 = tpu.memref_slice %arg10[%scan3A_329, %get3A_673, %get3A_674] : memref<3x32x512xf32, #tpu.memory_space<vmem>> -> memref<1x32x512xf32, #tpu.memory_space<vmem>>
          %get3A_676 = tpu.memref_squeeze %get3A_675 : memref<1x32x512xf32, #tpu.memory_space<vmem>> -> memref<32x512xf32, #tpu.memory_space<vmem>>
          %get3A_677 = arith.index_cast %add3A_475 : i32 to index
          %get3A_678 = arith.constant 192 : index
          %get3A_679 = tpu.vector_load %get3A_676[%get3A_677, %get3A_678] {strides = array<i32>} : memref<32x512xf32, #tpu.memory_space<vmem>>, vector<16xf32>,
          %mul3A_680 = arith.mulf %get3A_672, %get3A_679 : vector<16xf32>
          %add3A_681 = arith.addf %add3A_665, %mul3A_680 : vector<16xf32>
          %get3A_682 = arith.constant 0 : i32
          %get3A_683 = arith.constant 0 : i32
          %get3A_684 = tpu.memref_slice %arg9[%scan3A_328, %get3A_682, %get3A_683] : memref<3x32x512xf32, #tpu.memory_space<vmem>> -> memref<1x32x512xf32, #tpu.memory_space<vmem>>
          %get3A_685 = tpu.memref_squeeze %get3A_684 : memref<1x32x512xf32, #tpu.memory_space<vmem>> -> memref<32x512xf32, #tpu.memory_space<vmem>>
          %get3A_686 = arith.index_cast %add3A_475 : i32 to index
          %get3A_687 = arith.constant 208 : index
          %get3A_688 = tpu.vector_load %get3A_685[%get3A_686, %get3A_687] {strides = array<i32>} : memref<32x512xf32, #tpu.memory_space<vmem>>, vector<16xf32>,
          %get3A_689 = arith.constant 0 : i32
          %get3A_690 = arith.constant 0 : i32
          %get3A_691 = tpu.memref_slice %arg10[%scan3A_329, %get3A_689, %get3A_690] : memref<3x32x512xf32, #tpu.memory_space<vmem>> -> memref<1x32x512xf32, #tpu.memory_space<vmem>>
          %get3A_692 = tpu.memref_squeeze %get3A_691 : memref<1x32x512xf32, #tpu.memory_space<vmem>> -> memref<32x512xf32, #tpu.memory_space<vmem>>
          %get3A_693 = arith.index_cast %add3A_475 : i32 to index
          %get3A_694 = arith.constant 208 : index
          %get3A_695 = tpu.vector_load %get3A_692[%get3A_693, %get3A_694] {strides = array<i32>} : memref<32x512xf32, #tpu.memory_space<vmem>>, vector<16xf32>,
          %mul3A_696 = arith.mulf %get3A_688, %get3A_695 : vector<16xf32>
          %add3A_697 = arith.addf %add3A_681, %mul3A_696 : vector<16xf32>
          %get3A_698 = arith.constant 0 : i32
          %get3A_699 = arith.constant 0 : i32
          %get3A_700 = tpu.memref_slice %arg9[%scan3A_328, %get3A_698, %get3A_699] : memref<3x32x512xf32, #tpu.memory_space<vmem>> -> memref<1x32x512xf32, #tpu.memory_space<vmem>>
          %get3A_701 = tpu.memref_squeeze %get3A_700 : memref<1x32x512xf32, #tpu.memory_space<vmem>> -> memref<32x512xf32, #tpu.memory_space<vmem>>
          %get3A_702 = arith.index_cast %add3A_475 : i32 to index
          %get3A_703 = arith.constant 224 : index
          %get3A_704 = tpu.vector_load %get3A_701[%get3A_702, %get3A_703] {strides = array<i32>} : memref<32x512xf32, #tpu.memory_space<vmem>>, vector<16xf32>,
          %get3A_705 = arith.constant 0 : i32
          %get3A_706 = arith.constant 0 : i32
          %get3A_707 = tpu.memref_slice %arg10[%scan3A_329, %get3A_705, %get3A_706] : memref<3x32x512xf32, #tpu.memory_space<vmem>> -> memref<1x32x512xf32, #tpu.memory_space<vmem>>
          %get3A_708 = tpu.memref_squeeze %get3A_707 : memref<1x32x512xf32, #tpu.memory_space<vmem>> -> memref<32x512xf32, #tpu.memory_space<vmem>>
          %get3A_709 = arith.index_cast %add3A_475 : i32 to index
          %get3A_710 = arith.constant 224 : index
          %get3A_711 = tpu.vector_load %get3A_708[%get3A_709, %get3A_710] {strides = array<i32>} : memref<32x512xf32, #tpu.memory_space<vmem>>, vector<16xf32>,
          %mul3A_712 = arith.mulf %get3A_704, %get3A_711 : vector<16xf32>
          %add3A_713 = arith.addf %add3A_697, %mul3A_712 : vector<16xf32>
          %get3A_714 = arith.constant 0 : i32
          %get3A_715 = arith.constant 0 : i32
          %get3A_716 = tpu.memref_slice %arg9[%scan3A_328, %get3A_714, %get3A_715] : memref<3x32x512xf32, #tpu.memory_space<vmem>> -> memref<1x32x512xf32, #tpu.memory_space<vmem>>
          %get3A_717 = tpu.memref_squeeze %get3A_716 : memref<1x32x512xf32, #tpu.memory_space<vmem>> -> memref<32x512xf32, #tpu.memory_space<vmem>>
          %get3A_718 = arith.index_cast %add3A_475 : i32 to index
          %get3A_719 = arith.constant 240 : index
          %get3A_720 = tpu.vector_load %get3A_717[%get3A_718, %get3A_719] {strides = array<i32>} : memref<32x512xf32, #tpu.memory_space<vmem>>, vector<16xf32>,
          %get3A_721 = arith.constant 0 : i32
          %get3A_722 = arith.constant 0 : i32
          %get3A_723 = tpu.memref_slice %arg10[%scan3A_329, %get3A_721, %get3A_722] : memref<3x32x512xf32, #tpu.memory_space<vmem>> -> memref<1x32x512xf32, #tpu.memory_space<vmem>>
          %get3A_724 = tpu.memref_squeeze %get3A_723 : memref<1x32x512xf32, #tpu.memory_space<vmem>> -> memref<32x512xf32, #tpu.memory_space<vmem>>
          %get3A_725 = arith.index_cast %add3A_475 : i32 to index
          %get3A_726 = arith.constant 240 : index
          %get3A_727 = tpu.vector_load %get3A_724[%get3A_725, %get3A_726] {strides = array<i32>} : memref<32x512xf32, #tpu.memory_space<vmem>>, vector<16xf32>,
          %mul3A_728 = arith.mulf %get3A_720, %get3A_727 : vector<16xf32>
          %add3A_729 = arith.addf %add3A_713, %mul3A_728 : vector<16xf32>
          %get3A_730 = arith.constant 0 : i32
          %get3A_731 = arith.constant 0 : i32
          %get3A_732 = tpu.memref_slice %arg9[%scan3A_328, %get3A_730, %get3A_731] : memref<3x32x512xf32, #tpu.memory_space<vmem>> -> memref<1x32x512xf32, #tpu.memory_space<vmem>>
          %get3A_733 = tpu.memref_squeeze %get3A_732 : memref<1x32x512xf32, #tpu.memory_space<vmem>> -> memref<32x512xf32, #tpu.memory_space<vmem>>
          %get3A_734 = arith.index_cast %add3A_475 : i32 to index
          %get3A_735 = arith.constant 256 : index
          %get3A_736 = tpu.vector_load %get3A_733[%get3A_734, %get3A_735] {strides = array<i32>} : memref<32x512xf32, #tpu.memory_space<vmem>>, vector<16xf32>,
          %get3A_737 = arith.constant 0 : i32
          %get3A_738 = arith.constant 0 : i32
          %get3A_739 = tpu.memref_slice %arg10[%scan3A_329, %get3A_737, %get3A_738] : memref<3x32x512xf32, #tpu.memory_space<vmem>> -> memref<1x32x512xf32, #tpu.memory_space<vmem>>
          %get3A_740 = tpu.memref_squeeze %get3A_739 : memref<1x32x512xf32, #tpu.memory_space<vmem>> -> memref<32x512xf32, #tpu.memory_space<vmem>>
          %get3A_741 = arith.index_cast %add3A_475 : i32 to index
          %get3A_742 = arith.constant 256 : index
          %get3A_743 = tpu.vector_load %get3A_740[%get3A_741, %get3A_742] {strides = array<i32>} : memref<32x512xf32, #tpu.memory_space<vmem>>, vector<16xf32>,
          %mul3A_744 = arith.mulf %get3A_736, %get3A_743 : vector<16xf32>
          %add3A_745 = arith.addf %add3A_729, %mul3A_744 : vector<16xf32>
          %get3A_746 = arith.constant 0 : i32
          %get3A_747 = arith.constant 0 : i32
          %get3A_748 = tpu.memref_slice %arg9[%scan3A_328, %get3A_746, %get3A_747] : memref<3x32x512xf32, #tpu.memory_space<vmem>> -> memref<1x32x512xf32, #tpu.memory_space<vmem>>
          %get3A_749 = tpu.memref_squeeze %get3A_748 : memref<1x32x512xf32, #tpu.memory_space<vmem>> -> memref<32x512xf32, #tpu.memory_space<vmem>>
          %get3A_750 = arith.index_cast %add3A_475 : i32 to index
          %get3A_751 = arith.constant 272 : index
          %get3A_752 = tpu.vector_load %get3A_749[%get3A_750, %get3A_751] {strides = array<i32>} : memref<32x512xf32, #tpu.memory_space<vmem>>, vector<16xf32>,
          %get3A_753 = arith.constant 0 : i32
          %get3A_754 = arith.constant 0 : i32
          %get3A_755 = tpu.memref_slice %arg10[%scan3A_329, %get3A_753, %get3A_754] : memref<3x32x512xf32, #tpu.memory_space<vmem>> -> memref<1x32x512xf32, #tpu.memory_space<vmem>>
          %get3A_756 = tpu.memref_squeeze %get3A_755 : memref<1x32x512xf32, #tpu.memory_space<vmem>> -> memref<32x512xf32, #tpu.memory_space<vmem>>
          %get3A_757 = arith.index_cast %add3A_475 : i32 to index
          %get3A_758 = arith.constant 272 : index
          %get3A_759 = tpu.vector_load %get3A_756[%get3A_757, %get3A_758] {strides = array<i32>} : memref<32x512xf32, #tpu.memory_space<vmem>>, vector<16xf32>,
          %mul3A_760 = arith.mulf %get3A_752, %get3A_759 : vector<16xf32>
          %add3A_761 = arith.addf %add3A_745, %mul3A_760 : vector<16xf32>
          %get3A_762 = arith.constant 0 : i32
          %get3A_763 = arith.constant 0 : i32
          %get3A_764 = tpu.memref_slice %arg9[%scan3A_328, %get3A_762, %get3A_763] : memref<3x32x512xf32, #tpu.memory_space<vmem>> -> memref<1x32x512xf32, #tpu.memory_space<vmem>>
          %get3A_765 = tpu.memref_squeeze %get3A_764 : memref<1x32x512xf32, #tpu.memory_space<vmem>> -> memref<32x512xf32, #tpu.memory_space<vmem>>
          %get3A_766 = arith.index_cast %add3A_475 : i32 to index
          %get3A_767 = arith.constant 288 : index
          %get3A_768 = tpu.vector_load %get3A_765[%get3A_766, %get3A_767] {strides = array<i32>} : memref<32x512xf32, #tpu.memory_space<vmem>>, vector<16xf32>,
          %get3A_769 = arith.constant 0 : i32
          %get3A_770 = arith.constant 0 : i32
          %get3A_771 = tpu.memref_slice %arg10[%scan3A_329, %get3A_769, %get3A_770] : memref<3x32x512xf32, #tpu.memory_space<vmem>> -> memref<1x32x512xf32, #tpu.memory_space<vmem>>
          %get3A_772 = tpu.memref_squeeze %get3A_771 : memref<1x32x512xf32, #tpu.memory_space<vmem>> -> memref<32x512xf32, #tpu.memory_space<vmem>>
          %get3A_773 = arith.index_cast %add3A_475 : i32 to index
          %get3A_774 = arith.constant 288 : index
          %get3A_775 = tpu.vector_load %get3A_772[%get3A_773, %get3A_774] {strides = array<i32>} : memref<32x512xf32, #tpu.memory_space<vmem>>, vector<16xf32>,
          %mul3A_776 = arith.mulf %get3A_768, %get3A_775 : vector<16xf32>
          %add3A_777 = arith.addf %add3A_761, %mul3A_776 : vector<16xf32>
          %get3A_778 = arith.constant 0 : i32
          %get3A_779 = arith.constant 0 : i32
          %get3A_780 = tpu.memref_slice %arg9[%scan3A_328, %get3A_778, %get3A_779] : memref<3x32x512xf32, #tpu.memory_space<vmem>> -> memref<1x32x512xf32, #tpu.memory_space<vmem>>
          %get3A_781 = tpu.memref_squeeze %get3A_780 : memref<1x32x512xf32, #tpu.memory_space<vmem>> -> memref<32x512xf32, #tpu.memory_space<vmem>>
          %get3A_782 = arith.index_cast %add3A_475 : i32 to index
          %get3A_783 = arith.constant 304 : index
          %get3A_784 = tpu.vector_load %get3A_781[%get3A_782, %get3A_783] {strides = array<i32>} : memref<32x512xf32, #tpu.memory_space<vmem>>, vector<16xf32>,
          %get3A_785 = arith.constant 0 : i32
          %get3A_786 = arith.constant 0 : i32
          %get3A_787 = tpu.memref_slice %arg10[%scan3A_329, %get3A_785, %get3A_786] : memref<3x32x512xf32, #tpu.memory_space<vmem>> -> memref<1x32x512xf32, #tpu.memory_space<vmem>>
          %get3A_788 = tpu.memref_squeeze %get3A_787 : memref<1x32x512xf32, #tpu.memory_space<vmem>> -> memref<32x512xf32, #tpu.memory_space<vmem>>
          %get3A_789 = arith.index_cast %add3A_475 : i32 to index
          %get3A_790 = arith.constant 304 : index
          %get3A_791 = tpu.vector_load %get3A_788[%get3A_789, %get3A_790] {strides = array<i32>} : memref<32x512xf32, #tpu.memory_space<vmem>>, vector<16xf32>,
          %mul3A_792 = arith.mulf %get3A_784, %get3A_791 : vector<16xf32>
          %add3A_793 = arith.addf %add3A_777, %mul3A_792 : vector<16xf32>
          %get3A_794 = arith.constant 0 : i32
          %get3A_795 = arith.constant 0 : i32
          %get3A_796 = tpu.memref_slice %arg9[%scan3A_328, %get3A_794, %get3A_795] : memref<3x32x512xf32, #tpu.memory_space<vmem>> -> memref<1x32x512xf32, #tpu.memory_space<vmem>>
          %get3A_797 = tpu.memref_squeeze %get3A_796 : memref<1x32x512xf32, #tpu.memory_space<vmem>> -> memref<32x512xf32, #tpu.memory_space<vmem>>
          %get3A_798 = arith.index_cast %add3A_475 : i32 to index
          %get3A_799 = arith.constant 320 : index
          %get3A_800 = tpu.vector_load %get3A_797[%get3A_798, %get3A_799] {strides = array<i32>} : memref<32x512xf32, #tpu.memory_space<vmem>>, vector<16xf32>,
          %get3A_801 = arith.constant 0 : i32
          %get3A_802 = arith.constant 0 : i32
          %get3A_803 = tpu.memref_slice %arg10[%scan3A_329, %get3A_801, %get3A_802] : memref<3x32x512xf32, #tpu.memory_space<vmem>> -> memref<1x32x512xf32, #tpu.memory_space<vmem>>
          %get3A_804 = tpu.memref_squeeze %get3A_803 : memref<1x32x512xf32, #tpu.memory_space<vmem>> -> memref<32x512xf32, #tpu.memory_space<vmem>>
          %get3A_805 = arith.index_cast %add3A_475 : i32 to index
          %get3A_806 = arith.constant 320 : index
          %get3A_807 = tpu.vector_load %get3A_804[%get3A_805, %get3A_806] {strides = array<i32>} : memref<32x512xf32, #tpu.memory_space<vmem>>, vector<16xf32>,
          %mul3A_808 = arith.mulf %get3A_800, %get3A_807 : vector<16xf32>
          %add3A_809 = arith.addf %add3A_793, %mul3A_808 : vector<16xf32>
          %get3A_810 = arith.constant 0 : i32
          %get3A_811 = arith.constant 0 : i32
          %get3A_812 = tpu.memref_slice %arg9[%scan3A_328, %get3A_810, %get3A_811] : memref<3x32x512xf32, #tpu.memory_space<vmem>> -> memref<1x32x512xf32, #tpu.memory_space<vmem>>
          %get3A_813 = tpu.memref_squeeze %get3A_812 : memref<1x32x512xf32, #tpu.memory_space<vmem>> -> memref<32x512xf32, #tpu.memory_space<vmem>>
          %get3A_814 = arith.index_cast %add3A_475 : i32 to index
          %get3A_815 = arith.constant 336 : index
          %get3A_816 = tpu.vector_load %get3A_813[%get3A_814, %get3A_815] {strides = array<i32>} : memref<32x512xf32, #tpu.memory_space<vmem>>, vector<16xf32>,
          %get3A_817 = arith.constant 0 : i32
          %get3A_818 = arith.constant 0 : i32
          %get3A_819 = tpu.memref_slice %arg10[%scan3A_329, %get3A_817, %get3A_818] : memref<3x32x512xf32, #tpu.memory_space<vmem>> -> memref<1x32x512xf32, #tpu.memory_space<vmem>>
          %get3A_820 = tpu.memref_squeeze %get3A_819 : memref<1x32x512xf32, #tpu.memory_space<vmem>> -> memref<32x512xf32, #tpu.memory_space<vmem>>
          %get3A_821 = arith.index_cast %add3A_475 : i32 to index
          %get3A_822 = arith.constant 336 : index
          %get3A_823 = tpu.vector_load %get3A_820[%get3A_821, %get3A_822] {strides = array<i32>} : memref<32x512xf32, #tpu.memory_space<vmem>>, vector<16xf32>,
          %mul3A_824 = arith.mulf %get3A_816, %get3A_823 : vector<16xf32>
          %add3A_825 = arith.addf %add3A_809, %mul3A_824 : vector<16xf32>
          %get3A_826 = arith.constant 0 : i32
          %get3A_827 = arith.constant 0 : i32
          %get3A_828 = tpu.memref_slice %arg9[%scan3A_328, %get3A_826, %get3A_827] : memref<3x32x512xf32, #tpu.memory_space<vmem>> -> memref<1x32x512xf32, #tpu.memory_space<vmem>>
          %get3A_829 = tpu.memref_squeeze %get3A_828 : memref<1x32x512xf32, #tpu.memory_space<vmem>> -> memref<32x512xf32, #tpu.memory_space<vmem>>
          %get3A_830 = arith.index_cast %add3A_475 : i32 to index
          %get3A_831 = arith.constant 352 : index
          %get3A_832 = tpu.vector_load %get3A_829[%get3A_830, %get3A_831] {strides = array<i32>} : memref<32x512xf32, #tpu.memory_space<vmem>>, vector<16xf32>,
          %get3A_833 = arith.constant 0 : i32
          %get3A_834 = arith.constant 0 : i32
          %get3A_835 = tpu.memref_slice %arg10[%scan3A_329, %get3A_833, %get3A_834] : memref<3x32x512xf32, #tpu.memory_space<vmem>> -> memref<1x32x512xf32, #tpu.memory_space<vmem>>
          %get3A_836 = tpu.memref_squeeze %get3A_835 : memref<1x32x512xf32, #tpu.memory_space<vmem>> -> memref<32x512xf32, #tpu.memory_space<vmem>>
          %get3A_837 = arith.index_cast %add3A_475 : i32 to index
          %get3A_838 = arith.constant 352 : index
          %get3A_839 = tpu.vector_load %get3A_836[%get3A_837, %get3A_838] {strides = array<i32>} : memref<32x512xf32, #tpu.memory_space<vmem>>, vector<16xf32>,
          %mul3A_840 = arith.mulf %get3A_832, %get3A_839 : vector<16xf32>
          %add3A_841 = arith.addf %add3A_825, %mul3A_840 : vector<16xf32>
          %get3A_842 = arith.constant 0 : i32
          %get3A_843 = arith.constant 0 : i32
          %get3A_844 = tpu.memref_slice %arg9[%scan3A_328, %get3A_842, %get3A_843] : memref<3x32x512xf32, #tpu.memory_space<vmem>> -> memref<1x32x512xf32, #tpu.memory_space<vmem>>
          %get3A_845 = tpu.memref_squeeze %get3A_844 : memref<1x32x512xf32, #tpu.memory_space<vmem>> -> memref<32x512xf32, #tpu.memory_space<vmem>>
          %get3A_846 = arith.index_cast %add3A_475 : i32 to index
          %get3A_847 = arith.constant 368 : index
          %get3A_848 = tpu.vector_load %get3A_845[%get3A_846, %get3A_847] {strides = array<i32>} : memref<32x512xf32, #tpu.memory_space<vmem>>, vector<16xf32>,
          %get3A_849 = arith.constant 0 : i32
          %get3A_850 = arith.constant 0 : i32
          %get3A_851 = tpu.memref_slice %arg10[%scan3A_329, %get3A_849, %get3A_850] : memref<3x32x512xf32, #tpu.memory_space<vmem>> -> memref<1x32x512xf32, #tpu.memory_space<vmem>>
          %get3A_852 = tpu.memref_squeeze %get3A_851 : memref<1x32x512xf32, #tpu.memory_space<vmem>> -> memref<32x512xf32, #tpu.memory_space<vmem>>
          %get3A_853 = arith.index_cast %add3A_475 : i32 to index
          %get3A_854 = arith.constant 368 : index
          %get3A_855 = tpu.vector_load %get3A_852[%get3A_853, %get3A_854] {strides = array<i32>} : memref<32x512xf32, #tpu.memory_space<vmem>>, vector<16xf32>,
          %mul3A_856 = arith.mulf %get3A_848, %get3A_855 : vector<16xf32>
          %add3A_857 = arith.addf %add3A_841, %mul3A_856 : vector<16xf32>
          %get3A_858 = arith.constant 0 : i32
          %get3A_859 = arith.constant 0 : i32
          %get3A_860 = tpu.memref_slice %arg9[%scan3A_328, %get3A_858, %get3A_859] : memref<3x32x512xf32, #tpu.memory_space<vmem>> -> memref<1x32x512xf32, #tpu.memory_space<vmem>>
          %get3A_861 = tpu.memref_squeeze %get3A_860 : memref<1x32x512xf32, #tpu.memory_space<vmem>> -> memref<32x512xf32, #tpu.memory_space<vmem>>
          %get3A_862 = arith.index_cast %add3A_475 : i32 to index
          %get3A_863 = arith.constant 384 : index
          %get3A_864 = tpu.vector_load %get3A_861[%get3A_862, %get3A_863] {strides = array<i32>} : memref<32x512xf32, #tpu.memory_space<vmem>>, vector<16xf32>,
          %get3A_865 = arith.constant 0 : i32
          %get3A_866 = arith.constant 0 : i32
          %get3A_867 = tpu.memref_slice %arg10[%scan3A_329, %get3A_865, %get3A_866] : memref<3x32x512xf32, #tpu.memory_space<vmem>> -> memref<1x32x512xf32, #tpu.memory_space<vmem>>
          %get3A_868 = tpu.memref_squeeze %get3A_867 : memref<1x32x512xf32, #tpu.memory_space<vmem>> -> memref<32x512xf32, #tpu.memory_space<vmem>>
          %get3A_869 = arith.index_cast %add3A_475 : i32 to index
          %get3A_870 = arith.constant 384 : index
          %get3A_871 = tpu.vector_load %get3A_868[%get3A_869, %get3A_870] {strides = array<i32>} : memref<32x512xf32, #tpu.memory_space<vmem>>, vector<16xf32>,
          %mul3A_872 = arith.mulf %get3A_864, %get3A_871 : vector<16xf32>
          %add3A_873 = arith.addf %add3A_857, %mul3A_872 : vector<16xf32>
          %get3A_874 = arith.constant 0 : i32
          %get3A_875 = arith.constant 0 : i32
          %get3A_876 = tpu.memref_slice %arg9[%scan3A_328, %get3A_874, %get3A_875] : memref<3x32x512xf32, #tpu.memory_space<vmem>> -> memref<1x32x512xf32, #tpu.memory_space<vmem>>
          %get3A_877 = tpu.memref_squeeze %get3A_876 : memref<1x32x512xf32, #tpu.memory_space<vmem>> -> memref<32x512xf32, #tpu.memory_space<vmem>>
          %get3A_878 = arith.index_cast %add3A_475 : i32 to index
          %get3A_879 = arith.constant 400 : index
          %get3A_880 = tpu.vector_load %get3A_877[%get3A_878, %get3A_879] {strides = array<i32>} : memref<32x512xf32, #tpu.memory_space<vmem>>, vector<16xf32>,
          %get3A_881 = arith.constant 0 : i32
          %get3A_882 = arith.constant 0 : i32
          %get3A_883 = tpu.memref_slice %arg10[%scan3A_329, %get3A_881, %get3A_882] : memref<3x32x512xf32, #tpu.memory_space<vmem>> -> memref<1x32x512xf32, #tpu.memory_space<vmem>>
          %get3A_884 = tpu.memref_squeeze %get3A_883 : memref<1x32x512xf32, #tpu.memory_space<vmem>> -> memref<32x512xf32, #tpu.memory_space<vmem>>
          %get3A_885 = arith.index_cast %add3A_475 : i32 to index
          %get3A_886 = arith.constant 400 : index
          %get3A_887 = tpu.vector_load %get3A_884[%get3A_885, %get3A_886] {strides = array<i32>} : memref<32x512xf32, #tpu.memory_space<vmem>>, vector<16xf32>,
          %mul3A_888 = arith.mulf %get3A_880, %get3A_887 : vector<16xf32>
          %add3A_889 = arith.addf %add3A_873, %mul3A_888 : vector<16xf32>
          %get3A_890 = arith.constant 0 : i32
          %get3A_891 = arith.constant 0 : i32
          %get3A_892 = tpu.memref_slice %arg9[%scan3A_328, %get3A_890, %get3A_891] : memref<3x32x512xf32, #tpu.memory_space<vmem>> -> memref<1x32x512xf32, #tpu.memory_space<vmem>>
          %get3A_893 = tpu.memref_squeeze %get3A_892 : memref<1x32x512xf32, #tpu.memory_space<vmem>> -> memref<32x512xf32, #tpu.memory_space<vmem>>
          %get3A_894 = arith.index_cast %add3A_475 : i32 to index
          %get3A_895 = arith.constant 416 : index
          %get3A_896 = tpu.vector_load %get3A_893[%get3A_894, %get3A_895] {strides = array<i32>} : memref<32x512xf32, #tpu.memory_space<vmem>>, vector<16xf32>,
          %get3A_897 = arith.constant 0 : i32
          %get3A_898 = arith.constant 0 : i32
          %get3A_899 = tpu.memref_slice %arg10[%scan3A_329, %get3A_897, %get3A_898] : memref<3x32x512xf32, #tpu.memory_space<vmem>> -> memref<1x32x512xf32, #tpu.memory_space<vmem>>
          %get3A_900 = tpu.memref_squeeze %get3A_899 : memref<1x32x512xf32, #tpu.memory_space<vmem>> -> memref<32x512xf32, #tpu.memory_space<vmem>>
          %get3A_901 = arith.index_cast %add3A_475 : i32 to index
          %get3A_902 = arith.constant 416 : index
          %get3A_903 = tpu.vector_load %get3A_900[%get3A_901, %get3A_902] {strides = array<i32>} : memref<32x512xf32, #tpu.memory_space<vmem>>, vector<16xf32>,
          %mul3A_904 = arith.mulf %get3A_896, %get3A_903 : vector<16xf32>
          %add3A_905 = arith.addf %add3A_889, %mul3A_904 : vector<16xf32>
          %get3A_906 = arith.constant 0 : i32
          %get3A_907 = arith.constant 0 : i32
          %get3A_908 = tpu.memref_slice %arg9[%scan3A_328, %get3A_906, %get3A_907] : memref<3x32x512xf32, #tpu.memory_space<vmem>> -> memref<1x32x512xf32, #tpu.memory_space<vmem>>
          %get3A_909 = tpu.memref_squeeze %get3A_908 : memref<1x32x512xf32, #tpu.memory_space<vmem>> -> memref<32x512xf32, #tpu.memory_space<vmem>>
          %get3A_910 = arith.index_cast %add3A_475 : i32 to index
          %get3A_911 = arith.constant 432 : index
          %get3A_912 = tpu.vector_load %get3A_909[%get3A_910, %get3A_911] {strides = array<i32>} : memref<32x512xf32, #tpu.memory_space<vmem>>, vector<16xf32>,
          %get3A_913 = arith.constant 0 : i32
          %get3A_914 = arith.constant 0 : i32
          %get3A_915 = tpu.memref_slice %arg10[%scan3A_329, %get3A_913, %get3A_914] : memref<3x32x512xf32, #tpu.memory_space<vmem>> -> memref<1x32x512xf32, #tpu.memory_space<vmem>>
          %get3A_916 = tpu.memref_squeeze %get3A_915 : memref<1x32x512xf32, #tpu.memory_space<vmem>> -> memref<32x512xf32, #tpu.memory_space<vmem>>
          %get3A_917 = arith.index_cast %add3A_475 : i32 to index
          %get3A_918 = arith.constant 432 : index
          %get3A_919 = tpu.vector_load %get3A_916[%get3A_917, %get3A_918] {strides = array<i32>} : memref<32x512xf32, #tpu.memory_space<vmem>>, vector<16xf32>,
          %mul3A_920 = arith.mulf %get3A_912, %get3A_919 : vector<16xf32>
          %add3A_921 = arith.addf %add3A_905, %mul3A_920 : vector<16xf32>
          %get3A_922 = arith.constant 0 : i32
          %get3A_923 = arith.constant 0 : i32
          %get3A_924 = tpu.memref_slice %arg9[%scan3A_328, %get3A_922, %get3A_923] : memref<3x32x512xf32, #tpu.memory_space<vmem>> -> memref<1x32x512xf32, #tpu.memory_space<vmem>>
          %get3A_925 = tpu.memref_squeeze %get3A_924 : memref<1x32x512xf32, #tpu.memory_space<vmem>> -> memref<32x512xf32, #tpu.memory_space<vmem>>
          %get3A_926 = arith.index_cast %add3A_475 : i32 to index
          %get3A_927 = arith.constant 448 : index
          %get3A_928 = tpu.vector_load %get3A_925[%get3A_926, %get3A_927] {strides = array<i32>} : memref<32x512xf32, #tpu.memory_space<vmem>>, vector<16xf32>,
          %get3A_929 = arith.constant 0 : i32
          %get3A_930 = arith.constant 0 : i32
          %get3A_931 = tpu.memref_slice %arg10[%scan3A_329, %get3A_929, %get3A_930] : memref<3x32x512xf32, #tpu.memory_space<vmem>> -> memref<1x32x512xf32, #tpu.memory_space<vmem>>
          %get3A_932 = tpu.memref_squeeze %get3A_931 : memref<1x32x512xf32, #tpu.memory_space<vmem>> -> memref<32x512xf32, #tpu.memory_space<vmem>>
          %get3A_933 = arith.index_cast %add3A_475 : i32 to index
          %get3A_934 = arith.constant 448 : index
          %get3A_935 = tpu.vector_load %get3A_932[%get3A_933, %get3A_934] {strides = array<i32>} : memref<32x512xf32, #tpu.memory_space<vmem>>, vector<16xf32>,
          %mul3A_936 = arith.mulf %get3A_928, %get3A_935 : vector<16xf32>
          %add3A_937 = arith.addf %add3A_921, %mul3A_936 : vector<16xf32>
          %get3A_938 = arith.constant 0 : i32
          %get3A_939 = arith.constant 0 : i32
          %get3A_940 = tpu.memref_slice %arg9[%scan3A_328, %get3A_938, %get3A_939] : memref<3x32x512xf32, #tpu.memory_space<vmem>> -> memref<1x32x512xf32, #tpu.memory_space<vmem>>
          %get3A_941 = tpu.memref_squeeze %get3A_940 : memref<1x32x512xf32, #tpu.memory_space<vmem>> -> memref<32x512xf32, #tpu.memory_space<vmem>>
          %get3A_942 = arith.index_cast %add3A_475 : i32 to index
          %get3A_943 = arith.constant 464 : index
          %get3A_944 = tpu.vector_load %get3A_941[%get3A_942, %get3A_943] {strides = array<i32>} : memref<32x512xf32, #tpu.memory_space<vmem>>, vector<16xf32>,
          %get3A_945 = arith.constant 0 : i32
          %get3A_946 = arith.constant 0 : i32
          %get3A_947 = tpu.memref_slice %arg10[%scan3A_329, %get3A_945, %get3A_946] : memref<3x32x512xf32, #tpu.memory_space<vmem>> -> memref<1x32x512xf32, #tpu.memory_space<vmem>>
          %get3A_948 = tpu.memref_squeeze %get3A_947 : memref<1x32x512xf32, #tpu.memory_space<vmem>> -> memref<32x512xf32, #tpu.memory_space<vmem>>
          %get3A_949 = arith.index_cast %add3A_475 : i32 to index
          %get3A_950 = arith.constant 464 : index
          %get3A_951 = tpu.vector_load %get3A_948[%get3A_949, %get3A_950] {strides = array<i32>} : memref<32x512xf32, #tpu.memory_space<vmem>>, vector<16xf32>,
          %mul3A_952 = arith.mulf %get3A_944, %get3A_951 : vector<16xf32>
          %add3A_953 = arith.addf %add3A_937, %mul3A_952 : vector<16xf32>
          %get3A_954 = arith.constant 0 : i32
          %get3A_955 = arith.constant 0 : i32
          %get3A_956 = tpu.memref_slice %arg9[%scan3A_328, %get3A_954, %get3A_955] : memref<3x32x512xf32, #tpu.memory_space<vmem>> -> memref<1x32x512xf32, #tpu.memory_space<vmem>>
          %get3A_957 = tpu.memref_squeeze %get3A_956 : memref<1x32x512xf32, #tpu.memory_space<vmem>> -> memref<32x512xf32, #tpu.memory_space<vmem>>
          %get3A_958 = arith.index_cast %add3A_475 : i32 to index
          %get3A_959 = arith.constant 480 : index
          %get3A_960 = tpu.vector_load %get3A_957[%get3A_958, %get3A_959] {strides = array<i32>} : memref<32x512xf32, #tpu.memory_space<vmem>>, vector<16xf32>,
          %get3A_961 = arith.constant 0 : i32
          %get3A_962 = arith.constant 0 : i32
          %get3A_963 = tpu.memref_slice %arg10[%scan3A_329, %get3A_961, %get3A_962] : memref<3x32x512xf32, #tpu.memory_space<vmem>> -> memref<1x32x512xf32, #tpu.memory_space<vmem>>
          %get3A_964 = tpu.memref_squeeze %get3A_963 : memref<1x32x512xf32, #tpu.memory_space<vmem>> -> memref<32x512xf32, #tpu.memory_space<vmem>>
          %get3A_965 = arith.index_cast %add3A_475 : i32 to index
          %get3A_966 = arith.constant 480 : index
          %get3A_967 = tpu.vector_load %get3A_964[%get3A_965, %get3A_966] {strides = array<i32>} : memref<32x512xf32, #tpu.memory_space<vmem>>, vector<16xf32>,
          %mul3A_968 = arith.mulf %get3A_960, %get3A_967 : vector<16xf32>
          %add3A_969 = arith.addf %add3A_953, %mul3A_968 : vector<16xf32>
          %get3A_970 = arith.constant 0 : i32
          %get3A_971 = arith.constant 0 : i32
          %get3A_972 = tpu.memref_slice %arg9[%scan3A_328, %get3A_970, %get3A_971] : memref<3x32x512xf32, #tpu.memory_space<vmem>> -> memref<1x32x512xf32, #tpu.memory_space<vmem>>
          %get3A_973 = tpu.memref_squeeze %get3A_972 : memref<1x32x512xf32, #tpu.memory_space<vmem>> -> memref<32x512xf32, #tpu.memory_space<vmem>>
          %get3A_974 = arith.index_cast %add3A_475 : i32 to index
          %get3A_975 = arith.constant 496 : index
          %get3A_976 = tpu.vector_load %get3A_973[%get3A_974, %get3A_975] {strides = array<i32>} : memref<32x512xf32, #tpu.memory_space<vmem>>, vector<16xf32>,
          %get3A_977 = arith.constant 0 : i32
          %get3A_978 = arith.constant 0 : i32
          %get3A_979 = tpu.memref_slice %arg10[%scan3A_329, %get3A_977, %get3A_978] : memref<3x32x512xf32, #tpu.memory_space<vmem>> -> memref<1x32x512xf32, #tpu.memory_space<vmem>>
          %get3A_980 = tpu.memref_squeeze %get3A_979 : memref<1x32x512xf32, #tpu.memory_space<vmem>> -> memref<32x512xf32, #tpu.memory_space<vmem>>
          %get3A_981 = arith.index_cast %add3A_475 : i32 to index
          %get3A_982 = arith.constant 496 : index
          %get3A_983 = tpu.vector_load %get3A_980[%get3A_981, %get3A_982] {strides = array<i32>} : memref<32x512xf32, #tpu.memory_space<vmem>>, vector<16xf32>,
          %mul3A_984 = arith.mulf %get3A_976, %get3A_983 : vector<16xf32>
          %add3A_985 = arith.addf %add3A_969, %mul3A_984 : vector<16xf32>
          %mul3A_986 = arith.constant 16 : i32
          %mul3A_987 = arith.muli %scan3A_472, %mul3A_986 : i32
          %swap3A_988 = arith.index_cast %mul3A_987 : i32 to index
          %swap3A_989 = tpu.vector_load %arg11[%swap3A_988] {strides = array<i32>} : memref<256xf32, #tpu.memory_space<vmem>>, vector<16xf32>,
          tpu.vector_store %arg11[%swap3A_988], %add3A_985 {strides = array<i32>} : memref<256xf32, #tpu.memory_space<vmem>>, vector<16xf32>,
        }
        %scan3A_380 = arith.constant 16 : i32
        %iota3A = tpu.iota {dimensions = array<i32: 0>} : vector<16xi32>
        %mul3A_381 = arith.constant 16 : i32
        %mul3A_382 = vector.broadcast %mul3A_381 : i32 to vector<16xi32>
        %mul3A_383 = arith.muli %iota3A, %mul3A_382 : vector<16xi32>
        %gather3A = tpu.vector_load_idx %arg11[%mul3A_383] : memref<256xf32, #tpu.memory_space<vmem>>[vector<16xi32>], vector<16xf32>,
        %add3A_384 = arith.constant 1 : i32
        %add3A_385 = vector.broadcast %add3A_384 : i32 to vector<16xi32>
        %add3A_386 = arith.addi %mul3A_383, %add3A_385 : vector<16xi32>
        %gather3A_387 = tpu.vector_load_idx %arg11[%add3A_386] : memref<256xf32, #tpu.memory_space<vmem>>[vector<16xi32>], vector<16xf32>,
        %add3A_388 = arith.addf %gather3A, %gather3A_387 : vector<16xf32>
        %add3A_389 = arith.constant 2 : i32
        %add3A_390 = vector.broadcast %add3A_389 : i32 to vector<16xi32>
        %add3A_391 = arith.addi %mul3A_383, %add3A_390 : vector<16xi32>
        %gather3A_392 = tpu.vector_load_idx %arg11[%add3A_391] : memref<256xf32, #tpu.memory_space<vmem>>[vector<16xi32>], vector<16xf32>,
        %add3A_393 = arith.addf %add3A_388, %gather3A_392 : vector<16xf32>
        %add3A_394 = arith.constant 3 : i32
        %add3A_395 = vector.broadcast %add3A_394 : i32 to vector<16xi32>
        %add3A_396 = arith.addi %mul3A_383, %add3A_395 : vector<16xi32>
        %gather3A_397 = tpu.vector_load_idx %arg11[%add3A_396] : memref<256xf32, #tpu.memory_space<vmem>>[vector<16xi32>], vector<16xf32>,
        %add3A_398 = arith.addf %add3A_393, %gather3A_397 : vector<16xf32>
        %add3A_399 = arith.constant 4 : i32
        %add3A_400 = vector.broadcast %add3A_399 : i32 to vector<16xi32>
        %add3A_401 = arith.addi %mul3A_383, %add3A_400 : vector<16xi32>
        %gather3A_402 = tpu.vector_load_idx %arg11[%add3A_401] : memref<256xf32, #tpu.memory_space<vmem>>[vector<16xi32>], vector<16xf32>,
        %add3A_403 = arith.addf %add3A_398, %gather3A_402 : vector<16xf32>
        %add3A_404 = arith.constant 5 : i32
        %add3A_405 = vector.broadcast %add3A_404 : i32 to vector<16xi32>
        %add3A_406 = arith.addi %mul3A_383, %add3A_405 : vector<16xi32>
        %gather3A_407 = tpu.vector_load_idx %arg11[%add3A_406] : memref<256xf32, #tpu.memory_space<vmem>>[vector<16xi32>], vector<16xf32>,
        %add3A_408 = arith.addf %add3A_403, %gather3A_407 : vector<16xf32>
        %add3A_409 = arith.constant 6 : i32
        %add3A_410 = vector.broadcast %add3A_409 : i32 to vector<16xi32>
        %add3A_411 = arith.addi %mul3A_383, %add3A_410 : vector<16xi32>
        %gather3A_412 = tpu.vector_load_idx %arg11[%add3A_411] : memref<256xf32, #tpu.memory_space<vmem>>[vector<16xi32>], vector<16xf32>,
        %add3A_413 = arith.addf %add3A_408, %gather3A_412 : vector<16xf32>
        %add3A_414 = arith.constant 7 : i32
        %add3A_415 = vector.broadcast %add3A_414 : i32 to vector<16xi32>
        %add3A_416 = arith.addi %mul3A_383, %add3A_415 : vector<16xi32>
        %gather3A_417 = tpu.vector_load_idx %arg11[%add3A_416] : memref<256xf32, #tpu.memory_space<vmem>>[vector<16xi32>], vector<16xf32>,
        %add3A_418 = arith.addf %add3A_413, %gather3A_417 : vector<16xf32>
        %add3A_419 = arith.constant 8 : i32
        %add3A_420 = vector.broadcast %add3A_419 : i32 to vector<16xi32>
        %add3A_421 = arith.addi %mul3A_383, %add3A_420 : vector<16xi32>
        %gather3A_422 = tpu.vector_load_idx %arg11[%add3A_421] : memref<256xf32, #tpu.memory_space<vmem>>[vector<16xi32>], vector<16xf32>,
        %add3A_423 = arith.addf %add3A_418, %gather3A_422 : vector<16xf32>
        %add3A_424 = arith.constant 9 : i32
        %add3A_425 = vector.broadcast %add3A_424 : i32 to vector<16xi32>
        %add3A_426 = arith.addi %mul3A_383, %add3A_425 : vector<16xi32>
        %gather3A_427 = tpu.vector_load_idx %arg11[%add3A_426] : memref<256xf32, #tpu.memory_space<vmem>>[vector<16xi32>], vector<16xf32>,
        %add3A_428 = arith.addf %add3A_423, %gather3A_427 : vector<16xf32>
        %add3A_429 = arith.constant 10 : i32
        %add3A_430 = vector.broadcast %add3A_429 : i32 to vector<16xi32>
        %add3A_431 = arith.addi %mul3A_383, %add3A_430 : vector<16xi32>
        %gather3A_432 = tpu.vector_load_idx %arg11[%add3A_431] : memref<256xf32, #tpu.memory_space<vmem>>[vector<16xi32>], vector<16xf32>,
        %add3A_433 = arith.addf %add3A_428, %gather3A_432 : vector<16xf32>
        %add3A_434 = arith.constant 11 : i32
        %add3A_435 = vector.broadcast %add3A_434 : i32 to vector<16xi32>
        %add3A_436 = arith.addi %mul3A_383, %add3A_435 : vector<16xi32>
        %gather3A_437 = tpu.vector_load_idx %arg11[%add3A_436] : memref<256xf32, #tpu.memory_space<vmem>>[vector<16xi32>], vector<16xf32>,
        %add3A_438 = arith.addf %add3A_433, %gather3A_437 : vector<16xf32>
        %add3A_439 = arith.constant 12 : i32
        %add3A_440 = vector.broadcast %add3A_439 : i32 to vector<16xi32>
        %add3A_441 = arith.addi %mul3A_383, %add3A_440 : vector<16xi32>
        %gather3A_442 = tpu.vector_load_idx %arg11[%add3A_441] : memref<256xf32, #tpu.memory_space<vmem>>[vector<16xi32>], vector<16xf32>,
        %add3A_443 = arith.addf %add3A_438, %gather3A_442 : vector<16xf32>
        %add3A_444 = arith.constant 13 : i32
        %add3A_445 = vector.broadcast %add3A_444 : i32 to vector<16xi32>
        %add3A_446 = arith.addi %mul3A_383, %add3A_445 : vector<16xi32>
        %gather3A_447 = tpu.vector_load_idx %arg11[%add3A_446] : memref<256xf32, #tpu.memory_space<vmem>>[vector<16xi32>], vector<16xf32>,
        %add3A_448 = arith.addf %add3A_443, %gather3A_447 : vector<16xf32>
        %add3A_449 = arith.constant 14 : i32
        %add3A_450 = vector.broadcast %add3A_449 : i32 to vector<16xi32>
        %add3A_451 = arith.addi %mul3A_383, %add3A_450 : vector<16xi32>
        %gather3A_452 = tpu.vector_load_idx %arg11[%add3A_451] : memref<256xf32, #tpu.memory_space<vmem>>[vector<16xi32>], vector<16xf32>,
        %add3A_453 = arith.addf %add3A_448, %gather3A_452 : vector<16xf32>
        %add3A_454 = arith.constant 15 : i32
        %add3A_455 = vector.broadcast %add3A_454 : i32 to vector<16xi32>
        %add3A_456 = arith.addi %mul3A_383, %add3A_455 : vector<16xi32>
        %gather3A_457 = tpu.vector_load_idx %arg11[%add3A_456] : memref<256xf32, #tpu.memory_space<vmem>>[vector<16xi32>], vector<16xf32>,
        %add3A_458 = arith.addf %add3A_453, %gather3A_457 : vector<16xf32>
        %neg3A = arith.constant 0.000000e+00 : f32
        %neg3A_459 = vector.broadcast %neg3A : f32 to vector<16xf32>
        %neg3A_460 = arith.subf %neg3A_459, %add3A_458 : vector<16xf32>
        %exp3A = math.exp %neg3A_460 : vector<16xf32>
        %add3A_461 = arith.constant 1.000000e+00 : f32
        %add3A_462 = vector.broadcast %add3A_461 : f32 to vector<16xf32>
        %add3A_463 = arith.addf %add3A_462, %exp3A : vector<16xf32>
        %div3A = arith.constant 1.000000e+00 : f32
        %div3A_464 = vector.broadcast %div3A : f32 to vector<16xf32>
        %div3A_465 = arith.divf %div3A_464, %add3A_463 : vector<16xf32>
        %mul3A_466 = arith.constant 16 : i32
        %mul3A_467 = arith.muli %scan3A_374, %mul3A_466 : i32
        %swap3A = arith.constant 0 : i32
        %swap3A_468 = tpu.memref_slice %arg12[%scan3A_330, %swap3A] : memref<3x32xf32, #tpu.memory_space<vmem>> -> memref<1x32xf32, #tpu.memory_space<vmem>>
        %swap3A_469 = tpu.memref_squeeze %swap3A_468 : memref<1x32xf32, #tpu.memory_space<vmem>> -> memref<32xf32, #tpu.memory_space<vmem>>
        %swap3A_470 = arith.index_cast %mul3A_467 : i32 to index
        %swap3A_471 = tpu.vector_load %swap3A_469[%swap3A_470] {strides = array<i32>} : memref<32xf32, #tpu.memory_space<vmem>>, vector<16xf32>,
        tpu.vector_store %swap3A_469[%swap3A_470], %div3A_465 {strides = array<i32>} : memref<32xf32, #tpu.memory_space<vmem>>, vector<16xf32>,
      }
      %scan3A_335 = arith.constant 2 : i32
      %mul3A_336 = arith.constant 32 : i32
      %mul3A_337 = arith.muli %add3A_321, %mul3A_336 : i32
      %add3A_338 = arith.addi %mul3A_2, %mul3A_337 : i32
      %dma_start3A_339 = arith.constant 2 : i32
      %dma_start3A_340 = arith.constant 0 : i32
      %dma_start3A_341 = tpu.memref_slice %arg12[%dma_start3A_339, %dma_start3A_340] : memref<3x32xf32, #tpu.memory_space<vmem>> -> memref<1x32xf32, #tpu.memory_space<vmem>>
      %dma_start3A_342 = tpu.memref_squeeze %dma_start3A_341 : memref<1x32xf32, #tpu.memory_space<vmem>> -> memref<32xf32, #tpu.memory_space<vmem>>
      %dma_start3A_343 = tpu.memref_slice %arg6[%add3A_338] : memref<150528xf32, #tpu.memory_space<hbm>> -> memref<32xf32, #tpu.memory_space<hbm>>
      %dma_start3A_344 = tpu.memref_slice %arg6[%add3A_338] : memref<150528xf32, #tpu.memory_space<hbm>> -> memref<32xf32, #tpu.memory_space<hbm>>
      %dma_start3A_345 = arith.constant 0 : i32
      %dma_start3A_346 = tpu.memref_slice %arg12[%dma_start3A_339, %dma_start3A_345] : memref<3x32xf32, #tpu.memory_space<vmem>> -> memref<1x32xf32, #tpu.memory_space<vmem>>
      %dma_start3A_347 = tpu.memref_squeeze %dma_start3A_346 : memref<1x32xf32, #tpu.memory_space<vmem>> -> memref<32xf32, #tpu.memory_space<vmem>>
      tpu.enqueue_dma source(%dma_start3A_347 : memref<32xf32, #tpu.memory_space<vmem>>) target(%dma_start3A_344 : memref<32xf32, #tpu.memory_space<hbm>>) target_semaphore(%arg18 : memref<!tpu.dma_semaphore, #tpu.memory_space<semaphore_mem>>)
      %add3A_348 = arith.constant 2 : i32
      %add3A_349 = arith.addi %mul3A_155, %add3A_348 : i32
      %add3A_350 = arith.constant 3 : i32
      %add3A_351 = arith.addi %add3A_349, %add3A_350 : i32
      %min3A_352 = arith.constant 146 : i32
      %min3A_353 = arith.minsi %add3A_351, %min3A_352 : i32
      %mul3A_354 = arith.constant 32 : i32
      %mul3A_355 = arith.muli %min3A_353, %mul3A_354 : i32
      %dma_start3A_356 = arith.constant 2 : i32
      %dma_start3A_357 = arith.constant 0 : i32
      %dma_start3A_358 = arith.constant 0 : i32
      %dma_start3A_359 = tpu.memref_slice %arg9[%dma_start3A_356, %dma_start3A_357, %dma_start3A_358] : memref<3x32x512xf32, #tpu.memory_space<vmem>> -> memref<1x32x512xf32, #tpu.memory_space<vmem>>
      %dma_start3A_360 = tpu.memref_squeeze %dma_start3A_359 : memref<1x32x512xf32, #tpu.memory_space<vmem>> -> memref<32x512xf32, #tpu.memory_space<vmem>>
      %dma_start3A_361 = tpu.memref_slice %arg7[%mul3A_355] : memref<4704xi32, #tpu.memory_space<vmem>> -> memref<32xi32, #tpu.memory_space<vmem>>
      %dma_start3A_362 = arith.constant 0 : i32
      %dma_start3A_363 = arith.constant 0 : i32
      %dma_start3A_364 = tpu.memref_slice %arg2[%dma_start3A_362, %dma_start3A_363] : memref<10000x512xf32, #tpu.memory_space<hbm>> -> memref<10000x512xf32, #tpu.memory_space<hbm>>
      tpu.enqueue_indirect_dma source(%dma_start3A_364 : memref<10000x512xf32, #tpu.memory_space<hbm>>) target(%dma_start3A_360 : memref<32x512xf32, #tpu.memory_space<vmem>>) offsets(%dma_start3A_361 : memref<32xi32, #tpu.memory_space<vmem>>) semaphore(%arg15 : memref<!tpu.dma_semaphore, #tpu.memory_space<semaphore_mem>>)
      %dma_start3A_365 = arith.constant 2 : i32
      %dma_start3A_366 = arith.constant 0 : i32
      %dma_start3A_367 = arith.constant 0 : i32
      %dma_start3A_368 = tpu.memref_slice %arg10[%dma_start3A_365, %dma_start3A_366, %dma_start3A_367] : memref<3x32x512xf32, #tpu.memory_space<vmem>> -> memref<1x32x512xf32, #tpu.memory_space<vmem>>
      %dma_start3A_369 = tpu.memref_squeeze %dma_start3A_368 : memref<1x32x512xf32, #tpu.memory_space<vmem>> -> memref<32x512xf32, #tpu.memory_space<vmem>>
      %dma_start3A_370 = tpu.memref_slice %arg8[%mul3A_355] : memref<4704xi32, #tpu.memory_space<vmem>> -> memref<32xi32, #tpu.memory_space<vmem>>
      %dma_start3A_371 = arith.constant 0 : i32
      %dma_start3A_372 = arith.constant 0 : i32
      %dma_start3A_373 = tpu.memref_slice %arg3[%dma_start3A_371, %dma_start3A_372] : memref<50000x512xf32, #tpu.memory_space<hbm>> -> memref<50000x512xf32, #tpu.memory_space<hbm>>
      tpu.enqueue_indirect_dma source(%dma_start3A_373 : memref<50000x512xf32, #tpu.memory_space<hbm>>) target(%dma_start3A_369 : memref<32x512xf32, #tpu.memory_space<vmem>>) offsets(%dma_start3A_370 : memref<32xi32, #tpu.memory_space<vmem>>) semaphore(%arg15 : memref<!tpu.dma_semaphore, #tpu.memory_space<semaphore_mem>>)
    }
    %scan3A_66 = arith.constant 49 : i32
    %dma_wait3A = arith.constant 0 : i32
    %dma_wait3A_67 = arith.constant 0 : i32
    %dma_wait3A_68 = arith.constant 0 : i32
    %dma_wait3A_69 = tpu.memref_slice %arg9[%dma_wait3A, %dma_wait3A_67, %dma_wait3A_68] : memref<3x32x512xf32, #tpu.memory_space<vmem>> -> memref<1x32x512xf32, #tpu.memory_space<vmem>>
    %dma_wait3A_70 = tpu.memref_squeeze %dma_wait3A_69 : memref<1x32x512xf32, #tpu.memory_space<vmem>> -> memref<32x512xf32, #tpu.memory_space<vmem>>
    %dma_wait3A_71 = arith.constant 0 : i32
    %dma_wait3A_72 = tpu.memref_slice %arg7[%dma_wait3A_71] : memref<4704xi32, #tpu.memory_space<vmem>> -> memref<32xi32, #tpu.memory_space<vmem>>
    %dma_wait3A_73 = arith.constant 0 : i32
    %dma_wait3A_74 = arith.constant 0 : i32
    %dma_wait3A_75 = tpu.memref_slice %arg2[%dma_wait3A_73, %dma_wait3A_74] : memref<10000x512xf32, #tpu.memory_space<hbm>> -> memref<10000x512xf32, #tpu.memory_space<hbm>>
    tpu.wait_indirect_dma semaphore(%arg13 : memref<!tpu.dma_semaphore, #tpu.memory_space<semaphore_mem>>) src(%dma_wait3A_75 : memref<10000x512xf32, #tpu.memory_space<hbm>>) dst(%dma_wait3A_70 : memref<32x512xf32, #tpu.memory_space<vmem>>)
    %dma_wait3A_76 = arith.constant 0 : i32
    %dma_wait3A_77 = arith.constant 0 : i32
    %dma_wait3A_78 = arith.constant 0 : i32
    %dma_wait3A_79 = tpu.memref_slice %arg10[%dma_wait3A_76, %dma_wait3A_77, %dma_wait3A_78] : memref<3x32x512xf32, #tpu.memory_space<vmem>> -> memref<1x32x512xf32, #tpu.memory_space<vmem>>
    %dma_wait3A_80 = tpu.memref_squeeze %dma_wait3A_79 : memref<1x32x512xf32, #tpu.memory_space<vmem>> -> memref<32x512xf32, #tpu.memory_space<vmem>>
    %dma_wait3A_81 = arith.constant 0 : i32
    %dma_wait3A_82 = tpu.memref_slice %arg8[%dma_wait3A_81] : memref<4704xi32, #tpu.memory_space<vmem>> -> memref<32xi32, #tpu.memory_space<vmem>>
    %dma_wait3A_83 = arith.constant 0 : i32
    %dma_wait3A_84 = arith.constant 0 : i32
    %dma_wait3A_85 = tpu.memref_slice %arg3[%dma_wait3A_83, %dma_wait3A_84] : memref<50000x512xf32, #tpu.memory_space<hbm>> -> memref<50000x512xf32, #tpu.memory_space<hbm>>
    tpu.wait_indirect_dma semaphore(%arg13 : memref<!tpu.dma_semaphore, #tpu.memory_space<semaphore_mem>>) src(%dma_wait3A_85 : memref<50000x512xf32, #tpu.memory_space<hbm>>) dst(%dma_wait3A_80 : memref<32x512xf32, #tpu.memory_space<vmem>>)
    %dma_wait3A_86 = arith.constant 0 : i32
    %dma_wait3A_87 = arith.constant 0 : i32
    %dma_wait3A_88 = tpu.memref_slice %arg12[%dma_wait3A_86, %dma_wait3A_87] : memref<3x32xf32, #tpu.memory_space<vmem>> -> memref<1x32xf32, #tpu.memory_space<vmem>>
    %dma_wait3A_89 = tpu.memref_squeeze %dma_wait3A_88 : memref<1x32xf32, #tpu.memory_space<vmem>> -> memref<32xf32, #tpu.memory_space<vmem>>
    %dma_wait3A_90 = tpu.memref_slice %arg6[%mul3A_2] : memref<150528xf32, #tpu.memory_space<hbm>> -> memref<32xf32, #tpu.memory_space<hbm>>
    %dma_wait3A_91 = tpu.memref_slice %arg6[%mul3A_2] : memref<150528xf32, #tpu.memory_space<hbm>> -> memref<32xf32, #tpu.memory_space<hbm>>
    %dma_wait3A_92 = arith.constant 0 : i32
    %dma_wait3A_93 = tpu.memref_slice %arg12[%dma_wait3A_86, %dma_wait3A_92] : memref<3x32xf32, #tpu.memory_space<vmem>> -> memref<1x32xf32, #tpu.memory_space<vmem>>
    %dma_wait3A_94 = tpu.memref_squeeze %dma_wait3A_93 : memref<1x32xf32, #tpu.memory_space<vmem>> -> memref<32xf32, #tpu.memory_space<vmem>>
    tpu.wait_dma2 semaphore(%arg16 : memref<!tpu.dma_semaphore, #tpu.memory_space<semaphore_mem>>) src(%dma_wait3A_94 : memref<32xf32, #tpu.memory_space<vmem>>) dst(%dma_wait3A_91 : memref<32xf32, #tpu.memory_space<hbm>>)
    %dma_wait3A_95 = arith.constant 1 : i32
    %dma_wait3A_96 = arith.constant 0 : i32
    %dma_wait3A_97 = arith.constant 0 : i32
    %dma_wait3A_98 = tpu.memref_slice %arg9[%dma_wait3A_95, %dma_wait3A_96, %dma_wait3A_97] : memref<3x32x512xf32, #tpu.memory_space<vmem>> -> memref<1x32x512xf32, #tpu.memory_space<vmem>>
    %dma_wait3A_99 = tpu.memref_squeeze %dma_wait3A_98 : memref<1x32x512xf32, #tpu.memory_space<vmem>> -> memref<32x512xf32, #tpu.memory_space<vmem>>
    %dma_wait3A_100 = arith.constant 0 : i32
    %dma_wait3A_101 = tpu.memref_slice %arg7[%dma_wait3A_100] : memref<4704xi32, #tpu.memory_space<vmem>> -> memref<32xi32, #tpu.memory_space<vmem>>
    %dma_wait3A_102 = arith.constant 0 : i32
    %dma_wait3A_103 = arith.constant 0 : i32
    %dma_wait3A_104 = tpu.memref_slice %arg2[%dma_wait3A_102, %dma_wait3A_103] : memref<10000x512xf32, #tpu.memory_space<hbm>> -> memref<10000x512xf32, #tpu.memory_space<hbm>>
    tpu.wait_indirect_dma semaphore(%arg14 : memref<!tpu.dma_semaphore, #tpu.memory_space<semaphore_mem>>) src(%dma_wait3A_104 : memref<10000x512xf32, #tpu.memory_space<hbm>>) dst(%dma_wait3A_99 : memref<32x512xf32, #tpu.memory_space<vmem>>)
    %dma_wait3A_105 = arith.constant 1 : i32
    %dma_wait3A_106 = arith.constant 0 : i32
    %dma_wait3A_107 = arith.constant 0 : i32
    %dma_wait3A_108 = tpu.memref_slice %arg10[%dma_wait3A_105, %dma_wait3A_106, %dma_wait3A_107] : memref<3x32x512xf32, #tpu.memory_space<vmem>> -> memref<1x32x512xf32, #tpu.memory_space<vmem>>
    %dma_wait3A_109 = tpu.memref_squeeze %dma_wait3A_108 : memref<1x32x512xf32, #tpu.memory_space<vmem>> -> memref<32x512xf32, #tpu.memory_space<vmem>>
    %dma_wait3A_110 = arith.constant 0 : i32
    %dma_wait3A_111 = tpu.memref_slice %arg8[%dma_wait3A_110] : memref<4704xi32, #tpu.memory_space<vmem>> -> memref<32xi32, #tpu.memory_space<vmem>>
    %dma_wait3A_112 = arith.constant 0 : i32
    %dma_wait3A_113 = arith.constant 0 : i32
    %dma_wait3A_114 = tpu.memref_slice %arg3[%dma_wait3A_112, %dma_wait3A_113] : memref<50000x512xf32, #tpu.memory_space<hbm>> -> memref<50000x512xf32, #tpu.memory_space<hbm>>
    tpu.wait_indirect_dma semaphore(%arg14 : memref<!tpu.dma_semaphore, #tpu.memory_space<semaphore_mem>>) src(%dma_wait3A_114 : memref<50000x512xf32, #tpu.memory_space<hbm>>) dst(%dma_wait3A_109 : memref<32x512xf32, #tpu.memory_space<vmem>>)
    %dma_wait3A_115 = arith.constant 1 : i32
    %dma_wait3A_116 = arith.constant 0 : i32
    %dma_wait3A_117 = tpu.memref_slice %arg12[%dma_wait3A_115, %dma_wait3A_116] : memref<3x32xf32, #tpu.memory_space<vmem>> -> memref<1x32xf32, #tpu.memory_space<vmem>>
    %dma_wait3A_118 = tpu.memref_squeeze %dma_wait3A_117 : memref<1x32xf32, #tpu.memory_space<vmem>> -> memref<32xf32, #tpu.memory_space<vmem>>
    %dma_wait3A_119 = tpu.memref_slice %arg6[%mul3A_2] : memref<150528xf32, #tpu.memory_space<hbm>> -> memref<32xf32, #tpu.memory_space<hbm>>
    %dma_wait3A_120 = tpu.memref_slice %arg6[%mul3A_2] : memref<150528xf32, #tpu.memory_space<hbm>> -> memref<32xf32, #tpu.memory_space<hbm>>
    %dma_wait3A_121 = arith.constant 0 : i32
    %dma_wait3A_122 = tpu.memref_slice %arg12[%dma_wait3A_115, %dma_wait3A_121] : memref<3x32xf32, #tpu.memory_space<vmem>> -> memref<1x32xf32, #tpu.memory_space<vmem>>
    %dma_wait3A_123 = tpu.memref_squeeze %dma_wait3A_122 : memref<1x32xf32, #tpu.memory_space<vmem>> -> memref<32xf32, #tpu.memory_space<vmem>>
    tpu.wait_dma2 semaphore(%arg17 : memref<!tpu.dma_semaphore, #tpu.memory_space<semaphore_mem>>) src(%dma_wait3A_123 : memref<32xf32, #tpu.memory_space<vmem>>) dst(%dma_wait3A_120 : memref<32xf32, #tpu.memory_space<hbm>>)
    %dma_wait3A_124 = arith.constant 2 : i32
    %dma_wait3A_125 = arith.constant 0 : i32
    %dma_wait3A_126 = arith.constant 0 : i32
    %dma_wait3A_127 = tpu.memref_slice %arg9[%dma_wait3A_124, %dma_wait3A_125, %dma_wait3A_126] : memref<3x32x512xf32, #tpu.memory_space<vmem>> -> memref<1x32x512xf32, #tpu.memory_space<vmem>>
    %dma_wait3A_128 = tpu.memref_squeeze %dma_wait3A_127 : memref<1x32x512xf32, #tpu.memory_space<vmem>> -> memref<32x512xf32, #tpu.memory_space<vmem>>
    %dma_wait3A_129 = arith.constant 0 : i32
    %dma_wait3A_130 = tpu.memref_slice %arg7[%dma_wait3A_129] : memref<4704xi32, #tpu.memory_space<vmem>> -> memref<32xi32, #tpu.memory_space<vmem>>
    %dma_wait3A_131 = arith.constant 0 : i32
    %dma_wait3A_132 = arith.constant 0 : i32
    %dma_wait3A_133 = tpu.memref_slice %arg2[%dma_wait3A_131, %dma_wait3A_132] : memref<10000x512xf32, #tpu.memory_space<hbm>> -> memref<10000x512xf32, #tpu.memory_space<hbm>>
    tpu.wait_indirect_dma semaphore(%arg15 : memref<!tpu.dma_semaphore, #tpu.memory_space<semaphore_mem>>) src(%dma_wait3A_133 : memref<10000x512xf32, #tpu.memory_space<hbm>>) dst(%dma_wait3A_128 : memref<32x512xf32, #tpu.memory_space<vmem>>)
    %dma_wait3A_134 = arith.constant 2 : i32
    %dma_wait3A_135 = arith.constant 0 : i32
    %dma_wait3A_136 = arith.constant 0 : i32
    %dma_wait3A_137 = tpu.memref_slice %arg10[%dma_wait3A_134, %dma_wait3A_135, %dma_wait3A_136] : memref<3x32x512xf32, #tpu.memory_space<vmem>> -> memref<1x32x512xf32, #tpu.memory_space<vmem>>
    %dma_wait3A_138 = tpu.memref_squeeze %dma_wait3A_137 : memref<1x32x512xf32, #tpu.memory_space<vmem>> -> memref<32x512xf32, #tpu.memory_space<vmem>>
    %dma_wait3A_139 = arith.constant 0 : i32
    %dma_wait3A_140 = tpu.memref_slice %arg8[%dma_wait3A_139] : memref<4704xi32, #tpu.memory_space<vmem>> -> memref<32xi32, #tpu.memory_space<vmem>>
    %dma_wait3A_141 = arith.constant 0 : i32
    %dma_wait3A_142 = arith.constant 0 : i32
    %dma_wait3A_143 = tpu.memref_slice %arg3[%dma_wait3A_141, %dma_wait3A_142] : memref<50000x512xf32, #tpu.memory_space<hbm>> -> memref<50000x512xf32, #tpu.memory_space<hbm>>
    tpu.wait_indirect_dma semaphore(%arg15 : memref<!tpu.dma_semaphore, #tpu.memory_space<semaphore_mem>>) src(%dma_wait3A_143 : memref<50000x512xf32, #tpu.memory_space<hbm>>) dst(%dma_wait3A_138 : memref<32x512xf32, #tpu.memory_space<vmem>>)
    %dma_wait3A_144 = arith.constant 2 : i32
    %dma_wait3A_145 = arith.constant 0 : i32
    %dma_wait3A_146 = tpu.memref_slice %arg12[%dma_wait3A_144, %dma_wait3A_145] : memref<3x32xf32, #tpu.memory_space<vmem>> -> memref<1x32xf32, #tpu.memory_space<vmem>>
    %dma_wait3A_147 = tpu.memref_squeeze %dma_wait3A_146 : memref<1x32xf32, #tpu.memory_space<vmem>> -> memref<32xf32, #tpu.memory_space<vmem>>
    %dma_wait3A_148 = tpu.memref_slice %arg6[%mul3A_2] : memref<150528xf32, #tpu.memory_space<hbm>> -> memref<32xf32, #tpu.memory_space<hbm>>
    %dma_wait3A_149 = tpu.memref_slice %arg6[%mul3A_2] : memref<150528xf32, #tpu.memory_space<hbm>> -> memref<32xf32, #tpu.memory_space<hbm>>
    %dma_wait3A_150 = arith.constant 0 : i32
    %dma_wait3A_151 = tpu.memref_slice %arg12[%dma_wait3A_144, %dma_wait3A_150] : memref<3x32xf32, #tpu.memory_space<vmem>> -> memref<1x32xf32, #tpu.memory_space<vmem>>
    %dma_wait3A_152 = tpu.memref_squeeze %dma_wait3A_151 : memref<1x32xf32, #tpu.memory_space<vmem>> -> memref<32xf32, #tpu.memory_space<vmem>>
    tpu.wait_dma2 semaphore(%arg18 : memref<!tpu.dma_semaphore, #tpu.memory_space<semaphore_mem>>) src(%dma_wait3A_152 : memref<32xf32, #tpu.memory_space<vmem>>) dst(%dma_wait3A_149 : memref<32xf32, #tpu.memory_space<hbm>>)
    return
  }
}

</mosaic_0001>

<sc_bundles>
// kernel: _run.3.cloned.1.call-start
scs
__scs_entry_jumppad:
0x0: {  	(pc) =	sbr.rel $0x88, $3  }
0x1: {  	(tag) =	ssettag $0x0;
	lr =	simm.s32 $0x1  }
0x2: {  	[smem:$0x3F9D] =	sst lr;
	_ =	strace $0xD0000000  }
0x3: {  	_ = 	snop  }
0x4: {  	_ = 	snop  }
0x5: {  	_ = 	snop  }
0x6: {  	_ = 	snop  }
0x7: {  	_ = 	snop  }
__scs_overlays_trampoline_lowered:
0x8: {  	[smem:$0x3FAC] =	sst s0  }
0x9: {  	[smem:$0x3FAD] =	sst s1  }
0xa: {  	[smem:$0x3FAE] =	sst s2  }
0xb: {  	[smem:$0x3FAF] =	sst s3  }
0xc: {  	[smem:$0x3FB0] =	sst s4  }
0xd: {  	[smem:$0x3FB1] =	sst s5  }
0xe: {  	[smem:$0x3FB2] =	sst s6  }
0xf: {  	[smem:$0x3FB3] =	sst s7  }
0x10: {  	[smem:$0x3FB4] =	sst s8  }
0x11: {  	[smem:$0x3FB5] =	sst s9;
	s0 =	simm.s32 @!p0 $0x0  }
0x12: {  	s1 =	sld [smem:$0x3F9B];
	s0 =	simm.s32 @p0 $0x1  }
0x13: {  	[smem:$0x3FB6] =	sst s0;
	s0 =	simm.s32 @!p1 $0x0  }
0x14: {  	s2 =	sld [smem:$0x3F9A];
	s0 =	simm.s32 @p1 $0x1  }
0x15: {  	[smem:$0x3FB7] =	sst s0;
	s0 =	simm.s32 @!p2 $0x0  }
0x16: {  	s3 =	sld [smem:$0x3FDB];
	s0 =	simm.s32 @p2 $0x1  }
0x17: {  	s4 =	simm.s32 $0x1BF5;
	[smem:$0x3FB9] =	sst s0  }
0x18: {  	s0 =	sld [smem:$0x3F9C];
	_ =	swait.ge [sflag:s4], $0x0  }
0x19: {  	s7 =	sld [smem:$0x3F9D]  }
0x1a: {  	s8 =	sadd.s32 $0xFFFFE003, lr  }
0x1b: {  	s9 =	sadd.s32 $0xFFFFFEF7, lr;
	s5 =	simm.s32 $0xFFFFFFFF;
	p2 =	slt.u32 s8, $0xFFFFF086  }
0x1c: {  	p1 =	slt.u32 s9, $0xF7A;
	s5 =	simm.s32 @!p2 $0x0  }
0x1d: {  	s5 =	simm.s32 @p1 $0x1;
	p0 =	seq.s32 s7, s2  }
0x1e: {  	s7 =	smul.u32 @!p0 $0xF7A, s2;
	p2 =	seq.s32 @!p0 s5, $0x0  }
0x1f: {  	s9 =	smul.u32 $0xF7A, s1;
	s8 =	simm.s32 @!p0 $0x1BF5;
	p2 =	por !p2, p0  }
0x20: {  	[sflag:s8] =	ssyncset.s32 @!p0 $0xFFFFF086;
	s6 =	sadd.s32 @!p0 s3, s7;
	s7 =	simm.s32 @!p0 $0x108  }
0x21: {  	s3 =	sadd.s32 s3, s9;
	s6 =	sadd.s32 @!p0 $0x88, s6;
	s7 =	simm.s32 @p2 $0x1082  }
0x22: {  	[simem:s7], [sflag:s8] =	dma.local @!p0 [hbm:s6], $0xF7A  }
0x23: {  	s9 =	sor.u32 $0xD0000000, s2;
	s6 =	simm.s32 $0x108;
	_ =	swait.ge @!p0 [sflag:s8], $0x0  }
0x24: {  	s3 =	sadd.s32 $0x88, s3;
	s6 =	simm.s32 @!p1 $0x1082;
	[sflag:s4] =	ssyncset.s32 $0xFFFFF086  }
0x25: {  	[simem:s6], [sflag:s4] =	dma.local [hbm:s3], $0xF7A  }
0x26: {  	[smem:$0x3F9D] =	sst s1;
	(tag) =	ssettag s2;
	_ =	strace s9  }
0x27: {  	s1 =	sld [smem:$0x3FAD]  }
0x28: {  	s2 =	sld [smem:$0x3FAE]  }
0x29: {  	s4 =	sld [smem:$0x3FB0]  }
0x2a: {  	p0 =	seq.s32 s5, $0x0;
	s5 =	sld [smem:$0x3FB1]  }
0x2b: {  	s6 =	sld [smem:$0x3FB2]  }
0x2c: {  	s7 =	sld [smem:$0x3FB3]  }
0x2d: {  	s3 =	simm.s32 $0x108;
	s8 =	sld [smem:$0x3FB4]  }
0x2e: {  	s3 =	simm.s32 @!p0 $0x1082;
	s9 =	sld [smem:$0x3FB5]  }
0x2f: {  	lr =	sadd.s32 s0, s3;
	s0 =	sld [smem:$0x3FAC]  }
0x30: {  	s3 =	sld [smem:$0x3FAF]  }
0x31: {  	[smem:$0x3FB8] =	sst s10  }
0x32: {  	s10 =	sld [smem:$0x3FB6];
	_ =	sdelay $0x3  }
0x33: {  	p0 =	seq.s32 s10, $0x1;
	s10 =	sld [smem:$0x3FB8];
	_ =	sdelay $0x3  }
0x34: {  	[smem:$0x3FB8] =	sst s10  }
0x35: {  	s10 =	sld [smem:$0x3FB7];
	_ =	sdelay $0x3  }
0x36: {  	p1 =	seq.s32 s10, $0x1;
	s10 =	sld [smem:$0x3FB8];
	_ =	sdelay $0x3  }
0x37: {  	[smem:$0x3FB8] =	sst s10  }
0x38: {  	s10 =	sld [smem:$0x3FB9]  }
0x39: {  	_ = 	snop;
	(pc) =	sbr.ind lr, $3  }
0x3a: {  	_ = 	snop  }
0x3b: {  	_ = 	snop  }
0x3c: {  	p2 =	seq.s32 s10, $0x1;
	s10 =	sld [smem:$0x3FB8]  }
0x3d: {  	_ =	shalt  }
0x3e: {  	_ =	shalt  }
0x3f: {  	_ =	shalt  }
0x40: {  	_ =	shalt  }
0x41: {  	_ =	shalt  }
0x42: {  	_ =	shalt  }
0x43: {  	_ =	shalt  }
0x44: {  	_ =	shalt  }
0x45: {  	_ =	shalt  }
0x46: {  	_ =	shalt  }
0x47: {  	_ =	shalt  }
0x48: {  	_ =	shalt  }
0x49: {  	_ =	shalt  }
0x4a: {  	_ =	shalt  }
0x4b: {  	_ =	shalt  }
0x4c: {  	_ =	shalt  }
0x4d: {  	_ =	shalt  }
0x4e: {  	_ =	shalt  }
0x4f: {  	_ =	shalt  }
0x50: {  	_ =	shalt  }
0x51: {  	_ =	shalt  }
0x52: {  	_ =	shalt  }
0x53: {  	_ =	shalt  }
0x54: {  	_ =	shalt  }
0x55: {  	_ =	shalt  }
0x56: {  	_ =	shalt  }
0x57: {  	_ =	shalt  }
0x58: {  	_ =	shalt  }
0x59: {  	_ =	shalt  }
0x5a: {  	_ =	shalt  }
0x5b: {  	_ =	shalt  }
0x5c: {  	_ =	shalt  }
0x5d: {  	_ =	shalt  }
0x5e: {  	_ =	shalt  }
0x5f: {  	_ =	shalt  }
0x60: {  	_ =	shalt  }
0x61: {  	_ =	shalt  }
0x62: {  	_ =	shalt  }
0x63: {  	_ =	shalt  }
0x64: {  	_ =	shalt  }
0x65: {  	_ =	shalt  }
0x66: {  	_ =	shalt  }
0x67: {  	_ =	shalt  }
0x68: {  	_ =	shalt  }
0x69: {  	_ =	shalt  }
0x6a: {  	_ =	shalt  }
0x6b: {  	_ =	shalt  }
0x6c: {  	_ =	shalt  }
0x6d: {  	_ =	shalt  }
0x6e: {  	_ =	shalt  }
0x6f: {  	_ =	shalt  }
0x70: {  	_ =	shalt  }
0x71: {  	_ =	shalt  }
0x72: {  	_ =	shalt  }
0x73: {  	_ =	shalt  }
0x74: {  	_ =	shalt  }
0x75: {  	_ =	shalt  }
0x76: {  	_ =	shalt  }
0x77: {  	_ =	shalt  }
0x78: {  	_ =	shalt  }
0x79: {  	_ =	shalt  }
0x7a: {  	_ =	shalt  }
0x7b: {  	_ =	shalt  }
0x7c: {  	_ =	shalt  }
0x7d: {  	_ =	shalt  }
0x7e: {  	_ =	shalt  }
0x7f: {  	_ =	shalt  }
0x80: {  	_ =	shalt  }
0x81: {  	_ =	shalt  }
0x82: {  	_ =	shalt  }
0x83: {  	_ =	shalt  }
0x84: {  	_ =	shalt  }
0x85: {  	_ =	shalt  }
0x86: {  	_ =	shalt  }
0x87: {  	_ =	shalt  }
.Lfunc_end0:
.L_simem_size_0:
called_computation_lowered:
.L_overlay_start_0:
0x88: {  	s2 =	sld [smem:$0x3FD9]  }
0x89: {  	s3 =	sld [smem:$0x3FFE];
	_ =	sdelay $0x1  }
0x8a: {  	s1 =	srdreg.scid  }
0x8b: {  	s0 =	sand.u32 $0x1, s1  }
0x8c: {  	s18 =	sshll.u32 s0, $0xA;
	s2 =	sadd.s32 s3, s2  }
0x8d: {  	s2 =	sadd.s32 s2, s18  }
0x8e: {  	[smem:$0x3FC4] =	sst s2  }
0x8f: {  	_ = 	snop  }
0x90: {  	s2 =	sld [smem:$0x3FC9]  }
0x91: {  	s19 =	sld [smem:$0x3FC8]  }
0x92: {  	s4 =	sld [smem:$0x3FC7]  }
0x93: {  	s5 =	sld [smem:$0x3FC6]  }
0x94: {  	s6 =	sld [smem:$0x3FD0];
	(tm) =	ssettm $0x1  }
0x95: {  	s7 =	sld [smem:$0x3FFB];
	_ =	sdelay $0x3  }
0x96: {  	_ =	strace s7  }
0x97: {  	s7 =	sld [smem:$0x3FFC];
	_ =	sdelay $0x3  }
0x98: {  	_ =	strace s7  }
0x99: {  	s7 =	sld [smem:$0x3FFD];
	_ =	sdelay $0x3  }
0x9a: {  	_ =	strace s7  }
0x9b: {  	_ =	strace $0x8FFFFFFF  }
0x9c: {  	s20 =	sld [smem:$0x3FDB];
	_ =	sdelay $0x1  }
0x9d: {  	s8 =	simm.s32 $_scs_section_size  }
0x9e: {  	s9 =	simm.s32 $_size__tile_overlayer_lowered;
	s10 =	simm.s32 $_tile_overlayer_lowered  }
0x9f: {  	s23 =	simm.s32 $0x1BFF;
	s22 =	sshll.u32 s10, $0x1;
	s7 =	sadd.s32 s8, s20  }
0xa0: {  	s11 =	simm.s32 $0x0;
	s21 =	sshll.u32 s9, $0x1;
	s9 =	sadd.s32 s22, s7  }
0xa1: {  	[timem:s11], [sflag:s23] =	dma.local [hbm:s9], s21  }
0xa2: {  	_ =	swait.ge [sflag:s23], s21  }
0xa3: {  	s8 =	ssub.s32 $0x0, s21;
	[sflag:s23] =	ssyncset.done $0x0  }
0xa4: {  	[sflag:s23] =	ssyncadd.s32 s8;
	_ =	sdelay $0x1  }
0xa5: {  	s24 =	simm.s32 $0x1B8B  }
0xa6: {  	_ =	swait.ge [sflag:s24], $0x1  }
0xa7: {  	[sflag:s24] =	ssyncset.done $0x0  }
0xa8: {  	s25 =	simm.s32 $0x1B8E;
	[sflag:s24] =	ssyncadd.s32 $0xFFFFFFFF  }
0xa9: {  	s26 =	simm.s32 $execute0_lowered;
	[smem:$0x3FD2] =	sst s25  }
0xaa: {  	s8 =	sshll.u32 s26, $0x1;
	_ =	strace $0x80000046;
	[dreg:$0x1] =	wrdreg $0xFFFFFFFF  }
0xab: {  	s28 =	simm.s32 $_size_execute0_lowered;
	s7 =	sadd.s32 s7, s8;
	[dreg:$0x0] =	wrdreg $0x0  }
0xac: {  	s8 =	sshll.u32 s28, $0x1;
	[dreg:$0x2] =	wrdreg s7  }
0xad: {  	[dreg:$0x3] =	wrdreg s8  }
0xae: {  	[dreg:$0x4] =	wrdreg $0xC0  }
0xaf: {  	_ =	task [dreg:s11], $0x5FFFF  }
0xb0: {  	[dreg:$0x1] =	wrdreg $0xFFFFFFFF  }
0xb1: {  	[dreg:$0x0] =	wrdreg $0x60  }
0xb2: {  	[dreg:$0x2] =	wrdreg s2  }
0xb3: {  	[dreg:$0x3] =	wrdreg s19  }
0xb4: {  	[dreg:$0x4] =	wrdreg s4  }
0xb5: {  	[dreg:$0x5] =	wrdreg s5  }
0xb6: {  	[dreg:$0x6] =	wrdreg s6  }
0xb7: {  	[dreg:$0x7] =	wrdreg $0x9  }
0xb8: {  	_ =	task.clear_ibuf [dreg:s11], $0x8FFFF;
	_ =	strace $0x90000046  }
0xb9: {  	s29 =	simm.s32 $0x9;
	_ =	strace $0x80000048  }
0xba: {  	_ =	swait.ge [sflag:s29], $0x1  }
0xbb: {  	[sflag:s29] =	ssyncadd.s32 $0xFFFFFFFF  }
0xbc: {  	_ =	strace $0x90000048  }
0xbd: {  	_ =	sfence  }
0xbe: {  	s30 =	sld [smem:$0x0];
	_ =	sdelay $0x2  }
0xbf: {  	s31 =	sshll.u32 s1, $0xD;
	s1 =	sshrl.u32 s1, $0x2  }
0xc0: {  	s3 =	sand.u32 $0x4000, s31;
	s1 =	sadd.s32 s1, s30  }
0xc1: {  	s0 =	sor.u32 s3, s0;
	s1 =	sshll.u32 s1, $0x11  }
0xc2: {  	s0 =	sor.u32 s1, s0  }
0xc3: {  	s0 =	sadd.s32 $0x8F2B, s0  }
0xc4: {  	[sflag:s0] =	ssyncadd.remote.s32 $0x1  }
0xc5: {  	_ =	sfence.sel $0xFFFF  }
0xc6: {  	[dreg:$0x0] =	wrdreg $0xFFFFFFFF;
	(pc) =	sbr.abs _section_cstart, $3  }
0xc7: {  	[dreg:$0x1] =	wrdreg $0xFFFFFFFF  }
0xc8: {  	_ =	task.clear_ibuf [dreg:s11], $0x2FFFF;
	_ =	strace $0x9FFFFFFF  }
0xc9: {  	(tm) =	ssettm $0x7FFFFFFF  }
tec
execute0_lowered:
.L_overlay_start_1:
0x0: {  	(tag) =	ssettag $0x1  }
0x1: {  	s1 =	rddreg [dreg:$0x0]  }
0x2: {  	s2 =	rddreg [dreg:$0x1]  }
0x3: {  	s0 =	rddreg [dreg:$0x2];
	s3 =	srdreg.scid  }
0x4: {  	s4 =	stileid.u32;
	s7 =	rddreg [dreg:$0x3];
	s13 =	simm.s32 $0x17500  }
0x5: {  	s14 =	simm.s32 $0x17D00;
	s16 =	simm.s32 $0x18500;
	s17 =	simm.s32 $0x18D00  }
0x6: {  	s18 =	simm.s32 $0x19500;
	s19 =	simm.s32 $0x19D00;
	s20 =	simm.s32 $0x1  }
0x7: {  	s21 =	simm.s32 $0x1A500;
	s22 =	simm.s32 $0x2;
	s23 =	simm.s32 $0x3  }
0x8: {  	s3 =	sand.u32 $0x1, s3;
	s5 =	sshll.u32 s4, $0x1;
	s4 =	rddreg [dreg:$0x4]  }
0x9: {  	v3 =	vlaneseq.u32;
	s6 =	sor.u32 s3, s5;
	s5 =	simm.s32 $0x0;
	s3 =	ssub.s32 $0x2, s3  }
0xa: {  	vm0 =	vmmov $0xffff;
	v0 =	vmul.u32 $0x10, v3;
	s6 =	smul.u32 $0x1260, s6;
	[smem:$0x7FF] =	sst s5;
	s8 =	sshrl.u32 s3, $0x1  }
0xb: {  	s10 =	sadd.s32 $0x100, s2;
	v2 =	vshrl.u32 v3, $0x3;
	v1 =	vand.u32 $0x7, v3;
	v3 =	vor.u32 $0x8, v3;
	_ =	strace $0x80000047;
	s3 =	ssub.s32 s3, s8  }
0xc: {  	v2 =	vmul.u32 $0x8, v2;
	v4 =	vor.u32 $0x1, v0;
	v5 =	vor.u32 $0x2, v0;
	s8 =	simm.s32 $0x16D00;
	s9 =	sshrl.u32 s6, $0x3;
	s31 =	smax.u32 s3, $0x1  }
0xd: {  	v6 =	vor.u32 $0x3, v0;
	v7 =	vor.u32 $0x4, v0;
	v8 =	vor.u32 $0x5, v0;
	s11 =	sadd.s32 $0x20, s6;
	s0 =	sadd.s32 s0, s9;
	[dreg:$0x8] =	wrdreg s31  }
0xe: {  	v9 =	vor.u32 $0x6, v0;
	v10 =	vor.u32 $0x7, v0;
	v11 =	vor.u32 $0x8, v0;
	s12 =	sadd.s32 $0x40, s6;
	s30 =	sadd.s32 s7, s9;
	[dreg:$0x6] =	wrdreg s0  }
0xf: {  	v12 =	vor.u32 $0x9, v0;
	v13 =	vor.u32 $0xA, v0;
	v14 =	vor.u32 $0xB, v0;
	s9 =	sadd.s32 $0x100, s1;
	s7 =	simm.s32 $0x0;
	[dreg:$0x7] =	wrdreg s30  }
.LBB2_1:
0x10: {  	[dreg:$0x9] =	wrdreg s7  }
0x11: {  	s0 =	rddreg [dreg:$0x6];
	s3 =	simm.s32 $0x7  }
0x12: {  	[tilespmem:s5], [sflag:$0x7] =	stream.linear.gather [hbm4b:s0+s5], $0x1260, $0x38;
	[tilespmem:$0x1A800] =	vst v63  }
0x13: {  	_ =	swait.ge [sflag:s3], $0x1260  }
0x14: {  	[sflag:s3] =	ssyncset.done $0x0  }
0x15: {  	s30 =	simm.s32 $0x1280;
	s29 =	rddreg [dreg:$0x7];
	[sflag:s3] =	ssyncadd.s32 $0xFFFFEDA0  }
0x16: {  	[tilespmem:s30], [sflag:$0x7] =	stream.linear.gather [hbm4b:s29+s5], $0x1260, $0x38;
	[tilespmem:$0x1A800] =	vst v63  }
0x17: {  	_ =	swait.ge [sflag:s3], $0x1260  }
0x18: {  	[sflag:s3] =	ssyncset.done $0x0  }
0x19: {  	[sflag:s3] =	ssyncadd.s32 $0xFFFFEDA0  }
0x1a: {  	v15 =	vld [tilespmem:$0x0];
	_ =	sdelay $0x4  }
0x1b: {  	v16 =	vshll.u32 v15, $0x2  }
0x1c: {  	v15 =	vand.u32 $0x7, v15;
	v16 =	vand.u32 $0xFFFFFFE0, v16  }
0x1d: {  	v15 =	vor.u32 v15, v16  }
0x1e: {  	v16 =	vperm.xlane v15, v1;
	_ =	sdelay $0x1  }
0x1f: {  	v16 =	vadd.s32 v2, v16;
	_ =	sdelay $0x1  }
0x20: {  	v15 =	vperm.xlane v15, v3;
	_ =	sdelay $0x1  }
0x21: {  	s31 =	simm.s32 $0x2500;
	v15 =	vadd.s32 v2, v15  }
0x22: {  	[tilespmem:s31], [sflag:$0x1] =	stream.indirect_vreg.gather [hbm4b:s1+s5], $0x80, v16, vm0, $0xb8;
	[tilespmem:$0x1A800] =	vst v63  }
0x23: {  	s3 =	simm.s32 $0x2D00  }
0x24: {  	[tilespmem:s3], [sflag:$0x1] =	stream.indirect_vreg.gather [hbm4b:s9+s5], $0x80, v16, vm0, $0xb8;
	[tilespmem:$0x1A800] =	vst v63  }
0x25: {  	s7 =	simm.s32 $0x3500  }
0x26: {  	[tilespmem:s7], [sflag:$0x1] =	stream.indirect_vreg.gather [hbm4b:s1+s5], $0x80, v15, vm0, $0xb8;
	[tilespmem:$0x1A800] =	vst v63  }
0x27: {  	s15 =	simm.s32 $0x3D00  }
0x28: {  	[tilespmem:s15], [sflag:$0x1] =	stream.indirect_vreg.gather [hbm4b:s9+s5], $0x80, v15, vm0, $0xb8;
	[tilespmem:$0x1A800] =	vst v63  }
0x29: {  	v15 =	vld [tilespmem:$0x10];
	_ =	sdelay $0x4  }
0x2a: {  	v53 =	vshll.u32 v15, $0x2  }
0x2b: {  	v15 =	vand.u32 $0x7, v15;
	v16 =	vand.u32 $0xFFFFFFE0, v53  }
0x2c: {  	v15 =	vor.u32 v15, v16  }
0x2d: {  	v16 =	vperm.xlane v15, v1;
	_ =	sdelay $0x1  }
0x2e: {  	v16 =	vadd.s32 v2, v16;
	_ =	sdelay $0x1  }
0x2f: {  	v15 =	vperm.xlane v15, v3;
	_ =	sdelay $0x1  }
0x30: {  	s24 =	simm.s32 $0x4500;
	v15 =	vadd.s32 v2, v15  }
0x31: {  	[tilespmem:s24], [sflag:$0x1] =	stream.indirect_vreg.gather [hbm4b:s1+s5], $0x80, v16, vm0, $0xb8;
	[tilespmem:$0x1A800] =	vst v63  }
0x32: {  	s25 =	simm.s32 $0x4D00  }
0x33: {  	[tilespmem:s25], [sflag:$0x1] =	stream.indirect_vreg.gather [hbm4b:s9+s5], $0x80, v16, vm0, $0xb8;
	[tilespmem:$0x1A800] =	vst v63  }
0x34: {  	s26 =	simm.s32 $0x5500  }
0x35: {  	[tilespmem:s26], [sflag:$0x1] =	stream.indirect_vreg.gather [hbm4b:s1+s5], $0x80, v15, vm0, $0xb8;
	[tilespmem:$0x1A800] =	vst v63  }
0x36: {  	s28 =	simm.s32 $0x5D00  }
0x37: {  	[tilespmem:s28], [sflag:$0x1] =	stream.indirect_vreg.gather [hbm4b:s9+s5], $0x80, v15, vm0, $0xb8;
	[tilespmem:$0x1A800] =	vst v63  }
0x38: {  	v15 =	vld [tilespmem:$0x1280];
	_ =	sdelay $0x4  }
0x39: {  	v54 =	vshll.u32 v15, $0x2  }
0x3a: {  	v15 =	vand.u32 $0x7, v15;
	v16 =	vand.u32 $0xFFFFFFE0, v54  }
0x3b: {  	v15 =	vor.u32 v15, v16  }
0x3c: {  	v16 =	vperm.xlane v15, v1;
	_ =	sdelay $0x1  }
0x3d: {  	v16 =	vadd.s32 v2, v16;
	_ =	sdelay $0x1  }
0x3e: {  	v15 =	vperm.xlane v15, v3;
	_ =	sdelay $0x1  }
0x3f: {  	s29 =	simm.s32 $0xE500;
	v15 =	vadd.s32 v2, v15  }
0x40: {  	[tilespmem:s29], [sflag:$0x1] =	stream.indirect_vreg.gather [hbm4b:s2+s5], $0x80, v16, vm0, $0xb8;
	[tilespmem:$0x1A800] =	vst v63  }
0x41: {  	s30 =	simm.s32 $0xED00  }
0x42: {  	[tilespmem:s30], [sflag:$0x1] =	stream.indirect_vreg.gather [hbm4b:s10+s5], $0x80, v16, vm0, $0xb8;
	[tilespmem:$0x1A800] =	vst v63  }
0x43: {  	s31 =	simm.s32 $0xF500  }
0x44: {  	[tilespmem:s31], [sflag:$0x1] =	stream.indirect_vreg.gather [hbm4b:s2+s5], $0x80, v15, vm0, $0xb8;
	[tilespmem:$0x1A800] =	vst v63  }
0x45: {  	s3 =	simm.s32 $0xFD00  }
0x46: {  	[tilespmem:s3], [sflag:$0x1] =	stream.indirect_vreg.gather [hbm4b:s10+s5], $0x80, v15, vm0, $0xb8;
	[tilespmem:$0x1A800] =	vst v63  }
0x47: {  	v15 =	vld [tilespmem:$0x1290];
	_ =	sdelay $0x4  }
0x48: {  	v55 =	vshll.u32 v15, $0x2  }
0x49: {  	v15 =	vand.u32 $0x7, v15;
	v16 =	vand.u32 $0xFFFFFFE0, v55  }
0x4a: {  	v15 =	vor.u32 v15, v16  }
0x4b: {  	v16 =	vperm.xlane v15, v1;
	_ =	sdelay $0x1  }
0x4c: {  	v16 =	vadd.s32 v2, v16;
	_ =	sdelay $0x1  }
0x4d: {  	v15 =	vperm.xlane v15, v3;
	_ =	sdelay $0x1  }
0x4e: {  	s7 =	simm.s32 $0x10500;
	v15 =	vadd.s32 v2, v15  }
0x4f: {  	[tilespmem:s7], [sflag:$0x1] =	stream.indirect_vreg.gather [hbm4b:s2+s5], $0x80, v16, vm0, $0xb8;
	[tilespmem:$0x1A800] =	vst v63  }
0x50: {  	s15 =	simm.s32 $0x10D00  }
0x51: {  	[tilespmem:s15], [sflag:$0x1] =	stream.indirect_vreg.gather [hbm4b:s10+s5], $0x80, v16, vm0, $0xb8;
	[tilespmem:$0x1A800] =	vst v63  }
0x52: {  	s24 =	simm.s32 $0x11500  }
0x53: {  	[tilespmem:s24], [sflag:$0x1] =	stream.indirect_vreg.gather [hbm4b:s2+s5], $0x80, v15, vm0, $0xb8;
	[tilespmem:$0x1A800] =	vst v63  }
0x54: {  	s25 =	simm.s32 $0x11D00  }
0x55: {  	[tilespmem:s25], [sflag:$0x1] =	stream.indirect_vreg.gather [hbm4b:s10+s5], $0x80, v15, vm0, $0xb8;
	[tilespmem:$0x1A800] =	vst v63  }
0x56: {  	v15 =	vld [tilespmem:$0x20];
	_ =	sdelay $0x4  }
0x57: {  	v56 =	vshll.u32 v15, $0x2  }
0x58: {  	v15 =	vand.u32 $0x7, v15;
	v16 =	vand.u32 $0xFFFFFFE0, v56  }
0x59: {  	v15 =	vor.u32 v15, v16  }
0x5a: {  	v16 =	vperm.xlane v15, v1;
	_ =	sdelay $0x1  }
0x5b: {  	v16 =	vadd.s32 v2, v16;
	_ =	sdelay $0x1  }
0x5c: {  	v15 =	vperm.xlane v15, v3;
	_ =	sdelay $0x1  }
0x5d: {  	s26 =	simm.s32 $0x6500;
	v15 =	vadd.s32 v2, v15  }
0x5e: {  	[tilespmem:s26], [sflag:$0x2] =	stream.indirect_vreg.gather [hbm4b:s1+s5], $0x80, v16, vm0, $0xb8;
	[tilespmem:$0x1A800] =	vst v63  }
0x5f: {  	s28 =	simm.s32 $0x6D00  }
0x60: {  	[tilespmem:s28], [sflag:$0x2] =	stream.indirect_vreg.gather [hbm4b:s9+s5], $0x80, v16, vm0, $0xb8;
	[tilespmem:$0x1A800] =	vst v63  }
0x61: {  	s29 =	simm.s32 $0x7500  }
0x62: {  	[tilespmem:s29], [sflag:$0x2] =	stream.indirect_vreg.gather [hbm4b:s1+s5], $0x80, v15, vm0, $0xb8;
	[tilespmem:$0x1A800] =	vst v63  }
0x63: {  	s30 =	simm.s32 $0x7D00  }
0x64: {  	[tilespmem:s30], [sflag:$0x2] =	stream.indirect_vreg.gather [hbm4b:s9+s5], $0x80, v15, vm0, $0xb8;
	[tilespmem:$0x1A800] =	vst v63  }
0x65: {  	v15 =	vld [tilespmem:$0x30];
	_ =	sdelay $0x4  }
0x66: {  	v57 =	vshll.u32 v15, $0x2  }
0x67: {  	v15 =	vand.u32 $0x7, v15;
	v16 =	vand.u32 $0xFFFFFFE0, v57  }
0x68: {  	v15 =	vor.u32 v15, v16  }
0x69: {  	v16 =	vperm.xlane v15, v1;
	_ =	sdelay $0x1  }
0x6a: {  	v16 =	vadd.s32 v2, v16;
	_ =	sdelay $0x1  }
0x6b: {  	v15 =	vperm.xlane v15, v3;
	_ =	sdelay $0x1  }
0x6c: {  	s31 =	simm.s32 $0x8500;
	v15 =	vadd.s32 v2, v15  }
0x6d: {  	[tilespmem:s31], [sflag:$0x2] =	stream.indirect_vreg.gather [hbm4b:s1+s5], $0x80, v16, vm0, $0xb8;
	[tilespmem:$0x1A800] =	vst v63  }
0x6e: {  	s3 =	simm.s32 $0x8D00  }
0x6f: {  	[tilespmem:s3], [sflag:$0x2] =	stream.indirect_vreg.gather [hbm4b:s9+s5], $0x80, v16, vm0, $0xb8;
	[tilespmem:$0x1A800] =	vst v63  }
0x70: {  	s7 =	simm.s32 $0x9500  }
0x71: {  	[tilespmem:s7], [sflag:$0x2] =	stream.indirect_vreg.gather [hbm4b:s1+s5], $0x80, v15, vm0, $0xb8;
	[tilespmem:$0x1A800] =	vst v63  }
0x72: {  	s15 =	simm.s32 $0x9D00  }
0x73: {  	[tilespmem:s15], [sflag:$0x2] =	stream.indirect_vreg.gather [hbm4b:s9+s5], $0x80, v15, vm0, $0xb8;
	[tilespmem:$0x1A800] =	vst v63  }
0x74: {  	v15 =	vld [tilespmem:$0x12A0];
	_ =	sdelay $0x4  }
0x75: {  	v58 =	vshll.u32 v15, $0x2  }
0x76: {  	v15 =	vand.u32 $0x7, v15;
	v16 =	vand.u32 $0xFFFFFFE0, v58  }
0x77: {  	v15 =	vor.u32 v15, v16  }
0x78: {  	v16 =	vperm.xlane v15, v1;
	_ =	sdelay $0x1  }
0x79: {  	v16 =	vadd.s32 v2, v16;
	_ =	sdelay $0x1  }
0x7a: {  	v15 =	vperm.xlane v15, v3;
	_ =	sdelay $0x1  }
0x7b: {  	s24 =	simm.s32 $0x12500;
	v15 =	vadd.s32 v2, v15  }
0x7c: {  	[tilespmem:s24], [sflag:$0x2] =	stream.indirect_vreg.gather [hbm4b:s2+s5], $0x80, v16, vm0, $0xb8;
	[tilespmem:$0x1A800] =	vst v63  }
0x7d: {  	s25 =	simm.s32 $0x12D00  }
0x7e: {  	[tilespmem:s25], [sflag:$0x2] =	stream.indirect_vreg.gather [hbm4b:s10+s5], $0x80, v16, vm0, $0xb8;
	[tilespmem:$0x1A800] =	vst v63  }
0x7f: {  	s26 =	simm.s32 $0x13500  }
0x80: {  	[tilespmem:s26], [sflag:$0x2] =	stream.indirect_vreg.gather [hbm4b:s2+s5], $0x80, v15, vm0, $0xb8;
	[tilespmem:$0x1A800] =	vst v63  }
0x81: {  	s28 =	simm.s32 $0x13D00  }
0x82: {  	[tilespmem:s28], [sflag:$0x2] =	stream.indirect_vreg.gather [hbm4b:s10+s5], $0x80, v15, vm0, $0xb8;
	[tilespmem:$0x1A800] =	vst v63  }
0x83: {  	v15 =	vld [tilespmem:$0x12B0];
	_ =	sdelay $0x4  }
0x84: {  	v59 =	vshll.u32 v15, $0x2  }
0x85: {  	v15 =	vand.u32 $0x7, v15;
	v16 =	vand.u32 $0xFFFFFFE0, v59  }
0x86: {  	v15 =	vor.u32 v15, v16  }
0x87: {  	v16 =	vperm.xlane v15, v1;
	_ =	sdelay $0x1  }
0x88: {  	v16 =	vadd.s32 v2, v16;
	_ =	sdelay $0x1  }
0x89: {  	v15 =	vperm.xlane v15, v3;
	_ =	sdelay $0x1  }
0x8a: {  	s29 =	simm.s32 $0x14500;
	v15 =	vadd.s32 v2, v15  }
0x8b: {  	[tilespmem:s29], [sflag:$0x2] =	stream.indirect_vreg.gather [hbm4b:s2+s5], $0x80, v16, vm0, $0xb8;
	[tilespmem:$0x1A800] =	vst v63  }
0x8c: {  	s30 =	simm.s32 $0x14D00  }
0x8d: {  	[tilespmem:s30], [sflag:$0x2] =	stream.indirect_vreg.gather [hbm4b:s10+s5], $0x80, v16, vm0, $0xb8;
	[tilespmem:$0x1A800] =	vst v63  }
0x8e: {  	s31 =	simm.s32 $0x15500  }
0x8f: {  	[tilespmem:s31], [sflag:$0x2] =	stream.indirect_vreg.gather [hbm4b:s2+s5], $0x80, v15, vm0, $0xb8;
	[tilespmem:$0x1A800] =	vst v63  }
0x90: {  	s3 =	simm.s32 $0x15D00  }
0x91: {  	[tilespmem:s3], [sflag:$0x2] =	stream.indirect_vreg.gather [hbm4b:s10+s5], $0x80, v15, vm0, $0xb8;
	[tilespmem:$0x1A800] =	vst v63  }
0x92: {  	v15 =	vld [tilespmem:$0x40];
	_ =	sdelay $0x4  }
0x93: {  	v60 =	vshll.u32 v15, $0x2  }
0x94: {  	v15 =	vand.u32 $0x7, v15;
	v16 =	vand.u32 $0xFFFFFFE0, v60  }
0x95: {  	v15 =	vor.u32 v15, v16  }
0x96: {  	v16 =	vperm.xlane v15, v1;
	_ =	sdelay $0x1  }
0x97: {  	v16 =	vadd.s32 v2, v16;
	_ =	sdelay $0x1  }
0x98: {  	v15 =	vperm.xlane v15, v3;
	_ =	sdelay $0x1  }
0x99: {  	s7 =	simm.s32 $0xA500;
	v15 =	vadd.s32 v2, v15  }
0x9a: {  	[tilespmem:s7], [sflag:$0x3] =	stream.indirect_vreg.gather [hbm4b:s1+s5], $0x80, v16, vm0, $0xb8;
	[tilespmem:$0x1A800] =	vst v63  }
0x9b: {  	s15 =	simm.s32 $0xAD00  }
0x9c: {  	[tilespmem:s15], [sflag:$0x3] =	stream.indirect_vreg.gather [hbm4b:s9+s5], $0x80, v16, vm0, $0xb8;
	[tilespmem:$0x1A800] =	vst v63  }
0x9d: {  	s24 =	simm.s32 $0xB500  }
0x9e: {  	[tilespmem:s24], [sflag:$0x3] =	stream.indirect_vreg.gather [hbm4b:s1+s5], $0x80, v15, vm0, $0xb8;
	[tilespmem:$0x1A800] =	vst v63  }
0x9f: {  	s25 =	simm.s32 $0xBD00  }
0xa0: {  	[tilespmem:s25], [sflag:$0x3] =	stream.indirect_vreg.gather [hbm4b:s9+s5], $0x80, v15, vm0, $0xb8;
	[tilespmem:$0x1A800] =	vst v63  }
0xa1: {  	v15 =	vld [tilespmem:$0x50];
	_ =	sdelay $0x4  }
0xa2: {  	v61 =	vshll.u32 v15, $0x2  }
0xa3: {  	v15 =	vand.u32 $0x7, v15;
	v16 =	vand.u32 $0xFFFFFFE0, v61  }
0xa4: {  	v15 =	vor.u32 v15, v16  }
0xa5: {  	v16 =	vperm.xlane v15, v1;
	_ =	sdelay $0x1  }
0xa6: {  	v16 =	vadd.s32 v2, v16;
	_ =	sdelay $0x1  }
0xa7: {  	v15 =	vperm.xlane v15, v3;
	_ =	sdelay $0x1  }
0xa8: {  	s26 =	simm.s32 $0xC500;
	v15 =	vadd.s32 v2, v15  }
0xa9: {  	[tilespmem:s26], [sflag:$0x3] =	stream.indirect_vreg.gather [hbm4b:s1+s5], $0x80, v16, vm0, $0xb8;
	[tilespmem:$0x1A800] =	vst v63  }
0xaa: {  	s28 =	simm.s32 $0xCD00  }
0xab: {  	[tilespmem:s28], [sflag:$0x3] =	stream.indirect_vreg.gather [hbm4b:s9+s5], $0x80, v16, vm0, $0xb8;
	[tilespmem:$0x1A800] =	vst v63  }
0xac: {  	s29 =	simm.s32 $0xD500  }
0xad: {  	[tilespmem:s29], [sflag:$0x3] =	stream.indirect_vreg.gather [hbm4b:s1+s5], $0x80, v15, vm0, $0xb8;
	[tilespmem:$0x1A800] =	vst v63  }
0xae: {  	s30 =	simm.s32 $0xDD00  }
0xaf: {  	[tilespmem:s30], [sflag:$0x3] =	stream.indirect_vreg.gather [hbm4b:s9+s5], $0x80, v15, vm0, $0xb8;
	[tilespmem:$0x1A800] =	vst v63  }
0xb0: {  	v15 =	vld [tilespmem:$0x12C0];
	_ =	sdelay $0x4  }
0xb1: {  	v62 =	vshll.u32 v15, $0x2  }
0xb2: {  	v15 =	vand.u32 $0x7, v15;
	v16 =	vand.u32 $0xFFFFFFE0, v62  }
0xb3: {  	v15 =	vor.u32 v15, v16  }
0xb4: {  	v16 =	vperm.xlane v15, v1;
	_ =	sdelay $0x1  }
0xb5: {  	v16 =	vadd.s32 v2, v16;
	_ =	sdelay $0x1  }
0xb6: {  	v15 =	vperm.xlane v15, v3;
	_ =	sdelay $0x1  }
0xb7: {  	s31 =	simm.s32 $0x16500;
	v15 =	vadd.s32 v2, v15  }
0xb8: {  	[tilespmem:s31], [sflag:$0x3] =	stream.indirect_vreg.gather [hbm4b:s2+s5], $0x80, v16, vm0, $0xb8;
	[tilespmem:$0x1A800] =	vst v63  }
0xb9: {  	_ = 	snop  }
0xba: {  	[tilespmem:s8], [sflag:$0x3] =	stream.indirect_vreg.gather [hbm4b:s10+s5], $0x80, v16, vm0, $0xb8;
	[tilespmem:$0x1A800] =	vst v63  }
0xbb: {  	_ = 	snop  }
0xbc: {  	[tilespmem:s13], [sflag:$0x3] =	stream.indirect_vreg.gather [hbm4b:s2+s5], $0x80, v15, vm0, $0xb8;
	[tilespmem:$0x1A800] =	vst v63  }
0xbd: {  	_ = 	snop  }
0xbe: {  	[tilespmem:s14], [sflag:$0x3] =	stream.indirect_vreg.gather [hbm4b:s10+s5], $0x80, v15, vm0, $0xb8;
	[tilespmem:$0x1A800] =	vst v63  }
0xbf: {  	v15 =	vld [tilespmem:$0x12D0];
	_ =	sdelay $0x4  }
0xc0: {  	v63 =	vshll.u32 v15, $0x2  }
0xc1: {  	v15 =	vand.u32 $0x7, v15;
	v16 =	vand.u32 $0xFFFFFFE0, v63  }
0xc2: {  	v15 =	vor.u32 v15, v16  }
0xc3: {  	v16 =	vperm.xlane v15, v1;
	_ =	sdelay $0x1  }
0xc4: {  	v16 =	vadd.s32 v2, v16;
	_ =	sdelay $0x1  }
0xc5: {  	v15 =	vperm.xlane v15, v3;
	_ =	sdelay $0x1  }
0xc6: {  	v15 =	vadd.s32 v2, v15  }
0xc7: {  	[tilespmem:s16], [sflag:$0x3] =	stream.indirect_vreg.gather [hbm4b:s2+s5], $0x80, v16, vm0, $0xb8;
	[tilespmem:$0x1A800] =	vst v63  }
0xc8: {  	_ = 	snop  }
0xc9: {  	[tilespmem:s17], [sflag:$0x3] =	stream.indirect_vreg.gather [hbm4b:s10+s5], $0x80, v16, vm0, $0xb8;
	[tilespmem:$0x1A800] =	vst v63  }
0xca: {  	_ = 	snop  }
0xcb: {  	[tilespmem:s18], [sflag:$0x3] =	stream.indirect_vreg.gather [hbm4b:s2+s5], $0x80, v15, vm0, $0xb8;
	[tilespmem:$0x1A800] =	vst v63  }
0xcc: {  	s24 =	simm.s32 $0x0  }
0xcd: {  	[tilespmem:s19], [sflag:$0x3] =	stream.indirect_vreg.gather [hbm4b:s10+s5], $0x80, v15, vm0, $0xb8;
	[tilespmem:$0x1A800] =	vst v63  }
.LBB2_2:
0xce: {  	_ =	swait.ge [sflag:s20], $0x4000  }
0xcf: {  	[sflag:s20] =	ssyncset.done $0x0  }
0xd0: {  	[sflag:s20] =	ssyncadd.s32 $0xFFFFC000  }
0xd1: {  	_ =	swait.ge [sflag:s20], $0x4000  }
0xd2: {  	p0 =	seq.s32 s24, $0x0;
	[sflag:s20] =	ssyncset.done $0x0  }
0xd3: {  	s0 =	simm.s32 @!p0 $0x4;
	[sflag:s20] =	ssyncadd.s32 $0xFFFFC000  }
0xd4: {  	_ =	swait.ge @!p0 [sflag:s0], $0x20  }
0xd5: {  	s25 =	smul.u32 $0x3, s24;
	s26 =	simm.s32 $0x0;
	[sflag:s0] =	ssyncset.done @!p0 $0x0  }
0xd6: {  	p2 =	por $0x1, $0x1;
	s28 =	simm.s32 $0x0;
	[sflag:s0] =	ssyncadd.s32 @!p0 $0xFFFFFFE0  }
.LBB2_3:
0xd7: {  	s29 =	sshll.u32 s28, $0xD;
	s0 =	sand.u32 $0x1000, s26  }
0xd8: {  	s3 =	sand.u32 $0x380, s26;
	s0 =	sor.u32 s29, s0  }
0xd9: {  	s0 =	sor.u32 s3, s0  }
0xda: {  	v15 =	vld [tilespmem:s0+$0xE500]  }
0xdb: {  	v16 =	vld [tilespmem:s0+$0x2500]  }
0xdc: {  	v17 =	vld [tilespmem:s0+$0x2510]  }
0xdd: {  	v18 =	vld [tilespmem:s0+$0xE510]  }
0xde: {  	v19 =	vld [tilespmem:s0+$0x2520]  }
0xdf: {  	v20 =	vld [tilespmem:s0+$0xE520]  }
0xe0: {  	v21 =	vld [tilespmem:s0+$0x2530]  }
0xe1: {  	v22 =	vld [tilespmem:s0+$0xE530]  }
0xe2: {  	v58 =	vld [tilespmem:s0+$0xE540];
	v15 =	vmul.f32 v15, v16;
	v16 =	vmul.f32 v18, v17  }
0xe3: {  	v17 =	vld [tilespmem:s0+$0x2540]  }
0xe4: {  	v59 =	vld [tilespmem:s0+$0x2550];
	v15 =	vadd.f32 v16, v15;
	v16 =	vmul.f32 v20, v19  }
0xe5: {  	v60 =	vld [tilespmem:s0+$0xE550]  }
0xe6: {  	v61 =	vld [tilespmem:s0+$0x2560];
	v15 =	vadd.f32 v16, v15;
	v16 =	vmul.f32 v22, v21  }
0xe7: {  	v62 =	vld [tilespmem:s0+$0xE560]  }
0xe8: {  	v63 =	vld [tilespmem:s0+$0xE570];
	v15 =	vadd.f32 v16, v15;
	v16 =	vmul.f32 v58, v17  }
0xe9: {  	v17 =	vld [tilespmem:s0+$0x2570]  }
0xea: {  	v24 =	vld [tilespmem:s0+$0x2900];
	v15 =	vadd.f32 v16, v15;
	v16 =	vmul.f32 v60, v59  }
0xeb: {  	v25 =	vld [tilespmem:s0+$0xE900]  }
0xec: {  	v26 =	vld [tilespmem:s0+$0x2910];
	v15 =	vadd.f32 v16, v15;
	v16 =	vmul.f32 v62, v61  }
0xed: {  	v27 =	vld [tilespmem:s0+$0xE910]  }
0xee: {  	v28 =	vld [tilespmem:s0+$0xE920];
	v15 =	vadd.f32 v16, v15;
	v16 =	vmul.f32 v63, v17  }
0xef: {  	v17 =	vld [tilespmem:s0+$0x2920]  }
0xf0: {  	v29 =	vld [tilespmem:s0+$0x2930];
	v15 =	vadd.f32 v16, v15;
	v16 =	vmul.f32 v25, v24  }
0xf1: {  	v30 =	vld [tilespmem:s0+$0xE930]  }
0xf2: {  	v31 =	vld [tilespmem:s0+$0x2940];
	v15 =	vadd.f32 v16, v15;
	v16 =	vmul.f32 v27, v26  }
0xf3: {  	v32 =	vld [tilespmem:s0+$0xE940]  }
0xf4: {  	v33 =	vld [tilespmem:s0+$0xE950];
	v15 =	vadd.f32 v16, v15;
	v16 =	vmul.f32 v28, v17  }
0xf5: {  	v17 =	vld [tilespmem:s0+$0x2950]  }
0xf6: {  	v34 =	vld [tilespmem:s0+$0x2960];
	v15 =	vadd.f32 v16, v15;
	v16 =	vmul.f32 v30, v29  }
0xf7: {  	v35 =	vld [tilespmem:s0+$0xE960]  }
0xf8: {  	v36 =	vld [tilespmem:s0+$0x2970];
	v15 =	vadd.f32 v16, v15;
	v16 =	vmul.f32 v32, v31  }
0xf9: {  	v37 =	vld [tilespmem:s0+$0xE970]  }
0xfa: {  	v38 =	vld [tilespmem:s0+$0xED00];
	v15 =	vadd.f32 v16, v15;
	v16 =	vmul.f32 v33, v17  }
0xfb: {  	v17 =	vld [tilespmem:s0+$0x2D00]  }
0xfc: {  	v39 =	vld [tilespmem:s0+$0x2D10];
	v15 =	vadd.f32 v16, v15;
	v16 =	vmul.f32 v35, v34  }
0xfd: {  	v40 =	vld [tilespmem:s0+$0xED10]  }
0xfe: {  	v41 =	vld [tilespmem:s0+$0x2D20];
	v15 =	vadd.f32 v16, v15;
	v16 =	vmul.f32 v37, v36  }
0xff: {  	v42 =	vld [tilespmem:s0+$0xED20]  }
0x100: {  	v43 =	vld [tilespmem:s0+$0xED30];
	v15 =	vadd.f32 v16, v15;
	v16 =	vmul.f32 v38, v17  }
0x101: {  	v17 =	vld [tilespmem:s0+$0x2D30]  }
0x102: {  	v44 =	vld [tilespmem:s0+$0x2D40];
	v15 =	vadd.f32 v16, v15;
	v16 =	vmul.f32 v40, v39  }
0x103: {  	v45 =	vld [tilespmem:s0+$0xED40]  }
0x104: {  	v46 =	vld [tilespmem:s0+$0x2D50];
	v15 =	vadd.f32 v16, v15;
	v16 =	vmul.f32 v42, v41  }
0x105: {  	v47 =	vld [tilespmem:s0+$0xED50]  }
0x106: {  	v48 =	vld [tilespmem:s0+$0xED60];
	v15 =	vadd.f32 v16, v15;
	v16 =	vmul.f32 v43, v17  }
0x107: {  	v17 =	vld [tilespmem:s0+$0x2D60]  }
0x108: {  	v49 =	vld [tilespmem:s0+$0x2D70];
	v15 =	vadd.f32 v16, v15;
	v16 =	vmul.f32 v45, v44  }
0x109: {  	v50 =	vld [tilespmem:s0+$0xED70]  }
0x10a: {  	v51 =	vld [tilespmem:s0+$0x3100];
	v15 =	vadd.f32 v16, v15;
	v16 =	vmul.f32 v47, v46  }
0x10b: {  	v52 =	vld [tilespmem:s0+$0xF100]  }
0x10c: {  	v53 =	vld [tilespmem:s0+$0xF110];
	v15 =	vadd.f32 v16, v15;
	v16 =	vmul.f32 v48, v17  }
0x10d: {  	v17 =	vld [tilespmem:s0+$0x3110]  }
0x10e: {  	v54 =	vld [tilespmem:s0+$0x3120];
	v15 =	vadd.f32 v16, v15;
	v16 =	vmul.f32 v50, v49  }
0x10f: {  	v55 =	vld [tilespmem:s0+$0xF120]  }
0x110: {  	v56 =	vld [tilespmem:s0+$0x3130];
	v15 =	vadd.f32 v16, v15;
	v16 =	vmul.f32 v52, v51  }
0x111: {  	v57 =	vld [tilespmem:s0+$0xF130]  }
0x112: {  	v58 =	vld [tilespmem:s0+$0xF140];
	v15 =	vadd.f32 v16, v15;
	v16 =	vmul.f32 v53, v17  }
0x113: {  	v17 =	vld [tilespmem:s0+$0x3140]  }
0x114: {  	v59 =	vld [tilespmem:s0+$0x3150];
	v15 =	vadd.f32 v16, v15;
	v16 =	vmul.f32 v55, v54  }
0x115: {  	v60 =	vld [tilespmem:s0+$0xF150]  }
0x116: {  	v61 =	vld [tilespmem:s0+$0x3160];
	v15 =	vadd.f32 v16, v15;
	v16 =	vmul.f32 v57, v56  }
0x117: {  	v62 =	vld [tilespmem:s0+$0xF160]  }
0x118: {  	v63 =	vld [tilespmem:s0+$0xF170];
	v15 =	vadd.f32 v16, v15;
	v16 =	vmul.f32 v58, v17  }
0x119: {  	v17 =	vld [tilespmem:s0+$0x3170]  }
0x11a: {  	v15 =	vadd.f32 v16, v15;
	v16 =	vmul.f32 v60, v59;
	_ =	sdelay $0x1  }
0x11b: {  	v15 =	vadd.f32 v16, v15;
	v16 =	vmul.f32 v62, v61;
	_ =	sdelay $0x1  }
0x11c: {  	v15 =	vadd.f32 v16, v15;
	v16 =	vmul.f32 v63, v17  }
0x11d: {  	s15 =	simm.s32 $0x200  }
0x11e: {  	s3 =	simm.s32 $0x80;
	s0 =	sand.u32 $0x1000, s15;
	v15 =	vadd.f32 v16, v15  }
0x11f: {  	s30 =	simm.s32 $0x1A500;
	s15 =	sand.u32 $0x380, s3;
	s0 =	sor.u32 s29, s0  }
0x120: {  	s31 =	sor.u32 s15, s0;
	[tilespmem:s30+$0x0] =	vst v15  }
0x121: {  	p1 =	por p2, p2;
	s0 =	simm.s32 $0x400;
	v15 =	vld [tilespmem:s31+$0xE500]  }
.LBB2_4:
0x122: {  	p2 =	sne.s32 s0, $0x1E00;
	v16 =	vld [tilespmem:s31+$0x2500]  }
0x123: {  	v17 =	vld [tilespmem:s31+$0x2510]  }
0x124: {  	v18 =	vld [tilespmem:s31+$0xE510]  }
0x125: {  	v19 =	vld [tilespmem:s31+$0x2520]  }
0x126: {  	v20 =	vld [tilespmem:s31+$0xE520]  }
0x127: {  	v21 =	vld [tilespmem:s31+$0x2530]  }
0x128: {  	v22 =	vld [tilespmem:s31+$0xE530]  }
0x129: {  	v15 =	vmul.f32 v15, v16;
	v16 =	vmul.f32 v18, v17;
	v17 =	vld [tilespmem:s31+$0x2540]  }
0x12a: {  	v18 =	vld [tilespmem:s31+$0xE540]  }
0x12b: {  	v15 =	vadd.f32 v16, v15;
	v16 =	vmul.f32 v20, v19;
	v19 =	vld [tilespmem:s31+$0x2550]  }
0x12c: {  	v20 =	vld [tilespmem:s31+$0xE550]  }
0x12d: {  	v15 =	vadd.f32 v16, v15;
	v16 =	vmul.f32 v22, v21;
	v21 =	vld [tilespmem:s31+$0x2560]  }
0x12e: {  	v22 =	vld [tilespmem:s31+$0xE560]  }
0x12f: {  	v15 =	vadd.f32 v16, v15;
	v16 =	vmul.f32 v18, v17;
	v17 =	vld [tilespmem:s31+$0x2570]  }
0x130: {  	v18 =	vld [tilespmem:s31+$0xE570]  }
0x131: {  	v15 =	vadd.f32 v16, v15;
	v16 =	vmul.f32 v20, v19;
	v19 =	vld [tilespmem:s31+$0x2900]  }
0x132: {  	v20 =	vld [tilespmem:s31+$0xE900]  }
0x133: {  	v15 =	vadd.f32 v16, v15;
	v16 =	vmul.f32 v22, v21;
	v21 =	vld [tilespmem:s31+$0x2910]  }
0x134: {  	v22 =	vld [tilespmem:s31+$0xE910]  }
0x135: {  	v15 =	vadd.f32 v16, v15;
	v16 =	vmul.f32 v18, v17;
	v17 =	vld [tilespmem:s31+$0x2920]  }
0x136: {  	v18 =	vld [tilespmem:s31+$0xE920]  }
0x137: {  	v15 =	vadd.f32 v16, v15;
	v16 =	vmul.f32 v20, v19;
	v19 =	vld [tilespmem:s31+$0x2930]  }
0x138: {  	v20 =	vld [tilespmem:s31+$0xE930]  }
0x139: {  	v15 =	vadd.f32 v16, v15;
	v16 =	vmul.f32 v22, v21;
	v21 =	vld [tilespmem:s31+$0x2940]  }
0x13a: {  	v22 =	vld [tilespmem:s31+$0xE940]  }
0x13b: {  	v15 =	vadd.f32 v16, v15;
	v16 =	vmul.f32 v18, v17;
	v17 =	vld [tilespmem:s31+$0x2950]  }
0x13c: {  	v18 =	vld [tilespmem:s31+$0xE950]  }
0x13d: {  	v15 =	vadd.f32 v16, v15;
	v16 =	vmul.f32 v20, v19;
	v19 =	vld [tilespmem:s31+$0x2960]  }
0x13e: {  	v20 =	vld [tilespmem:s31+$0xE960]  }
0x13f: {  	v15 =	vadd.f32 v16, v15;
	v16 =	vmul.f32 v22, v21;
	v21 =	vld [tilespmem:s31+$0x2970]  }
0x140: {  	v22 =	vld [tilespmem:s31+$0xE970]  }
0x141: {  	v15 =	vadd.f32 v16, v15;
	v16 =	vmul.f32 v18, v17;
	v17 =	vld [tilespmem:s31+$0x2D00]  }
0x142: {  	v18 =	vld [tilespmem:s31+$0xED00]  }
0x143: {  	v15 =	vadd.f32 v16, v15;
	v16 =	vmul.f32 v20, v19;
	v19 =	vld [tilespmem:s31+$0x2D10]  }
0x144: {  	v20 =	vld [tilespmem:s31+$0xED10]  }
0x145: {  	v15 =	vadd.f32 v16, v15;
	v16 =	vmul.f32 v22, v21;
	v21 =	vld [tilespmem:s31+$0x2D20]  }
0x146: {  	v22 =	vld [tilespmem:s31+$0xED20]  }
0x147: {  	v15 =	vadd.f32 v16, v15;
	v16 =	vmul.f32 v18, v17;
	v17 =	vld [tilespmem:s31+$0x2D30]  }
0x148: {  	v18 =	vld [tilespmem:s31+$0xED30]  }
0x149: {  	v15 =	vadd.f32 v16, v15;
	v16 =	vmul.f32 v20, v19;
	v19 =	vld [tilespmem:s31+$0x2D40]  }
0x14a: {  	v20 =	vld [tilespmem:s31+$0xED40]  }
0x14b: {  	v15 =	vadd.f32 v16, v15;
	v16 =	vmul.f32 v22, v21;
	v21 =	vld [tilespmem:s31+$0x2D50]  }
0x14c: {  	v22 =	vld [tilespmem:s31+$0xED50]  }
0x14d: {  	v15 =	vadd.f32 v16, v15;
	v16 =	vmul.f32 v18, v17;
	v17 =	vld [tilespmem:s31+$0x2D60]  }
0x14e: {  	v18 =	vld [tilespmem:s31+$0xED60]  }
0x14f: {  	v15 =	vadd.f32 v16, v15;
	v16 =	vmul.f32 v20, v19;
	v19 =	vld [tilespmem:s31+$0x2D70]  }
0x150: {  	v20 =	vld [tilespmem:s31+$0xED70]  }
0x151: {  	v15 =	vadd.f32 v16, v15;
	v16 =	vmul.f32 v22, v21;
	v21 =	vld [tilespmem:s31+$0x3100]  }
0x152: {  	v22 =	vld [tilespmem:s31+$0xF100]  }
0x153: {  	v15 =	vadd.f32 v16, v15;
	v16 =	vmul.f32 v18, v17;
	v17 =	vld [tilespmem:s31+$0x3110]  }
0x154: {  	v18 =	vld [tilespmem:s31+$0xF110]  }
0x155: {  	v15 =	vadd.f32 v16, v15;
	v16 =	vmul.f32 v20, v19;
	v19 =	vld [tilespmem:s31+$0x3120]  }
0x156: {  	v20 =	vld [tilespmem:s31+$0xF120]  }
0x157: {  	v15 =	vadd.f32 v16, v15;
	v16 =	vmul.f32 v22, v21;
	v21 =	vld [tilespmem:s31+$0x3130]  }
0x158: {  	v22 =	vld [tilespmem:s31+$0xF130]  }
0x159: {  	v15 =	vadd.f32 v16, v15;
	v16 =	vmul.f32 v18, v17;
	v17 =	vld [tilespmem:s31+$0x3140]  }
0x15a: {  	v18 =	vld [tilespmem:s31+$0xF140]  }
0x15b: {  	v15 =	vadd.f32 v16, v15;
	v16 =	vmul.f32 v20, v19;
	v19 =	vld [tilespmem:s31+$0x3150]  }
0x15c: {  	v20 =	vld [tilespmem:s31+$0xF150]  }
0x15d: {  	v15 =	vadd.f32 v16, v15;
	v16 =	vmul.f32 v22, v21;
	v21 =	vld [tilespmem:s31+$0x3160]  }
0x15e: {  	v22 =	vld [tilespmem:s31+$0xF160]  }
0x15f: {  	v15 =	vadd.f32 v16, v15;
	v16 =	vmul.f32 v18, v17;
	v17 =	vld [tilespmem:s31+$0x3170]  }
0x160: {  	v18 =	vld [tilespmem:s31+$0xF170]  }
0x161: {  	v15 =	vadd.f32 v16, v15;
	v16 =	vmul.f32 v20, v19;
	_ =	sdelay $0x1  }
0x162: {  	v15 =	vadd.f32 v16, v15;
	v16 =	vmul.f32 v22, v21;
	_ =	sdelay $0x1  }
0x163: {  	v15 =	vadd.f32 v16, v15;
	v16 =	vmul.f32 v18, v17  }
.Ltmp0:
0x164: {  	(pc) =	sbr.rel @p2 .LBB2_4-.Ltmp0, $4  }
0x165: {  	s15 =	sand.u32 $0x1000, s0;
	s3 =	sadd.s32 $0x80, s3;
	v15 =	vadd.f32 v16, v15  }
0x166: {  	s30 =	sadd.s32 $0x10, s30;
	s15 =	sor.u32 s29, s15;
	s31 =	sand.u32 $0x380, s3  }
0x167: {  	s31 =	sor.u32 s31, s15;
	[tilespmem:s30+$0x0] =	vst v15  }
0x168: {  	s0 =	sadd.s32 $0x200, s0;
	v15 =	vld [tilespmem:s31+$0xE500]  }
0x169: {  	v16 =	vld [tilespmem:s31+$0x2500]  }
0x16a: {  	v17 =	vld [tilespmem:s31+$0x2510]  }
0x16b: {  	v18 =	vld [tilespmem:s31+$0xE510]  }
0x16c: {  	v19 =	vld [tilespmem:s31+$0x2520]  }
0x16d: {  	v20 =	vld [tilespmem:s31+$0xE520]  }
0x16e: {  	v21 =	vld [tilespmem:s31+$0x2530]  }
0x16f: {  	v22 =	vld [tilespmem:s31+$0xE530]  }
0x170: {  	v15 =	vmul.f32 v15, v16;
	v16 =	vmul.f32 v18, v17;
	v17 =	vld [tilespmem:s31+$0x2540]  }
0x171: {  	v18 =	vld [tilespmem:s31+$0xE540]  }
0x172: {  	v15 =	vadd.f32 v16, v15;
	v16 =	vmul.f32 v20, v19;
	v19 =	vld [tilespmem:s31+$0x2550]  }
0x173: {  	v20 =	vld [tilespmem:s31+$0xE550]  }
0x174: {  	v43 =	vld [tilespmem:s31+$0x2560];
	v15 =	vadd.f32 v16, v15;
	v16 =	vmul.f32 v22, v21  }
0x175: {  	v44 =	vld [tilespmem:s31+$0xE560]  }
0x176: {  	v15 =	vadd.f32 v16, v15;
	v16 =	vmul.f32 v18, v17;
	v17 =	vld [tilespmem:s31+$0x2570]  }
0x177: {  	v18 =	vld [tilespmem:s31+$0xE570]  }
0x178: {  	v15 =	vadd.f32 v16, v15;
	v16 =	vmul.f32 v20, v19;
	v19 =	vld [tilespmem:s31+$0x2900]  }
0x179: {  	v20 =	vld [tilespmem:s31+$0xE900]  }
0x17a: {  	v45 =	vld [tilespmem:s31+$0x2910];
	v15 =	vadd.f32 v16, v15;
	v16 =	vmul.f32 v44, v43  }
0x17b: {  	v46 =	vld [tilespmem:s31+$0xE910]  }
0x17c: {  	v15 =	vadd.f32 v16, v15;
	v16 =	vmul.f32 v18, v17;
	v17 =	vld [tilespmem:s31+$0x2920]  }
0x17d: {  	v18 =	vld [tilespmem:s31+$0xE920]  }
0x17e: {  	v15 =	vadd.f32 v16, v15;
	v16 =	vmul.f32 v20, v19;
	v19 =	vld [tilespmem:s31+$0x2930]  }
0x17f: {  	v20 =	vld [tilespmem:s31+$0xE930]  }
0x180: {  	v47 =	vld [tilespmem:s31+$0x2940];
	v15 =	vadd.f32 v16, v15;
	v16 =	vmul.f32 v46, v45  }
0x181: {  	v48 =	vld [tilespmem:s31+$0xE940]  }
0x182: {  	v15 =	vadd.f32 v16, v15;
	v16 =	vmul.f32 v18, v17;
	v17 =	vld [tilespmem:s31+$0x2950]  }
0x183: {  	v18 =	vld [tilespmem:s31+$0xE950]  }
0x184: {  	v15 =	vadd.f32 v16, v15;
	v16 =	vmul.f32 v20, v19;
	v19 =	vld [tilespmem:s31+$0x2960]  }
0x185: {  	v20 =	vld [tilespmem:s31+$0xE960]  }
0x186: {  	v49 =	vld [tilespmem:s31+$0x2970];
	v15 =	vadd.f32 v16, v15;
	v16 =	vmul.f32 v48, v47  }
0x187: {  	v50 =	vld [tilespmem:s31+$0xE970]  }
0x188: {  	v15 =	vadd.f32 v16, v15;
	v16 =	vmul.f32 v18, v17;
	v17 =	vld [tilespmem:s31+$0x2D00]  }
0x189: {  	v18 =	vld [tilespmem:s31+$0xED00]  }
0x18a: {  	v15 =	vadd.f32 v16, v15;
	v16 =	vmul.f32 v20, v19;
	v19 =	vld [tilespmem:s31+$0x2D10]  }
0x18b: {  	v20 =	vld [tilespmem:s31+$0xED10]  }
0x18c: {  	v51 =	vld [tilespmem:s31+$0x2D20];
	v15 =	vadd.f32 v16, v15;
	v16 =	vmul.f32 v50, v49  }
0x18d: {  	v52 =	vld [tilespmem:s31+$0xED20]  }
0x18e: {  	v15 =	vadd.f32 v16, v15;
	v16 =	vmul.f32 v18, v17;
	v17 =	vld [tilespmem:s31+$0x2D30]  }
0x18f: {  	v18 =	vld [tilespmem:s31+$0xED30]  }
0x190: {  	v15 =	vadd.f32 v16, v15;
	v16 =	vmul.f32 v20, v19;
	v19 =	vld [tilespmem:s31+$0x2D40]  }
0x191: {  	v20 =	vld [tilespmem:s31+$0xED40]  }
0x192: {  	v53 =	vld [tilespmem:s31+$0x2D50];
	v15 =	vadd.f32 v16, v15;
	v16 =	vmul.f32 v52, v51  }
0x193: {  	v54 =	vld [tilespmem:s31+$0xED50]  }
0x194: {  	v15 =	vadd.f32 v16, v15;
	v16 =	vmul.f32 v18, v17;
	v17 =	vld [tilespmem:s31+$0x2D60]  }
0x195: {  	v18 =	vld [tilespmem:s31+$0xED60]  }
0x196: {  	v15 =	vadd.f32 v16, v15;
	v16 =	vmul.f32 v20, v19;
	v19 =	vld [tilespmem:s31+$0x2D70]  }
0x197: {  	v20 =	vld [tilespmem:s31+$0xED70]  }
0x198: {  	v55 =	vld [tilespmem:s31+$0x3100];
	v15 =	vadd.f32 v16, v15;
	v16 =	vmul.f32 v54, v53  }
0x199: {  	v56 =	vld [tilespmem:s31+$0xF100]  }
0x19a: {  	v15 =	vadd.f32 v16, v15;
	v16 =	vmul.f32 v18, v17;
	v17 =	vld [tilespmem:s31+$0x3110]  }
0x19b: {  	v18 =	vld [tilespmem:s31+$0xF110]  }
0x19c: {  	v15 =	vadd.f32 v16, v15;
	v16 =	vmul.f32 v20, v19;
	v19 =	vld [tilespmem:s31+$0x3120]  }
0x19d: {  	v20 =	vld [tilespmem:s31+$0xF120]  }
0x19e: {  	v57 =	vld [tilespmem:s31+$0x3130];
	v15 =	vadd.f32 v16, v15;
	v16 =	vmul.f32 v56, v55  }
0x19f: {  	v58 =	vld [tilespmem:s31+$0xF130]  }
0x1a0: {  	v15 =	vadd.f32 v16, v15;
	v16 =	vmul.f32 v18, v17;
	v17 =	vld [tilespmem:s31+$0x3140]  }
0x1a1: {  	v18 =	vld [tilespmem:s31+$0xF140]  }
0x1a2: {  	v15 =	vadd.f32 v16, v15;
	v16 =	vmul.f32 v20, v19;
	v19 =	vld [tilespmem:s31+$0x3150]  }
0x1a3: {  	v20 =	vld [tilespmem:s31+$0xF150]  }
0x1a4: {  	v59 =	vld [tilespmem:s31+$0x3160];
	v15 =	vadd.f32 v16, v15;
	v16 =	vmul.f32 v58, v57  }
0x1a5: {  	v60 =	vld [tilespmem:s31+$0xF160]  }
0x1a6: {  	v15 =	vadd.f32 v16, v15;
	v16 =	vmul.f32 v18, v17;
	v17 =	vld [tilespmem:s31+$0x3170]  }
0x1a7: {  	v18 =	vld [tilespmem:s31+$0xF170]  }
0x1a8: {  	v15 =	vadd.f32 v16, v15;
	v16 =	vmul.f32 v20, v19;
	_ =	sdelay $0x1  }
0x1a9: {  	v15 =	vadd.f32 v16, v15;
	v16 =	vmul.f32 v60, v59;
	_ =	sdelay $0x1  }
0x1aa: {  	v15 =	vadd.f32 v16, v15;
	v16 =	vmul.f32 v18, v17;
	_ =	sdelay $0x1  }
0x1ab: {  	v15 =	vadd.f32 v16, v15  }
0x1ac: {  	s0 =	sadd.s32 $0x10, s30  }
0x1ad: {  	[tilespmem:s0+$0x0] =	vst v15  }
0x1ae: {  	v15 =	vld.idx.msk [tilespmem:v0+s21+$0x0], $0xffff  }
0x1af: {  	v16 =	vld.idx.msk [tilespmem:v4+s21+$0x0], $0xffff;
	_ =	sdelay $0x1  }
0x1b0: {  	v17 =	vld.idx.msk [tilespmem:v5+s21+$0x0], $0xffff;
	_ =	sdelay $0x1  }
0x1b1: {  	v18 =	vld.idx.msk [tilespmem:v6+s21+$0x0], $0xffff  }
0x1b2: {  	v15 =	vadd.f32 v16, v15  }
0x1b3: {  	v16 =	vld.idx.msk [tilespmem:v7+s21+$0x0], $0xffff  }
0x1b4: {  	v15 =	vadd.f32 v17, v15  }
0x1b5: {  	v17 =	vld.idx.msk [tilespmem:v8+s21+$0x0], $0xffff  }
0x1b6: {  	v15 =	vadd.f32 v18, v15  }
0x1b7: {  	v18 =	vld.idx.msk [tilespmem:v9+s21+$0x0], $0xffff  }
0x1b8: {  	v15 =	vadd.f32 v16, v15  }
0x1b9: {  	v16 =	vld.idx.msk [tilespmem:v10+s21+$0x0], $0xffff  }
0x1ba: {  	v15 =	vadd.f32 v17, v15  }
0x1bb: {  	v17 =	vld.idx.msk [tilespmem:v11+s21+$0x0], $0xffff  }
0x1bc: {  	v15 =	vadd.f32 v18, v15  }
0x1bd: {  	v18 =	vld.idx.msk [tilespmem:v12+s21+$0x0], $0xffff  }
0x1be: {  	v16 =	vadd.f32 v16, v15;
	v15 =	vor.u32 $0xC, v0  }
0x1bf: {  	v19 =	vld.idx.msk [tilespmem:v13+s21+$0x0], $0xffff  }
0x1c0: {  	v17 =	vadd.f32 v17, v16;
	v16 =	vor.u32 $0xD, v0  }
0x1c1: {  	v20 =	vld.idx.msk [tilespmem:v14+s21+$0x0], $0xffff  }
0x1c2: {  	v18 =	vadd.f32 v18, v17;
	v17 =	vor.u32 $0xE, v0  }
0x1c3: {  	v61 =	vld.idx.msk [tilespmem:v15+s21+$0x0], $0xffff  }
0x1c4: {  	v19 =	vadd.f32 v19, v18;
	v18 =	vor.u32 $0xF, v0  }
0x1c5: {  	v62 =	vld.idx.msk [tilespmem:v16+s21+$0x0], $0xffff  }
0x1c6: {  	v19 =	vadd.f32 v20, v19  }
0x1c7: {  	v20 =	vld.idx.msk [tilespmem:v17+s21+$0x0], $0xffff  }
0x1c8: {  	v19 =	vadd.f32 v61, v19  }
0x1c9: {  	v63 =	vld.idx.msk [tilespmem:v18+s21+$0x0], $0xffff  }
0x1ca: {  	v19 =	vadd.f32 v62, v19;
	_ =	sdelay $0x1  }
0x1cb: {  	v19 =	vadd.f32 v20, v19;
	_ =	sdelay $0x1  }
0x1cc: {  	v19 =	vadd.f32 v63, v19;
	_ =	sdelay $0x1  }
0x1cd: {  	v19 =	vsub.f32 $0.0e+00, v19;
	_ =	sdelay $0x1  }
0x1ce: {  	v19 =	vmul.f32 $1.442695020e+00, v19;
	_ =	sdelay $0x1  }
0x1cf: {  	(erf) = vpow2.f32 v19;
	_ =	sdelay $0x8  }
0x1d0: {  	v19 =	vpop (erf)  }
0x1d1: {  	v19 =	vadd.f32 $1.000000000e+00, v19;
	_ =	sdelay $0x1  }
0x1d2: {  	(erf) = vrcp.f32 v19;
	_ =	sdelay $0x5  }
.Ltmp1:
0x1d3: {  	_ = 	snop;
	(pc) =	sbr.rel @p1 .LBB2_3-.Ltmp1, $4  }
0x1d4: {  	_ = 	snop  }
0x1d5: {  	s31 =	sshll.u32 s28, $0x4  }
0x1d6: {  	s0 =	sand.u32 $0x3FFFFFF0, s31;
	v19 =	vpop (erf)  }
0x1d7: {  	p2 =	por $0x0, $0x0;
	s28 =	simm.s32 $0x1;
	[tilespmem:s0+$0x1A600] =	vst v19  }
0x1d8: {  	s26 =	smul.u32 $0x60, s24;
	_ =	sdelay $0x1  }
0x1d9: {  	s0 =	sadd.s32 s6, s26  }
0x1da: {  	s0 =	sshrl.u32 s0, $0x3  }
0x1db: {  	s3 =	simm.s32 $0x1A600;
	s0 =	sadd.s32 s4, s0  }
0x1dc: {  	[hbm4b:s0+s5] =	stream.linear.scatter [tilespmem:s3], [sflag:$0x4], $0x20, $0x38;
	[tilespmem:$0x1A800] =	vst v63  }
0x1dd: {  	p1 =	slt.s32 s25, $0x8F;
	s0 =	smov.u32 s25  }
0x1de: {  	s0 =	simm.s32 @!p1 $0x8F  }
0x1df: {  	s0 =	sshll.u32 s0, $0x5  }
0x1e0: {  	v19 =	vld [tilespmem:s0+$0x60];
	_ =	sdelay $0x4  }
0x1e1: {  	v20 =	vshll.u32 v19, $0x2  }
0x1e2: {  	v19 =	vand.u32 $0x7, v19;
	v20 =	vand.u32 $0xFFFFFFE0, v20  }
0x1e3: {  	v19 =	vor.u32 v19, v20  }
0x1e4: {  	v20 =	vperm.xlane v19, v1;
	_ =	sdelay $0x1  }
0x1e5: {  	v20 =	vadd.s32 v2, v20;
	_ =	sdelay $0x1  }
0x1e6: {  	v19 =	vperm.xlane v19, v3;
	_ =	sdelay $0x1  }
0x1e7: {  	s7 =	simm.s32 $0x2500;
	v19 =	vadd.s32 v2, v19  }
0x1e8: {  	[tilespmem:s7], [sflag:$0x1] =	stream.indirect_vreg.gather [hbm4b:s1+s5], $0x80, v20, vm0, $0xb8;
	[tilespmem:$0x1A800] =	vst v63  }
0x1e9: {  	s15 =	simm.s32 $0x2D00  }
0x1ea: {  	[tilespmem:s15], [sflag:$0x1] =	stream.indirect_vreg.gather [hbm4b:s9+s5], $0x80, v20, vm0, $0xb8;
	[tilespmem:$0x1A800] =	vst v63  }
0x1eb: {  	s30 =	simm.s32 $0x3500  }
0x1ec: {  	[tilespmem:s30], [sflag:$0x1] =	stream.indirect_vreg.gather [hbm4b:s1+s5], $0x80, v19, vm0, $0xb8;
	[tilespmem:$0x1A800] =	vst v63  }
0x1ed: {  	s31 =	simm.s32 $0x3D00  }
0x1ee: {  	[tilespmem:s31], [sflag:$0x1] =	stream.indirect_vreg.gather [hbm4b:s9+s5], $0x80, v19, vm0, $0xb8;
	[tilespmem:$0x1A800] =	vst v63  }
0x1ef: {  	v19 =	vld [tilespmem:s0+$0x70];
	_ =	sdelay $0x4  }
0x1f0: {  	v20 =	vshll.u32 v19, $0x2  }
0x1f1: {  	v19 =	vand.u32 $0x7, v19;
	v20 =	vand.u32 $0xFFFFFFE0, v20  }
0x1f2: {  	v19 =	vor.u32 v19, v20  }
0x1f3: {  	v20 =	vperm.xlane v19, v1;
	_ =	sdelay $0x1  }
0x1f4: {  	v20 =	vadd.s32 v2, v20;
	_ =	sdelay $0x1  }
0x1f5: {  	v19 =	vperm.xlane v19, v3;
	_ =	sdelay $0x1  }
0x1f6: {  	s7 =	simm.s32 $0x4500;
	v19 =	vadd.s32 v2, v19  }
0x1f7: {  	[tilespmem:s7], [sflag:$0x1] =	stream.indirect_vreg.gather [hbm4b:s1+s5], $0x80, v20, vm0, $0xb8;
	[tilespmem:$0x1A800] =	vst v63  }
0x1f8: {  	s15 =	simm.s32 $0x4D00  }
0x1f9: {  	[tilespmem:s15], [sflag:$0x1] =	stream.indirect_vreg.gather [hbm4b:s9+s5], $0x80, v20, vm0, $0xb8;
	[tilespmem:$0x1A800] =	vst v63  }
0x1fa: {  	s30 =	simm.s32 $0x5500  }
0x1fb: {  	[tilespmem:s30], [sflag:$0x1] =	stream.indirect_vreg.gather [hbm4b:s1+s5], $0x80, v19, vm0, $0xb8;
	[tilespmem:$0x1A800] =	vst v63  }
0x1fc: {  	s31 =	simm.s32 $0x5D00  }
0x1fd: {  	[tilespmem:s31], [sflag:$0x1] =	stream.indirect_vreg.gather [hbm4b:s9+s5], $0x80, v19, vm0, $0xb8;
	[tilespmem:$0x1A800] =	vst v63  }
0x1fe: {  	v19 =	vld [tilespmem:s0+$0x12E0];
	_ =	sdelay $0x4  }
0x1ff: {  	v20 =	vshll.u32 v19, $0x2  }
0x200: {  	v19 =	vand.u32 $0x7, v19;
	v20 =	vand.u32 $0xFFFFFFE0, v20  }
0x201: {  	v19 =	vor.u32 v19, v20  }
0x202: {  	v20 =	vperm.xlane v19, v1;
	_ =	sdelay $0x1  }
0x203: {  	v20 =	vadd.s32 v2, v20;
	_ =	sdelay $0x1  }
0x204: {  	v19 =	vperm.xlane v19, v3;
	_ =	sdelay $0x1  }
0x205: {  	s7 =	simm.s32 $0xE500;
	v19 =	vadd.s32 v2, v19  }
0x206: {  	[tilespmem:s7], [sflag:$0x1] =	stream.indirect_vreg.gather [hbm4b:s2+s5], $0x80, v20, vm0, $0xb8;
	[tilespmem:$0x1A800] =	vst v63  }
0x207: {  	s15 =	simm.s32 $0xED00  }
0x208: {  	[tilespmem:s15], [sflag:$0x1] =	stream.indirect_vreg.gather [hbm4b:s10+s5], $0x80, v20, vm0, $0xb8;
	[tilespmem:$0x1A800] =	vst v63  }
0x209: {  	s30 =	simm.s32 $0xF500  }
0x20a: {  	[tilespmem:s30], [sflag:$0x1] =	stream.indirect_vreg.gather [hbm4b:s2+s5], $0x80, v19, vm0, $0xb8;
	[tilespmem:$0x1A800] =	vst v63  }
0x20b: {  	s31 =	simm.s32 $0xFD00  }
0x20c: {  	[tilespmem:s31], [sflag:$0x1] =	stream.indirect_vreg.gather [hbm4b:s10+s5], $0x80, v19, vm0, $0xb8;
	[tilespmem:$0x1A800] =	vst v63  }
0x20d: {  	v19 =	vld [tilespmem:s0+$0x12F0];
	_ =	sdelay $0x4  }
0x20e: {  	v20 =	vshll.u32 v19, $0x2  }
0x20f: {  	v19 =	vand.u32 $0x7, v19;
	v20 =	vand.u32 $0xFFFFFFE0, v20  }
0x210: {  	v19 =	vor.u32 v19, v20  }
0x211: {  	v20 =	vperm.xlane v19, v1;
	_ =	sdelay $0x1  }
0x212: {  	v20 =	vadd.s32 v2, v20;
	_ =	sdelay $0x1  }
0x213: {  	v19 =	vperm.xlane v19, v3;
	_ =	sdelay $0x1  }
0x214: {  	s7 =	simm.s32 $0x10500;
	v19 =	vadd.s32 v2, v19  }
0x215: {  	[tilespmem:s7], [sflag:$0x1] =	stream.indirect_vreg.gather [hbm4b:s2+s5], $0x80, v20, vm0, $0xb8;
	[tilespmem:$0x1A800] =	vst v63  }
0x216: {  	s15 =	simm.s32 $0x10D00  }
0x217: {  	[tilespmem:s15], [sflag:$0x1] =	stream.indirect_vreg.gather [hbm4b:s10+s5], $0x80, v20, vm0, $0xb8;
	[tilespmem:$0x1A800] =	vst v63  }
0x218: {  	s30 =	simm.s32 $0x11500  }
0x219: {  	[tilespmem:s30], [sflag:$0x1] =	stream.indirect_vreg.gather [hbm4b:s2+s5], $0x80, v19, vm0, $0xb8;
	[tilespmem:$0x1A800] =	vst v63  }
0x21a: {  	s31 =	simm.s32 $0x11D00  }
0x21b: {  	[tilespmem:s31], [sflag:$0x1] =	stream.indirect_vreg.gather [hbm4b:s10+s5], $0x80, v19, vm0, $0xb8;
	[tilespmem:$0x1A800] =	vst v63  }
0x21c: {  	_ =	swait.ge [sflag:s22], $0x4000  }
0x21d: {  	[sflag:s22] =	ssyncset.done $0x0  }
0x21e: {  	[sflag:s22] =	ssyncadd.s32 $0xFFFFC000  }
0x21f: {  	_ =	swait.ge [sflag:s22], $0x4000  }
0x220: {  	[sflag:s22] =	ssyncset.done $0x0  }
0x221: {  	s0 =	simm.s32 @!p0 $0x5;
	[sflag:s22] =	ssyncadd.s32 $0xFFFFC000  }
0x222: {  	_ =	swait.ge @!p0 [sflag:s0], $0x20  }
0x223: {  	s28 =	simm.s32 $0x0;
	[sflag:s0] =	ssyncset.done @!p0 $0x0  }
0x224: {  	p2 =	por $0x1, $0x1;
	s29 =	simm.s32 $0x0;
	[sflag:s0] =	ssyncadd.s32 @!p0 $0xFFFFFFE0  }
.LBB2_7:
0x225: {  	s30 =	sshll.u32 s29, $0xD;
	s0 =	sand.u32 $0x1000, s28  }
0x226: {  	s3 =	sand.u32 $0x380, s28;
	s0 =	sor.u32 s30, s0  }
0x227: {  	s0 =	sor.u32 s3, s0  }
0x228: {  	v19 =	vld [tilespmem:s0+$0x12500]  }
0x229: {  	v20 =	vld [tilespmem:s0+$0x6500]  }
0x22a: {  	v21 =	vld [tilespmem:s0+$0x6510]  }
0x22b: {  	v22 =	vld [tilespmem:s0+$0x12510]  }
0x22c: {  	v23 =	vld [tilespmem:s0+$0x6520]  }
0x22d: {  	v24 =	vld [tilespmem:s0+$0x12520]  }
0x22e: {  	v25 =	vld [tilespmem:s0+$0x6530]  }
0x22f: {  	v26 =	vld [tilespmem:s0+$0x12530]  }
0x230: {  	v44 =	vld [tilespmem:s0+$0x6540];
	v19 =	vmul.f32 v19, v20;
	v20 =	vmul.f32 v22, v21  }
0x231: {  	v45 =	vld [tilespmem:s0+$0x12540]  }
0x232: {  	v46 =	vld [tilespmem:s0+$0x6550];
	v19 =	vadd.f32 v20, v19;
	v20 =	vmul.f32 v24, v23  }
0x233: {  	v47 =	vld [tilespmem:s0+$0x12550]  }
0x234: {  	v48 =	vld [tilespmem:s0+$0x6560];
	v19 =	vadd.f32 v20, v19;
	v20 =	vmul.f32 v26, v25  }
0x235: {  	v49 =	vld [tilespmem:s0+$0x12560]  }
0x236: {  	v50 =	vld [tilespmem:s0+$0x6570];
	v19 =	vadd.f32 v20, v19;
	v20 =	vmul.f32 v45, v44  }
0x237: {  	v51 =	vld [tilespmem:s0+$0x12570]  }
0x238: {  	v52 =	vld [tilespmem:s0+$0x6900];
	v19 =	vadd.f32 v20, v19;
	v20 =	vmul.f32 v47, v46  }
0x239: {  	v53 =	vld [tilespmem:s0+$0x12900]  }
0x23a: {  	v54 =	vld [tilespmem:s0+$0x6910];
	v19 =	vadd.f32 v20, v19;
	v20 =	vmul.f32 v49, v48  }
0x23b: {  	v55 =	vld [tilespmem:s0+$0x12910]  }
0x23c: {  	v56 =	vld [tilespmem:s0+$0x6920];
	v19 =	vadd.f32 v20, v19;
	v20 =	vmul.f32 v51, v50  }
0x23d: {  	v57 =	vld [tilespmem:s0+$0x12920]  }
0x23e: {  	v58 =	vld [tilespmem:s0+$0x6930];
	v19 =	vadd.f32 v20, v19;
	v20 =	vmul.f32 v53, v52  }
0x23f: {  	v59 =	vld [tilespmem:s0+$0x12930]  }
0x240: {  	v60 =	vld [tilespmem:s0+$0x6940];
	v19 =	vadd.f32 v20, v19;
	v20 =	vmul.f32 v55, v54  }
0x241: {  	v61 =	vld [tilespmem:s0+$0x12940]  }
0x242: {  	v62 =	vld [tilespmem:s0+$0x6950];
	v19 =	vadd.f32 v20, v19;
	v20 =	vmul.f32 v57, v56  }
0x243: {  	v63 =	vld [tilespmem:s0+$0x12950]  }
0x244: {  	v28 =	vld [tilespmem:s0+$0x6960];
	v19 =	vadd.f32 v20, v19;
	v20 =	vmul.f32 v59, v58  }
0x245: {  	v29 =	vld [tilespmem:s0+$0x12960]  }
0x246: {  	v30 =	vld [tilespmem:s0+$0x6970];
	v19 =	vadd.f32 v20, v19;
	v20 =	vmul.f32 v61, v60  }
0x247: {  	v31 =	vld [tilespmem:s0+$0x12970]  }
0x248: {  	v32 =	vld [tilespmem:s0+$0x6D00];
	v19 =	vadd.f32 v20, v19;
	v20 =	vmul.f32 v63, v62  }
0x249: {  	v33 =	vld [tilespmem:s0+$0x12D00]  }
0x24a: {  	v34 =	vld [tilespmem:s0+$0x6D10];
	v19 =	vadd.f32 v20, v19;
	v20 =	vmul.f32 v29, v28  }
0x24b: {  	v35 =	vld [tilespmem:s0+$0x12D10]  }
0x24c: {  	v36 =	vld [tilespmem:s0+$0x6D20];
	v19 =	vadd.f32 v20, v19;
	v20 =	vmul.f32 v31, v30  }
0x24d: {  	v37 =	vld [tilespmem:s0+$0x12D20]  }
0x24e: {  	v38 =	vld [tilespmem:s0+$0x6D30];
	v19 =	vadd.f32 v20, v19;
	v20 =	vmul.f32 v33, v32  }
0x24f: {  	v39 =	vld [tilespmem:s0+$0x12D30]  }
0x250: {  	v40 =	vld [tilespmem:s0+$0x6D40];
	v19 =	vadd.f32 v20, v19;
	v20 =	vmul.f32 v35, v34  }
0x251: {  	v41 =	vld [tilespmem:s0+$0x12D40]  }
0x252: {  	v42 =	vld [tilespmem:s0+$0x6D50];
	v19 =	vadd.f32 v20, v19;
	v20 =	vmul.f32 v37, v36  }
0x253: {  	v43 =	vld [tilespmem:s0+$0x12D50]  }
0x254: {  	v44 =	vld [tilespmem:s0+$0x6D60];
	v19 =	vadd.f32 v20, v19;
	v20 =	vmul.f32 v39, v38  }
0x255: {  	v45 =	vld [tilespmem:s0+$0x12D60]  }
0x256: {  	v46 =	vld [tilespmem:s0+$0x6D70];
	v19 =	vadd.f32 v20, v19;
	v20 =	vmul.f32 v41, v40  }
0x257: {  	v47 =	vld [tilespmem:s0+$0x12D70]  }
0x258: {  	v48 =	vld [tilespmem:s0+$0x7100];
	v19 =	vadd.f32 v20, v19;
	v20 =	vmul.f32 v43, v42  }
0x259: {  	v49 =	vld [tilespmem:s0+$0x13100]  }
0x25a: {  	v50 =	vld [tilespmem:s0+$0x7110];
	v19 =	vadd.f32 v20, v19;
	v20 =	vmul.f32 v45, v44  }
0x25b: {  	v51 =	vld [tilespmem:s0+$0x13110]  }
0x25c: {  	v52 =	vld [tilespmem:s0+$0x7120];
	v19 =	vadd.f32 v20, v19;
	v20 =	vmul.f32 v47, v46  }
0x25d: {  	v53 =	vld [tilespmem:s0+$0x13120]  }
0x25e: {  	v54 =	vld [tilespmem:s0+$0x7130];
	v19 =	vadd.f32 v20, v19;
	v20 =	vmul.f32 v49, v48  }
0x25f: {  	v55 =	vld [tilespmem:s0+$0x13130]  }
0x260: {  	v56 =	vld [tilespmem:s0+$0x7140];
	v19 =	vadd.f32 v20, v19;
	v20 =	vmul.f32 v51, v50  }
0x261: {  	v57 =	vld [tilespmem:s0+$0x13140]  }
0x262: {  	v58 =	vld [tilespmem:s0+$0x7150];
	v19 =	vadd.f32 v20, v19;
	v20 =	vmul.f32 v53, v52  }
0x263: {  	v59 =	vld [tilespmem:s0+$0x13150]  }
0x264: {  	v60 =	vld [tilespmem:s0+$0x7160];
	v19 =	vadd.f32 v20, v19;
	v20 =	vmul.f32 v55, v54  }
0x265: {  	v61 =	vld [tilespmem:s0+$0x13160]  }
0x266: {  	v62 =	vld [tilespmem:s0+$0x7170];
	v19 =	vadd.f32 v20, v19;
	v20 =	vmul.f32 v57, v56  }
0x267: {  	v63 =	vld [tilespmem:s0+$0x13170]  }
0x268: {  	v19 =	vadd.f32 v20, v19;
	v20 =	vmul.f32 v59, v58;
	_ =	sdelay $0x1  }
0x269: {  	v19 =	vadd.f32 v20, v19;
	v20 =	vmul.f32 v61, v60;
	_ =	sdelay $0x1  }
0x26a: {  	v19 =	vadd.f32 v20, v19;
	v20 =	vmul.f32 v63, v62  }
0x26b: {  	s7 =	simm.s32 $0x200  }
0x26c: {  	s15 =	sand.u32 $0x1000, s7;
	s0 =	simm.s32 $0x80;
	v19 =	vadd.f32 v20, v19  }
0x26d: {  	s31 =	simm.s32 $0x1A500;
	s3 =	sor.u32 s30, s15;
	s15 =	sand.u32 $0x380, s0  }
0x26e: {  	s3 =	sor.u32 s15, s3;
	[tilespmem:s31+$0x0] =	vst v19  }
0x26f: {  	p1 =	por p2, p2;
	s15 =	simm.s32 $0x400;
	v19 =	vld [tilespmem:s3+$0x12500]  }
.LBB2_8:
0x270: {  	p2 =	sne.s32 s15, $0x1E00;
	v20 =	vld [tilespmem:s3+$0x6500]  }
0x271: {  	v21 =	vld [tilespmem:s3+$0x6510]  }
0x272: {  	v22 =	vld [tilespmem:s3+$0x12510]  }
0x273: {  	v23 =	vld [tilespmem:s3+$0x6520]  }
0x274: {  	v24 =	vld [tilespmem:s3+$0x12520]  }
0x275: {  	v25 =	vld [tilespmem:s3+$0x6530]  }
0x276: {  	v26 =	vld [tilespmem:s3+$0x12530]  }
0x277: {  	v19 =	vmul.f32 v19, v20;
	v20 =	vmul.f32 v22, v21;
	v21 =	vld [tilespmem:s3+$0x6540]  }
0x278: {  	v22 =	vld [tilespmem:s3+$0x12540]  }
0x279: {  	v19 =	vadd.f32 v20, v19;
	v20 =	vmul.f32 v24, v23;
	v23 =	vld [tilespmem:s3+$0x6550]  }
0x27a: {  	v24 =	vld [tilespmem:s3+$0x12550]  }
0x27b: {  	v19 =	vadd.f32 v20, v19;
	v20 =	vmul.f32 v26, v25;
	v25 =	vld [tilespmem:s3+$0x6560]  }
0x27c: {  	v26 =	vld [tilespmem:s3+$0x12560]  }
0x27d: {  	v19 =	vadd.f32 v20, v19;
	v20 =	vmul.f32 v22, v21;
	v21 =	vld [tilespmem:s3+$0x6570]  }
0x27e: {  	v22 =	vld [tilespmem:s3+$0x12570]  }
0x27f: {  	v19 =	vadd.f32 v20, v19;
	v20 =	vmul.f32 v24, v23;
	v23 =	vld [tilespmem:s3+$0x6900]  }
0x280: {  	v24 =	vld [tilespmem:s3+$0x12900]  }
0x281: {  	v19 =	vadd.f32 v20, v19;
	v20 =	vmul.f32 v26, v25;
	v25 =	vld [tilespmem:s3+$0x6910]  }
0x282: {  	v26 =	vld [tilespmem:s3+$0x12910]  }
0x283: {  	v19 =	vadd.f32 v20, v19;
	v20 =	vmul.f32 v22, v21;
	v21 =	vld [tilespmem:s3+$0x6920]  }
0x284: {  	v22 =	vld [tilespmem:s3+$0x12920]  }
0x285: {  	v19 =	vadd.f32 v20, v19;
	v20 =	vmul.f32 v24, v23;
	v23 =	vld [tilespmem:s3+$0x6930]  }
0x286: {  	v24 =	vld [tilespmem:s3+$0x12930]  }
0x287: {  	v19 =	vadd.f32 v20, v19;
	v20 =	vmul.f32 v26, v25;
	v25 =	vld [tilespmem:s3+$0x6940]  }
0x288: {  	v26 =	vld [tilespmem:s3+$0x12940]  }
0x289: {  	v19 =	vadd.f32 v20, v19;
	v20 =	vmul.f32 v22, v21;
	v21 =	vld [tilespmem:s3+$0x6950]  }
0x28a: {  	v22 =	vld [tilespmem:s3+$0x12950]  }
0x28b: {  	v19 =	vadd.f32 v20, v19;
	v20 =	vmul.f32 v24, v23;
	v23 =	vld [tilespmem:s3+$0x6960]  }
0x28c: {  	v24 =	vld [tilespmem:s3+$0x12960]  }
0x28d: {  	v19 =	vadd.f32 v20, v19;
	v20 =	vmul.f32 v26, v25;
	v25 =	vld [tilespmem:s3+$0x6970]  }
0x28e: {  	v26 =	vld [tilespmem:s3+$0x12970]  }
0x28f: {  	v19 =	vadd.f32 v20, v19;
	v20 =	vmul.f32 v22, v21;
	v21 =	vld [tilespmem:s3+$0x6D00]  }
0x290: {  	v22 =	vld [tilespmem:s3+$0x12D00]  }
0x291: {  	v19 =	vadd.f32 v20, v19;
	v20 =	vmul.f32 v24, v23;
	v23 =	vld [tilespmem:s3+$0x6D10]  }
0x292: {  	v24 =	vld [tilespmem:s3+$0x12D10]  }
0x293: {  	v19 =	vadd.f32 v20, v19;
	v20 =	vmul.f32 v26, v25;
	v25 =	vld [tilespmem:s3+$0x6D20]  }
0x294: {  	v26 =	vld [tilespmem:s3+$0x12D20]  }
0x295: {  	v19 =	vadd.f32 v20, v19;
	v20 =	vmul.f32 v22, v21;
	v21 =	vld [tilespmem:s3+$0x6D30]  }
0x296: {  	v22 =	vld [tilespmem:s3+$0x12D30]  }
0x297: {  	v19 =	vadd.f32 v20, v19;
	v20 =	vmul.f32 v24, v23;
	v23 =	vld [tilespmem:s3+$0x6D40]  }
0x298: {  	v24 =	vld [tilespmem:s3+$0x12D40]  }
0x299: {  	v19 =	vadd.f32 v20, v19;
	v20 =	vmul.f32 v26, v25;
	v25 =	vld [tilespmem:s3+$0x6D50]  }
0x29a: {  	v26 =	vld [tilespmem:s3+$0x12D50]  }
0x29b: {  	v19 =	vadd.f32 v20, v19;
	v20 =	vmul.f32 v22, v21;
	v21 =	vld [tilespmem:s3+$0x6D60]  }
0x29c: {  	v22 =	vld [tilespmem:s3+$0x12D60]  }
0x29d: {  	v19 =	vadd.f32 v20, v19;
	v20 =	vmul.f32 v24, v23;
	v23 =	vld [tilespmem:s3+$0x6D70]  }
0x29e: {  	v24 =	vld [tilespmem:s3+$0x12D70]  }
0x29f: {  	v19 =	vadd.f32 v20, v19;
	v20 =	vmul.f32 v26, v25;
	v25 =	vld [tilespmem:s3+$0x7100]  }
0x2a0: {  	v26 =	vld [tilespmem:s3+$0x13100]  }
0x2a1: {  	v19 =	vadd.f32 v20, v19;
	v20 =	vmul.f32 v22, v21;
	v21 =	vld [tilespmem:s3+$0x7110]  }
0x2a2: {  	v22 =	vld [tilespmem:s3+$0x13110]  }
0x2a3: {  	v19 =	vadd.f32 v20, v19;
	v20 =	vmul.f32 v24, v23;
	v23 =	vld [tilespmem:s3+$0x7120]  }
0x2a4: {  	v24 =	vld [tilespmem:s3+$0x13120]  }
0x2a5: {  	v19 =	vadd.f32 v20, v19;
	v20 =	vmul.f32 v26, v25;
	v25 =	vld [tilespmem:s3+$0x7130]  }
0x2a6: {  	v26 =	vld [tilespmem:s3+$0x13130]  }
0x2a7: {  	v19 =	vadd.f32 v20, v19;
	v20 =	vmul.f32 v22, v21;
	v21 =	vld [tilespmem:s3+$0x7140]  }
0x2a8: {  	v22 =	vld [tilespmem:s3+$0x13140]  }
0x2a9: {  	v19 =	vadd.f32 v20, v19;
	v20 =	vmul.f32 v24, v23;
	v23 =	vld [tilespmem:s3+$0x7150]  }
0x2aa: {  	v24 =	vld [tilespmem:s3+$0x13150]  }
0x2ab: {  	v19 =	vadd.f32 v20, v19;
	v20 =	vmul.f32 v26, v25;
	v25 =	vld [tilespmem:s3+$0x7160]  }
0x2ac: {  	v26 =	vld [tilespmem:s3+$0x13160]  }
0x2ad: {  	v19 =	vadd.f32 v20, v19;
	v20 =	vmul.f32 v22, v21;
	v21 =	vld [tilespmem:s3+$0x7170]  }
0x2ae: {  	v22 =	vld [tilespmem:s3+$0x13170]  }
0x2af: {  	v19 =	vadd.f32 v20, v19;
	v20 =	vmul.f32 v24, v23;
	_ =	sdelay $0x1  }
0x2b0: {  	v19 =	vadd.f32 v20, v19;
	v20 =	vmul.f32 v26, v25;
	_ =	sdelay $0x1  }
0x2b1: {  	v19 =	vadd.f32 v20, v19;
	v20 =	vmul.f32 v22, v21  }
.Ltmp2:
0x2b2: {  	(pc) =	sbr.rel @p2 .LBB2_8-.Ltmp2, $4  }
0x2b3: {  	s0 =	sadd.s32 $0x80, s0;
	s3 =	sand.u32 $0x1000, s15;
	v19 =	vadd.f32 v20, v19  }
0x2b4: {  	s31 =	sadd.s32 $0x10, s31;
	s7 =	sand.u32 $0x380, s0;
	s3 =	sor.u32 s30, s3  }
0x2b5: {  	s3 =	sor.u32 s7, s3;
	[tilespmem:s31+$0x0] =	vst v19  }
0x2b6: {  	s15 =	sadd.s32 $0x200, s15;
	v19 =	vld [tilespmem:s3+$0x12500]  }
0x2b7: {  	v20 =	vld [tilespmem:s3+$0x6500]  }
0x2b8: {  	v21 =	vld [tilespmem:s3+$0x6510]  }
0x2b9: {  	v22 =	vld [tilespmem:s3+$0x12510]  }
0x2ba: {  	v23 =	vld [tilespmem:s3+$0x6520]  }
0x2bb: {  	v24 =	vld [tilespmem:s3+$0x12520]  }
0x2bc: {  	v25 =	vld [tilespmem:s3+$0x6530]  }
0x2bd: {  	v26 =	vld [tilespmem:s3+$0x12530]  }
0x2be: {  	v34 =	vld [tilespmem:s3+$0x6540];
	v19 =	vmul.f32 v19, v20;
	v20 =	vmul.f32 v22, v21  }
0x2bf: {  	v35 =	vld [tilespmem:s3+$0x12540]  }
0x2c0: {  	v36 =	vld [tilespmem:s3+$0x6550];
	v19 =	vadd.f32 v20, v19;
	v20 =	vmul.f32 v24, v23  }
0x2c1: {  	v37 =	vld [tilespmem:s3+$0x12550]  }
0x2c2: {  	v38 =	vld [tilespmem:s3+$0x6560];
	v19 =	vadd.f32 v20, v19;
	v20 =	vmul.f32 v26, v25  }
0x2c3: {  	v39 =	vld [tilespmem:s3+$0x12560]  }
0x2c4: {  	v40 =	vld [tilespmem:s3+$0x6570];
	v19 =	vadd.f32 v20, v19;
	v20 =	vmul.f32 v35, v34  }
0x2c5: {  	v41 =	vld [tilespmem:s3+$0x12570]  }
0x2c6: {  	v42 =	vld [tilespmem:s3+$0x6900];
	v19 =	vadd.f32 v20, v19;
	v20 =	vmul.f32 v37, v36  }
0x2c7: {  	v43 =	vld [tilespmem:s3+$0x12900]  }
0x2c8: {  	v44 =	vld [tilespmem:s3+$0x6910];
	v19 =	vadd.f32 v20, v19;
	v20 =	vmul.f32 v39, v38  }
0x2c9: {  	v45 =	vld [tilespmem:s3+$0x12910]  }
0x2ca: {  	v46 =	vld [tilespmem:s3+$0x6920];
	v19 =	vadd.f32 v20, v19;
	v20 =	vmul.f32 v41, v40  }
0x2cb: {  	v47 =	vld [tilespmem:s3+$0x12920]  }
0x2cc: {  	v48 =	vld [tilespmem:s3+$0x6930];
	v19 =	vadd.f32 v20, v19;
	v20 =	vmul.f32 v43, v42  }
0x2cd: {  	v49 =	vld [tilespmem:s3+$0x12930]  }
0x2ce: {  	v50 =	vld [tilespmem:s3+$0x6940];
	v19 =	vadd.f32 v20, v19;
	v20 =	vmul.f32 v45, v44  }
0x2cf: {  	v51 =	vld [tilespmem:s3+$0x12940]  }
0x2d0: {  	v52 =	vld [tilespmem:s3+$0x6950];
	v19 =	vadd.f32 v20, v19;
	v20 =	vmul.f32 v47, v46  }
0x2d1: {  	v53 =	vld [tilespmem:s3+$0x12950]  }
0x2d2: {  	v54 =	vld [tilespmem:s3+$0x6960];
	v19 =	vadd.f32 v20, v19;
	v20 =	vmul.f32 v49, v48  }
0x2d3: {  	v55 =	vld [tilespmem:s3+$0x12960]  }
0x2d4: {  	v56 =	vld [tilespmem:s3+$0x6970];
	v19 =	vadd.f32 v20, v19;
	v20 =	vmul.f32 v51, v50  }
0x2d5: {  	v57 =	vld [tilespmem:s3+$0x12970]  }
0x2d6: {  	v58 =	vld [tilespmem:s3+$0x6D00];
	v19 =	vadd.f32 v20, v19;
	v20 =	vmul.f32 v53, v52  }
0x2d7: {  	v59 =	vld [tilespmem:s3+$0x12D00]  }
0x2d8: {  	v60 =	vld [tilespmem:s3+$0x6D10];
	v19 =	vadd.f32 v20, v19;
	v20 =	vmul.f32 v55, v54  }
0x2d9: {  	v61 =	vld [tilespmem:s3+$0x12D10]  }
0x2da: {  	v62 =	vld [tilespmem:s3+$0x6D20];
	v19 =	vadd.f32 v20, v19;
	v20 =	vmul.f32 v57, v56  }
0x2db: {  	v63 =	vld [tilespmem:s3+$0x12D20]  }
0x2dc: {  	v28 =	vld [tilespmem:s3+$0x6D30];
	v19 =	vadd.f32 v20, v19;
	v20 =	vmul.f32 v59, v58  }
0x2dd: {  	v29 =	vld [tilespmem:s3+$0x12D30]  }
0x2de: {  	v30 =	vld [tilespmem:s3+$0x6D40];
	v19 =	vadd.f32 v20, v19;
	v20 =	vmul.f32 v61, v60  }
0x2df: {  	v31 =	vld [tilespmem:s3+$0x12D40]  }
0x2e0: {  	v32 =	vld [tilespmem:s3+$0x6D50];
	v19 =	vadd.f32 v20, v19;
	v20 =	vmul.f32 v63, v62  }
0x2e1: {  	v33 =	vld [tilespmem:s3+$0x12D50]  }
0x2e2: {  	v34 =	vld [tilespmem:s3+$0x6D60];
	v19 =	vadd.f32 v20, v19;
	v20 =	vmul.f32 v29, v28  }
0x2e3: {  	v35 =	vld [tilespmem:s3+$0x12D60]  }
0x2e4: {  	v36 =	vld [tilespmem:s3+$0x6D70];
	v19 =	vadd.f32 v20, v19;
	v20 =	vmul.f32 v31, v30  }
0x2e5: {  	v37 =	vld [tilespmem:s3+$0x12D70]  }
0x2e6: {  	v38 =	vld [tilespmem:s3+$0x7100];
	v19 =	vadd.f32 v20, v19;
	v20 =	vmul.f32 v33, v32  }
0x2e7: {  	v39 =	vld [tilespmem:s3+$0x13100]  }
0x2e8: {  	v40 =	vld [tilespmem:s3+$0x7110];
	v19 =	vadd.f32 v20, v19;
	v20 =	vmul.f32 v35, v34  }
0x2e9: {  	v41 =	vld [tilespmem:s3+$0x13110]  }
0x2ea: {  	v42 =	vld [tilespmem:s3+$0x7120];
	v19 =	vadd.f32 v20, v19;
	v20 =	vmul.f32 v37, v36  }
0x2eb: {  	v43 =	vld [tilespmem:s3+$0x13120]  }
0x2ec: {  	v44 =	vld [tilespmem:s3+$0x7130];
	v19 =	vadd.f32 v20, v19;
	v20 =	vmul.f32 v39, v38  }
0x2ed: {  	v45 =	vld [tilespmem:s3+$0x13130]  }
0x2ee: {  	v46 =	vld [tilespmem:s3+$0x7140];
	v19 =	vadd.f32 v20, v19;
	v20 =	vmul.f32 v41, v40  }
0x2ef: {  	v47 =	vld [tilespmem:s3+$0x13140]  }
0x2f0: {  	v48 =	vld [tilespmem:s3+$0x7150];
	v19 =	vadd.f32 v20, v19;
	v20 =	vmul.f32 v43, v42  }
0x2f1: {  	v49 =	vld [tilespmem:s3+$0x13150]  }
0x2f2: {  	v50 =	vld [tilespmem:s3+$0x7160];
	v19 =	vadd.f32 v20, v19;
	v20 =	vmul.f32 v45, v44  }
0x2f3: {  	v51 =	vld [tilespmem:s3+$0x13160]  }
0x2f4: {  	v52 =	vld [tilespmem:s3+$0x7170];
	v19 =	vadd.f32 v20, v19;
	v20 =	vmul.f32 v47, v46  }
0x2f5: {  	v53 =	vld [tilespmem:s3+$0x13170]  }
0x2f6: {  	v19 =	vadd.f32 v20, v19;
	v20 =	vmul.f32 v49, v48;
	_ =	sdelay $0x1  }
0x2f7: {  	v19 =	vadd.f32 v20, v19;
	v20 =	vmul.f32 v51, v50;
	_ =	sdelay $0x1  }
0x2f8: {  	v19 =	vadd.f32 v20, v19;
	v20 =	vmul.f32 v53, v52;
	_ =	sdelay $0x1  }
0x2f9: {  	v19 =	vadd.f32 v20, v19  }
0x2fa: {  	s0 =	sadd.s32 $0x10, s31  }
0x2fb: {  	[tilespmem:s0+$0x0] =	vst v19  }
0x2fc: {  	v19 =	vld.idx.msk [tilespmem:v0+s21+$0x0], $0xffff  }
0x2fd: {  	v20 =	vld.idx.msk [tilespmem:v4+s21+$0x0], $0xffff;
	_ =	sdelay $0x1  }
0x2fe: {  	v54 =	vld.idx.msk [tilespmem:v5+s21+$0x0], $0xffff;
	_ =	sdelay $0x1  }
0x2ff: {  	v55 =	vld.idx.msk [tilespmem:v6+s21+$0x0], $0xffff  }
0x300: {  	v19 =	vadd.f32 v20, v19  }
0x301: {  	v20 =	vld.idx.msk [tilespmem:v7+s21+$0x0], $0xffff  }
0x302: {  	v19 =	vadd.f32 v54, v19  }
0x303: {  	v56 =	vld.idx.msk [tilespmem:v8+s21+$0x0], $0xffff  }
0x304: {  	v19 =	vadd.f32 v55, v19  }
0x305: {  	v57 =	vld.idx.msk [tilespmem:v9+s21+$0x0], $0xffff  }
0x306: {  	v19 =	vadd.f32 v20, v19  }
0x307: {  	v20 =	vld.idx.msk [tilespmem:v10+s21+$0x0], $0xffff  }
0x308: {  	v19 =	vadd.f32 v56, v19  }
0x309: {  	v58 =	vld.idx.msk [tilespmem:v11+s21+$0x0], $0xffff  }
0x30a: {  	v19 =	vadd.f32 v57, v19  }
0x30b: {  	v59 =	vld.idx.msk [tilespmem:v12+s21+$0x0], $0xffff  }
0x30c: {  	v19 =	vadd.f32 v20, v19  }
0x30d: {  	v20 =	vld.idx.msk [tilespmem:v13+s21+$0x0], $0xffff  }
0x30e: {  	v19 =	vadd.f32 v58, v19  }
0x30f: {  	v60 =	vld.idx.msk [tilespmem:v14+s21+$0x0], $0xffff  }
0x310: {  	v19 =	vadd.f32 v59, v19  }
0x311: {  	v61 =	vld.idx.msk [tilespmem:v15+s21+$0x0], $0xffff  }
0x312: {  	v19 =	vadd.f32 v20, v19  }
0x313: {  	v20 =	vld.idx.msk [tilespmem:v16+s21+$0x0], $0xffff  }
0x314: {  	v19 =	vadd.f32 v60, v19  }
0x315: {  	v62 =	vld.idx.msk [tilespmem:v17+s21+$0x0], $0xffff  }
0x316: {  	v19 =	vadd.f32 v61, v19  }
0x317: {  	v63 =	vld.idx.msk [tilespmem:v18+s21+$0x0], $0xffff  }
0x318: {  	v19 =	vadd.f32 v20, v19;
	_ =	sdelay $0x1  }
0x319: {  	v19 =	vadd.f32 v62, v19;
	_ =	sdelay $0x1  }
0x31a: {  	v19 =	vadd.f32 v63, v19;
	_ =	sdelay $0x1  }
0x31b: {  	v19 =	vsub.f32 $0.0e+00, v19;
	_ =	sdelay $0x1  }
0x31c: {  	v19 =	vmul.f32 $1.442695020e+00, v19;
	_ =	sdelay $0x1  }
0x31d: {  	(erf) = vpow2.f32 v19;
	_ =	sdelay $0x8  }
0x31e: {  	v19 =	vpop (erf)  }
0x31f: {  	v19 =	vadd.f32 $1.000000000e+00, v19;
	_ =	sdelay $0x1  }
0x320: {  	(erf) = vrcp.f32 v19;
	_ =	sdelay $0x5  }
.Ltmp3:
0x321: {  	_ = 	snop;
	(pc) =	sbr.rel @p1 .LBB2_7-.Ltmp3, $4  }
0x322: {  	_ = 	snop  }
0x323: {  	s31 =	sshll.u32 s29, $0x4  }
0x324: {  	s0 =	sand.u32 $0x3FFFFFF0, s31;
	v19 =	vpop (erf)  }
0x325: {  	s29 =	simm.s32 $0x1;
	p2 =	por $0x0, $0x0;
	[tilespmem:s0+$0x1A680] =	vst v19  }
0x326: {  	s0 =	sadd.s32 s26, s11  }
0x327: {  	s0 =	sshrl.u32 s0, $0x3  }
0x328: {  	s3 =	simm.s32 $0x1A680;
	s0 =	sadd.s32 s4, s0  }
0x329: {  	[hbm4b:s0+s5] =	stream.linear.scatter [tilespmem:s3], [sflag:$0x5], $0x20, $0x38;
	[tilespmem:$0x1A800] =	vst v63  }
0x32a: {  	p1 =	slt.s32 s25, $0x8E;
	s0 =	smov.u32 s25  }
0x32b: {  	s0 =	simm.s32 @!p1 $0x8E  }
0x32c: {  	s0 =	sshll.u32 s0, $0x5  }
0x32d: {  	v19 =	vld [tilespmem:s0+$0x80];
	_ =	sdelay $0x4  }
0x32e: {  	v20 =	vshll.u32 v19, $0x2  }
0x32f: {  	v19 =	vand.u32 $0x7, v19;
	v20 =	vand.u32 $0xFFFFFFE0, v20  }
0x330: {  	v19 =	vor.u32 v19, v20  }
0x331: {  	v20 =	vperm.xlane v19, v1;
	_ =	sdelay $0x1  }
0x332: {  	v20 =	vadd.s32 v2, v20;
	_ =	sdelay $0x1  }
0x333: {  	v19 =	vperm.xlane v19, v3;
	_ =	sdelay $0x1  }
0x334: {  	s7 =	simm.s32 $0x6500;
	v19 =	vadd.s32 v2, v19  }
0x335: {  	[tilespmem:s7], [sflag:$0x2] =	stream.indirect_vreg.gather [hbm4b:s1+s5], $0x80, v20, vm0, $0xb8;
	[tilespmem:$0x1A800] =	vst v63  }
0x336: {  	s15 =	simm.s32 $0x6D00  }
0x337: {  	[tilespmem:s15], [sflag:$0x2] =	stream.indirect_vreg.gather [hbm4b:s9+s5], $0x80, v20, vm0, $0xb8;
	[tilespmem:$0x1A800] =	vst v63  }
0x338: {  	s30 =	simm.s32 $0x7500  }
0x339: {  	[tilespmem:s30], [sflag:$0x2] =	stream.indirect_vreg.gather [hbm4b:s1+s5], $0x80, v19, vm0, $0xb8;
	[tilespmem:$0x1A800] =	vst v63  }
0x33a: {  	s31 =	simm.s32 $0x7D00  }
0x33b: {  	[tilespmem:s31], [sflag:$0x2] =	stream.indirect_vreg.gather [hbm4b:s9+s5], $0x80, v19, vm0, $0xb8;
	[tilespmem:$0x1A800] =	vst v63  }
0x33c: {  	v19 =	vld [tilespmem:s0+$0x90];
	_ =	sdelay $0x4  }
0x33d: {  	v20 =	vshll.u32 v19, $0x2  }
0x33e: {  	v19 =	vand.u32 $0x7, v19;
	v20 =	vand.u32 $0xFFFFFFE0, v20  }
0x33f: {  	v19 =	vor.u32 v19, v20  }
0x340: {  	v20 =	vperm.xlane v19, v1;
	_ =	sdelay $0x1  }
0x341: {  	v20 =	vadd.s32 v2, v20;
	_ =	sdelay $0x1  }
0x342: {  	v19 =	vperm.xlane v19, v3;
	_ =	sdelay $0x1  }
0x343: {  	s7 =	simm.s32 $0x8500;
	v19 =	vadd.s32 v2, v19  }
0x344: {  	[tilespmem:s7], [sflag:$0x2] =	stream.indirect_vreg.gather [hbm4b:s1+s5], $0x80, v20, vm0, $0xb8;
	[tilespmem:$0x1A800] =	vst v63  }
0x345: {  	s15 =	simm.s32 $0x8D00  }
0x346: {  	[tilespmem:s15], [sflag:$0x2] =	stream.indirect_vreg.gather [hbm4b:s9+s5], $0x80, v20, vm0, $0xb8;
	[tilespmem:$0x1A800] =	vst v63  }
0x347: {  	s30 =	simm.s32 $0x9500  }
0x348: {  	[tilespmem:s30], [sflag:$0x2] =	stream.indirect_vreg.gather [hbm4b:s1+s5], $0x80, v19, vm0, $0xb8;
	[tilespmem:$0x1A800] =	vst v63  }
0x349: {  	s31 =	simm.s32 $0x9D00  }
0x34a: {  	[tilespmem:s31], [sflag:$0x2] =	stream.indirect_vreg.gather [hbm4b:s9+s5], $0x80, v19, vm0, $0xb8;
	[tilespmem:$0x1A800] =	vst v63  }
0x34b: {  	v19 =	vld [tilespmem:s0+$0x1300];
	_ =	sdelay $0x4  }
0x34c: {  	v20 =	vshll.u32 v19, $0x2  }
0x34d: {  	v19 =	vand.u32 $0x7, v19;
	v20 =	vand.u32 $0xFFFFFFE0, v20  }
0x34e: {  	v19 =	vor.u32 v19, v20  }
0x34f: {  	v20 =	vperm.xlane v19, v1;
	_ =	sdelay $0x1  }
0x350: {  	v20 =	vadd.s32 v2, v20;
	_ =	sdelay $0x1  }
0x351: {  	v19 =	vperm.xlane v19, v3;
	_ =	sdelay $0x1  }
0x352: {  	s7 =	simm.s32 $0x12500;
	v19 =	vadd.s32 v2, v19  }
0x353: {  	[tilespmem:s7], [sflag:$0x2] =	stream.indirect_vreg.gather [hbm4b:s2+s5], $0x80, v20, vm0, $0xb8;
	[tilespmem:$0x1A800] =	vst v63  }
0x354: {  	s15 =	simm.s32 $0x12D00  }
0x355: {  	[tilespmem:s15], [sflag:$0x2] =	stream.indirect_vreg.gather [hbm4b:s10+s5], $0x80, v20, vm0, $0xb8;
	[tilespmem:$0x1A800] =	vst v63  }
0x356: {  	s30 =	simm.s32 $0x13500  }
0x357: {  	[tilespmem:s30], [sflag:$0x2] =	stream.indirect_vreg.gather [hbm4b:s2+s5], $0x80, v19, vm0, $0xb8;
	[tilespmem:$0x1A800] =	vst v63  }
0x358: {  	s31 =	simm.s32 $0x13D00  }
0x359: {  	[tilespmem:s31], [sflag:$0x2] =	stream.indirect_vreg.gather [hbm4b:s10+s5], $0x80, v19, vm0, $0xb8;
	[tilespmem:$0x1A800] =	vst v63  }
0x35a: {  	v19 =	vld [tilespmem:s0+$0x1310];
	_ =	sdelay $0x4  }
0x35b: {  	v20 =	vshll.u32 v19, $0x2  }
0x35c: {  	v19 =	vand.u32 $0x7, v19;
	v20 =	vand.u32 $0xFFFFFFE0, v20  }
0x35d: {  	v19 =	vor.u32 v19, v20  }
0x35e: {  	v20 =	vperm.xlane v19, v1;
	_ =	sdelay $0x1  }
0x35f: {  	v20 =	vadd.s32 v2, v20;
	_ =	sdelay $0x1  }
0x360: {  	v19 =	vperm.xlane v19, v3;
	_ =	sdelay $0x1  }
0x361: {  	s7 =	simm.s32 $0x14500;
	v19 =	vadd.s32 v2, v19  }
0x362: {  	[tilespmem:s7], [sflag:$0x2] =	stream.indirect_vreg.gather [hbm4b:s2+s5], $0x80, v20, vm0, $0xb8;
	[tilespmem:$0x1A800] =	vst v63  }
0x363: {  	s15 =	simm.s32 $0x14D00  }
0x364: {  	[tilespmem:s15], [sflag:$0x2] =	stream.indirect_vreg.gather [hbm4b:s10+s5], $0x80, v20, vm0, $0xb8;
	[tilespmem:$0x1A800] =	vst v63  }
0x365: {  	s30 =	simm.s32 $0x15500  }
0x366: {  	[tilespmem:s30], [sflag:$0x2] =	stream.indirect_vreg.gather [hbm4b:s2+s5], $0x80, v19, vm0, $0xb8;
	[tilespmem:$0x1A800] =	vst v63  }
0x367: {  	s31 =	simm.s32 $0x15D00  }
0x368: {  	[tilespmem:s31], [sflag:$0x2] =	stream.indirect_vreg.gather [hbm4b:s10+s5], $0x80, v19, vm0, $0xb8;
	[tilespmem:$0x1A800] =	vst v63  }
0x369: {  	_ =	swait.ge [sflag:s23], $0x4000  }
0x36a: {  	[sflag:s23] =	ssyncset.done $0x0  }
0x36b: {  	[sflag:s23] =	ssyncadd.s32 $0xFFFFC000  }
0x36c: {  	_ =	swait.ge [sflag:s23], $0x4000  }
0x36d: {  	[sflag:s23] =	ssyncset.done $0x0  }
0x36e: {  	s0 =	simm.s32 @!p0 $0x6;
	[sflag:s23] =	ssyncadd.s32 $0xFFFFC000  }
0x36f: {  	_ =	swait.ge @!p0 [sflag:s0], $0x20  }
0x370: {  	s28 =	simm.s32 $0x0;
	[sflag:s0] =	ssyncset.done @!p0 $0x0  }
0x371: {  	s29 =	simm.s32 $0x0;
	p1 =	por $0x1, $0x1;
	[sflag:s0] =	ssyncadd.s32 @!p0 $0xFFFFFFE0  }
.LBB2_11:
0x372: {  	s30 =	sshll.u32 s29, $0xD;
	s0 =	sand.u32 $0x1000, s28  }
0x373: {  	s3 =	sand.u32 $0x380, s28;
	s0 =	sor.u32 s30, s0  }
0x374: {  	s0 =	sor.u32 s3, s0  }
0x375: {  	v19 =	vld [tilespmem:s0+$0x16500]  }
0x376: {  	v20 =	vld [tilespmem:s0+$0xA500]  }
0x377: {  	v21 =	vld [tilespmem:s0+$0xA510]  }
0x378: {  	v22 =	vld [tilespmem:s0+$0x16510]  }
0x379: {  	v23 =	vld [tilespmem:s0+$0xA520]  }
0x37a: {  	v24 =	vld [tilespmem:s0+$0x16520]  }
0x37b: {  	v25 =	vld [tilespmem:s0+$0xA530]  }
0x37c: {  	v26 =	vld [tilespmem:s0+$0x16530]  }
0x37d: {  	v44 =	vld [tilespmem:s0+$0xA540];
	v19 =	vmul.f32 v19, v20;
	v20 =	vmul.f32 v22, v21  }
0x37e: {  	v45 =	vld [tilespmem:s0+$0x16540]  }
0x37f: {  	v46 =	vld [tilespmem:s0+$0xA550];
	v19 =	vadd.f32 v20, v19;
	v20 =	vmul.f32 v24, v23  }
0x380: {  	v47 =	vld [tilespmem:s0+$0x16550]  }
0x381: {  	v48 =	vld [tilespmem:s0+$0xA560];
	v19 =	vadd.f32 v20, v19;
	v20 =	vmul.f32 v26, v25  }
0x382: {  	v49 =	vld [tilespmem:s0+$0x16560]  }
0x383: {  	v50 =	vld [tilespmem:s0+$0xA570];
	v19 =	vadd.f32 v20, v19;
	v20 =	vmul.f32 v45, v44  }
0x384: {  	v51 =	vld [tilespmem:s0+$0x16570]  }
0x385: {  	v52 =	vld [tilespmem:s0+$0xA900];
	v19 =	vadd.f32 v20, v19;
	v20 =	vmul.f32 v47, v46  }
0x386: {  	v53 =	vld [tilespmem:s0+$0x16900]  }
0x387: {  	v54 =	vld [tilespmem:s0+$0xA910];
	v19 =	vadd.f32 v20, v19;
	v20 =	vmul.f32 v49, v48  }
0x388: {  	v55 =	vld [tilespmem:s0+$0x16910]  }
0x389: {  	v56 =	vld [tilespmem:s0+$0xA920];
	v19 =	vadd.f32 v20, v19;
	v20 =	vmul.f32 v51, v50  }
0x38a: {  	v57 =	vld [tilespmem:s0+$0x16920]  }
0x38b: {  	v58 =	vld [tilespmem:s0+$0xA930];
	v19 =	vadd.f32 v20, v19;
	v20 =	vmul.f32 v53, v52  }
0x38c: {  	v59 =	vld [tilespmem:s0+$0x16930]  }
0x38d: {  	v60 =	vld [tilespmem:s0+$0xA940];
	v19 =	vadd.f32 v20, v19;
	v20 =	vmul.f32 v55, v54  }
0x38e: {  	v61 =	vld [tilespmem:s0+$0x16940]  }
0x38f: {  	v62 =	vld [tilespmem:s0+$0xA950];
	v19 =	vadd.f32 v20, v19;
	v20 =	vmul.f32 v57, v56  }
0x390: {  	v63 =	vld [tilespmem:s0+$0x16950]  }
0x391: {  	v28 =	vld [tilespmem:s0+$0xA960];
	v19 =	vadd.f32 v20, v19;
	v20 =	vmul.f32 v59, v58  }
0x392: {  	v29 =	vld [tilespmem:s0+$0x16960]  }
0x393: {  	v30 =	vld [tilespmem:s0+$0xA970];
	v19 =	vadd.f32 v20, v19;
	v20 =	vmul.f32 v61, v60  }
0x394: {  	v31 =	vld [tilespmem:s0+$0x16970]  }
0x395: {  	v32 =	vld [tilespmem:s0+$0xAD00];
	v19 =	vadd.f32 v20, v19;
	v20 =	vmul.f32 v63, v62  }
0x396: {  	v33 =	vld [tilespmem:s0+$0x16D00]  }
0x397: {  	v34 =	vld [tilespmem:s0+$0xAD10];
	v19 =	vadd.f32 v20, v19;
	v20 =	vmul.f32 v29, v28  }
0x398: {  	v35 =	vld [tilespmem:s0+$0x16D10]  }
0x399: {  	v36 =	vld [tilespmem:s0+$0xAD20];
	v19 =	vadd.f32 v20, v19;
	v20 =	vmul.f32 v31, v30  }
0x39a: {  	v37 =	vld [tilespmem:s0+$0x16D20]  }
0x39b: {  	v38 =	vld [tilespmem:s0+$0xAD30];
	v19 =	vadd.f32 v20, v19;
	v20 =	vmul.f32 v33, v32  }
0x39c: {  	v39 =	vld [tilespmem:s0+$0x16D30]  }
0x39d: {  	v40 =	vld [tilespmem:s0+$0xAD40];
	v19 =	vadd.f32 v20, v19;
	v20 =	vmul.f32 v35, v34  }
0x39e: {  	v41 =	vld [tilespmem:s0+$0x16D40]  }
0x39f: {  	v42 =	vld [tilespmem:s0+$0xAD50];
	v19 =	vadd.f32 v20, v19;
	v20 =	vmul.f32 v37, v36  }
0x3a0: {  	v43 =	vld [tilespmem:s0+$0x16D50]  }
0x3a1: {  	v44 =	vld [tilespmem:s0+$0xAD60];
	v19 =	vadd.f32 v20, v19;
	v20 =	vmul.f32 v39, v38  }
0x3a2: {  	v45 =	vld [tilespmem:s0+$0x16D60]  }
0x3a3: {  	v46 =	vld [tilespmem:s0+$0xAD70];
	v19 =	vadd.f32 v20, v19;
	v20 =	vmul.f32 v41, v40  }
0x3a4: {  	v47 =	vld [tilespmem:s0+$0x16D70]  }
0x3a5: {  	v48 =	vld [tilespmem:s0+$0xB100];
	v19 =	vadd.f32 v20, v19;
	v20 =	vmul.f32 v43, v42  }
0x3a6: {  	v49 =	vld [tilespmem:s0+$0x17100]  }
0x3a7: {  	v50 =	vld [tilespmem:s0+$0xB110];
	v19 =	vadd.f32 v20, v19;
	v20 =	vmul.f32 v45, v44  }
0x3a8: {  	v51 =	vld [tilespmem:s0+$0x17110]  }
0x3a9: {  	v52 =	vld [tilespmem:s0+$0xB120];
	v19 =	vadd.f32 v20, v19;
	v20 =	vmul.f32 v47, v46  }
0x3aa: {  	v53 =	vld [tilespmem:s0+$0x17120]  }
0x3ab: {  	v54 =	vld [tilespmem:s0+$0xB130];
	v19 =	vadd.f32 v20, v19;
	v20 =	vmul.f32 v49, v48  }
0x3ac: {  	v55 =	vld [tilespmem:s0+$0x17130]  }
0x3ad: {  	v56 =	vld [tilespmem:s0+$0xB140];
	v19 =	vadd.f32 v20, v19;
	v20 =	vmul.f32 v51, v50  }
0x3ae: {  	v57 =	vld [tilespmem:s0+$0x17140]  }
0x3af: {  	v58 =	vld [tilespmem:s0+$0xB150];
	v19 =	vadd.f32 v20, v19;
	v20 =	vmul.f32 v53, v52  }
0x3b0: {  	v59 =	vld [tilespmem:s0+$0x17150]  }
0x3b1: {  	v60 =	vld [tilespmem:s0+$0xB160];
	v19 =	vadd.f32 v20, v19;
	v20 =	vmul.f32 v55, v54  }
0x3b2: {  	v61 =	vld [tilespmem:s0+$0x17160]  }
0x3b3: {  	v62 =	vld [tilespmem:s0+$0xB170];
	v19 =	vadd.f32 v20, v19;
	v20 =	vmul.f32 v57, v56  }
0x3b4: {  	v63 =	vld [tilespmem:s0+$0x17170]  }
0x3b5: {  	v19 =	vadd.f32 v20, v19;
	v20 =	vmul.f32 v59, v58;
	_ =	sdelay $0x1  }
0x3b6: {  	v19 =	vadd.f32 v20, v19;
	v20 =	vmul.f32 v61, v60;
	_ =	sdelay $0x1  }
0x3b7: {  	v19 =	vadd.f32 v20, v19;
	v20 =	vmul.f32 v63, v62  }
0x3b8: {  	s7 =	simm.s32 $0x200  }
0x3b9: {  	s15 =	sand.u32 $0x1000, s7;
	s0 =	simm.s32 $0x80;
	v19 =	vadd.f32 v20, v19  }
0x3ba: {  	s31 =	simm.s32 $0x1A500;
	s3 =	sor.u32 s30, s15;
	s7 =	sand.u32 $0x380, s0  }
0x3bb: {  	s3 =	sor.u32 s7, s3;
	[tilespmem:s31+$0x0] =	vst v19  }
0x3bc: {  	p0 =	por p1, p1;
	s15 =	simm.s32 $0x400;
	v19 =	vld [tilespmem:s3+$0x16500]  }
.LBB2_12:
0x3bd: {  	p1 =	sne.s32 s15, $0x1E00;
	v20 =	vld [tilespmem:s3+$0xA500]  }
0x3be: {  	v21 =	vld [tilespmem:s3+$0xA510]  }
0x3bf: {  	v22 =	vld [tilespmem:s3+$0x16510]  }
0x3c0: {  	v23 =	vld [tilespmem:s3+$0xA520]  }
0x3c1: {  	v24 =	vld [tilespmem:s3+$0x16520]  }
0x3c2: {  	v25 =	vld [tilespmem:s3+$0xA530]  }
0x3c3: {  	v26 =	vld [tilespmem:s3+$0x16530]  }
0x3c4: {  	v19 =	vmul.f32 v19, v20;
	v20 =	vmul.f32 v22, v21;
	v21 =	vld [tilespmem:s3+$0xA540]  }
0x3c5: {  	v22 =	vld [tilespmem:s3+$0x16540]  }
0x3c6: {  	v19 =	vadd.f32 v20, v19;
	v20 =	vmul.f32 v24, v23;
	v23 =	vld [tilespmem:s3+$0xA550]  }
0x3c7: {  	v24 =	vld [tilespmem:s3+$0x16550]  }
0x3c8: {  	v19 =	vadd.f32 v20, v19;
	v20 =	vmul.f32 v26, v25;
	v25 =	vld [tilespmem:s3+$0xA560]  }
0x3c9: {  	v26 =	vld [tilespmem:s3+$0x16560]  }
0x3ca: {  	v19 =	vadd.f32 v20, v19;
	v20 =	vmul.f32 v22, v21;
	v21 =	vld [tilespmem:s3+$0xA570]  }
0x3cb: {  	v22 =	vld [tilespmem:s3+$0x16570]  }
0x3cc: {  	v19 =	vadd.f32 v20, v19;
	v20 =	vmul.f32 v24, v23;
	v23 =	vld [tilespmem:s3+$0xA900]  }
0x3cd: {  	v24 =	vld [tilespmem:s3+$0x16900]  }
0x3ce: {  	v19 =	vadd.f32 v20, v19;
	v20 =	vmul.f32 v26, v25;
	v25 =	vld [tilespmem:s3+$0xA910]  }
0x3cf: {  	v26 =	vld [tilespmem:s3+$0x16910]  }
0x3d0: {  	v19 =	vadd.f32 v20, v19;
	v20 =	vmul.f32 v22, v21;
	v21 =	vld [tilespmem:s3+$0xA920]  }
0x3d1: {  	v22 =	vld [tilespmem:s3+$0x16920]  }
0x3d2: {  	v19 =	vadd.f32 v20, v19;
	v20 =	vmul.f32 v24, v23;
	v23 =	vld [tilespmem:s3+$0xA930]  }
0x3d3: {  	v24 =	vld [tilespmem:s3+$0x16930]  }
0x3d4: {  	v19 =	vadd.f32 v20, v19;
	v20 =	vmul.f32 v26, v25;
	v25 =	vld [tilespmem:s3+$0xA940]  }
0x3d5: {  	v26 =	vld [tilespmem:s3+$0x16940]  }
0x3d6: {  	v19 =	vadd.f32 v20, v19;
	v20 =	vmul.f32 v22, v21;
	v21 =	vld [tilespmem:s3+$0xA950]  }
0x3d7: {  	v22 =	vld [tilespmem:s3+$0x16950]  }
0x3d8: {  	v19 =	vadd.f32 v20, v19;
	v20 =	vmul.f32 v24, v23;
	v23 =	vld [tilespmem:s3+$0xA960]  }
0x3d9: {  	v24 =	vld [tilespmem:s3+$0x16960]  }
0x3da: {  	v19 =	vadd.f32 v20, v19;
	v20 =	vmul.f32 v26, v25;
	v25 =	vld [tilespmem:s3+$0xA970]  }
0x3db: {  	v26 =	vld [tilespmem:s3+$0x16970]  }
0x3dc: {  	v19 =	vadd.f32 v20, v19;
	v20 =	vmul.f32 v22, v21;
	v21 =	vld [tilespmem:s3+$0xAD00]  }
0x3dd: {  	v22 =	vld [tilespmem:s3+$0x16D00]  }
0x3de: {  	v19 =	vadd.f32 v20, v19;
	v20 =	vmul.f32 v24, v23;
	v23 =	vld [tilespmem:s3+$0xAD10]  }
0x3df: {  	v24 =	vld [tilespmem:s3+$0x16D10]  }
0x3e0: {  	v19 =	vadd.f32 v20, v19;
	v20 =	vmul.f32 v26, v25;
	v25 =	vld [tilespmem:s3+$0xAD20]  }
0x3e1: {  	v26 =	vld [tilespmem:s3+$0x16D20]  }
0x3e2: {  	v19 =	vadd.f32 v20, v19;
	v20 =	vmul.f32 v22, v21;
	v21 =	vld [tilespmem:s3+$0xAD30]  }
0x3e3: {  	v22 =	vld [tilespmem:s3+$0x16D30]  }
0x3e4: {  	v19 =	vadd.f32 v20, v19;
	v20 =	vmul.f32 v24, v23;
	v23 =	vld [tilespmem:s3+$0xAD40]  }
0x3e5: {  	v24 =	vld [tilespmem:s3+$0x16D40]  }
0x3e6: {  	v19 =	vadd.f32 v20, v19;
	v20 =	vmul.f32 v26, v25;
	v25 =	vld [tilespmem:s3+$0xAD50]  }
0x3e7: {  	v26 =	vld [tilespmem:s3+$0x16D50]  }
0x3e8: {  	v19 =	vadd.f32 v20, v19;
	v20 =	vmul.f32 v22, v21;
	v21 =	vld [tilespmem:s3+$0xAD60]  }
0x3e9: {  	v22 =	vld [tilespmem:s3+$0x16D60]  }
0x3ea: {  	v19 =	vadd.f32 v20, v19;
	v20 =	vmul.f32 v24, v23;
	v23 =	vld [tilespmem:s3+$0xAD70]  }
0x3eb: {  	v24 =	vld [tilespmem:s3+$0x16D70]  }
0x3ec: {  	v19 =	vadd.f32 v20, v19;
	v20 =	vmul.f32 v26, v25;
	v25 =	vld [tilespmem:s3+$0xB100]  }
0x3ed: {  	v26 =	vld [tilespmem:s3+$0x17100]  }
0x3ee: {  	v19 =	vadd.f32 v20, v19;
	v20 =	vmul.f32 v22, v21;
	v21 =	vld [tilespmem:s3+$0xB110]  }
0x3ef: {  	v22 =	vld [tilespmem:s3+$0x17110]  }
0x3f0: {  	v19 =	vadd.f32 v20, v19;
	v20 =	vmul.f32 v24, v23;
	v23 =	vld [tilespmem:s3+$0xB120]  }
0x3f1: {  	v24 =	vld [tilespmem:s3+$0x17120]  }
0x3f2: {  	v19 =	vadd.f32 v20, v19;
	v20 =	vmul.f32 v26, v25;
	v25 =	vld [tilespmem:s3+$0xB130]  }
0x3f3: {  	v26 =	vld [tilespmem:s3+$0x17130]  }
0x3f4: {  	v19 =	vadd.f32 v20, v19;
	v20 =	vmul.f32 v22, v21;
	v21 =	vld [tilespmem:s3+$0xB140]  }
0x3f5: {  	v22 =	vld [tilespmem:s3+$0x17140]  }
0x3f6: {  	v19 =	vadd.f32 v20, v19;
	v20 =	vmul.f32 v24, v23;
	v23 =	vld [tilespmem:s3+$0xB150]  }
0x3f7: {  	v24 =	vld [tilespmem:s3+$0x17150]  }
0x3f8: {  	v19 =	vadd.f32 v20, v19;
	v20 =	vmul.f32 v26, v25;
	v25 =	vld [tilespmem:s3+$0xB160]  }
0x3f9: {  	v26 =	vld [tilespmem:s3+$0x17160]  }
0x3fa: {  	v19 =	vadd.f32 v20, v19;
	v20 =	vmul.f32 v22, v21;
	v21 =	vld [tilespmem:s3+$0xB170]  }
0x3fb: {  	v22 =	vld [tilespmem:s3+$0x17170]  }
0x3fc: {  	v19 =	vadd.f32 v20, v19;
	v20 =	vmul.f32 v24, v23;
	_ =	sdelay $0x1  }
0x3fd: {  	v19 =	vadd.f32 v20, v19;
	v20 =	vmul.f32 v26, v25;
	_ =	sdelay $0x1  }
0x3fe: {  	v19 =	vadd.f32 v20, v19;
	v20 =	vmul.f32 v22, v21  }
.Ltmp4:
0x3ff: {  	(pc) =	sbr.rel @p1 .LBB2_12-.Ltmp4, $4  }
0x400: {  	s0 =	sadd.s32 $0x80, s0;
	s3 =	sand.u32 $0x1000, s15;
	v19 =	vadd.f32 v20, v19  }
0x401: {  	s31 =	sadd.s32 $0x10, s31;
	s7 =	sand.u32 $0x380, s0;
	s3 =	sor.u32 s30, s3  }
0x402: {  	s3 =	sor.u32 s7, s3;
	[tilespmem:s31+$0x0] =	vst v19  }
0x403: {  	s15 =	sadd.s32 $0x200, s15;
	v19 =	vld [tilespmem:s3+$0x16500]  }
0x404: {  	v20 =	vld [tilespmem:s3+$0xA500]  }
0x405: {  	v21 =	vld [tilespmem:s3+$0xA510]  }
0x406: {  	v22 =	vld [tilespmem:s3+$0x16510]  }
0x407: {  	v23 =	vld [tilespmem:s3+$0xA520]  }
0x408: {  	v24 =	vld [tilespmem:s3+$0x16520]  }
0x409: {  	v25 =	vld [tilespmem:s3+$0xA530]  }
0x40a: {  	v26 =	vld [tilespmem:s3+$0x16530]  }
0x40b: {  	v34 =	vld [tilespmem:s3+$0xA540];
	v19 =	vmul.f32 v19, v20;
	v20 =	vmul.f32 v22, v21  }
0x40c: {  	v35 =	vld [tilespmem:s3+$0x16540]  }
0x40d: {  	v36 =	vld [tilespmem:s3+$0xA550];
	v19 =	vadd.f32 v20, v19;
	v20 =	vmul.f32 v24, v23  }
0x40e: {  	v37 =	vld [tilespmem:s3+$0x16550]  }
0x40f: {  	v38 =	vld [tilespmem:s3+$0xA560];
	v19 =	vadd.f32 v20, v19;
	v20 =	vmul.f32 v26, v25  }
0x410: {  	v39 =	vld [tilespmem:s3+$0x16560]  }
0x411: {  	v40 =	vld [tilespmem:s3+$0xA570];
	v19 =	vadd.f32 v20, v19;
	v20 =	vmul.f32 v35, v34  }
0x412: {  	v41 =	vld [tilespmem:s3+$0x16570]  }
0x413: {  	v42 =	vld [tilespmem:s3+$0xA900];
	v19 =	vadd.f32 v20, v19;
	v20 =	vmul.f32 v37, v36  }
0x414: {  	v43 =	vld [tilespmem:s3+$0x16900]  }
0x415: {  	v44 =	vld [tilespmem:s3+$0xA910];
	v19 =	vadd.f32 v20, v19;
	v20 =	vmul.f32 v39, v38  }
0x416: {  	v45 =	vld [tilespmem:s3+$0x16910]  }
0x417: {  	v46 =	vld [tilespmem:s3+$0xA920];
	v19 =	vadd.f32 v20, v19;
	v20 =	vmul.f32 v41, v40  }
0x418: {  	v47 =	vld [tilespmem:s3+$0x16920]  }
0x419: {  	v48 =	vld [tilespmem:s3+$0xA930];
	v19 =	vadd.f32 v20, v19;
	v20 =	vmul.f32 v43, v42  }
0x41a: {  	v49 =	vld [tilespmem:s3+$0x16930]  }
0x41b: {  	v50 =	vld [tilespmem:s3+$0xA940];
	v19 =	vadd.f32 v20, v19;
	v20 =	vmul.f32 v45, v44  }
0x41c: {  	v51 =	vld [tilespmem:s3+$0x16940]  }
0x41d: {  	v52 =	vld [tilespmem:s3+$0xA950];
	v19 =	vadd.f32 v20, v19;
	v20 =	vmul.f32 v47, v46  }
0x41e: {  	v53 =	vld [tilespmem:s3+$0x16950]  }
0x41f: {  	v54 =	vld [tilespmem:s3+$0xA960];
	v19 =	vadd.f32 v20, v19;
	v20 =	vmul.f32 v49, v48  }
0x420: {  	v55 =	vld [tilespmem:s3+$0x16960]  }
0x421: {  	v56 =	vld [tilespmem:s3+$0xA970];
	v19 =	vadd.f32 v20, v19;
	v20 =	vmul.f32 v51, v50  }
0x422: {  	v57 =	vld [tilespmem:s3+$0x16970]  }
0x423: {  	v58 =	vld [tilespmem:s3+$0xAD00];
	v19 =	vadd.f32 v20, v19;
	v20 =	vmul.f32 v53, v52  }
0x424: {  	v59 =	vld [tilespmem:s3+$0x16D00]  }
0x425: {  	v60 =	vld [tilespmem:s3+$0xAD10];
	v19 =	vadd.f32 v20, v19;
	v20 =	vmul.f32 v55, v54  }
0x426: {  	v61 =	vld [tilespmem:s3+$0x16D10]  }
0x427: {  	v62 =	vld [tilespmem:s3+$0xAD20];
	v19 =	vadd.f32 v20, v19;
	v20 =	vmul.f32 v57, v56  }
0x428: {  	v63 =	vld [tilespmem:s3+$0x16D20]  }
0x429: {  	v28 =	vld [tilespmem:s3+$0xAD30];
	v19 =	vadd.f32 v20, v19;
	v20 =	vmul.f32 v59, v58  }
0x42a: {  	v29 =	vld [tilespmem:s3+$0x16D30]  }
0x42b: {  	v30 =	vld [tilespmem:s3+$0xAD40];
	v19 =	vadd.f32 v20, v19;
	v20 =	vmul.f32 v61, v60  }
0x42c: {  	v31 =	vld [tilespmem:s3+$0x16D40]  }
0x42d: {  	v32 =	vld [tilespmem:s3+$0xAD50];
	v19 =	vadd.f32 v20, v19;
	v20 =	vmul.f32 v63, v62  }
0x42e: {  	v33 =	vld [tilespmem:s3+$0x16D50]  }
0x42f: {  	v34 =	vld [tilespmem:s3+$0xAD60];
	v19 =	vadd.f32 v20, v19;
	v20 =	vmul.f32 v29, v28  }
0x430: {  	v35 =	vld [tilespmem:s3+$0x16D60]  }
0x431: {  	v36 =	vld [tilespmem:s3+$0xAD70];
	v19 =	vadd.f32 v20, v19;
	v20 =	vmul.f32 v31, v30  }
0x432: {  	v37 =	vld [tilespmem:s3+$0x16D70]  }
0x433: {  	v38 =	vld [tilespmem:s3+$0xB100];
	v19 =	vadd.f32 v20, v19;
	v20 =	vmul.f32 v33, v32  }
0x434: {  	v39 =	vld [tilespmem:s3+$0x17100]  }
0x435: {  	v40 =	vld [tilespmem:s3+$0xB110];
	v19 =	vadd.f32 v20, v19;
	v20 =	vmul.f32 v35, v34  }
0x436: {  	v41 =	vld [tilespmem:s3+$0x17110]  }
0x437: {  	v42 =	vld [tilespmem:s3+$0xB120];
	v19 =	vadd.f32 v20, v19;
	v20 =	vmul.f32 v37, v36  }
0x438: {  	v43 =	vld [tilespmem:s3+$0x17120]  }
0x439: {  	v44 =	vld [tilespmem:s3+$0xB130];
	v19 =	vadd.f32 v20, v19;
	v20 =	vmul.f32 v39, v38  }
0x43a: {  	v45 =	vld [tilespmem:s3+$0x17130]  }
0x43b: {  	v46 =	vld [tilespmem:s3+$0xB140];
	v19 =	vadd.f32 v20, v19;
	v20 =	vmul.f32 v41, v40  }
0x43c: {  	v47 =	vld [tilespmem:s3+$0x17140]  }
0x43d: {  	v48 =	vld [tilespmem:s3+$0xB150];
	v19 =	vadd.f32 v20, v19;
	v20 =	vmul.f32 v43, v42  }
0x43e: {  	v49 =	vld [tilespmem:s3+$0x17150]  }
0x43f: {  	v50 =	vld [tilespmem:s3+$0xB160];
	v19 =	vadd.f32 v20, v19;
	v20 =	vmul.f32 v45, v44  }
0x440: {  	v51 =	vld [tilespmem:s3+$0x17160]  }
0x441: {  	v52 =	vld [tilespmem:s3+$0xB170];
	v19 =	vadd.f32 v20, v19;
	v20 =	vmul.f32 v47, v46  }
0x442: {  	v53 =	vld [tilespmem:s3+$0x17170]  }
0x443: {  	v19 =	vadd.f32 v20, v19;
	v20 =	vmul.f32 v49, v48;
	_ =	sdelay $0x1  }
0x444: {  	v19 =	vadd.f32 v20, v19;
	v20 =	vmul.f32 v51, v50;
	_ =	sdelay $0x1  }
0x445: {  	v19 =	vadd.f32 v20, v19;
	v20 =	vmul.f32 v53, v52;
	_ =	sdelay $0x1  }
0x446: {  	v19 =	vadd.f32 v20, v19  }
0x447: {  	s0 =	sadd.s32 $0x10, s31  }
0x448: {  	[tilespmem:s0+$0x0] =	vst v19  }
0x449: {  	v19 =	vld.idx.msk [tilespmem:v0+s21+$0x0], $0xffff  }
0x44a: {  	v20 =	vld.idx.msk [tilespmem:v4+s21+$0x0], $0xffff;
	_ =	sdelay $0x1  }
0x44b: {  	v54 =	vld.idx.msk [tilespmem:v5+s21+$0x0], $0xffff;
	_ =	sdelay $0x1  }
0x44c: {  	v55 =	vld.idx.msk [tilespmem:v6+s21+$0x0], $0xffff  }
0x44d: {  	v19 =	vadd.f32 v20, v19  }
0x44e: {  	v20 =	vld.idx.msk [tilespmem:v7+s21+$0x0], $0xffff  }
0x44f: {  	v19 =	vadd.f32 v54, v19  }
0x450: {  	v56 =	vld.idx.msk [tilespmem:v8+s21+$0x0], $0xffff  }
0x451: {  	v19 =	vadd.f32 v55, v19  }
0x452: {  	v57 =	vld.idx.msk [tilespmem:v9+s21+$0x0], $0xffff  }
0x453: {  	v19 =	vadd.f32 v20, v19  }
0x454: {  	v20 =	vld.idx.msk [tilespmem:v10+s21+$0x0], $0xffff  }
0x455: {  	v19 =	vadd.f32 v56, v19  }
0x456: {  	v58 =	vld.idx.msk [tilespmem:v11+s21+$0x0], $0xffff  }
0x457: {  	v19 =	vadd.f32 v57, v19  }
0x458: {  	v59 =	vld.idx.msk [tilespmem:v12+s21+$0x0], $0xffff  }
0x459: {  	v19 =	vadd.f32 v20, v19  }
0x45a: {  	v20 =	vld.idx.msk [tilespmem:v13+s21+$0x0], $0xffff  }
0x45b: {  	v19 =	vadd.f32 v58, v19  }
0x45c: {  	v60 =	vld.idx.msk [tilespmem:v14+s21+$0x0], $0xffff  }
0x45d: {  	v19 =	vadd.f32 v59, v19  }
0x45e: {  	v61 =	vld.idx.msk [tilespmem:v15+s21+$0x0], $0xffff  }
0x45f: {  	v19 =	vadd.f32 v20, v19  }
0x460: {  	v20 =	vld.idx.msk [tilespmem:v16+s21+$0x0], $0xffff  }
0x461: {  	v19 =	vadd.f32 v60, v19  }
0x462: {  	v62 =	vld.idx.msk [tilespmem:v17+s21+$0x0], $0xffff  }
0x463: {  	v19 =	vadd.f32 v61, v19  }
0x464: {  	v63 =	vld.idx.msk [tilespmem:v18+s21+$0x0], $0xffff  }
0x465: {  	v19 =	vadd.f32 v20, v19;
	_ =	sdelay $0x1  }
0x466: {  	v19 =	vadd.f32 v62, v19;
	_ =	sdelay $0x1  }
0x467: {  	v19 =	vadd.f32 v63, v19;
	_ =	sdelay $0x1  }
0x468: {  	v19 =	vsub.f32 $0.0e+00, v19;
	_ =	sdelay $0x1  }
0x469: {  	v19 =	vmul.f32 $1.442695020e+00, v19;
	_ =	sdelay $0x1  }
0x46a: {  	(erf) = vpow2.f32 v19;
	_ =	sdelay $0x8  }
0x46b: {  	v19 =	vpop (erf)  }
0x46c: {  	v19 =	vadd.f32 $1.000000000e+00, v19;
	_ =	sdelay $0x1  }
0x46d: {  	(erf) = vrcp.f32 v19;
	_ =	sdelay $0x5  }
.Ltmp5:
0x46e: {  	_ = 	snop;
	(pc) =	sbr.rel @p0 .LBB2_11-.Ltmp5, $4  }
0x46f: {  	_ = 	snop  }
0x470: {  	s31 =	sshll.u32 s29, $0x4  }
0x471: {  	s0 =	sand.u32 $0x3FFFFFF0, s31;
	v19 =	vpop (erf)  }
0x472: {  	s29 =	simm.s32 $0x1;
	p1 =	por $0x0, $0x0;
	[tilespmem:s0+$0x1A700] =	vst v19  }
0x473: {  	s0 =	sadd.s32 s26, s12  }
0x474: {  	p0 =	slt.s32 s25, $0x8D;
	s0 =	sshrl.u32 s0, $0x3  }
0x475: {  	s3 =	simm.s32 $0x1A700;
	s25 =	simm.s32 @!p0 $0x8D;
	s0 =	sadd.s32 s4, s0  }
0x476: {  	[hbm4b:s0+s5] =	stream.linear.scatter [tilespmem:s3], [sflag:$0x6], $0x20, $0x38;
	[tilespmem:$0x1A800] =	vst v63  }
0x477: {  	s0 =	sshll.u32 s25, $0x5  }
0x478: {  	v15 =	vld [tilespmem:s0+$0xA0];
	_ =	sdelay $0x4  }
0x479: {  	v16 =	vshll.u32 v15, $0x2  }
0x47a: {  	v15 =	vand.u32 $0x7, v15;
	v16 =	vand.u32 $0xFFFFFFE0, v16  }
0x47b: {  	v15 =	vor.u32 v15, v16  }
0x47c: {  	v16 =	vperm.xlane v15, v1;
	_ =	sdelay $0x1  }
0x47d: {  	v16 =	vadd.s32 v2, v16;
	_ =	sdelay $0x1  }
0x47e: {  	v15 =	vperm.xlane v15, v3;
	_ =	sdelay $0x1  }
0x47f: {  	s31 =	simm.s32 $0xA500;
	v15 =	vadd.s32 v2, v15  }
0x480: {  	[tilespmem:s31], [sflag:$0x3] =	stream.indirect_vreg.gather [hbm4b:s1+s5], $0x80, v16, vm0, $0xb8;
	[tilespmem:$0x1A800] =	vst v63  }
0x481: {  	s7 =	simm.s32 $0xAD00  }
0x482: {  	[tilespmem:s7], [sflag:$0x3] =	stream.indirect_vreg.gather [hbm4b:s9+s5], $0x80, v16, vm0, $0xb8;
	[tilespmem:$0x1A800] =	vst v63  }
0x483: {  	s15 =	simm.s32 $0xB500  }
0x484: {  	[tilespmem:s15], [sflag:$0x3] =	stream.indirect_vreg.gather [hbm4b:s1+s5], $0x80, v15, vm0, $0xb8;
	[tilespmem:$0x1A800] =	vst v63  }
0x485: {  	s25 =	simm.s32 $0xBD00  }
0x486: {  	[tilespmem:s25], [sflag:$0x3] =	stream.indirect_vreg.gather [hbm4b:s9+s5], $0x80, v15, vm0, $0xb8;
	[tilespmem:$0x1A800] =	vst v63  }
0x487: {  	v15 =	vld [tilespmem:s0+$0xB0];
	_ =	sdelay $0x4  }
0x488: {  	v61 =	vshll.u32 v15, $0x2  }
0x489: {  	v15 =	vand.u32 $0x7, v15;
	v16 =	vand.u32 $0xFFFFFFE0, v61  }
0x48a: {  	v15 =	vor.u32 v15, v16  }
0x48b: {  	v16 =	vperm.xlane v15, v1;
	_ =	sdelay $0x1  }
0x48c: {  	v16 =	vadd.s32 v2, v16;
	_ =	sdelay $0x1  }
0x48d: {  	v15 =	vperm.xlane v15, v3;
	_ =	sdelay $0x1  }
0x48e: {  	s26 =	simm.s32 $0xC500;
	v15 =	vadd.s32 v2, v15  }
0x48f: {  	[tilespmem:s26], [sflag:$0x3] =	stream.indirect_vreg.gather [hbm4b:s1+s5], $0x80, v16, vm0, $0xb8;
	[tilespmem:$0x1A800] =	vst v63  }
0x490: {  	s28 =	simm.s32 $0xCD00  }
0x491: {  	[tilespmem:s28], [sflag:$0x3] =	stream.indirect_vreg.gather [hbm4b:s9+s5], $0x80, v16, vm0, $0xb8;
	[tilespmem:$0x1A800] =	vst v63  }
0x492: {  	s29 =	simm.s32 $0xD500  }
0x493: {  	[tilespmem:s29], [sflag:$0x3] =	stream.indirect_vreg.gather [hbm4b:s1+s5], $0x80, v15, vm0, $0xb8;
	[tilespmem:$0x1A800] =	vst v63  }
0x494: {  	s30 =	simm.s32 $0xDD00  }
0x495: {  	[tilespmem:s30], [sflag:$0x3] =	stream.indirect_vreg.gather [hbm4b:s9+s5], $0x80, v15, vm0, $0xb8;
	[tilespmem:$0x1A800] =	vst v63  }
0x496: {  	v15 =	vld [tilespmem:s0+$0x1320];
	_ =	sdelay $0x4  }
0x497: {  	v62 =	vshll.u32 v15, $0x2  }
0x498: {  	v15 =	vand.u32 $0x7, v15;
	v16 =	vand.u32 $0xFFFFFFE0, v62  }
0x499: {  	v15 =	vor.u32 v15, v16  }
0x49a: {  	v16 =	vperm.xlane v15, v1;
	_ =	sdelay $0x1  }
0x49b: {  	v16 =	vadd.s32 v2, v16;
	_ =	sdelay $0x1  }
0x49c: {  	v15 =	vperm.xlane v15, v3;
	_ =	sdelay $0x1  }
0x49d: {  	s31 =	simm.s32 $0x16500;
	v15 =	vadd.s32 v2, v15  }
0x49e: {  	[tilespmem:s31], [sflag:$0x3] =	stream.indirect_vreg.gather [hbm4b:s2+s5], $0x80, v16, vm0, $0xb8;
	[tilespmem:$0x1A800] =	vst v63  }
0x49f: {  	_ = 	snop  }
0x4a0: {  	[tilespmem:s8], [sflag:$0x3] =	stream.indirect_vreg.gather [hbm4b:s10+s5], $0x80, v16, vm0, $0xb8;
	[tilespmem:$0x1A800] =	vst v63  }
0x4a1: {  	_ = 	snop  }
0x4a2: {  	[tilespmem:s13], [sflag:$0x3] =	stream.indirect_vreg.gather [hbm4b:s2+s5], $0x80, v15, vm0, $0xb8;
	[tilespmem:$0x1A800] =	vst v63  }
0x4a3: {  	_ = 	snop  }
0x4a4: {  	[tilespmem:s14], [sflag:$0x3] =	stream.indirect_vreg.gather [hbm4b:s10+s5], $0x80, v15, vm0, $0xb8;
	[tilespmem:$0x1A800] =	vst v63  }
0x4a5: {  	v15 =	vld [tilespmem:s0+$0x1330];
	_ =	sdelay $0x4  }
0x4a6: {  	v63 =	vshll.u32 v15, $0x2  }
0x4a7: {  	v15 =	vand.u32 $0x7, v15;
	v16 =	vand.u32 $0xFFFFFFE0, v63  }
0x4a8: {  	v15 =	vor.u32 v15, v16  }
0x4a9: {  	v16 =	vperm.xlane v15, v1;
	_ =	sdelay $0x1  }
0x4aa: {  	v16 =	vadd.s32 v2, v16;
	_ =	sdelay $0x2  }
0x4ab: {  	v15 =	vperm.xlane v15, v3  }
0x4ac: {  	s24 =	sadd.s32 $0x1, s24  }
0x4ad: {  	v15 =	vadd.s32 v2, v15;
	[tilespmem:s16], [sflag:$0x3] =	stream.indirect_vreg.gather [hbm4b:s2+s5], $0x80, v16, vm0, $0xb8;
	[tilespmem:$0x1A800] =	vst v63  }
0x4ae: {  	p0 =	sne.s32 s24, $0x31  }
0x4af: {  	[tilespmem:s17], [sflag:$0x3] =	stream.indirect_vreg.gather [hbm4b:s10+s5], $0x80, v16, vm0, $0xb8;
	[tilespmem:$0x1A800] =	vst v63  }
.Ltmp6:
0x4b0: {  	_ = 	snop;
	(pc) =	sbr.rel @p0 .LBB2_2-.Ltmp6, $4  }
0x4b1: {  	_ = 	snop  }
0x4b2: {  	[tilespmem:s18], [sflag:$0x3] =	stream.indirect_vreg.gather [hbm4b:s2+s5], $0x80, v15, vm0, $0xb8;
	[tilespmem:$0x1A800] =	vst v63  }
0x4b3: {  	_ = 	snop  }
0x4b4: {  	[tilespmem:s19], [sflag:$0x3] =	stream.indirect_vreg.gather [hbm4b:s10+s5], $0x80, v15, vm0, $0xb8;
	[tilespmem:$0x1A800] =	vst v63  }
0x4b5: {  	_ =	swait.ge [sflag:s20], $0x4000  }
0x4b6: {  	[sflag:s20] =	ssyncset.done $0x0  }
0x4b7: {  	[sflag:s20] =	ssyncadd.s32 $0xFFFFC000  }
0x4b8: {  	_ =	swait.ge [sflag:s20], $0x4000  }
0x4b9: {  	[sflag:s20] =	ssyncset.done $0x0  }
0x4ba: {  	s0 =	simm.s32 $0x4;
	[sflag:s20] =	ssyncadd.s32 $0xFFFFC000  }
0x4bb: {  	_ =	swait.ge [sflag:s0], $0x20  }
0x4bc: {  	[sflag:s0] =	ssyncset.done $0x0  }
0x4bd: {  	[sflag:s0] =	ssyncadd.s32 $0xFFFFFFE0  }
0x4be: {  	_ =	swait.ge [sflag:s22], $0x4000  }
0x4bf: {  	[sflag:s22] =	ssyncset.done $0x0  }
0x4c0: {  	[sflag:s22] =	ssyncadd.s32 $0xFFFFC000  }
0x4c1: {  	_ =	swait.ge [sflag:s22], $0x4000  }
0x4c2: {  	[sflag:s22] =	ssyncset.done $0x0  }
0x4c3: {  	s30 =	simm.s32 $0x5;
	[sflag:s22] =	ssyncadd.s32 $0xFFFFC000  }
0x4c4: {  	_ =	swait.ge [sflag:s30], $0x20  }
0x4c5: {  	[sflag:s30] =	ssyncset.done $0x0  }
0x4c6: {  	[sflag:s30] =	ssyncadd.s32 $0xFFFFFFE0  }
0x4c7: {  	_ =	swait.ge [sflag:s23], $0x4000  }
0x4c8: {  	[sflag:s23] =	ssyncset.done $0x0  }
0x4c9: {  	[sflag:s23] =	ssyncadd.s32 $0xFFFFC000  }
0x4ca: {  	_ =	swait.ge [sflag:s23], $0x4000  }
0x4cb: {  	[sflag:s23] =	ssyncset.done $0x0  }
0x4cc: {  	s3 =	simm.s32 $0x6;
	[sflag:s23] =	ssyncadd.s32 $0xFFFFC000  }
0x4cd: {  	_ =	swait.ge [sflag:s3], $0x20  }
0x4ce: {  	s7 =	rddreg [dreg:$0x9]  }
0x4cf: {  	s31 =	rddreg [dreg:$0x8];
	s7 =	sadd.s32 $0x1, s7  }
0x4d0: {  	p0 =	sne.s32 s7, s31  }
.Ltmp7:
0x4d1: {  	_ = 	snop;
	(pc) =	sbr.rel @p0 .LBB2_1-.Ltmp7, $3  }
0x4d2: {  	_ =	sdelay $0x1  }
0x4d3: {  	[sflag:s3] =	ssyncset.done $0x0  }
0x4d4: {  	[sflag:s3] =	ssyncadd.s32 $0xFFFFFFE0  }
0x4d5: {  	_ =	sfence.sel $0x180000  }
0x4d6: {  	[bflag:$0x0] =	sbarrier.arrive $0xFFFF  }
0x4d7: {  	_ =	strace $0x90000047  }
0x4d8: {  	s0 =	stileid.u32;
	[bflag:$0x2] =	sbarrier.arrive $0xFFFF  }
0x4d9: {  	p0 =	sne.s32 s0, $0x0;
	s0 =	rddreg [dreg:$0x5]  }
0x4da: {  	s0 =	sadd.s32 @!p0 $0x100000, s0  }
0x4db: {  	[sflag:s0] =	ssyncadd.tile.s32 @!p0 $0x1;
	_ =	shalt  }
.Lfunc_end2:
_tile_overlayer_lowered:
.L_overlay_start_2:
0x4dc: {  	(tag) =	ssettag $0x2  }
0x4dd: {  	s0 =	rddreg [dreg:$0x0];
	s2 =	stileid.u32  }
0x4de: {  	s1 =	rddreg [dreg:$0x1];
	p0 =	sne.s32 s2, $0x0  }
0x4df: {  	s3 =	rddreg [dreg:$0x2];
	[bflag:$0x3] =	sbarrier.arrive $0xFFFF;
	s2 =	simm.s32 @!p0 $0x1C07  }
0x4e0: {  	[timem:s3], [sflag:s2] =	dma.local @!p0 [hbm:s0], s1  }
0x4e1: {  	s0 =	simm.s32 @!p0 $0x7  }
0x4e2: {  	_ =	swait.ge @!p0 [sflag:s0], s1  }
0x4e3: {  	s1 =	ssub.s32 @!p0 $0x0, s1;
	[sflag:s0] =	ssyncset.done @!p0 $0x0  }
0x4e4: {  	[sflag:s0] =	ssyncadd.s32 @!p0 s1  }
0x4e5: {  	[bflag:$0x3] =	sbarrier.arrive $0xFFFF  }
0x4e6: {  	_ =	shalt  }

</sc_bundles>
